<compile_context>
chip_gen: v7x
topology: tpu7x:2x2x1
jax: 0.10.2.dev20260603
libtpu: 0.0.44.dev20260713+nightly
codegen_flags: <defaults>
</compile_context>

<pallas_src>
import functools

import jax
import jax.numpy as jnp
from jax import lax
from jax.experimental import pallas as pl
from jax.experimental.pallas import tpu as pltpu
from jax.experimental.pallas import tpu_sc as plsc

NC = 2
NS = 16
NW = NC * NS
SUB = 80


def _mesh():
    return plsc.VectorSubcoreMesh(core_axis_name="c", subcore_axis_name="s",
                                  num_cores=NC, num_subcores=NS)


def _wid():
    return lax.axis_index("s") * NC + lax.axis_index("c")



def _make_g1(n, e):
    per_w = e // NW
    steps = per_w // 16

    @functools.partial(
        pl.kernel,
        out_type=[jax.ShapeDtypeStruct((e,), jnp.float32),
                  jax.ShapeDtypeStruct((e,), jnp.float32)],
        mesh=_mesh(),
        compiler_params=pltpu.CompilerParams(needs_layout_passes=False),
        scratch_types=[pltpu.VMEM((n,), jnp.float32),
                       pltpu.VMEM((per_w,), jnp.int32),
                       pltpu.VMEM((per_w,), jnp.float32)],
    )
    def g1(x_hbm, src_hbm, dst_hbm, xs_hbm, xd_hbm, x_v, idx_v, val_v):
        base = _wid() * per_w
        pltpu.sync_copy(x_hbm, x_v)
        for idx_hbm, out_hbm in ((src_hbm, xs_hbm), (dst_hbm, xd_hbm)):
            pltpu.sync_copy(idx_hbm.at[pl.ds(base, per_w)], idx_v)

            def body(i, carry):
                iv = idx_v[pl.ds(i * 16, 16)]
                val_v[pl.ds(i * 16, 16)] = plsc.load_gather(x_v, [iv])
                return carry

            lax.fori_loop(0, steps, body, 0)
            pltpu.sync_copy(val_v, out_hbm.at[pl.ds(base, per_w)])

    return g1


def _make_scatter(n, e, C):
    per_w = e // NW
    steps = per_w // SUB

    @functools.partial(
        pl.kernel,
        out_type=jax.ShapeDtypeStruct((NC, n, C), jnp.float32),
        mesh=_mesh(),
        compiler_params=pltpu.CompilerParams(needs_layout_passes=False),
        scratch_types=[pltpu.VMEM((SUB,), jnp.int32),
                       pltpu.VMEM((SUB, C), jnp.float32),
                       pltpu.VMEM_SHARED((n, C), jnp.float32)],
    )
    def scat(dst3_hbm, val4_hbm, zfull_hbm, out_hbm, idx_v, val_v, acc_sh):
        cid = lax.axis_index("c")
        sid = lax.axis_index("s")
        wid = sid * NC + cid

        @pl.when(sid == 0)
        def _():
            pltpu.sync_copy(zfull_hbm, acc_sh)

        plsc.subcore_barrier()

        def body(j, carry):
            pltpu.sync_copy(dst3_hbm.at[wid, j], idx_v)
            pltpu.sync_copy(val4_hbm.at[wid, j], val_v)
            pltpu.sync_copy(val_v, acc_sh.at[idx_v], add=True)
            return carry

        lax.fori_loop(0, steps, body, 0)
        plsc.subcore_barrier()

        @pl.when(sid == 0)
        def _():
            pltpu.sync_copy(acc_sh, out_hbm.at[cid])

    return scat


def _make_g2(n, e, D):
    per_w = e // NW
    steps = per_w // SUB

    @functools.partial(
        pl.kernel,
        out_type=[jax.ShapeDtypeStruct((e, D), jnp.float32),
                  jax.ShapeDtypeStruct((e, D), jnp.float32)],
        mesh=_mesh(),
        compiler_params=pltpu.CompilerParams(needs_layout_passes=False),
        scratch_types=[pltpu.VMEM((SUB,), jnp.int32),
                       pltpu.VMEM((SUB,), jnp.int32),
                       pltpu.VMEM((SUB, D), jnp.float32),
                       pltpu.VMEM((SUB, D), jnp.float32),
                       pltpu.SemaphoreType.DMA,
                       pltpu.SemaphoreType.DMA],
    )
    def g2(tl_hbm, tr_hbm, src3_hbm, dst3_hbm, gl_hbm, gr_hbm,
           si_v, di_v, row_l, row_r, sem_l, sem_r):
        wid = _wid()
        base = wid * per_w

        def body(j, carry):
            pltpu.sync_copy(src3_hbm.at[wid, j], si_v)
            pltpu.sync_copy(dst3_hbm.at[wid, j], di_v)
            cl = pltpu.async_copy(tl_hbm.at[si_v], row_l, sem_l)
            cr = pltpu.async_copy(tr_hbm.at[di_v], row_r, sem_r)
            cl.wait()
            cr.wait()
            off = base + j * SUB
            pltpu.sync_copy(row_l, gl_hbm.at[pl.ds(off, SUB)])
            pltpu.sync_copy(row_r, gr_hbm.at[pl.ds(off, SUB)])
            return carry

        lax.fori_loop(0, steps, body, 0)

    return g2


def _make_g3(n, e):
    per_w = e // NW
    steps = per_w // 16

    @functools.partial(
        pl.kernel,
        out_type=[jax.ShapeDtypeStruct((e,), jnp.float32),
                  jax.ShapeDtypeStruct((e,), jnp.float32)],
        mesh=_mesh(),
        compiler_params=pltpu.CompilerParams(needs_layout_passes=False),
        scratch_types=[pltpu.VMEM((n,), jnp.float32),
                       pltpu.VMEM((n,), jnp.float32),
                       pltpu.VMEM((per_w,), jnp.int32),
                       pltpu.VMEM((per_w,), jnp.float32),
                       pltpu.VMEM((per_w,), jnp.float32)],
    )
    def g3(lp_hbm, lq_hbm, src_hbm, lps_hbm, lqs_hbm, lp_v, lq_v, idx_v,
           vp_v, vq_v):
        base = _wid() * per_w
        pltpu.sync_copy(lp_hbm, lp_v)
        pltpu.sync_copy(lq_hbm, lq_v)
        pltpu.sync_copy(src_hbm.at[pl.ds(base, per_w)], idx_v)

        def body(i, carry):
            iv = idx_v[pl.ds(i * 16, 16)]
            vp_v[pl.ds(i * 16, 16)] = plsc.load_gather(lp_v, [iv])
            vq_v[pl.ds(i * 16, 16)] = plsc.load_gather(lq_v, [iv])
            return carry

        lax.fori_loop(0, steps, body, 0)
        pltpu.sync_copy(vp_v, lps_hbm.at[pl.ds(base, per_w)])
        pltpu.sync_copy(vq_v, lqs_hbm.at[pl.ds(base, per_w)])

    return g3


def _make_final(n, e):
    per_w = e // NW
    steps = per_w // 16

    @functools.partial(
        pl.kernel,
        out_type=jax.ShapeDtypeStruct((e,), jnp.float32),
        mesh=_mesh(),
        compiler_params=pltpu.CompilerParams(needs_layout_passes=False),
        scratch_types=[pltpu.VMEM((n,), jnp.float32),
                       pltpu.VMEM((n,), jnp.float32),
                       pltpu.VMEM((per_w,), jnp.int32),
                       pltpu.VMEM((per_w,), jnp.int32),
                       pltpu.VMEM((per_w,), jnp.float32)],
    )
    def fin(p_hbm, q_hbm, src_hbm, dst_hbm, out_hbm, p_v, q_v, si_v, di_v,
            val_v):
        base = _wid() * per_w
        pltpu.sync_copy(p_hbm, p_v)
        pltpu.sync_copy(q_hbm, q_v)
        pltpu.sync_copy(src_hbm.at[pl.ds(base, per_w)], si_v)
        pltpu.sync_copy(dst_hbm.at[pl.ds(base, per_w)], di_v)

        def body(i, carry):
            s16 = si_v[pl.ds(i * 16, 16)]
            d16 = di_v[pl.ds(i * 16, 16)]
            vp = plsc.load_gather(p_v, [s16])
            vq = plsc.load_gather(q_v, [d16])
            val_v[pl.ds(i * 16, 16)] = vp + vq
            return carry

        lax.fori_loop(0, steps, body, 0)
        pltpu.sync_copy(val_v, out_hbm.at[pl.ds(base, per_w)])

    return fin



def _e1_body(xs_ref, xd_ref, ea_ref, al_ref, ar_ref, v1_ref, k1_ref, m_ref,
             o_ref):
    xs = xs_ref[...]
    z = (xs * al_ref[...] + xd_ref[...] * ar_ref[...]
         + ea_ref[...] * v1_ref[...] + k1_ref[...])
    z = jnp.where(z > 0, z, 0.2 * z)
    logits = jnp.dot(z, m_ref[...], preferred_element_type=jnp.float32, precision=lax.Precision.HIGHEST)
    ex = jnp.exp(logits)
    o_ref[...] = jnp.concatenate([ex, xs * ex], axis=1)


def _n1_body(acc_ref, a_ref, b_ref, bias_ref, wl_ref, bl_ref, wr_ref, br_ref,
             wd_ref, xl_ref, xr_ref, lw_ref):
    a = acc_ref[0] + acc_ref[1]
    ssum = a[:, :8]
    sxe = a[:, 8:]
    den = ssum + 1e-16
    s0 = ssum / den
    s1 = sxe / den
    out1 = (jnp.dot(s1, a_ref[...], preferred_element_type=jnp.float32, precision=lax.Precision.HIGHEST)
            + jnp.dot(s0, b_ref[...], preferred_element_type=jnp.float32, precision=lax.Precision.HIGHEST)
            + bias_ref[...])
    h2 = jnp.where(out1 > 0, out1, jnp.exp(jnp.minimum(out1, 0.0)) - 1.0)
    xl = jnp.dot(h2, wl_ref[...],
                 preferred_element_type=jnp.float32, precision=lax.Precision.HIGHEST) + bl_ref[...]
    xl_ref[...] = xl
    xr_ref[...] = jnp.dot(h2, wr_ref[...],
                          preferred_element_type=jnp.float32, precision=lax.Precision.HIGHEST) + br_ref[...]
    lw_ref[...] = jnp.dot(xl, wd_ref[...],
                          preferred_element_type=jnp.float32, precision=lax.Precision.HIGHEST)


def _e2_body(gl_ref, gr_ref, ea_ref, lps_ref, lqs_ref, v2_ref, c2_ref,
             att_ref, o_ref):
    z = (gl_ref[...] + gr_ref[...] + ea_ref[...] * v2_ref[...]
         + c2_ref[...])
    z = jnp.where(z > 0, z, 0.2 * z)
    logit = jnp.dot(z, att_ref[...], preferred_element_type=jnp.float32, precision=lax.Precision.HIGHEST)
    ex = jnp.exp(logit)
    pad = jnp.zeros((ex.shape[0], 13), jnp.float32)
    o_ref[...] = jnp.concatenate(
        [ex * lps_ref[...], ex * lqs_ref[...], ex, pad], axis=1)


def _n2_body(acc_ref, cpq_ref, pq_ref):
    a = acc_ref[0] + acc_ref[1]
    den = a[:, 2:3] + 1e-16
    pq_ref[...] = a[:, 0:2] / den + cpq_ref[...]


def _row_spec(b, c):
    return pl.BlockSpec((b, c), lambda i: (i, 0))


def _full_spec(shape):
    return pl.BlockSpec(shape, lambda i: tuple(0 for _ in shape))



def kernel(x, edge_index, edge_attr, W_em, b_em, W0, b0, Wl1, bl1, Wr1, br1,
           We1, att1, bias1, Wl2, bl2, Wr2, br2, We2, att2, bias2, Wd, bd):
    n = x.shape[0]
    e = edge_index.shape[1]
    npsub = NS * SUB
    n_pad = ((n + npsub - 1) // npsub) * npsub
    src = edge_index[0]
    dst = edge_index[1]
    per_w = e // NW
    steps = per_w // SUB

    w0 = W0[:, 0]
    wem = W_em[:, 0]
    hi = functools.partial(jnp.dot, precision=lax.Precision.HIGHEST)
    al = hi(Wl1, w0)
    abl = hi(Wl1, b0) + bl1
    ar = hi(Wr1, w0)
    abr = hi(Wr1, b0) + br1
    v1 = hi(We1, wem)
    c1 = hi(We1, b_em)
    k1 = abl + abr + c1
    att1f = att1[0].reshape(64)
    hsel = (jnp.arange(64) // 8)[:, None] == jnp.arange(8)[None, :]
    m1 = jnp.where(hsel, att1f[:, None], 0.0)
    a_full = jnp.where(hsel.T, al[None, :], 0.0)
    b_full = jnp.where(hsel.T, abl[None, :], 0.0)
    v2 = hi(We2, wem)
    c2 = hi(We2, b_em)
    wd2 = jnp.stack([Wd[0, :128], Wd[0, 128:]], axis=1)
    cpq = jnp.stack([hi(bias2, wd2[:, 0]) + bd[0],
                     hi(bias2, wd2[:, 1])])[None]

    src3 = src.reshape(NW, steps, SUB)
    dst3 = dst.reshape(NW, steps, SUB)

    xs, xd = _make_g1(n, e)(x[:, 0], src, dst)

    BE = 512
    val1 = pl.pallas_call(
        _e1_body,
        grid=(e // BE,),
        in_specs=[_row_spec(BE, 1), _row_spec(BE, 1), _row_spec(BE, 1),
                  _full_spec((1, 64)), _full_spec((1, 64)),
                  _full_spec((1, 64)), _full_spec((1, 64)),
                  _full_spec((64, 8))],
        out_specs=_row_spec(BE, 16),
        out_shape=jax.ShapeDtypeStruct((e, 16), jnp.float32),
    )(xs[:, None], xd[:, None], edge_attr, al[None], ar[None], v1[None],
      k1[None], m1)

    zrow = jnp.zeros((n_pad, 16), jnp.float32)
    acc1 = jax.ops.segment_sum(val1, dst, num_segments=n_pad)[None]
    acc1 = jnp.concatenate([acc1, jnp.zeros_like(acc1)], axis=0)

    BN = 2048 if n_pad % 2048 == 0 else NS * SUB
    xl2, xr2, lw = pl.pallas_call(
        _n1_body,
        grid=(n_pad // BN,),
        in_specs=[pl.BlockSpec((NC, BN, 16), lambda i: (0, i, 0)),
                  _full_spec((8, 64)), _full_spec((8, 64)),
                  _full_spec((1, 64)), _full_spec((64, 128)),
                  _full_spec((1, 128)), _full_spec((64, 128)),
                  _full_spec((1, 128)), _full_spec((128, 2))],
        out_specs=[_row_spec(BN, 128), _row_spec(BN, 128), _row_spec(BN, 2)],
        out_shape=[jax.ShapeDtypeStruct((n_pad, 128), jnp.float32),
                   jax.ShapeDtypeStruct((n_pad, 128), jnp.float32),
                   jax.ShapeDtypeStruct((n_pad, 2), jnp.float32)],
    )(acc1, a_full, b_full, bias1[None], Wl2.T, bl2[None], Wr2.T, br2[None],
      wd2)

    gl, gr = _make_g2(n_pad, e, 128)(xl2, xr2, src3, dst3)

    lps, lqs = _make_g3(n_pad, e)(lw[:, 0], lw[:, 1], src)

    BE2 = 1000
    val2 = pl.pallas_call(
        _e2_body,
        grid=(e // BE2,),
        in_specs=[_row_spec(BE2, 128), _row_spec(BE2, 128), _row_spec(BE2, 1),
                  _row_spec(BE2, 1), _row_spec(BE2, 1),
                  _full_spec((1, 128)), _full_spec((1, 128)),
                  _full_spec((128, 1))],
        out_specs=_row_spec(BE2, 16),
        out_shape=jax.ShapeDtypeStruct((e, 16), jnp.float32),
    )(gl, gr, edge_attr, lps[:, None], lqs[:, None], v2[None], c2[None],
      att2[0].reshape(128, 1))

    acc2 = jax.ops.segment_sum(val2, dst, num_segments=n_pad)[None]
    acc2 = jnp.concatenate([acc2, jnp.zeros_like(acc2)], axis=0)

    pq = pl.pallas_call(
        _n2_body,
        grid=(n_pad // BN,),
        in_specs=[pl.BlockSpec((NC, BN, 16), lambda i: (0, i, 0)),
                  _full_spec((1, 2))],
        out_specs=_row_spec(BN, 2),
        out_shape=jax.ShapeDtypeStruct((n_pad, 2), jnp.float32),
    )(acc2, cpq)

    out = _make_final(n_pad, e)(pq[:, 0], pq[:, 1], src, dst)
    return out[:, None]

# --- scband reference (transcript-rebuilt; emitter-appended) ---
"""Pipeline reference for scband-gat-12532714569803 (READ-ONLY COPY).

The authoritative reference and input builder live on the scoring server;
editing this copy changes nothing except your own understanding.
"""

import jax, jax.numpy as jnp
import numpy as np

N = 10000
E = 320000

def setup_inputs(seed: int = 0) -> dict:
    key = jax.random.key(seed)
    ks = jax.random.split(key, 24)
    s = 0.1
    inp = {}
    inp['x'] = jax.random.normal(ks[0], (N, 1), jnp.float32)
    inp['edge_index'] = jax.random.randint(ks[1], (2, E), 0, N, dtype=jnp.int32)
    inp['edge_attr'] = jax.random.normal(ks[2], (E, 1), jnp.float32)
    # edge_map: Linear(1, 128)
    inp['W_em'] = jax.random.normal(ks[3], (128, 1), jnp.float32) * s
    inp['b_em'] = jnp.zeros((128,), jnp.float32)
    # conv0: Linear(1, 128)
    inp['W0'] = jax.random.normal(ks[4], (128, 1), jnp.float32) * s
    inp['b0'] = jnp.zeros((128,), jnp.float32)
    # conv1: GATv2Conv(128, 8, heads=8, edge_dim=128)
    inp['Wl1'] = jax.random.normal(ks[5], (64, 128), jnp.float32) * s
    inp['bl1'] = jnp.zeros((64,), jnp.float32)
    inp['Wr1'] = jax.random.normal(ks[6], (64, 128), jnp.float32) * s
    inp['br1'] = jnp.zeros((64,), jnp.float32)
    inp['We1'] = jax.random.normal(ks[7], (64, 128), jnp.float32) * s
    inp['att1'] = jax.random.normal(ks[8], (1, 8, 8), jnp.float32) * s
    inp['bias1'] = jnp.zeros((64,), jnp.float32)
    # conv2: GATv2Conv(64, 128, heads=1, edge_dim=128)
    inp['Wl2'] = jax.random.normal(ks[9], (128, 64), jnp.float32) * s
    inp['bl2'] = jnp.zeros((128,), jnp.float32)
    inp['Wr2'] = jax.random.normal(ks[10], (128, 64), jnp.float32) * s
    inp['br2'] = jnp.zeros((128,), jnp.float32)
    inp['We2'] = jax.random.normal(ks[11], (128, 128), jnp.float32) * s
    inp['att2'] = jax.random.normal(ks[12], (1, 1, 128), jnp.float32) * s
    inp['bias2'] = jnp.zeros((128,), jnp.float32)
    # decode: Linear(256, 1)
    inp['Wd'] = jax.random.normal(ks[13], (1, 256), jnp.float32) * s
    inp['bd'] = jnp.zeros((1,), jnp.float32)
    return inp

def _segment_softmax(a, seg, n):
    m = jax.ops.segment_max(a, seg, num_segments=n)
    m = jnp.where(jnp.isneginf(m), 0.0, m)
    e = jnp.exp(a - m[seg])
    ssum = jax.ops.segment_sum(e, seg, num_segments=n)
    return e / (ssum[seg] + 1e-16)

def _gatv2_conv(h, src, dst, e_embed, Wl, bl, Wr, br, We, att, bias, n):
    H, C = att.shape[1], att.shape[2]
    xl = (h @ Wl.T + bl).reshape(n, H, C)
    xr = (h @ Wr.T + br).reshape(n, H, C)
    ee = (e_embed @ We.T).reshape(-1, H, C)
    z = xl[src] + xr[dst] + ee
    z = jax.nn.leaky_relu(z, 0.2)
    alpha = jnp.sum(z * att, axis=-1)  # [E, H]
    alpha = _segment_softmax(alpha, dst, n)
    msg = xl[src] * alpha[:, :, None]
    out = jax.ops.segment_sum(msg, dst, num_segments=n).reshape(n, H * C)
    return out + bias

def reference(x, edge_index, edge_attr, W_em, b_em, W0, b0, Wl1, bl1, Wr1, br1, We1, att1, bias1, Wl2, bl2, Wr2, br2, We2, att2, bias2, Wd, bd):
    src = edge_index[0]
    dst = edge_index[1]
    n = x.shape[0]
    e_embed = edge_attr @ W_em.T + b_em          # [E, 128]
    h = x @ W0.T + b0                            # [N, 128]
    # dropout is identity in eval mode
    h = _gatv2_conv(h, src, dst, e_embed, Wl1, bl1, Wr1, br1, We1, att1, bias1, n)
    h = jax.nn.elu(h)
    h = _gatv2_conv(h, src, dst, e_embed, Wl2, bl2, Wr2, br2, We2, att2, bias2, n)
    h1 = h[src]
    h2 = h[dst]
    hcat = jnp.concatenate([h1, h2], axis=-1)    # [E, 256]
    return hcat @ Wd.T + bd                      # [E, 1]

if __name__ == "__main__":
    import jax
    _d = setup_inputs()
    print(jax.jit(kernel)(*tuple(_d.values())))

</pallas_src>

<mosaic_0001>
#map = affine_map<(d0, d1) -> (0)>
module attributes {stable_mosaic.version = 14 : i64} {
  func.func @g1(%arg0: i32, %arg1: i32, %arg2: memref<10000xf32, #tpu.memory_space<hbm>>, %arg3: memref<320000xi32, #tpu.memory_space<hbm>>, %arg4: memref<320000xi32, #tpu.memory_space<hbm>>, %arg5: memref<320000xf32, #tpu.memory_space<hbm>>, %arg6: memref<320000xf32, #tpu.memory_space<hbm>>, %arg7: memref<10000xf32, #tpu.memory_space<vmem>>, %arg8: memref<10000xi32, #tpu.memory_space<vmem>>, %arg9: memref<10000xf32, #tpu.memory_space<vmem>>) attributes {dimension_semantics = [#tpu.dimension_semantics<core_parallel>, #tpu.dimension_semantics<subcore_parallel>], iteration_bounds = array<i64: 2, 16>, scalar_prefetch = 0 : i64, scratch_operands = 3 : i64, tpu.core_type = #tpu.core_type<sc_vector_subcore>, window_params = [{transform_indices = #map}, {transform_indices = #map}, {transform_indices = #map}, {transform_indices = #map}, {transform_indices = #map}]} {
    %mul3A = arith.constant 2 : i32
    %mul3A_0 = arith.muli %arg1, %mul3A : i32
    %add3A = arith.addi %mul3A_0, %arg0 : i32
    %mul3A_1 = arith.constant 10000 : i32
    %mul3A_2 = arith.muli %add3A, %mul3A_1 : i32
    "tpu.region"() ({
      %run_scoped3A = tpu.sem_alloc : memref<!tpu.dma_semaphore, #tpu.memory_space<semaphore_mem>>
      tpu.enqueue_dma source(%arg2 : memref<10000xf32, #tpu.memory_space<hbm>>) target(%arg7 : memref<10000xf32, #tpu.memory_space<vmem>>) target_semaphore(%run_scoped3A : memref<!tpu.dma_semaphore, #tpu.memory_space<semaphore_mem>>)
      tpu.wait_dma2 semaphore(%run_scoped3A : memref<!tpu.dma_semaphore, #tpu.memory_space<semaphore_mem>>) src(%arg2 : memref<10000xf32, #tpu.memory_space<hbm>>) dst(%arg7 : memref<10000xf32, #tpu.memory_space<vmem>>)
      tpu.yield
    }) : () -> ()
    "tpu.region"() ({
      %run_scoped3A = tpu.sem_alloc : memref<!tpu.dma_semaphore, #tpu.memory_space<semaphore_mem>>
      %dma_start3A = tpu.memref_slice %arg3[%mul3A_2] : memref<320000xi32, #tpu.memory_space<hbm>> -> memref<10000xi32, #tpu.memory_space<hbm>>
      %dma_start3A_14 = tpu.memref_slice %arg3[%mul3A_2] : memref<320000xi32, #tpu.memory_space<hbm>> -> memref<10000xi32, #tpu.memory_space<hbm>>
      tpu.enqueue_dma source(%dma_start3A_14 : memref<10000xi32, #tpu.memory_space<hbm>>) target(%arg8 : memref<10000xi32, #tpu.memory_space<vmem>>) target_semaphore(%run_scoped3A : memref<!tpu.dma_semaphore, #tpu.memory_space<semaphore_mem>>)
      %dma_wait3A = tpu.memref_slice %arg3[%mul3A_2] : memref<320000xi32, #tpu.memory_space<hbm>> -> memref<10000xi32, #tpu.memory_space<hbm>>
      %dma_wait3A_15 = tpu.memref_slice %arg3[%mul3A_2] : memref<320000xi32, #tpu.memory_space<hbm>> -> memref<10000xi32, #tpu.memory_space<hbm>>
      tpu.wait_dma2 semaphore(%run_scoped3A : memref<!tpu.dma_semaphore, #tpu.memory_space<semaphore_mem>>) src(%dma_wait3A_15 : memref<10000xi32, #tpu.memory_space<hbm>>) dst(%arg8 : memref<10000xi32, #tpu.memory_space<vmem>>)
      tpu.yield
    }) : () -> ()
    %scan3A = arith.constant 0 : i32
    %scan3A_3 = arith.constant 0 : i32
    %scan3A_4 = arith.constant 625 : i32
    %scan3A_5 = arith.addi %scan3A_3, %scan3A_4 : i32
    %scan3A_6 = arith.constant 1 : i32
    scf.for %scan3A_14 = %scan3A_3 to %scan3A_5 step %scan3A_6  : i32 {
      %mul3A_15 = arith.constant 16 : i32
      %mul3A_16 = arith.muli %scan3A_14, %mul3A_15 : i32
      %get3A = arith.index_cast %mul3A_16 : i32 to index
      %get3A_17 = tpu.vector_load %arg8[%get3A] {strides = array<i32>} : memref<10000xi32, #tpu.memory_space<vmem>>, vector<16xi32>,
      %gather3A = tpu.vector_load_idx %arg7[%get3A_17] : memref<10000xf32, #tpu.memory_space<vmem>>[vector<16xi32>], vector<16xf32>,
      %mul3A_18 = arith.constant 16 : i32
      %mul3A_19 = arith.muli %scan3A_14, %mul3A_18 : i32
      %swap3A = arith.index_cast %mul3A_19 : i32 to index
      %swap3A_20 = tpu.vector_load %arg9[%swap3A] {strides = array<i32>} : memref<10000xf32, #tpu.memory_space<vmem>>, vector<16xf32>,
      tpu.vector_store %arg9[%swap3A], %gather3A {strides = array<i32>} : memref<10000xf32, #tpu.memory_space<vmem>>, vector<16xf32>,
    }
    %scan3A_7 = arith.constant 625 : i32
    "tpu.region"() ({
      %run_scoped3A = tpu.sem_alloc : memref<!tpu.dma_semaphore, #tpu.memory_space<semaphore_mem>>
      %dma_start3A = tpu.memref_slice %arg5[%mul3A_2] : memref<320000xf32, #tpu.memory_space<hbm>> -> memref<10000xf32, #tpu.memory_space<hbm>>
      %dma_start3A_14 = tpu.memref_slice %arg5[%mul3A_2] : memref<320000xf32, #tpu.memory_space<hbm>> -> memref<10000xf32, #tpu.memory_space<hbm>>
      tpu.enqueue_dma source(%arg9 : memref<10000xf32, #tpu.memory_space<vmem>>) target(%dma_start3A_14 : memref<10000xf32, #tpu.memory_space<hbm>>) target_semaphore(%run_scoped3A : memref<!tpu.dma_semaphore, #tpu.memory_space<semaphore_mem>>)
      %dma_wait3A = tpu.memref_slice %arg5[%mul3A_2] : memref<320000xf32, #tpu.memory_space<hbm>> -> memref<10000xf32, #tpu.memory_space<hbm>>
      %dma_wait3A_15 = tpu.memref_slice %arg5[%mul3A_2] : memref<320000xf32, #tpu.memory_space<hbm>> -> memref<10000xf32, #tpu.memory_space<hbm>>
      tpu.wait_dma2 semaphore(%run_scoped3A : memref<!tpu.dma_semaphore, #tpu.memory_space<semaphore_mem>>) src(%arg9 : memref<10000xf32, #tpu.memory_space<vmem>>) dst(%dma_wait3A_15 : memref<10000xf32, #tpu.memory_space<hbm>>)
      tpu.yield
    }) : () -> ()
    "tpu.region"() ({
      %run_scoped3A = tpu.sem_alloc : memref<!tpu.dma_semaphore, #tpu.memory_space<semaphore_mem>>
      %dma_start3A = tpu.memref_slice %arg4[%mul3A_2] : memref<320000xi32, #tpu.memory_space<hbm>> -> memref<10000xi32, #tpu.memory_space<hbm>>
      %dma_start3A_14 = tpu.memref_slice %arg4[%mul3A_2] : memref<320000xi32, #tpu.memory_space<hbm>> -> memref<10000xi32, #tpu.memory_space<hbm>>
      tpu.enqueue_dma source(%dma_start3A_14 : memref<10000xi32, #tpu.memory_space<hbm>>) target(%arg8 : memref<10000xi32, #tpu.memory_space<vmem>>) target_semaphore(%run_scoped3A : memref<!tpu.dma_semaphore, #tpu.memory_space<semaphore_mem>>)
      %dma_wait3A = tpu.memref_slice %arg4[%mul3A_2] : memref<320000xi32, #tpu.memory_space<hbm>> -> memref<10000xi32, #tpu.memory_space<hbm>>
      %dma_wait3A_15 = tpu.memref_slice %arg4[%mul3A_2] : memref<320000xi32, #tpu.memory_space<hbm>> -> memref<10000xi32, #tpu.memory_space<hbm>>
      tpu.wait_dma2 semaphore(%run_scoped3A : memref<!tpu.dma_semaphore, #tpu.memory_space<semaphore_mem>>) src(%dma_wait3A_15 : memref<10000xi32, #tpu.memory_space<hbm>>) dst(%arg8 : memref<10000xi32, #tpu.memory_space<vmem>>)
      tpu.yield
    }) : () -> ()
    %scan3A_8 = arith.constant 0 : i32
    %scan3A_9 = arith.constant 0 : i32
    %scan3A_10 = arith.constant 625 : i32
    %scan3A_11 = arith.addi %scan3A_9, %scan3A_10 : i32
    %scan3A_12 = arith.constant 1 : i32
    scf.for %scan3A_14 = %scan3A_9 to %scan3A_11 step %scan3A_12  : i32 {
      %mul3A_15 = arith.constant 16 : i32
      %mul3A_16 = arith.muli %scan3A_14, %mul3A_15 : i32
      %get3A = arith.index_cast %mul3A_16 : i32 to index
      %get3A_17 = tpu.vector_load %arg8[%get3A] {strides = array<i32>} : memref<10000xi32, #tpu.memory_space<vmem>>, vector<16xi32>,
      %gather3A = tpu.vector_load_idx %arg7[%get3A_17] : memref<10000xf32, #tpu.memory_space<vmem>>[vector<16xi32>], vector<16xf32>,
      %mul3A_18 = arith.constant 16 : i32
      %mul3A_19 = arith.muli %scan3A_14, %mul3A_18 : i32
      %swap3A = arith.index_cast %mul3A_19 : i32 to index
      %swap3A_20 = tpu.vector_load %arg9[%swap3A] {strides = array<i32>} : memref<10000xf32, #tpu.memory_space<vmem>>, vector<16xf32>,
      tpu.vector_store %arg9[%swap3A], %gather3A {strides = array<i32>} : memref<10000xf32, #tpu.memory_space<vmem>>, vector<16xf32>,
    }
    %scan3A_13 = arith.constant 625 : i32
    "tpu.region"() ({
      %run_scoped3A = tpu.sem_alloc : memref<!tpu.dma_semaphore, #tpu.memory_space<semaphore_mem>>
      %dma_start3A = tpu.memref_slice %arg6[%mul3A_2] : memref<320000xf32, #tpu.memory_space<hbm>> -> memref<10000xf32, #tpu.memory_space<hbm>>
      %dma_start3A_14 = tpu.memref_slice %arg6[%mul3A_2] : memref<320000xf32, #tpu.memory_space<hbm>> -> memref<10000xf32, #tpu.memory_space<hbm>>
      tpu.enqueue_dma source(%arg9 : memref<10000xf32, #tpu.memory_space<vmem>>) target(%dma_start3A_14 : memref<10000xf32, #tpu.memory_space<hbm>>) target_semaphore(%run_scoped3A : memref<!tpu.dma_semaphore, #tpu.memory_space<semaphore_mem>>)
      %dma_wait3A = tpu.memref_slice %arg6[%mul3A_2] : memref<320000xf32, #tpu.memory_space<hbm>> -> memref<10000xf32, #tpu.memory_space<hbm>>
      %dma_wait3A_15 = tpu.memref_slice %arg6[%mul3A_2] : memref<320000xf32, #tpu.memory_space<hbm>> -> memref<10000xf32, #tpu.memory_space<hbm>>
      tpu.wait_dma2 semaphore(%run_scoped3A : memref<!tpu.dma_semaphore, #tpu.memory_space<semaphore_mem>>) src(%arg9 : memref<10000xf32, #tpu.memory_space<vmem>>) dst(%dma_wait3A_15 : memref<10000xf32, #tpu.memory_space<hbm>>)
      tpu.yield
    }) : () -> ()
    return
  }
}

#map = affine_map<(d0, d1) -> (0)>
module attributes {stable_mosaic.version = 14 : i64} {
  func.func @g3(%arg0: i32, %arg1: i32, %arg2: memref<10240xf32, #tpu.memory_space<hbm>>, %arg3: memref<10240xf32, #tpu.memory_space<hbm>>, %arg4: memref<320000xi32, #tpu.memory_space<hbm>>, %arg5: memref<320000xf32, #tpu.memory_space<hbm>>, %arg6: memref<320000xf32, #tpu.memory_space<hbm>>, %arg7: memref<10240xf32, #tpu.memory_space<vmem>>, %arg8: memref<10240xf32, #tpu.memory_space<vmem>>, %arg9: memref<10000xi32, #tpu.memory_space<vmem>>, %arg10: memref<10000xf32, #tpu.memory_space<vmem>>, %arg11: memref<10000xf32, #tpu.memory_space<vmem>>) attributes {dimension_semantics = [#tpu.dimension_semantics<core_parallel>, #tpu.dimension_semantics<subcore_parallel>], iteration_bounds = array<i64: 2, 16>, scalar_prefetch = 0 : i64, scratch_operands = 5 : i64, tpu.core_type = #tpu.core_type<sc_vector_subcore>, window_params = [{transform_indices = #map}, {transform_indices = #map}, {transform_indices = #map}, {transform_indices = #map}, {transform_indices = #map}]} {
    %mul3A = arith.constant 2 : i32
    %mul3A_0 = arith.muli %arg1, %mul3A : i32
    %add3A = arith.addi %mul3A_0, %arg0 : i32
    %mul3A_1 = arith.constant 10000 : i32
    %mul3A_2 = arith.muli %add3A, %mul3A_1 : i32
    "tpu.region"() ({
      %run_scoped3A = tpu.sem_alloc : memref<!tpu.dma_semaphore, #tpu.memory_space<semaphore_mem>>
      tpu.enqueue_dma source(%arg2 : memref<10240xf32, #tpu.memory_space<hbm>>) target(%arg7 : memref<10240xf32, #tpu.memory_space<vmem>>) target_semaphore(%run_scoped3A : memref<!tpu.dma_semaphore, #tpu.memory_space<semaphore_mem>>)
      tpu.wait_dma2 semaphore(%run_scoped3A : memref<!tpu.dma_semaphore, #tpu.memory_space<semaphore_mem>>) src(%arg2 : memref<10240xf32, #tpu.memory_space<hbm>>) dst(%arg7 : memref<10240xf32, #tpu.memory_space<vmem>>)
      tpu.yield
    }) : () -> ()
    "tpu.region"() ({
      %run_scoped3A = tpu.sem_alloc : memref<!tpu.dma_semaphore, #tpu.memory_space<semaphore_mem>>
      tpu.enqueue_dma source(%arg3 : memref<10240xf32, #tpu.memory_space<hbm>>) target(%arg8 : memref<10240xf32, #tpu.memory_space<vmem>>) target_semaphore(%run_scoped3A : memref<!tpu.dma_semaphore, #tpu.memory_space<semaphore_mem>>)
      tpu.wait_dma2 semaphore(%run_scoped3A : memref<!tpu.dma_semaphore, #tpu.memory_space<semaphore_mem>>) src(%arg3 : memref<10240xf32, #tpu.memory_space<hbm>>) dst(%arg8 : memref<10240xf32, #tpu.memory_space<vmem>>)
      tpu.yield
    }) : () -> ()
    "tpu.region"() ({
      %run_scoped3A = tpu.sem_alloc : memref<!tpu.dma_semaphore, #tpu.memory_space<semaphore_mem>>
      %dma_start3A = tpu.memref_slice %arg4[%mul3A_2] : memref<320000xi32, #tpu.memory_space<hbm>> -> memref<10000xi32, #tpu.memory_space<hbm>>
      %dma_start3A_8 = tpu.memref_slice %arg4[%mul3A_2] : memref<320000xi32, #tpu.memory_space<hbm>> -> memref<10000xi32, #tpu.memory_space<hbm>>
      tpu.enqueue_dma source(%dma_start3A_8 : memref<10000xi32, #tpu.memory_space<hbm>>) target(%arg9 : memref<10000xi32, #tpu.memory_space<vmem>>) target_semaphore(%run_scoped3A : memref<!tpu.dma_semaphore, #tpu.memory_space<semaphore_mem>>)
      %dma_wait3A = tpu.memref_slice %arg4[%mul3A_2] : memref<320000xi32, #tpu.memory_space<hbm>> -> memref<10000xi32, #tpu.memory_space<hbm>>
      %dma_wait3A_9 = tpu.memref_slice %arg4[%mul3A_2] : memref<320000xi32, #tpu.memory_space<hbm>> -> memref<10000xi32, #tpu.memory_space<hbm>>
      tpu.wait_dma2 semaphore(%run_scoped3A : memref<!tpu.dma_semaphore, #tpu.memory_space<semaphore_mem>>) src(%dma_wait3A_9 : memref<10000xi32, #tpu.memory_space<hbm>>) dst(%arg9 : memref<10000xi32, #tpu.memory_space<vmem>>)
      tpu.yield
    }) : () -> ()
    %scan3A = arith.constant 0 : i32
    %scan3A_3 = arith.constant 0 : i32
    %scan3A_4 = arith.constant 625 : i32
    %scan3A_5 = arith.addi %scan3A_3, %scan3A_4 : i32
    %scan3A_6 = arith.constant 1 : i32
    scf.for %scan3A_8 = %scan3A_3 to %scan3A_5 step %scan3A_6  : i32 {
      %mul3A_9 = arith.constant 16 : i32
      %mul3A_10 = arith.muli %scan3A_8, %mul3A_9 : i32
      %get3A = arith.index_cast %mul3A_10 : i32 to index
      %get3A_11 = tpu.vector_load %arg9[%get3A] {strides = array<i32>} : memref<10000xi32, #tpu.memory_space<vmem>>, vector<16xi32>,
      %gather3A = tpu.vector_load_idx %arg7[%get3A_11] : memref<10240xf32, #tpu.memory_space<vmem>>[vector<16xi32>], vector<16xf32>,
      %mul3A_12 = arith.constant 16 : i32
      %mul3A_13 = arith.muli %scan3A_8, %mul3A_12 : i32
      %swap3A = arith.index_cast %mul3A_13 : i32 to index
      %swap3A_14 = tpu.vector_load %arg10[%swap3A] {strides = array<i32>} : memref<10000xf32, #tpu.memory_space<vmem>>, vector<16xf32>,
      tpu.vector_store %arg10[%swap3A], %gather3A {strides = array<i32>} : memref<10000xf32, #tpu.memory_space<vmem>>, vector<16xf32>,
      %gather3A_15 = tpu.vector_load_idx %arg8[%get3A_11] : memref<10240xf32, #tpu.memory_space<vmem>>[vector<16xi32>], vector<16xf32>,
      %mul3A_16 = arith.constant 16 : i32
      %mul3A_17 = arith.muli %scan3A_8, %mul3A_16 : i32
      %swap3A_18 = arith.index_cast %mul3A_17 : i32 to index
      %swap3A_19 = tpu.vector_load %arg11[%swap3A_18] {strides = array<i32>} : memref<10000xf32, #tpu.memory_space<vmem>>, vector<16xf32>,
      tpu.vector_store %arg11[%swap3A_18], %gather3A_15 {strides = array<i32>} : memref<10000xf32, #tpu.memory_space<vmem>>, vector<16xf32>,
    }
    %scan3A_7 = arith.constant 625 : i32
    "tpu.region"() ({
      %run_scoped3A = tpu.sem_alloc : memref<!tpu.dma_semaphore, #tpu.memory_space<semaphore_mem>>
      %dma_start3A = tpu.memref_slice %arg5[%mul3A_2] : memref<320000xf32, #tpu.memory_space<hbm>> -> memref<10000xf32, #tpu.memory_space<hbm>>
      %dma_start3A_8 = tpu.memref_slice %arg5[%mul3A_2] : memref<320000xf32, #tpu.memory_space<hbm>> -> memref<10000xf32, #tpu.memory_space<hbm>>
      tpu.enqueue_dma source(%arg10 : memref<10000xf32, #tpu.memory_space<vmem>>) target(%dma_start3A_8 : memref<10000xf32, #tpu.memory_space<hbm>>) target_semaphore(%run_scoped3A : memref<!tpu.dma_semaphore, #tpu.memory_space<semaphore_mem>>)
      %dma_wait3A = tpu.memref_slice %arg5[%mul3A_2] : memref<320000xf32, #tpu.memory_space<hbm>> -> memref<10000xf32, #tpu.memory_space<hbm>>
      %dma_wait3A_9 = tpu.memref_slice %arg5[%mul3A_2] : memref<320000xf32, #tpu.memory_space<hbm>> -> memref<10000xf32, #tpu.memory_space<hbm>>
      tpu.wait_dma2 semaphore(%run_scoped3A : memref<!tpu.dma_semaphore, #tpu.memory_space<semaphore_mem>>) src(%arg10 : memref<10000xf32, #tpu.memory_space<vmem>>) dst(%dma_wait3A_9 : memref<10000xf32, #tpu.memory_space<hbm>>)
      tpu.yield
    }) : () -> ()
    "tpu.region"() ({
      %run_scoped3A = tpu.sem_alloc : memref<!tpu.dma_semaphore, #tpu.memory_space<semaphore_mem>>
      %dma_start3A = tpu.memref_slice %arg6[%mul3A_2] : memref<320000xf32, #tpu.memory_space<hbm>> -> memref<10000xf32, #tpu.memory_space<hbm>>
      %dma_start3A_8 = tpu.memref_slice %arg6[%mul3A_2] : memref<320000xf32, #tpu.memory_space<hbm>> -> memref<10000xf32, #tpu.memory_space<hbm>>
      tpu.enqueue_dma source(%arg11 : memref<10000xf32, #tpu.memory_space<vmem>>) target(%dma_start3A_8 : memref<10000xf32, #tpu.memory_space<hbm>>) target_semaphore(%run_scoped3A : memref<!tpu.dma_semaphore, #tpu.memory_space<semaphore_mem>>)
      %dma_wait3A = tpu.memref_slice %arg6[%mul3A_2] : memref<320000xf32, #tpu.memory_space<hbm>> -> memref<10000xf32, #tpu.memory_space<hbm>>
      %dma_wait3A_9 = tpu.memref_slice %arg6[%mul3A_2] : memref<320000xf32, #tpu.memory_space<hbm>> -> memref<10000xf32, #tpu.memory_space<hbm>>
      tpu.wait_dma2 semaphore(%run_scoped3A : memref<!tpu.dma_semaphore, #tpu.memory_space<semaphore_mem>>) src(%arg11 : memref<10000xf32, #tpu.memory_space<vmem>>) dst(%dma_wait3A_9 : memref<10000xf32, #tpu.memory_space<hbm>>)
      tpu.yield
    }) : () -> ()
    return
  }
}

#map = affine_map<(d0, d1) -> (0, 0)>
#map1 = affine_map<(d0, d1) -> (0, 0, 0)>
module attributes {stable_mosaic.version = 14 : i64} {
  func.func @g2(%arg0: i32, %arg1: i32, %arg2: memref<10240x128xf32, #tpu.memory_space<hbm>>, %arg3: memref<10240x128xf32, #tpu.memory_space<hbm>>, %arg4: memref<32x125x80xi32, #tpu.memory_space<hbm>>, %arg5: memref<32x125x80xi32, #tpu.memory_space<hbm>>, %arg6: memref<320000x128xf32, #tpu.memory_space<hbm>>, %arg7: memref<320000x128xf32, #tpu.memory_space<hbm>>, %arg8: memref<80xi32, #tpu.memory_space<vmem>>, %arg9: memref<80xi32, #tpu.memory_space<vmem>>, %arg10: memref<80x128xf32, #tpu.memory_space<vmem>>, %arg11: memref<80x128xf32, #tpu.memory_space<vmem>>, %arg12: memref<!tpu.dma_semaphore, #tpu.memory_space<semaphore_mem>>, %arg13: memref<!tpu.dma_semaphore, #tpu.memory_space<semaphore_mem>>) attributes {dimension_semantics = [#tpu.dimension_semantics<core_parallel>, #tpu.dimension_semantics<subcore_parallel>], iteration_bounds = array<i64: 2, 16>, scalar_prefetch = 0 : i64, scratch_operands = 6 : i64, tpu.core_type = #tpu.core_type<sc_vector_subcore>, window_params = [{transform_indices = #map}, {transform_indices = #map}, {transform_indices = #map1}, {transform_indices = #map1}, {transform_indices = #map}, {transform_indices = #map}]} {
    %mul3A = arith.constant 2 : i32
    %mul3A_0 = arith.muli %arg1, %mul3A : i32
    %add3A = arith.addi %mul3A_0, %arg0 : i32
    %mul3A_1 = arith.constant 10000 : i32
    %mul3A_2 = arith.muli %add3A, %mul3A_1 : i32
    %scan3A = arith.constant 0 : i32
    %scan3A_3 = arith.constant 0 : i32
    %scan3A_4 = arith.constant 125 : i32
    %scan3A_5 = arith.addi %scan3A_3, %scan3A_4 : i32
    %scan3A_6 = arith.constant 1 : i32
    scf.for %scan3A_8 = %scan3A_3 to %scan3A_5 step %scan3A_6  : i32 {
      "tpu.region"() ({
        %run_scoped3A = tpu.sem_alloc : memref<!tpu.dma_semaphore, #tpu.memory_space<semaphore_mem>>
        %dma_start3A_22 = arith.constant 0 : i32
        %dma_start3A_23 = tpu.memref_slice %arg4[%add3A, %scan3A_8, %dma_start3A_22] : memref<32x125x80xi32, #tpu.memory_space<hbm>> -> memref<1x1x80xi32, #tpu.memory_space<hbm>>
        %dma_start3A_24 = tpu.memref_squeeze %dma_start3A_23 : memref<1x1x80xi32, #tpu.memory_space<hbm>> -> memref<80xi32, #tpu.memory_space<hbm>>
        %dma_start3A_25 = arith.constant 0 : i32
        %dma_start3A_26 = tpu.memref_slice %arg4[%add3A, %scan3A_8, %dma_start3A_25] : memref<32x125x80xi32, #tpu.memory_space<hbm>> -> memref<1x1x80xi32, #tpu.memory_space<hbm>>
        %dma_start3A_27 = tpu.memref_squeeze %dma_start3A_26 : memref<1x1x80xi32, #tpu.memory_space<hbm>> -> memref<80xi32, #tpu.memory_space<hbm>>
        tpu.enqueue_dma source(%dma_start3A_27 : memref<80xi32, #tpu.memory_space<hbm>>) target(%arg8 : memref<80xi32, #tpu.memory_space<vmem>>) target_semaphore(%run_scoped3A : memref<!tpu.dma_semaphore, #tpu.memory_space<semaphore_mem>>)
        %dma_wait3A_28 = arith.constant 0 : i32
        %dma_wait3A_29 = tpu.memref_slice %arg4[%add3A, %scan3A_8, %dma_wait3A_28] : memref<32x125x80xi32, #tpu.memory_space<hbm>> -> memref<1x1x80xi32, #tpu.memory_space<hbm>>
        %dma_wait3A_30 = tpu.memref_squeeze %dma_wait3A_29 : memref<1x1x80xi32, #tpu.memory_space<hbm>> -> memref<80xi32, #tpu.memory_space<hbm>>
        %dma_wait3A_31 = arith.constant 0 : i32
        %dma_wait3A_32 = tpu.memref_slice %arg4[%add3A, %scan3A_8, %dma_wait3A_31] : memref<32x125x80xi32, #tpu.memory_space<hbm>> -> memref<1x1x80xi32, #tpu.memory_space<hbm>>
        %dma_wait3A_33 = tpu.memref_squeeze %dma_wait3A_32 : memref<1x1x80xi32, #tpu.memory_space<hbm>> -> memref<80xi32, #tpu.memory_space<hbm>>
        tpu.wait_dma2 semaphore(%run_scoped3A : memref<!tpu.dma_semaphore, #tpu.memory_space<semaphore_mem>>) src(%dma_wait3A_33 : memref<80xi32, #tpu.memory_space<hbm>>) dst(%arg8 : memref<80xi32, #tpu.memory_space<vmem>>)
        tpu.yield
      }) : () -> ()
      "tpu.region"() ({
        %run_scoped3A = tpu.sem_alloc : memref<!tpu.dma_semaphore, #tpu.memory_space<semaphore_mem>>
        %dma_start3A_22 = arith.constant 0 : i32
        %dma_start3A_23 = tpu.memref_slice %arg5[%add3A, %scan3A_8, %dma_start3A_22] : memref<32x125x80xi32, #tpu.memory_space<hbm>> -> memref<1x1x80xi32, #tpu.memory_space<hbm>>
        %dma_start3A_24 = tpu.memref_squeeze %dma_start3A_23 : memref<1x1x80xi32, #tpu.memory_space<hbm>> -> memref<80xi32, #tpu.memory_space<hbm>>
        %dma_start3A_25 = arith.constant 0 : i32
        %dma_start3A_26 = tpu.memref_slice %arg5[%add3A, %scan3A_8, %dma_start3A_25] : memref<32x125x80xi32, #tpu.memory_space<hbm>> -> memref<1x1x80xi32, #tpu.memory_space<hbm>>
        %dma_start3A_27 = tpu.memref_squeeze %dma_start3A_26 : memref<1x1x80xi32, #tpu.memory_space<hbm>> -> memref<80xi32, #tpu.memory_space<hbm>>
        tpu.enqueue_dma source(%dma_start3A_27 : memref<80xi32, #tpu.memory_space<hbm>>) target(%arg9 : memref<80xi32, #tpu.memory_space<vmem>>) target_semaphore(%run_scoped3A : memref<!tpu.dma_semaphore, #tpu.memory_space<semaphore_mem>>)
        %dma_wait3A_28 = arith.constant 0 : i32
        %dma_wait3A_29 = tpu.memref_slice %arg5[%add3A, %scan3A_8, %dma_wait3A_28] : memref<32x125x80xi32, #tpu.memory_space<hbm>> -> memref<1x1x80xi32, #tpu.memory_space<hbm>>
        %dma_wait3A_30 = tpu.memref_squeeze %dma_wait3A_29 : memref<1x1x80xi32, #tpu.memory_space<hbm>> -> memref<80xi32, #tpu.memory_space<hbm>>
        %dma_wait3A_31 = arith.constant 0 : i32
        %dma_wait3A_32 = tpu.memref_slice %arg5[%add3A, %scan3A_8, %dma_wait3A_31] : memref<32x125x80xi32, #tpu.memory_space<hbm>> -> memref<1x1x80xi32, #tpu.memory_space<hbm>>
        %dma_wait3A_33 = tpu.memref_squeeze %dma_wait3A_32 : memref<1x1x80xi32, #tpu.memory_space<hbm>> -> memref<80xi32, #tpu.memory_space<hbm>>
        tpu.wait_dma2 semaphore(%run_scoped3A : memref<!tpu.dma_semaphore, #tpu.memory_space<semaphore_mem>>) src(%dma_wait3A_33 : memref<80xi32, #tpu.memory_space<hbm>>) dst(%arg9 : memref<80xi32, #tpu.memory_space<vmem>>)
        tpu.yield
      }) : () -> ()
      %dma_start3A = arith.constant 0 : i32
      %dma_start3A_9 = arith.constant 0 : i32
      %dma_start3A_10 = tpu.memref_slice %arg2[%dma_start3A, %dma_start3A_9] : memref<10240x128xf32, #tpu.memory_space<hbm>> -> memref<10240x128xf32, #tpu.memory_space<hbm>>
      tpu.enqueue_indirect_dma source(%dma_start3A_10 : memref<10240x128xf32, #tpu.memory_space<hbm>>) target(%arg10 : memref<80x128xf32, #tpu.memory_space<vmem>>) offsets(%arg8 : memref<80xi32, #tpu.memory_space<vmem>>) semaphore(%arg12 : memref<!tpu.dma_semaphore, #tpu.memory_space<semaphore_mem>>)
      %dma_start3A_11 = arith.constant 0 : i32
      %dma_start3A_12 = arith.constant 0 : i32
      %dma_start3A_13 = tpu.memref_slice %arg3[%dma_start3A_11, %dma_start3A_12] : memref<10240x128xf32, #tpu.memory_space<hbm>> -> memref<10240x128xf32, #tpu.memory_space<hbm>>
      tpu.enqueue_indirect_dma source(%dma_start3A_13 : memref<10240x128xf32, #tpu.memory_space<hbm>>) target(%arg11 : memref<80x128xf32, #tpu.memory_space<vmem>>) offsets(%arg9 : memref<80xi32, #tpu.memory_space<vmem>>) semaphore(%arg13 : memref<!tpu.dma_semaphore, #tpu.memory_space<semaphore_mem>>)
      %dma_wait3A = arith.constant 0 : i32
      %dma_wait3A_14 = arith.constant 0 : i32
      %dma_wait3A_15 = tpu.memref_slice %arg2[%dma_wait3A, %dma_wait3A_14] : memref<10240x128xf32, #tpu.memory_space<hbm>> -> memref<10240x128xf32, #tpu.memory_space<hbm>>
      tpu.wait_indirect_dma semaphore(%arg12 : memref<!tpu.dma_semaphore, #tpu.memory_space<semaphore_mem>>) src(%dma_wait3A_15 : memref<10240x128xf32, #tpu.memory_space<hbm>>) dst(%arg10 : memref<80x128xf32, #tpu.memory_space<vmem>>)
      %dma_wait3A_16 = arith.constant 0 : i32
      %dma_wait3A_17 = arith.constant 0 : i32
      %dma_wait3A_18 = tpu.memref_slice %arg3[%dma_wait3A_16, %dma_wait3A_17] : memref<10240x128xf32, #tpu.memory_space<hbm>> -> memref<10240x128xf32, #tpu.memory_space<hbm>>
      tpu.wait_indirect_dma semaphore(%arg13 : memref<!tpu.dma_semaphore, #tpu.memory_space<semaphore_mem>>) src(%dma_wait3A_18 : memref<10240x128xf32, #tpu.memory_space<hbm>>) dst(%arg11 : memref<80x128xf32, #tpu.memory_space<vmem>>)
      %mul3A_19 = arith.constant 80 : i32
      %mul3A_20 = arith.muli %scan3A_8, %mul3A_19 : i32
      %add3A_21 = arith.addi %mul3A_2, %mul3A_20 : i32
      "tpu.region"() ({
        %run_scoped3A = tpu.sem_alloc : memref<!tpu.dma_semaphore, #tpu.memory_space<semaphore_mem>>
        %dma_start3A_22 = arith.constant 0 : i32
        %dma_start3A_23 = tpu.memref_slice %arg6[%add3A_21, %dma_start3A_22] : memref<320000x128xf32, #tpu.memory_space<hbm>> -> memref<80x128xf32, #tpu.memory_space<hbm>>
        %dma_start3A_24 = arith.constant 0 : i32
        %dma_start3A_25 = tpu.memref_slice %arg6[%add3A_21, %dma_start3A_24] : memref<320000x128xf32, #tpu.memory_space<hbm>> -> memref<80x128xf32, #tpu.memory_space<hbm>>
        tpu.enqueue_dma source(%arg10 : memref<80x128xf32, #tpu.memory_space<vmem>>) target(%dma_start3A_25 : memref<80x128xf32, #tpu.memory_space<hbm>>) target_semaphore(%run_scoped3A : memref<!tpu.dma_semaphore, #tpu.memory_space<semaphore_mem>>)
        %dma_wait3A_26 = arith.constant 0 : i32
        %dma_wait3A_27 = tpu.memref_slice %arg6[%add3A_21, %dma_wait3A_26] : memref<320000x128xf32, #tpu.memory_space<hbm>> -> memref<80x128xf32, #tpu.memory_space<hbm>>
        %dma_wait3A_28 = arith.constant 0 : i32
        %dma_wait3A_29 = tpu.memref_slice %arg6[%add3A_21, %dma_wait3A_28] : memref<320000x128xf32, #tpu.memory_space<hbm>> -> memref<80x128xf32, #tpu.memory_space<hbm>>
        tpu.wait_dma2 semaphore(%run_scoped3A : memref<!tpu.dma_semaphore, #tpu.memory_space<semaphore_mem>>) src(%arg10 : memref<80x128xf32, #tpu.memory_space<vmem>>) dst(%dma_wait3A_29 : memref<80x128xf32, #tpu.memory_space<hbm>>)
        tpu.yield
      }) : () -> ()
      "tpu.region"() ({
        %run_scoped3A = tpu.sem_alloc : memref<!tpu.dma_semaphore, #tpu.memory_space<semaphore_mem>>
        %dma_start3A_22 = arith.constant 0 : i32
        %dma_start3A_23 = tpu.memref_slice %arg7[%add3A_21, %dma_start3A_22] : memref<320000x128xf32, #tpu.memory_space<hbm>> -> memref<80x128xf32, #tpu.memory_space<hbm>>
        %dma_start3A_24 = arith.constant 0 : i32
        %dma_start3A_25 = tpu.memref_slice %arg7[%add3A_21, %dma_start3A_24] : memref<320000x128xf32, #tpu.memory_space<hbm>> -> memref<80x128xf32, #tpu.memory_space<hbm>>
        tpu.enqueue_dma source(%arg11 : memref<80x128xf32, #tpu.memory_space<vmem>>) target(%dma_start3A_25 : memref<80x128xf32, #tpu.memory_space<hbm>>) target_semaphore(%run_scoped3A : memref<!tpu.dma_semaphore, #tpu.memory_space<semaphore_mem>>)
        %dma_wait3A_26 = arith.constant 0 : i32
        %dma_wait3A_27 = tpu.memref_slice %arg7[%add3A_21, %dma_wait3A_26] : memref<320000x128xf32, #tpu.memory_space<hbm>> -> memref<80x128xf32, #tpu.memory_space<hbm>>
        %dma_wait3A_28 = arith.constant 0 : i32
        %dma_wait3A_29 = tpu.memref_slice %arg7[%add3A_21, %dma_wait3A_28] : memref<320000x128xf32, #tpu.memory_space<hbm>> -> memref<80x128xf32, #tpu.memory_space<hbm>>
        tpu.wait_dma2 semaphore(%run_scoped3A : memref<!tpu.dma_semaphore, #tpu.memory_space<semaphore_mem>>) src(%arg11 : memref<80x128xf32, #tpu.memory_space<vmem>>) dst(%dma_wait3A_29 : memref<80x128xf32, #tpu.memory_space<hbm>>)
        tpu.yield
      }) : () -> ()
    }
    %scan3A_7 = arith.constant 125 : i32
    return
  }
}

#map = affine_map<(d0, d1) -> (0)>
module attributes {stable_mosaic.version = 14 : i64} {
  func.func @fin(%arg0: i32, %arg1: i32, %arg2: memref<10240xf32, #tpu.memory_space<hbm>>, %arg3: memref<10240xf32, #tpu.memory_space<hbm>>, %arg4: memref<320000xi32, #tpu.memory_space<hbm>>, %arg5: memref<320000xi32, #tpu.memory_space<hbm>>, %arg6: memref<320000xf32, #tpu.memory_space<hbm>>, %arg7: memref<10240xf32, #tpu.memory_space<vmem>>, %arg8: memref<10240xf32, #tpu.memory_space<vmem>>, %arg9: memref<10000xi32, #tpu.memory_space<vmem>>, %arg10: memref<10000xi32, #tpu.memory_space<vmem>>, %arg11: memref<10000xf32, #tpu.memory_space<vmem>>) attributes {dimension_semantics = [#tpu.dimension_semantics<core_parallel>, #tpu.dimension_semantics<subcore_parallel>], iteration_bounds = array<i64: 2, 16>, scalar_prefetch = 0 : i64, scratch_operands = 5 : i64, tpu.core_type = #tpu.core_type<sc_vector_subcore>, window_params = [{transform_indices = #map}, {transform_indices = #map}, {transform_indices = #map}, {transform_indices = #map}, {transform_indices = #map}]} {
    %mul3A = arith.constant 2 : i32
    %mul3A_0 = arith.muli %arg1, %mul3A : i32
    %add3A = arith.addi %mul3A_0, %arg0 : i32
    %mul3A_1 = arith.constant 10000 : i32
    %mul3A_2 = arith.muli %add3A, %mul3A_1 : i32
    "tpu.region"() ({
      %run_scoped3A = tpu.sem_alloc : memref<!tpu.dma_semaphore, #tpu.memory_space<semaphore_mem>>
      tpu.enqueue_dma source(%arg2 : memref<10240xf32, #tpu.memory_space<hbm>>) target(%arg7 : memref<10240xf32, #tpu.memory_space<vmem>>) target_semaphore(%run_scoped3A : memref<!tpu.dma_semaphore, #tpu.memory_space<semaphore_mem>>)
      tpu.wait_dma2 semaphore(%run_scoped3A : memref<!tpu.dma_semaphore, #tpu.memory_space<semaphore_mem>>) src(%arg2 : memref<10240xf32, #tpu.memory_space<hbm>>) dst(%arg7 : memref<10240xf32, #tpu.memory_space<vmem>>)
      tpu.yield
    }) : () -> ()
    "tpu.region"() ({
      %run_scoped3A = tpu.sem_alloc : memref<!tpu.dma_semaphore, #tpu.memory_space<semaphore_mem>>
      tpu.enqueue_dma source(%arg3 : memref<10240xf32, #tpu.memory_space<hbm>>) target(%arg8 : memref<10240xf32, #tpu.memory_space<vmem>>) target_semaphore(%run_scoped3A : memref<!tpu.dma_semaphore, #tpu.memory_space<semaphore_mem>>)
      tpu.wait_dma2 semaphore(%run_scoped3A : memref<!tpu.dma_semaphore, #tpu.memory_space<semaphore_mem>>) src(%arg3 : memref<10240xf32, #tpu.memory_space<hbm>>) dst(%arg8 : memref<10240xf32, #tpu.memory_space<vmem>>)
      tpu.yield
    }) : () -> ()
    "tpu.region"() ({
      %run_scoped3A = tpu.sem_alloc : memref<!tpu.dma_semaphore, #tpu.memory_space<semaphore_mem>>
      %dma_start3A = tpu.memref_slice %arg4[%mul3A_2] : memref<320000xi32, #tpu.memory_space<hbm>> -> memref<10000xi32, #tpu.memory_space<hbm>>
      %dma_start3A_8 = tpu.memref_slice %arg4[%mul3A_2] : memref<320000xi32, #tpu.memory_space<hbm>> -> memref<10000xi32, #tpu.memory_space<hbm>>
      tpu.enqueue_dma source(%dma_start3A_8 : memref<10000xi32, #tpu.memory_space<hbm>>) target(%arg9 : memref<10000xi32, #tpu.memory_space<vmem>>) target_semaphore(%run_scoped3A : memref<!tpu.dma_semaphore, #tpu.memory_space<semaphore_mem>>)
      %dma_wait3A = tpu.memref_slice %arg4[%mul3A_2] : memref<320000xi32, #tpu.memory_space<hbm>> -> memref<10000xi32, #tpu.memory_space<hbm>>
      %dma_wait3A_9 = tpu.memref_slice %arg4[%mul3A_2] : memref<320000xi32, #tpu.memory_space<hbm>> -> memref<10000xi32, #tpu.memory_space<hbm>>
      tpu.wait_dma2 semaphore(%run_scoped3A : memref<!tpu.dma_semaphore, #tpu.memory_space<semaphore_mem>>) src(%dma_wait3A_9 : memref<10000xi32, #tpu.memory_space<hbm>>) dst(%arg9 : memref<10000xi32, #tpu.memory_space<vmem>>)
      tpu.yield
    }) : () -> ()
    "tpu.region"() ({
      %run_scoped3A = tpu.sem_alloc : memref<!tpu.dma_semaphore, #tpu.memory_space<semaphore_mem>>
      %dma_start3A = tpu.memref_slice %arg5[%mul3A_2] : memref<320000xi32, #tpu.memory_space<hbm>> -> memref<10000xi32, #tpu.memory_space<hbm>>
      %dma_start3A_8 = tpu.memref_slice %arg5[%mul3A_2] : memref<320000xi32, #tpu.memory_space<hbm>> -> memref<10000xi32, #tpu.memory_space<hbm>>
      tpu.enqueue_dma source(%dma_start3A_8 : memref<10000xi32, #tpu.memory_space<hbm>>) target(%arg10 : memref<10000xi32, #tpu.memory_space<vmem>>) target_semaphore(%run_scoped3A : memref<!tpu.dma_semaphore, #tpu.memory_space<semaphore_mem>>)
      %dma_wait3A = tpu.memref_slice %arg5[%mul3A_2] : memref<320000xi32, #tpu.memory_space<hbm>> -> memref<10000xi32, #tpu.memory_space<hbm>>
      %dma_wait3A_9 = tpu.memref_slice %arg5[%mul3A_2] : memref<320000xi32, #tpu.memory_space<hbm>> -> memref<10000xi32, #tpu.memory_space<hbm>>
      tpu.wait_dma2 semaphore(%run_scoped3A : memref<!tpu.dma_semaphore, #tpu.memory_space<semaphore_mem>>) src(%dma_wait3A_9 : memref<10000xi32, #tpu.memory_space<hbm>>) dst(%arg10 : memref<10000xi32, #tpu.memory_space<vmem>>)
      tpu.yield
    }) : () -> ()
    %scan3A = arith.constant 0 : i32
    %scan3A_3 = arith.constant 0 : i32
    %scan3A_4 = arith.constant 625 : i32
    %scan3A_5 = arith.addi %scan3A_3, %scan3A_4 : i32
    %scan3A_6 = arith.constant 1 : i32
    scf.for %scan3A_8 = %scan3A_3 to %scan3A_5 step %scan3A_6  : i32 {
      %mul3A_9 = arith.constant 16 : i32
      %mul3A_10 = arith.muli %scan3A_8, %mul3A_9 : i32
      %get3A = arith.index_cast %mul3A_10 : i32 to index
      %get3A_11 = tpu.vector_load %arg9[%get3A] {strides = array<i32>} : memref<10000xi32, #tpu.memory_space<vmem>>, vector<16xi32>,
      %mul3A_12 = arith.constant 16 : i32
      %mul3A_13 = arith.muli %scan3A_8, %mul3A_12 : i32
      %get3A_14 = arith.index_cast %mul3A_13 : i32 to index
      %get3A_15 = tpu.vector_load %arg10[%get3A_14] {strides = array<i32>} : memref<10000xi32, #tpu.memory_space<vmem>>, vector<16xi32>,
      %gather3A = tpu.vector_load_idx %arg7[%get3A_11] : memref<10240xf32, #tpu.memory_space<vmem>>[vector<16xi32>], vector<16xf32>,
      %gather3A_16 = tpu.vector_load_idx %arg8[%get3A_15] : memref<10240xf32, #tpu.memory_space<vmem>>[vector<16xi32>], vector<16xf32>,
      %add3A_17 = arith.addf %gather3A, %gather3A_16 : vector<16xf32>
      %mul3A_18 = arith.constant 16 : i32
      %mul3A_19 = arith.muli %scan3A_8, %mul3A_18 : i32
      %swap3A = arith.index_cast %mul3A_19 : i32 to index
      %swap3A_20 = tpu.vector_load %arg11[%swap3A] {strides = array<i32>} : memref<10000xf32, #tpu.memory_space<vmem>>, vector<16xf32>,
      tpu.vector_store %arg11[%swap3A], %add3A_17 {strides = array<i32>} : memref<10000xf32, #tpu.memory_space<vmem>>, vector<16xf32>,
    }
    %scan3A_7 = arith.constant 625 : i32
    "tpu.region"() ({
      %run_scoped3A = tpu.sem_alloc : memref<!tpu.dma_semaphore, #tpu.memory_space<semaphore_mem>>
      %dma_start3A = tpu.memref_slice %arg6[%mul3A_2] : memref<320000xf32, #tpu.memory_space<hbm>> -> memref<10000xf32, #tpu.memory_space<hbm>>
      %dma_start3A_8 = tpu.memref_slice %arg6[%mul3A_2] : memref<320000xf32, #tpu.memory_space<hbm>> -> memref<10000xf32, #tpu.memory_space<hbm>>
      tpu.enqueue_dma source(%arg11 : memref<10000xf32, #tpu.memory_space<vmem>>) target(%dma_start3A_8 : memref<10000xf32, #tpu.memory_space<hbm>>) target_semaphore(%run_scoped3A : memref<!tpu.dma_semaphore, #tpu.memory_space<semaphore_mem>>)
      %dma_wait3A = tpu.memref_slice %arg6[%mul3A_2] : memref<320000xf32, #tpu.memory_space<hbm>> -> memref<10000xf32, #tpu.memory_space<hbm>>
      %dma_wait3A_9 = tpu.memref_slice %arg6[%mul3A_2] : memref<320000xf32, #tpu.memory_space<hbm>> -> memref<10000xf32, #tpu.memory_space<hbm>>
      tpu.wait_dma2 semaphore(%run_scoped3A : memref<!tpu.dma_semaphore, #tpu.memory_space<semaphore_mem>>) src(%arg11 : memref<10000xf32, #tpu.memory_space<vmem>>) dst(%dma_wait3A_9 : memref<10000xf32, #tpu.memory_space<hbm>>)
      tpu.yield
    }) : () -> ()
    return
  }
}

module attributes {stable_mosaic.version = 14 : i64} {
  func.func @_e1_body(%arg0: i32, %arg1: memref<512x1xf32, #tpu.memory_space<vmem>>, %arg2: memref<512x1xf32, #tpu.memory_space<vmem>>, %arg3: memref<512x1xf32, #tpu.memory_space<vmem>>, %arg4: memref<1x64xf32, #tpu.memory_space<vmem>>, %arg5: memref<1x64xf32, #tpu.memory_space<vmem>>, %arg6: memref<1x64xf32, #tpu.memory_space<vmem>>, %arg7: memref<1x64xf32, #tpu.memory_space<vmem>>, %arg8: memref<64x8xf32, #tpu.memory_space<vmem>>, %arg9: memref<512x16xf32, #tpu.memory_space<vmem>>) attributes {dimension_semantics = [#tpu.dimension_semantics<arbitrary>], iteration_bounds = array<i64: 625>, scalar_prefetch = 0 : i64, scratch_operands = 0 : i64, tpu.core_type = #tpu.core_type<tc>, window_params = [{transform_indices = @transform_0, window_bounds = array<i64: 512, 1>}, {transform_indices = @transform_1, window_bounds = array<i64: 512, 1>}, {transform_indices = @transform_2, window_bounds = array<i64: 512, 1>}, {pipeline_mode = #tpu.pipeline_mode<synchronous>, transform_indices = @transform_3, window_bounds = array<i64: 1, 64>}, {pipeline_mode = #tpu.pipeline_mode<synchronous>, transform_indices = @transform_4, window_bounds = array<i64: 1, 64>}, {pipeline_mode = #tpu.pipeline_mode<synchronous>, transform_indices = @transform_5, window_bounds = array<i64: 1, 64>}, {pipeline_mode = #tpu.pipeline_mode<synchronous>, transform_indices = @transform_6, window_bounds = array<i64: 1, 64>}, {pipeline_mode = #tpu.pipeline_mode<synchronous>, transform_indices = @transform_7, window_bounds = array<i64: 64, 8>}, {transform_indices = @transform_8, window_bounds = array<i64: 512, 16>}]} {
    %get3A = arith.constant 0 : index
    %get3A_0 = arith.constant 0 : index
    %get3A_1 = vector.load %arg1[%get3A, %get3A_0] : memref<512x1xf32, #tpu.memory_space<vmem>>, vector<512x1xf32>
    %get3A_2 = arith.constant 0 : index
    %get3A_3 = arith.constant 0 : index
    %get3A_4 = vector.load %arg4[%get3A_2, %get3A_3] : memref<1x64xf32, #tpu.memory_space<vmem>>, vector<1x64xf32>
    %mul3A = vector.broadcast %get3A_1 : vector<512x1xf32> to vector<512x64xf32>
    %mul3A_5 = vector.broadcast %get3A_4 : vector<1x64xf32> to vector<512x64xf32>
    %mul3A_6 = arith.mulf %mul3A, %mul3A_5 : vector<512x64xf32>
    %get3A_7 = arith.constant 0 : index
    %get3A_8 = arith.constant 0 : index
    %get3A_9 = vector.load %arg2[%get3A_7, %get3A_8] : memref<512x1xf32, #tpu.memory_space<vmem>>, vector<512x1xf32>
    %get3A_10 = arith.constant 0 : index
    %get3A_11 = arith.constant 0 : index
    %get3A_12 = vector.load %arg5[%get3A_10, %get3A_11] : memref<1x64xf32, #tpu.memory_space<vmem>>, vector<1x64xf32>
    %mul3A_13 = vector.broadcast %get3A_9 : vector<512x1xf32> to vector<512x64xf32>
    %mul3A_14 = vector.broadcast %get3A_12 : vector<1x64xf32> to vector<512x64xf32>
    %mul3A_15 = arith.mulf %mul3A_13, %mul3A_14 : vector<512x64xf32>
    %add3A = arith.addf %mul3A_6, %mul3A_15 : vector<512x64xf32>
    %get3A_16 = arith.constant 0 : index
    %get3A_17 = arith.constant 0 : index
    %get3A_18 = vector.load %arg3[%get3A_16, %get3A_17] : memref<512x1xf32, #tpu.memory_space<vmem>>, vector<512x1xf32>
    %get3A_19 = arith.constant 0 : index
    %get3A_20 = arith.constant 0 : index
    %get3A_21 = vector.load %arg6[%get3A_19, %get3A_20] : memref<1x64xf32, #tpu.memory_space<vmem>>, vector<1x64xf32>
    %mul3A_22 = vector.broadcast %get3A_18 : vector<512x1xf32> to vector<512x64xf32>
    %mul3A_23 = vector.broadcast %get3A_21 : vector<1x64xf32> to vector<512x64xf32>
    %mul3A_24 = arith.mulf %mul3A_22, %mul3A_23 : vector<512x64xf32>
    %add3A_25 = arith.addf %add3A, %mul3A_24 : vector<512x64xf32>
    %get3A_26 = arith.constant 0 : index
    %get3A_27 = arith.constant 0 : index
    %get3A_28 = vector.load %arg7[%get3A_26, %get3A_27] : memref<1x64xf32, #tpu.memory_space<vmem>>, vector<1x64xf32>
    %add3A_29 = vector.broadcast %get3A_28 : vector<1x64xf32> to vector<512x64xf32>
    %add3A_30 = arith.addf %add3A_25, %add3A_29 : vector<512x64xf32>
    %gt3A = arith.constant 0.000000e+00 : f32
    %gt3A_31 = vector.broadcast %gt3A : f32 to vector<512x64xf32>
    %gt3A_32 = arith.cmpf ogt, %add3A_30, %gt3A_31 : vector<512x64xf32>
    %mul3A_33 = arith.constant 2.000000e-01 : f32
    %mul3A_34 = vector.broadcast %mul3A_33 : f32 to vector<512x64xf32>
    %mul3A_35 = arith.mulf %mul3A_34, %add3A_30 : vector<512x64xf32>
    %select_n3A = arith.select %gt3A_32, %add3A_30, %mul3A_35 : vector<512x64xi1>, vector<512x64xf32>
    %get3A_36 = arith.constant 0 : index
    %get3A_37 = arith.constant 0 : index
    %get3A_38 = vector.load %arg8[%get3A_36, %get3A_37] : memref<64x8xf32, #tpu.memory_space<vmem>>, vector<64x8xf32>
    %dot_general3A = arith.constant dense<0.000000e+00> : vector<512x8xf32>
    %dot_general3A_39 = tpu.matmul %select_n3A, %get3A_38, %dot_general3A {dimension_numbers = #tpu.dot_dimension_numbers<[1], [0], [0], [1], [0, 0, 1, 1], [], []>, precision = #tpu.contract_precision<fp32>, transpose_lhs_hint = false} : vector<512x64xf32>, vector<64x8xf32>, vector<512x8xf32> -> vector<512x8xf32>
    %exp3A = math.exp %dot_general3A_39 : vector<512x8xf32>
    %mul3A_40 = vector.broadcast %get3A_1 : vector<512x1xf32> to vector<512x8xf32>
    %mul3A_41 = arith.mulf %mul3A_40, %exp3A : vector<512x8xf32>
    %concatenate3A = tpu.concatenate %exp3A, %mul3A_41 in 1 : vector<512x8xf32>, vector<512x8xf32> -> vector<512x16xf32>
    %swap3A = arith.constant 0 : index
    %swap3A_42 = arith.constant 0 : index
    %swap3A_43 = vector.load %arg9[%swap3A, %swap3A_42] : memref<512x16xf32, #tpu.memory_space<vmem>>, vector<512x16xf32>
    tpu.vector_store %arg9[%swap3A, %swap3A_42], %concatenate3A {strides = array<i32>} : memref<512x16xf32, #tpu.memory_space<vmem>>, vector<512x16xf32>,
    return
  }
  func.func @transform_0(%arg0: i32) -> (i32, i32) {
    %c0_i32 = arith.constant 0 : i32
    %c0_i32_0 = arith.constant 0 : i32
    return %arg0, %c0_i32 : i32, i32
  }
  func.func @transform_1(%arg0: i32) -> (i32, i32) {
    %c0_i32 = arith.constant 0 : i32
    %c0_i32_0 = arith.constant 0 : i32
    return %arg0, %c0_i32 : i32, i32
  }
  func.func @transform_2(%arg0: i32) -> (i32, i32) {
    %c0_i32 = arith.constant 0 : i32
    %c0_i32_0 = arith.constant 0 : i32
    return %arg0, %c0_i32 : i32, i32
  }
  func.func @transform_3(%arg0: i32) -> (i32, i32) {
    %c0_i32 = arith.constant 0 : i32
    %c0_i32_0 = arith.constant 0 : i32
    %c0_i32_1 = arith.constant 0 : i32
    return %c0_i32, %c0_i32_0 : i32, i32
  }
  func.func @transform_4(%arg0: i32) -> (i32, i32) {
    %c0_i32 = arith.constant 0 : i32
    %c0_i32_0 = arith.constant 0 : i32
    %c0_i32_1 = arith.constant 0 : i32
    return %c0_i32, %c0_i32_0 : i32, i32
  }
  func.func @transform_5(%arg0: i32) -> (i32, i32) {
    %c0_i32 = arith.constant 0 : i32
    %c0_i32_0 = arith.constant 0 : i32
    %c0_i32_1 = arith.constant 0 : i32
    return %c0_i32, %c0_i32_0 : i32, i32
  }
  func.func @transform_6(%arg0: i32) -> (i32, i32) {
    %c0_i32 = arith.constant 0 : i32
    %c0_i32_0 = arith.constant 0 : i32
    %c0_i32_1 = arith.constant 0 : i32
    return %c0_i32, %c0_i32_0 : i32, i32
  }
  func.func @transform_7(%arg0: i32) -> (i32, i32) {
    %c0_i32 = arith.constant 0 : i32
    %c0_i32_0 = arith.constant 0 : i32
    %c0_i32_1 = arith.constant 0 : i32
    return %c0_i32, %c0_i32_0 : i32, i32
  }
  func.func @transform_8(%arg0: i32) -> (i32, i32) {
    %c0_i32 = arith.constant 0 : i32
    %c0_i32_0 = arith.constant 0 : i32
    return %arg0, %c0_i32 : i32, i32
  }
}

module attributes {stable_mosaic.version = 14 : i64} {
  func.func @_n1_body(%arg0: i32, %arg1: memref<2x2048x16xf32, #tpu.memory_space<vmem>>, %arg2: memref<8x64xf32, #tpu.memory_space<vmem>>, %arg3: memref<8x64xf32, #tpu.memory_space<vmem>>, %arg4: memref<1x64xf32, #tpu.memory_space<vmem>>, %arg5: memref<64x128xf32, #tpu.memory_space<vmem>>, %arg6: memref<1x128xf32, #tpu.memory_space<vmem>>, %arg7: memref<64x128xf32, #tpu.memory_space<vmem>>, %arg8: memref<1x128xf32, #tpu.memory_space<vmem>>, %arg9: memref<128x2xf32, #tpu.memory_space<vmem>>, %arg10: memref<2048x128xf32, #tpu.memory_space<vmem>>, %arg11: memref<2048x128xf32, #tpu.memory_space<vmem>>, %arg12: memref<2048x2xf32, #tpu.memory_space<vmem>>) attributes {dimension_semantics = [#tpu.dimension_semantics<arbitrary>], iteration_bounds = array<i64: 5>, scalar_prefetch = 0 : i64, scratch_operands = 0 : i64, tpu.core_type = #tpu.core_type<tc>, window_params = [{transform_indices = @transform_0, window_bounds = array<i64: 2, 2048, 16>}, {pipeline_mode = #tpu.pipeline_mode<synchronous>, transform_indices = @transform_1, window_bounds = array<i64: 8, 64>}, {pipeline_mode = #tpu.pipeline_mode<synchronous>, transform_indices = @transform_2, window_bounds = array<i64: 8, 64>}, {pipeline_mode = #tpu.pipeline_mode<synchronous>, transform_indices = @transform_3, window_bounds = array<i64: 1, 64>}, {pipeline_mode = #tpu.pipeline_mode<synchronous>, transform_indices = @transform_4, window_bounds = array<i64: 64, 128>}, {pipeline_mode = #tpu.pipeline_mode<synchronous>, transform_indices = @transform_5, window_bounds = array<i64: 1, 128>}, {pipeline_mode = #tpu.pipeline_mode<synchronous>, transform_indices = @transform_6, window_bounds = array<i64: 64, 128>}, {pipeline_mode = #tpu.pipeline_mode<synchronous>, transform_indices = @transform_7, window_bounds = array<i64: 1, 128>}, {pipeline_mode = #tpu.pipeline_mode<synchronous>, transform_indices = @transform_8, window_bounds = array<i64: 128, 2>}, {transform_indices = @transform_9, window_bounds = array<i64: 2048, 128>}, {transform_indices = @transform_10, window_bounds = array<i64: 2048, 128>}, {transform_indices = @transform_11, window_bounds = array<i64: 2048, 2>}]} {
    %get3A = arith.constant 0 : index
    %get3A_0 = arith.constant 0 : index
    %get3A_1 = arith.constant 0 : index
    %get3A_2 = vector.load %arg1[%get3A, %get3A_0, %get3A_1] : memref<2x2048x16xf32, #tpu.memory_space<vmem>>, vector<1x2048x16xf32>
    %get3A_3 = vector.shape_cast %get3A_2 : vector<1x2048x16xf32> to vector<2048x16xf32>
    %get3A_4 = arith.constant 1 : index
    %get3A_5 = arith.constant 0 : index
    %get3A_6 = arith.constant 0 : index
    %get3A_7 = vector.load %arg1[%get3A_4, %get3A_5, %get3A_6] : memref<2x2048x16xf32, #tpu.memory_space<vmem>>, vector<1x2048x16xf32>
    %get3A_8 = vector.shape_cast %get3A_7 : vector<1x2048x16xf32> to vector<2048x16xf32>
    %add3A = arith.addf %get3A_3, %get3A_8 : vector<2048x16xf32>
    %slice3A = vector.extract_strided_slice %add3A {offsets = [0, 0], sizes = [2048, 8], strides = [1, 1]} : vector<2048x16xf32> to vector<2048x8xf32>
    %slice3A_9 = vector.extract_strided_slice %add3A {offsets = [0, 8], sizes = [2048, 8], strides = [1, 1]} : vector<2048x16xf32> to vector<2048x8xf32>
    %add3A_10 = arith.constant 1.000000e-16 : f32
    %add3A_11 = vector.broadcast %add3A_10 : f32 to vector<2048x8xf32>
    %add3A_12 = arith.addf %slice3A, %add3A_11 : vector<2048x8xf32>
    %div3A = arith.divf %slice3A, %add3A_12 : vector<2048x8xf32>
    %div3A_13 = arith.divf %slice3A_9, %add3A_12 : vector<2048x8xf32>
    %get3A_14 = arith.constant 0 : index
    %get3A_15 = arith.constant 0 : index
    %get3A_16 = vector.load %arg2[%get3A_14, %get3A_15] : memref<8x64xf32, #tpu.memory_space<vmem>>, vector<8x64xf32>
    %dot_general3A = arith.constant dense<0.000000e+00> : vector<2048x64xf32>
    %dot_general3A_17 = tpu.matmul %div3A_13, %get3A_16, %dot_general3A {dimension_numbers = #tpu.dot_dimension_numbers<[1], [0], [0], [1], [0, 0, 1, 1], [], []>, precision = #tpu.contract_precision<fp32>, transpose_lhs_hint = false} : vector<2048x8xf32>, vector<8x64xf32>, vector<2048x64xf32> -> vector<2048x64xf32>
    %get3A_18 = arith.constant 0 : index
    %get3A_19 = arith.constant 0 : index
    %get3A_20 = vector.load %arg3[%get3A_18, %get3A_19] : memref<8x64xf32, #tpu.memory_space<vmem>>, vector<8x64xf32>
    %dot_general3A_21 = arith.constant dense<0.000000e+00> : vector<2048x64xf32>
    %dot_general3A_22 = tpu.matmul %div3A, %get3A_20, %dot_general3A_21 {dimension_numbers = #tpu.dot_dimension_numbers<[1], [0], [0], [1], [0, 0, 1, 1], [], []>, precision = #tpu.contract_precision<fp32>, transpose_lhs_hint = false} : vector<2048x8xf32>, vector<8x64xf32>, vector<2048x64xf32> -> vector<2048x64xf32>
    %add3A_23 = arith.addf %dot_general3A_17, %dot_general3A_22 : vector<2048x64xf32>
    %get3A_24 = arith.constant 0 : index
    %get3A_25 = arith.constant 0 : index
    %get3A_26 = vector.load %arg4[%get3A_24, %get3A_25] : memref<1x64xf32, #tpu.memory_space<vmem>>, vector<1x64xf32>
    %add3A_27 = vector.broadcast %get3A_26 : vector<1x64xf32> to vector<2048x64xf32>
    %add3A_28 = arith.addf %add3A_23, %add3A_27 : vector<2048x64xf32>
    %gt3A = arith.constant 0.000000e+00 : f32
    %gt3A_29 = vector.broadcast %gt3A : f32 to vector<2048x64xf32>
    %gt3A_30 = arith.cmpf ogt, %add3A_28, %gt3A_29 : vector<2048x64xf32>
    %min3A = arith.constant 0.000000e+00 : f32
    %min3A_31 = vector.broadcast %min3A : f32 to vector<2048x64xf32>
    %min3A_32 = arith.minimumf %add3A_28, %min3A_31 : vector<2048x64xf32>
    %exp3A = math.exp %min3A_32 : vector<2048x64xf32>
    %sub3A = arith.constant 1.000000e+00 : f32
    %sub3A_33 = vector.broadcast %sub3A : f32 to vector<2048x64xf32>
    %sub3A_34 = arith.subf %exp3A, %sub3A_33 : vector<2048x64xf32>
    %select_n3A = arith.select %gt3A_30, %add3A_28, %sub3A_34 : vector<2048x64xi1>, vector<2048x64xf32>
    %get3A_35 = arith.constant 0 : index
    %get3A_36 = arith.constant 0 : index
    %get3A_37 = vector.load %arg5[%get3A_35, %get3A_36] : memref<64x128xf32, #tpu.memory_space<vmem>>, vector<64x128xf32>
    %dot_general3A_38 = arith.constant dense<0.000000e+00> : vector<2048x128xf32>
    %dot_general3A_39 = tpu.matmul %select_n3A, %get3A_37, %dot_general3A_38 {dimension_numbers = #tpu.dot_dimension_numbers<[1], [0], [0], [1], [0, 0, 1, 1], [], []>, precision = #tpu.contract_precision<fp32>, transpose_lhs_hint = false} : vector<2048x64xf32>, vector<64x128xf32>, vector<2048x128xf32> -> vector<2048x128xf32>
    %get3A_40 = arith.constant 0 : index
    %get3A_41 = arith.constant 0 : index
    %get3A_42 = vector.load %arg6[%get3A_40, %get3A_41] : memref<1x128xf32, #tpu.memory_space<vmem>>, vector<1x128xf32>
    %add3A_43 = vector.broadcast %get3A_42 : vector<1x128xf32> to vector<2048x128xf32>
    %add3A_44 = arith.addf %dot_general3A_39, %add3A_43 : vector<2048x128xf32>
    %swap3A = arith.constant 0 : index
    %swap3A_45 = arith.constant 0 : index
    %swap3A_46 = vector.load %arg10[%swap3A, %swap3A_45] : memref<2048x128xf32, #tpu.memory_space<vmem>>, vector<2048x128xf32>
    tpu.vector_store %arg10[%swap3A, %swap3A_45], %add3A_44 {strides = array<i32>} : memref<2048x128xf32, #tpu.memory_space<vmem>>, vector<2048x128xf32>,
    %get3A_47 = arith.constant 0 : index
    %get3A_48 = arith.constant 0 : index
    %get3A_49 = vector.load %arg7[%get3A_47, %get3A_48] : memref<64x128xf32, #tpu.memory_space<vmem>>, vector<64x128xf32>
    %dot_general3A_50 = arith.constant dense<0.000000e+00> : vector<2048x128xf32>
    %dot_general3A_51 = tpu.matmul %select_n3A, %get3A_49, %dot_general3A_50 {dimension_numbers = #tpu.dot_dimension_numbers<[1], [0], [0], [1], [0, 0, 1, 1], [], []>, precision = #tpu.contract_precision<fp32>, transpose_lhs_hint = false} : vector<2048x64xf32>, vector<64x128xf32>, vector<2048x128xf32> -> vector<2048x128xf32>
    %get3A_52 = arith.constant 0 : index
    %get3A_53 = arith.constant 0 : index
    %get3A_54 = vector.load %arg8[%get3A_52, %get3A_53] : memref<1x128xf32, #tpu.memory_space<vmem>>, vector<1x128xf32>
    %add3A_55 = vector.broadcast %get3A_54 : vector<1x128xf32> to vector<2048x128xf32>
    %add3A_56 = arith.addf %dot_general3A_51, %add3A_55 : vector<2048x128xf32>
    %swap3A_57 = arith.constant 0 : index
    %swap3A_58 = arith.constant 0 : index
    %swap3A_59 = vector.load %arg11[%swap3A_57, %swap3A_58] : memref<2048x128xf32, #tpu.memory_space<vmem>>, vector<2048x128xf32>
    tpu.vector_store %arg11[%swap3A_57, %swap3A_58], %add3A_56 {strides = array<i32>} : memref<2048x128xf32, #tpu.memory_space<vmem>>, vector<2048x128xf32>,
    %get3A_60 = arith.constant 0 : index
    %get3A_61 = arith.constant 0 : index
    %get3A_62 = vector.load %arg9[%get3A_60, %get3A_61] : memref<128x2xf32, #tpu.memory_space<vmem>>, vector<128x2xf32>
    %dot_general3A_63 = arith.constant dense<0.000000e+00> : vector<2048x2xf32>
    %dot_general3A_64 = tpu.matmul %add3A_44, %get3A_62, %dot_general3A_63 {dimension_numbers = #tpu.dot_dimension_numbers<[1], [0], [0], [1], [0, 0, 1, 1], [], []>, precision = #tpu.contract_precision<fp32>, transpose_lhs_hint = false} : vector<2048x128xf32>, vector<128x2xf32>, vector<2048x2xf32> -> vector<2048x2xf32>
    %swap3A_65 = arith.constant 0 : index
    %swap3A_66 = arith.constant 0 : index
    %swap3A_67 = vector.load %arg12[%swap3A_65, %swap3A_66] : memref<2048x2xf32, #tpu.memory_space<vmem>>, vector<2048x2xf32>
    tpu.vector_store %arg12[%swap3A_65, %swap3A_66], %dot_general3A_64 {strides = array<i32>} : memref<2048x2xf32, #tpu.memory_space<vmem>>, vector<2048x2xf32>,
    return
  }
  func.func @transform_0(%arg0: i32) -> (i32, i32, i32) {
    %c0_i32 = arith.constant 0 : i32
    %c0_i32_0 = arith.constant 0 : i32
    %c0_i32_1 = arith.constant 0 : i32
    return %c0_i32, %arg0, %c0_i32_0 : i32, i32, i32
  }
  func.func @transform_1(%arg0: i32) -> (i32, i32) {
    %c0_i32 = arith.constant 0 : i32
    %c0_i32_0 = arith.constant 0 : i32
    %c0_i32_1 = arith.constant 0 : i32
    return %c0_i32, %c0_i32_0 : i32, i32
  }
  func.func @transform_2(%arg0: i32) -> (i32, i32) {
    %c0_i32 = arith.constant 0 : i32
    %c0_i32_0 = arith.constant 0 : i32
    %c0_i32_1 = arith.constant 0 : i32
    return %c0_i32, %c0_i32_0 : i32, i32
  }
  func.func @transform_3(%arg0: i32) -> (i32, i32) {
    %c0_i32 = arith.constant 0 : i32
    %c0_i32_0 = arith.constant 0 : i32
    %c0_i32_1 = arith.constant 0 : i32
    return %c0_i32, %c0_i32_0 : i32, i32
  }
  func.func @transform_4(%arg0: i32) -> (i32, i32) {
    %c0_i32 = arith.constant 0 : i32
    %c0_i32_0 = arith.constant 0 : i32
    %c0_i32_1 = arith.constant 0 : i32
    return %c0_i32, %c0_i32_0 : i32, i32
  }
  func.func @transform_5(%arg0: i32) -> (i32, i32) {
    %c0_i32 = arith.constant 0 : i32
    %c0_i32_0 = arith.constant 0 : i32
    %c0_i32_1 = arith.constant 0 : i32
    return %c0_i32, %c0_i32_0 : i32, i32
  }
  func.func @transform_6(%arg0: i32) -> (i32, i32) {
    %c0_i32 = arith.constant 0 : i32
    %c0_i32_0 = arith.constant 0 : i32
    %c0_i32_1 = arith.constant 0 : i32
    return %c0_i32, %c0_i32_0 : i32, i32
  }
  func.func @transform_7(%arg0: i32) -> (i32, i32) {
    %c0_i32 = arith.constant 0 : i32
    %c0_i32_0 = arith.constant 0 : i32
    %c0_i32_1 = arith.constant 0 : i32
    return %c0_i32, %c0_i32_0 : i32, i32
  }
  func.func @transform_8(%arg0: i32) -> (i32, i32) {
    %c0_i32 = arith.constant 0 : i32
    %c0_i32_0 = arith.constant 0 : i32
    %c0_i32_1 = arith.constant 0 : i32
    return %c0_i32, %c0_i32_0 : i32, i32
  }
  func.func @transform_9(%arg0: i32) -> (i32, i32) {
    %c0_i32 = arith.constant 0 : i32
    %c0_i32_0 = arith.constant 0 : i32
    return %arg0, %c0_i32 : i32, i32
  }
  func.func @transform_10(%arg0: i32) -> (i32, i32) {
    %c0_i32 = arith.constant 0 : i32
    %c0_i32_0 = arith.constant 0 : i32
    return %arg0, %c0_i32 : i32, i32
  }
  func.func @transform_11(%arg0: i32) -> (i32, i32) {
    %c0_i32 = arith.constant 0 : i32
    %c0_i32_0 = arith.constant 0 : i32
    return %arg0, %c0_i32 : i32, i32
  }
}

module attributes {stable_mosaic.version = 14 : i64} {
  func.func @_e2_body(%arg0: i32, %arg1: memref<1000x128xf32, #tpu.memory_space<vmem>>, %arg2: memref<1000x128xf32, #tpu.memory_space<vmem>>, %arg3: memref<1000x1xf32, #tpu.memory_space<vmem>>, %arg4: memref<1000x1xf32, #tpu.memory_space<vmem>>, %arg5: memref<1000x1xf32, #tpu.memory_space<vmem>>, %arg6: memref<1x128xf32, #tpu.memory_space<vmem>>, %arg7: memref<1x128xf32, #tpu.memory_space<vmem>>, %arg8: memref<128x1xf32, #tpu.memory_space<vmem>>, %arg9: memref<1000x16xf32, #tpu.memory_space<vmem>>) attributes {dimension_semantics = [#tpu.dimension_semantics<arbitrary>], iteration_bounds = array<i64: 320>, scalar_prefetch = 0 : i64, scratch_operands = 0 : i64, tpu.core_type = #tpu.core_type<tc>, window_params = [{transform_indices = @transform_0, window_bounds = array<i64: 1000, 128>}, {transform_indices = @transform_1, window_bounds = array<i64: 1000, 128>}, {transform_indices = @transform_2, window_bounds = array<i64: 1000, 1>}, {transform_indices = @transform_3, window_bounds = array<i64: 1000, 1>}, {transform_indices = @transform_4, window_bounds = array<i64: 1000, 1>}, {pipeline_mode = #tpu.pipeline_mode<synchronous>, transform_indices = @transform_5, window_bounds = array<i64: 1, 128>}, {pipeline_mode = #tpu.pipeline_mode<synchronous>, transform_indices = @transform_6, window_bounds = array<i64: 1, 128>}, {pipeline_mode = #tpu.pipeline_mode<synchronous>, transform_indices = @transform_7, window_bounds = array<i64: 128, 1>}, {transform_indices = @transform_8, window_bounds = array<i64: 1000, 16>}]} {
    %get3A = arith.constant 0 : index
    %get3A_0 = arith.constant 0 : index
    %get3A_1 = vector.load %arg1[%get3A, %get3A_0] : memref<1000x128xf32, #tpu.memory_space<vmem>>, vector<1000x128xf32>
    %get3A_2 = arith.constant 0 : index
    %get3A_3 = arith.constant 0 : index
    %get3A_4 = vector.load %arg2[%get3A_2, %get3A_3] : memref<1000x128xf32, #tpu.memory_space<vmem>>, vector<1000x128xf32>
    %add3A = arith.addf %get3A_1, %get3A_4 : vector<1000x128xf32>
    %get3A_5 = arith.constant 0 : index
    %get3A_6 = arith.constant 0 : index
    %get3A_7 = vector.load %arg3[%get3A_5, %get3A_6] : memref<1000x1xf32, #tpu.memory_space<vmem>>, vector<1000x1xf32>
    %get3A_8 = arith.constant 0 : index
    %get3A_9 = arith.constant 0 : index
    %get3A_10 = vector.load %arg6[%get3A_8, %get3A_9] : memref<1x128xf32, #tpu.memory_space<vmem>>, vector<1x128xf32>
    %mul3A = vector.broadcast %get3A_7 : vector<1000x1xf32> to vector<1000x128xf32>
    %mul3A_11 = vector.broadcast %get3A_10 : vector<1x128xf32> to vector<1000x128xf32>
    %mul3A_12 = arith.mulf %mul3A, %mul3A_11 : vector<1000x128xf32>
    %add3A_13 = arith.addf %add3A, %mul3A_12 : vector<1000x128xf32>
    %get3A_14 = arith.constant 0 : index
    %get3A_15 = arith.constant 0 : index
    %get3A_16 = vector.load %arg7[%get3A_14, %get3A_15] : memref<1x128xf32, #tpu.memory_space<vmem>>, vector<1x128xf32>
    %add3A_17 = vector.broadcast %get3A_16 : vector<1x128xf32> to vector<1000x128xf32>
    %add3A_18 = arith.addf %add3A_13, %add3A_17 : vector<1000x128xf32>
    %gt3A = arith.constant 0.000000e+00 : f32
    %gt3A_19 = vector.broadcast %gt3A : f32 to vector<1000x128xf32>
    %gt3A_20 = arith.cmpf ogt, %add3A_18, %gt3A_19 : vector<1000x128xf32>
    %mul3A_21 = arith.constant 2.000000e-01 : f32
    %mul3A_22 = vector.broadcast %mul3A_21 : f32 to vector<1000x128xf32>
    %mul3A_23 = arith.mulf %mul3A_22, %add3A_18 : vector<1000x128xf32>
    %select_n3A = arith.select %gt3A_20, %add3A_18, %mul3A_23 : vector<1000x128xi1>, vector<1000x128xf32>
    %get3A_24 = arith.constant 0 : index
    %get3A_25 = arith.constant 0 : index
    %get3A_26 = vector.load %arg8[%get3A_24, %get3A_25] : memref<128x1xf32, #tpu.memory_space<vmem>>, vector<128x1xf32>
    %dot_general3A = arith.constant dense<0.000000e+00> : vector<1000x1xf32>
    %dot_general3A_27 = tpu.matmul %select_n3A, %get3A_26, %dot_general3A {dimension_numbers = #tpu.dot_dimension_numbers<[1], [0], [0], [1], [0, 0, 1, 1], [], []>, precision = #tpu.contract_precision<fp32>, transpose_lhs_hint = false} : vector<1000x128xf32>, vector<128x1xf32>, vector<1000x1xf32> -> vector<1000x1xf32>
    %exp3A = math.exp %dot_general3A_27 : vector<1000x1xf32>
    %broadcast_in_dim3A = arith.constant 0.000000e+00 : f32
    %broadcast_in_dim3A_28 = vector.broadcast %broadcast_in_dim3A : f32 to vector<1000x13xf32>
    %get3A_29 = arith.constant 0 : index
    %get3A_30 = arith.constant 0 : index
    %get3A_31 = vector.load %arg4[%get3A_29, %get3A_30] : memref<1000x1xf32, #tpu.memory_space<vmem>>, vector<1000x1xf32>
    %mul3A_32 = arith.mulf %exp3A, %get3A_31 : vector<1000x1xf32>
    %get3A_33 = arith.constant 0 : index
    %get3A_34 = arith.constant 0 : index
    %get3A_35 = vector.load %arg5[%get3A_33, %get3A_34] : memref<1000x1xf32, #tpu.memory_space<vmem>>, vector<1000x1xf32>
    %mul3A_36 = arith.mulf %exp3A, %get3A_35 : vector<1000x1xf32>
    %concatenate3A = tpu.concatenate %mul3A_32, %mul3A_36, %exp3A, %broadcast_in_dim3A_28 in 1 : vector<1000x1xf32>, vector<1000x1xf32>, vector<1000x1xf32>, vector<1000x13xf32> -> vector<1000x16xf32>
    %swap3A = arith.constant 0 : index
    %swap3A_37 = arith.constant 0 : index
    %swap3A_38 = vector.load %arg9[%swap3A, %swap3A_37] : memref<1000x16xf32, #tpu.memory_space<vmem>>, vector<1000x16xf32>
    tpu.vector_store %arg9[%swap3A, %swap3A_37], %concatenate3A {strides = array<i32>} : memref<1000x16xf32, #tpu.memory_space<vmem>>, vector<1000x16xf32>,
    return
  }
  func.func @transform_0(%arg0: i32) -> (i32, i32) {
    %c0_i32 = arith.constant 0 : i32
    %c0_i32_0 = arith.constant 0 : i32
    return %arg0, %c0_i32 : i32, i32
  }
  func.func @transform_1(%arg0: i32) -> (i32, i32) {
    %c0_i32 = arith.constant 0 : i32
    %c0_i32_0 = arith.constant 0 : i32
    return %arg0, %c0_i32 : i32, i32
  }
  func.func @transform_2(%arg0: i32) -> (i32, i32) {
    %c0_i32 = arith.constant 0 : i32
    %c0_i32_0 = arith.constant 0 : i32
    return %arg0, %c0_i32 : i32, i32
  }
  func.func @transform_3(%arg0: i32) -> (i32, i32) {
    %c0_i32 = arith.constant 0 : i32
    %c0_i32_0 = arith.constant 0 : i32
    return %arg0, %c0_i32 : i32, i32
  }
  func.func @transform_4(%arg0: i32) -> (i32, i32) {
    %c0_i32 = arith.constant 0 : i32
    %c0_i32_0 = arith.constant 0 : i32
    return %arg0, %c0_i32 : i32, i32
  }
  func.func @transform_5(%arg0: i32) -> (i32, i32) {
    %c0_i32 = arith.constant 0 : i32
    %c0_i32_0 = arith.constant 0 : i32
    %c0_i32_1 = arith.constant 0 : i32
    return %c0_i32, %c0_i32_0 : i32, i32
  }
  func.func @transform_6(%arg0: i32) -> (i32, i32) {
    %c0_i32 = arith.constant 0 : i32
    %c0_i32_0 = arith.constant 0 : i32
    %c0_i32_1 = arith.constant 0 : i32
    return %c0_i32, %c0_i32_0 : i32, i32
  }
  func.func @transform_7(%arg0: i32) -> (i32, i32) {
    %c0_i32 = arith.constant 0 : i32
    %c0_i32_0 = arith.constant 0 : i32
    %c0_i32_1 = arith.constant 0 : i32
    return %c0_i32, %c0_i32_0 : i32, i32
  }
  func.func @transform_8(%arg0: i32) -> (i32, i32) {
    %c0_i32 = arith.constant 0 : i32
    %c0_i32_0 = arith.constant 0 : i32
    return %arg0, %c0_i32 : i32, i32
  }
}

module attributes {stable_mosaic.version = 14 : i64} {
  func.func @_n2_body(%arg0: i32, %arg1: memref<2x2048x16xf32, #tpu.memory_space<vmem>>, %arg2: memref<1x2xf32, #tpu.memory_space<vmem>>, %arg3: memref<2048x2xf32, #tpu.memory_space<vmem>>) attributes {dimension_semantics = [#tpu.dimension_semantics<arbitrary>], iteration_bounds = array<i64: 5>, scalar_prefetch = 0 : i64, scratch_operands = 0 : i64, tpu.core_type = #tpu.core_type<tc>, window_params = [{transform_indices = @transform_0, window_bounds = array<i64: 2, 2048, 16>}, {pipeline_mode = #tpu.pipeline_mode<synchronous>, transform_indices = @transform_1, window_bounds = array<i64: 1, 2>}, {transform_indices = @transform_2, window_bounds = array<i64: 2048, 2>}]} {
    %get3A = arith.constant 0 : index
    %get3A_0 = arith.constant 0 : index
    %get3A_1 = arith.constant 0 : index
    %get3A_2 = vector.load %arg1[%get3A, %get3A_0, %get3A_1] : memref<2x2048x16xf32, #tpu.memory_space<vmem>>, vector<1x2048x16xf32>
    %get3A_3 = vector.shape_cast %get3A_2 : vector<1x2048x16xf32> to vector<2048x16xf32>
    %get3A_4 = arith.constant 1 : index
    %get3A_5 = arith.constant 0 : index
    %get3A_6 = arith.constant 0 : index
    %get3A_7 = vector.load %arg1[%get3A_4, %get3A_5, %get3A_6] : memref<2x2048x16xf32, #tpu.memory_space<vmem>>, vector<1x2048x16xf32>
    %get3A_8 = vector.shape_cast %get3A_7 : vector<1x2048x16xf32> to vector<2048x16xf32>
    %add3A = arith.addf %get3A_3, %get3A_8 : vector<2048x16xf32>
    %slice3A = vector.extract_strided_slice %add3A {offsets = [0, 2], sizes = [2048, 1], strides = [1, 1]} : vector<2048x16xf32> to vector<2048x1xf32>
    %add3A_9 = arith.constant 1.000000e-16 : f32
    %add3A_10 = vector.broadcast %add3A_9 : f32 to vector<2048x1xf32>
    %add3A_11 = arith.addf %slice3A, %add3A_10 : vector<2048x1xf32>
    %slice3A_12 = vector.extract_strided_slice %add3A {offsets = [0, 0], sizes = [2048, 2], strides = [1, 1]} : vector<2048x16xf32> to vector<2048x2xf32>
    %div3A = vector.broadcast %add3A_11 : vector<2048x1xf32> to vector<2048x2xf32>
    %div3A_13 = arith.divf %slice3A_12, %div3A : vector<2048x2xf32>
    %get3A_14 = arith.constant 0 : index
    %get3A_15 = arith.constant 0 : index
    %get3A_16 = vector.load %arg2[%get3A_14, %get3A_15] : memref<1x2xf32, #tpu.memory_space<vmem>>, vector<1x2xf32>
    %add3A_17 = vector.broadcast %get3A_16 : vector<1x2xf32> to vector<2048x2xf32>
    %add3A_18 = arith.addf %div3A_13, %add3A_17 : vector<2048x2xf32>
    %swap3A = arith.constant 0 : index
    %swap3A_19 = arith.constant 0 : index
    %swap3A_20 = vector.load %arg3[%swap3A, %swap3A_19] : memref<2048x2xf32, #tpu.memory_space<vmem>>, vector<2048x2xf32>
    tpu.vector_store %arg3[%swap3A, %swap3A_19], %add3A_18 {strides = array<i32>} : memref<2048x2xf32, #tpu.memory_space<vmem>>, vector<2048x2xf32>,
    return
  }
  func.func @transform_0(%arg0: i32) -> (i32, i32, i32) {
    %c0_i32 = arith.constant 0 : i32
    %c0_i32_0 = arith.constant 0 : i32
    %c0_i32_1 = arith.constant 0 : i32
    return %c0_i32, %arg0, %c0_i32_0 : i32, i32, i32
  }
  func.func @transform_1(%arg0: i32) -> (i32, i32) {
    %c0_i32 = arith.constant 0 : i32
    %c0_i32_0 = arith.constant 0 : i32
    %c0_i32_1 = arith.constant 0 : i32
    return %c0_i32, %c0_i32_0 : i32, i32
  }
  func.func @transform_2(%arg0: i32) -> (i32, i32) {
    %c0_i32 = arith.constant 0 : i32
    %c0_i32_0 = arith.constant 0 : i32
    return %arg0, %c0_i32 : i32, i32
  }
}

</mosaic_0001>

<sc_bundles>
// kernel: kernel.10.cloned.1.call-start
scs
__scs_entry_jumppad:
0x0: {  	(pc) =	sbr.rel $0x88, $3  }
0x1: {  	(tag) =	ssettag $0x0;
	lr =	simm.s32 $0x1  }
0x2: {  	[smem:$0x3F8A] =	sst lr;
	_ =	strace $0xD0000000  }
0x3: {  	_ = 	snop  }
0x4: {  	_ = 	snop  }
0x5: {  	_ = 	snop  }
0x6: {  	_ = 	snop  }
0x7: {  	_ = 	snop  }
__scs_overlays_trampoline_lowered:
0x8: {  	[smem:$0x3F99] =	sst s0  }
0x9: {  	[smem:$0x3F9A] =	sst s1  }
0xa: {  	[smem:$0x3F9B] =	sst s2  }
0xb: {  	[smem:$0x3F9C] =	sst s3  }
0xc: {  	[smem:$0x3F9D] =	sst s4  }
0xd: {  	[smem:$0x3F9E] =	sst s5  }
0xe: {  	[smem:$0x3F9F] =	sst s6  }
0xf: {  	[smem:$0x3FA0] =	sst s7  }
0x10: {  	[smem:$0x3FA1] =	sst s8  }
0x11: {  	[smem:$0x3FA2] =	sst s9;
	s0 =	simm.s32 @!p0 $0x0  }
0x12: {  	s1 =	sld [smem:$0x3F88];
	s0 =	simm.s32 @p0 $0x1  }
0x13: {  	[smem:$0x3FA3] =	sst s0;
	s0 =	simm.s32 @!p1 $0x0  }
0x14: {  	s2 =	sld [smem:$0x3F87];
	s0 =	simm.s32 @p1 $0x1  }
0x15: {  	[smem:$0x3FA4] =	sst s0;
	s0 =	simm.s32 @!p2 $0x0  }
0x16: {  	s3 =	sld [smem:$0x3FDB];
	s0 =	simm.s32 @p2 $0x1  }
0x17: {  	s4 =	simm.s32 $0x1BF5;
	[smem:$0x3FA6] =	sst s0  }
0x18: {  	s0 =	sld [smem:$0x3F89];
	_ =	swait.ge [sflag:s4], $0x0  }
0x19: {  	s7 =	sld [smem:$0x3F8A]  }
0x1a: {  	s8 =	sadd.s32 $0xFFFFE003, lr  }
0x1b: {  	s9 =	sadd.s32 $0xFFFFFEF7, lr;
	s5 =	simm.s32 $0xFFFFFFFF;
	p2 =	slt.u32 s8, $0xFFFFF086  }
0x1c: {  	p1 =	slt.u32 s9, $0xF7A;
	s5 =	simm.s32 @!p2 $0x0  }
0x1d: {  	s5 =	simm.s32 @p1 $0x1;
	p0 =	seq.s32 s7, s2  }
0x1e: {  	s7 =	smul.u32 @!p0 $0xF7A, s2;
	p2 =	seq.s32 @!p0 s5, $0x0  }
0x1f: {  	s9 =	smul.u32 $0xF7A, s1;
	s8 =	simm.s32 @!p0 $0x1BF5;
	p2 =	por !p2, p0  }
0x20: {  	[sflag:s8] =	ssyncset.s32 @!p0 $0xFFFFF086;
	s6 =	sadd.s32 @!p0 s3, s7;
	s7 =	simm.s32 @!p0 $0x108  }
0x21: {  	s3 =	sadd.s32 s3, s9;
	s6 =	sadd.s32 @!p0 $0x88, s6;
	s7 =	simm.s32 @p2 $0x1082  }
0x22: {  	[simem:s7], [sflag:s8] =	dma.local @!p0 [hbm:s6], $0xF7A  }
0x23: {  	s9 =	sor.u32 $0xD0000000, s2;
	s6 =	simm.s32 $0x108;
	_ =	swait.ge @!p0 [sflag:s8], $0x0  }
0x24: {  	s3 =	sadd.s32 $0x88, s3;
	s6 =	simm.s32 @!p1 $0x1082;
	[sflag:s4] =	ssyncset.s32 $0xFFFFF086  }
0x25: {  	[simem:s6], [sflag:s4] =	dma.local [hbm:s3], $0xF7A  }
0x26: {  	[smem:$0x3F8A] =	sst s1;
	(tag) =	ssettag s2;
	_ =	strace s9  }
0x27: {  	s1 =	sld [smem:$0x3F9A]  }
0x28: {  	s2 =	sld [smem:$0x3F9B]  }
0x29: {  	s4 =	sld [smem:$0x3F9D]  }
0x2a: {  	p0 =	seq.s32 s5, $0x0;
	s5 =	sld [smem:$0x3F9E]  }
0x2b: {  	s6 =	sld [smem:$0x3F9F]  }
0x2c: {  	s7 =	sld [smem:$0x3FA0]  }
0x2d: {  	s3 =	simm.s32 $0x108;
	s8 =	sld [smem:$0x3FA1]  }
0x2e: {  	s3 =	simm.s32 @!p0 $0x1082;
	s9 =	sld [smem:$0x3FA2]  }
0x2f: {  	lr =	sadd.s32 s0, s3;
	s0 =	sld [smem:$0x3F99]  }
0x30: {  	s3 =	sld [smem:$0x3F9C]  }
0x31: {  	[smem:$0x3FA5] =	sst s10  }
0x32: {  	s10 =	sld [smem:$0x3FA3];
	_ =	sdelay $0x3  }
0x33: {  	p0 =	seq.s32 s10, $0x1;
	s10 =	sld [smem:$0x3FA5];
	_ =	sdelay $0x3  }
0x34: {  	[smem:$0x3FA5] =	sst s10  }
0x35: {  	s10 =	sld [smem:$0x3FA4];
	_ =	sdelay $0x3  }
0x36: {  	p1 =	seq.s32 s10, $0x1;
	s10 =	sld [smem:$0x3FA5];
	_ =	sdelay $0x3  }
0x37: {  	[smem:$0x3FA5] =	sst s10  }
0x38: {  	s10 =	sld [smem:$0x3FA6]  }
0x39: {  	_ = 	snop;
	(pc) =	sbr.ind lr, $3  }
0x3a: {  	_ = 	snop  }
0x3b: {  	_ = 	snop  }
0x3c: {  	p2 =	seq.s32 s10, $0x1;
	s10 =	sld [smem:$0x3FA5]  }
0x3d: {  	_ =	shalt  }
0x3e: {  	_ =	shalt  }
0x3f: {  	_ =	shalt  }
0x40: {  	_ =	shalt  }
0x41: {  	_ =	shalt  }
0x42: {  	_ =	shalt  }
0x43: {  	_ =	shalt  }
0x44: {  	_ =	shalt  }
0x45: {  	_ =	shalt  }
0x46: {  	_ =	shalt  }
0x47: {  	_ =	shalt  }
0x48: {  	_ =	shalt  }
0x49: {  	_ =	shalt  }
0x4a: {  	_ =	shalt  }
0x4b: {  	_ =	shalt  }
0x4c: {  	_ =	shalt  }
0x4d: {  	_ =	shalt  }
0x4e: {  	_ =	shalt  }
0x4f: {  	_ =	shalt  }
0x50: {  	_ =	shalt  }
0x51: {  	_ =	shalt  }
0x52: {  	_ =	shalt  }
0x53: {  	_ =	shalt  }
0x54: {  	_ =	shalt  }
0x55: {  	_ =	shalt  }
0x56: {  	_ =	shalt  }
0x57: {  	_ =	shalt  }
0x58: {  	_ =	shalt  }
0x59: {  	_ =	shalt  }
0x5a: {  	_ =	shalt  }
0x5b: {  	_ =	shalt  }
0x5c: {  	_ =	shalt  }
0x5d: {  	_ =	shalt  }
0x5e: {  	_ =	shalt  }
0x5f: {  	_ =	shalt  }
0x60: {  	_ =	shalt  }
0x61: {  	_ =	shalt  }
0x62: {  	_ =	shalt  }
0x63: {  	_ =	shalt  }
0x64: {  	_ =	shalt  }
0x65: {  	_ =	shalt  }
0x66: {  	_ =	shalt  }
0x67: {  	_ =	shalt  }
0x68: {  	_ =	shalt  }
0x69: {  	_ =	shalt  }
0x6a: {  	_ =	shalt  }
0x6b: {  	_ =	shalt  }
0x6c: {  	_ =	shalt  }
0x6d: {  	_ =	shalt  }
0x6e: {  	_ =	shalt  }
0x6f: {  	_ =	shalt  }
0x70: {  	_ =	shalt  }
0x71: {  	_ =	shalt  }
0x72: {  	_ =	shalt  }
0x73: {  	_ =	shalt  }
0x74: {  	_ =	shalt  }
0x75: {  	_ =	shalt  }
0x76: {  	_ =	shalt  }
0x77: {  	_ =	shalt  }
0x78: {  	_ =	shalt  }
0x79: {  	_ =	shalt  }
0x7a: {  	_ =	shalt  }
0x7b: {  	_ =	shalt  }
0x7c: {  	_ =	shalt  }
0x7d: {  	_ =	shalt  }
0x7e: {  	_ =	shalt  }
0x7f: {  	_ =	shalt  }
0x80: {  	_ =	shalt  }
0x81: {  	_ =	shalt  }
0x82: {  	_ =	shalt  }
0x83: {  	_ =	shalt  }
0x84: {  	_ =	shalt  }
0x85: {  	_ =	shalt  }
0x86: {  	_ =	shalt  }
0x87: {  	_ =	shalt  }
.Lfunc_end0:
.L_simem_size_0:
called_computation.2_lowered:
.L_overlay_start_0:
0x88: {  	s2 =	sld [smem:$0x3FD9]  }
0x89: {  	s3 =	sld [smem:$0x3FFE];
	_ =	sdelay $0x1  }
0x8a: {  	s1 =	srdreg.scid  }
0x8b: {  	s0 =	sand.u32 $0x1, s1  }
0x8c: {  	s17 =	sshll.u32 s0, $0xA;
	s2 =	sadd.s32 s3, s2  }
0x8d: {  	s2 =	sadd.s32 s2, s17  }
0x8e: {  	[smem:$0x3FB1] =	sst s2  }
0x8f: {  	_ = 	snop  }
0x90: {  	s2 =	sld [smem:$0x3FD0];
	(tm) =	ssettm $0x1  }
0x91: {  	s18 =	sld [smem:$0x3FFB];
	_ =	sdelay $0x3  }
0x92: {  	_ =	strace s18  }
0x93: {  	s3 =	sld [smem:$0x3FFC];
	_ =	sdelay $0x3  }
0x94: {  	_ =	strace s3  }
0x95: {  	s3 =	sld [smem:$0x3FFD];
	_ =	sdelay $0x3  }
0x96: {  	_ =	strace s3  }
0x97: {  	_ =	strace $0x8FFFFFFF  }
0x98: {  	s19 =	sld [smem:$0x3FDB];
	_ =	sdelay $0x1  }
0x99: {  	s4 =	simm.s32 $_scs_section_size  }
0x9a: {  	s5 =	simm.s32 $_size__tile_overlayer_lowered;
	s6 =	simm.s32 $_tile_overlayer_lowered  }
0x9b: {  	s22 =	simm.s32 $0x1BFF;
	s21 =	sshll.u32 s6, $0x1;
	s3 =	sadd.s32 s4, s19  }
0x9c: {  	s7 =	simm.s32 $0x0;
	s20 =	sshll.u32 s5, $0x1;
	s5 =	sadd.s32 s21, s3  }
0x9d: {  	[timem:s7], [sflag:s22] =	dma.local [hbm:s5], s20  }
0x9e: {  	_ =	swait.ge [sflag:s22], s20  }
0x9f: {  	s4 =	ssub.s32 $0x0, s20;
	[sflag:s22] =	ssyncset.done $0x0  }
0xa0: {  	[sflag:s22] =	ssyncadd.s32 s4;
	_ =	sdelay $0x1  }
0xa1: {  	s23 =	simm.s32 $0x1B8B  }
0xa2: {  	_ =	swait.ge [sflag:s23], $0x1  }
0xa3: {  	[sflag:s23] =	ssyncset.done $0x0  }
0xa4: {  	s25 =	simm.s32 $0x1B8E;
	s24 =	sld [smem:$0x3FFE];
	[sflag:s23] =	ssyncadd.s32 $0xFFFFFFFF  }
0xa5: {  	s26 =	simm.s32 $execute0_lowered;
	[smem:$0x3FD2] =	sst s25  }
0xa6: {  	s5 =	sshll.u32 s26, $0x1;
	_ =	strace $0x80000046;
	[dreg:$0x1] =	wrdreg $0xFFFFFFFF  }
0xa7: {  	s28 =	simm.s32 $_size_execute0_lowered;
	s3 =	sadd.s32 s3, s5;
	[dreg:$0x0] =	wrdreg $0x0  }
0xa8: {  	s5 =	sshll.u32 s28, $0x1;
	[dreg:$0x2] =	wrdreg s3  }
0xa9: {  	[dreg:$0x3] =	wrdreg s5  }
0xaa: {  	[dreg:$0x4] =	wrdreg $0xC0  }
0xab: {  	_ =	task [dreg:s7], $0x5FFFF  }
0xac: {  	[dreg:$0x1] =	wrdreg $0xFFFFFFFF  }
0xad: {  	[dreg:$0x0] =	wrdreg $0x60  }
0xae: {  	[dreg:$0x2] =	wrdreg s2  }
0xaf: {  	[dreg:$0x3] =	wrdreg s24  }
0xb0: {  	[dreg:$0x4] =	wrdreg $0x9  }
0xb1: {  	_ =	task.clear_ibuf [dreg:s7], $0x5FFFF;
	_ =	strace $0x90000046  }
0xb2: {  	s29 =	simm.s32 $0x9;
	_ =	strace $0x80000048  }
0xb3: {  	_ =	swait.ge [sflag:s29], $0x1  }
0xb4: {  	[sflag:s29] =	ssyncadd.s32 $0xFFFFFFFF  }
0xb5: {  	_ =	strace $0x90000048  }
0xb6: {  	_ =	sfence  }
0xb7: {  	s30 =	sld [smem:$0x0];
	_ =	sdelay $0x2  }
0xb8: {  	s31 =	sshll.u32 s1, $0xD;
	s1 =	sshrl.u32 s1, $0x2  }
0xb9: {  	s3 =	sand.u32 $0x4000, s31;
	s1 =	sadd.s32 s1, s30  }
0xba: {  	s0 =	sor.u32 s3, s0;
	s1 =	sshll.u32 s1, $0x11  }
0xbb: {  	s0 =	sor.u32 s1, s0  }
0xbc: {  	s0 =	sadd.s32 $0x8F2B, s0  }
0xbd: {  	[sflag:s0] =	ssyncadd.remote.s32 $0x1  }
0xbe: {  	_ =	sfence.sel $0xFFFF  }
0xbf: {  	[dreg:$0x0] =	wrdreg $0xFFFFFFFF;
	(pc) =	sbr.abs _section_cstart, $3  }
0xc0: {  	[dreg:$0x1] =	wrdreg $0xFFFFFFFF  }
0xc1: {  	_ =	task.clear_ibuf [dreg:s7], $0x2FFFF;
	_ =	strace $0x9FFFFFFF  }
0xc2: {  	(tm) =	ssettm $0x7FFFFFFF  }
0xc3: {  	_ =	shalt  }
tec
execute0_lowered:
.L_overlay_start_1:
0x0: {  	(tag) =	ssettag $0x1  }
0x1: {  	s2 =	rddreg [dreg:$0x0];
	s1 =	srdreg.scid  }
0x2: {  	s0 =	stileid.u32;
	s4 =	rddreg [dreg:$0x1]  }
0x3: {  	s10 =	simm.s32 $0x2780;
	s5 =	sand.u32 $0x1, s1;
	s3 =	sshll.u32 s0, $0x1  }
0x4: {  	s11 =	simm.s32 $0x4F00;
	s1 =	rddreg [dreg:$0x2];
	s6 =	sor.u32 s5, s3  }
0x5: {  	s3 =	simm.s32 $0x0;
	s5 =	ssub.s32 $0x2, s5;
	s6 =	smul.u32 $0x4E2, s6  }
0x6: {  	s12 =	simm.s32 $0x0;
	[smem:$0x7FF] =	sst s3;
	s7 =	sshrl.u32 s5, $0x1  }
0x7: {  	_ =	strace $0x80000047;
	s9 =	ssub.s32 s5, s7;
	s8 =	sadd.s32 s6, s4  }
0x8: {  	s4 =	sadd.s32 $0x2E00, s8;
	s5 =	sadd.s32 $0x16A00, s8;
	s6 =	sadd.s32 $0xCC00, s8  }
0x9: {  	s7 =	sadd.s32 $0x20800, s8;
	s8 =	smax.u32 s9, $0x1;
	s9 =	simm.s32 $0x1  }
.LBB2_1:
0xa: {  	[tilespmem:s3], [sflag:$0x1] =	stream.linear.gather [hbm4b:s2+s3], $0x2780, $0x38;
	[tilespmem:$0x7680] =	vst v63  }
0xb: {  	_ =	swait.ge [sflag:s9], $0x2780  }
0xc: {  	[sflag:s9] =	ssyncset.done $0x0  }
0xd: {  	[sflag:s9] =	ssyncadd.s32 $0xFFFFD880  }
0xe: {  	[tilespmem:s10], [sflag:$0x1] =	stream.linear.gather [hbm4b:s4+s3], $0x2710, $0x38;
	[tilespmem:$0x7680] =	vst v63  }
0xf: {  	_ =	swait.ge [sflag:s9], $0x2710  }
0x10: {  	[sflag:s9] =	ssyncset.done $0x0  }
0x11: {  	s13 =	simm.s32 $0x0;
	[sflag:s9] =	ssyncadd.s32 $0xFFFFD8F0  }
0x12: {  	v0 =	vld [tilespmem:s13+$0x2780];
	_ =	sdelay $0x7  }
0x13: {  	s14 =	simm.s32 $0x10;
	s15 =	simm.s32 $0x80;
	v0 =	vld.idx.msk [tilespmem:v0+s3+$0x0], $0xffff  }
.LBB2_2:
0x14: {  	p0 =	sne.s32 s15, $0x9C00;
	v1 =	vld [tilespmem:s14+$0x2780];
	_ =	sdelay $0x3  }
.Ltmp0:
0x15: {  	(pc) =	sbr.rel @p0 .LBB2_2-.Ltmp0, $2  }
0x16: {  	[tilespmem:s13+$0x4F00] =	vst v0;
	s13 =	smov.u32 s14;
	_ =	sdelay $0x2  }
0x17: {  	s14 =	sshra.s32 s15, $0x2;
	s15 =	sadd.s32 $0x40, s15;
	v0 =	vld.idx.msk [tilespmem:v1+s3+$0x0], $0xffff  }
0x18: {  	v1 =	vld [tilespmem:s14+$0x2780];
	_ =	sdelay $0x6  }
0x19: {  	[tilespmem:s13+$0x4F00] =	vst v0  }
0x1a: {  	v0 =	vld.idx.msk [tilespmem:v1+s3+$0x0], $0xffff;
	_ =	sdelay $0x4  }
0x1b: {  	s31 =	simm.s32 $0x0;
	[tilespmem:s14+$0x4F00] =	vst v0  }
0x1c: {  	[hbm4b:s5+s31] =	stream.linear.scatter [tilespmem:s11], [sflag:$0x1], $0x2710, $0x38;
	[tilespmem:$0x7680] =	vst v63  }
0x1d: {  	_ =	swait.ge [sflag:s9], $0x2710  }
0x1e: {  	[sflag:s9] =	ssyncset.done $0x0  }
0x1f: {  	[sflag:s9] =	ssyncadd.s32 $0xFFFFD8F0  }
0x20: {  	[tilespmem:s10], [sflag:$0x1] =	stream.linear.gather [hbm4b:s6+s31], $0x2710, $0x38;
	[tilespmem:$0x7680] =	vst v63  }
0x21: {  	_ =	swait.ge [sflag:s9], $0x2710  }
0x22: {  	[sflag:s9] =	ssyncset.done $0x0  }
0x23: {  	s13 =	simm.s32 $0x0;
	[sflag:s9] =	ssyncadd.s32 $0xFFFFD8F0  }
0x24: {  	v0 =	vld [tilespmem:s13+$0x2780];
	_ =	sdelay $0x7  }
0x25: {  	s15 =	simm.s32 $0x80;
	s14 =	simm.s32 $0x10;
	v0 =	vld.idx.msk [tilespmem:v0+s3+$0x0], $0xffff  }
.LBB2_4:
0x26: {  	p0 =	sne.s32 s15, $0x9C00;
	v1 =	vld [tilespmem:s14+$0x2780];
	_ =	sdelay $0x3  }
.Ltmp1:
0x27: {  	(pc) =	sbr.rel @p0 .LBB2_4-.Ltmp1, $2  }
0x28: {  	[tilespmem:s13+$0x4F00] =	vst v0;
	s13 =	smov.u32 s14;
	_ =	sdelay $0x2  }
0x29: {  	s14 =	sshra.s32 s15, $0x2;
	s15 =	sadd.s32 $0x40, s15;
	v0 =	vld.idx.msk [tilespmem:v1+s3+$0x0], $0xffff  }
0x2a: {  	v1 =	vld [tilespmem:s14+$0x2780];
	_ =	sdelay $0x6  }
0x2b: {  	[tilespmem:s13+$0x4F00] =	vst v0  }
0x2c: {  	v0 =	vld.idx.msk [tilespmem:v1+s3+$0x0], $0xffff;
	_ =	sdelay $0x2  }
0x2d: {  	s12 =	sadd.s32 $0x1, s12  }
0x2e: {  	p0 =	sne.s32 s12, s8  }
.Ltmp2:
0x2f: {  	[tilespmem:s14+$0x4F00] =	vst v0;
	(pc) =	sbr.rel @p0 .LBB2_1-.Ltmp2, $4  }
0x30: {  	[hbm4b:s7+s3] =	stream.linear.scatter [tilespmem:s11], [sflag:$0x1], $0x2710, $0x38;
	[tilespmem:$0x7680] =	vst v63  }
0x31: {  	_ =	swait.ge [sflag:s9], $0x2710  }
0x32: {  	[sflag:s9] =	ssyncset.done $0x0  }
0x33: {  	[sflag:s9] =	ssyncadd.s32 $0xFFFFD8F0  }
0x34: {  	_ =	sfence.sel $0x180000  }
0x35: {  	[bflag:$0x0] =	sbarrier.arrive $0xFFFF  }
0x36: {  	p0 =	sne.s32 s0, $0x0;
	_ =	strace $0x90000047  }
0x37: {  	s0 =	sadd.s32 @!p0 $0x100000, s1;
	[bflag:$0x2] =	sbarrier.arrive $0xFFFF  }
0x38: {  	[sflag:s0] =	ssyncadd.tile.s32 @!p0 $0x1;
	_ =	shalt  }
.Lfunc_end2:
_tile_overlayer_lowered:
.L_overlay_start_2:
0x39: {  	(tag) =	ssettag $0x2  }
0x3a: {  	s0 =	rddreg [dreg:$0x0];
	s2 =	stileid.u32  }
0x3b: {  	s1 =	rddreg [dreg:$0x1];
	p0 =	sne.s32 s2, $0x0  }
0x3c: {  	s3 =	rddreg [dreg:$0x2];
	[bflag:$0x3] =	sbarrier.arrive $0xFFFF;
	s2 =	simm.s32 @!p0 $0x1C01  }
0x3d: {  	[timem:s3], [sflag:s2] =	dma.local @!p0 [hbm:s0], s1  }
0x3e: {  	s0 =	simm.s32 @!p0 $0x1  }
0x3f: {  	_ =	swait.ge @!p0 [sflag:s0], s1  }
0x40: {  	s1 =	ssub.s32 @!p0 $0x0, s1;
	[sflag:s0] =	ssyncset.done @!p0 $0x0  }
0x41: {  	[sflag:s0] =	ssyncadd.s32 @!p0 s1  }
0x42: {  	[bflag:$0x3] =	sbarrier.arrive $0xFFFF  }
0x43: {  	_ =	shalt  }

// kernel: kernel.13.cloned.1.call-start
scs
__scs_entry_jumppad:
0x0: {  	(pc) =	sbr.rel $0x88, $3  }
0x1: {  	(tag) =	ssettag $0x0;
	lr =	simm.s32 $0x1  }
0x2: {  	[smem:$0x3F8A] =	sst lr;
	_ =	strace $0xD0000000  }
0x3: {  	_ = 	snop  }
0x4: {  	_ = 	snop  }
0x5: {  	_ = 	snop  }
0x6: {  	_ = 	snop  }
0x7: {  	_ = 	snop  }
__scs_overlays_trampoline_lowered:
0x8: {  	[smem:$0x3F99] =	sst s0  }
0x9: {  	[smem:$0x3F9A] =	sst s1  }
0xa: {  	[smem:$0x3F9B] =	sst s2  }
0xb: {  	[smem:$0x3F9C] =	sst s3  }
0xc: {  	[smem:$0x3F9D] =	sst s4  }
0xd: {  	[smem:$0x3F9E] =	sst s5  }
0xe: {  	[smem:$0x3F9F] =	sst s6  }
0xf: {  	[smem:$0x3FA0] =	sst s7  }
0x10: {  	[smem:$0x3FA1] =	sst s8  }
0x11: {  	[smem:$0x3FA2] =	sst s9;
	s0 =	simm.s32 @!p0 $0x0  }
0x12: {  	s1 =	sld [smem:$0x3F88];
	s0 =	simm.s32 @p0 $0x1  }
0x13: {  	[smem:$0x3FA3] =	sst s0;
	s0 =	simm.s32 @!p1 $0x0  }
0x14: {  	s2 =	sld [smem:$0x3F87];
	s0 =	simm.s32 @p1 $0x1  }
0x15: {  	[smem:$0x3FA4] =	sst s0;
	s0 =	simm.s32 @!p2 $0x0  }
0x16: {  	s3 =	sld [smem:$0x3FDB];
	s0 =	simm.s32 @p2 $0x1  }
0x17: {  	s4 =	simm.s32 $0x1BF5;
	[smem:$0x3FA6] =	sst s0  }
0x18: {  	s0 =	sld [smem:$0x3F89];
	_ =	swait.ge [sflag:s4], $0x0  }
0x19: {  	s7 =	sld [smem:$0x3F8A]  }
0x1a: {  	s8 =	sadd.s32 $0xFFFFE003, lr  }
0x1b: {  	s9 =	sadd.s32 $0xFFFFFEF7, lr;
	s5 =	simm.s32 $0xFFFFFFFF;
	p2 =	slt.u32 s8, $0xFFFFF086  }
0x1c: {  	p1 =	slt.u32 s9, $0xF7A;
	s5 =	simm.s32 @!p2 $0x0  }
0x1d: {  	s5 =	simm.s32 @p1 $0x1;
	p0 =	seq.s32 s7, s2  }
0x1e: {  	s7 =	smul.u32 @!p0 $0xF7A, s2;
	p2 =	seq.s32 @!p0 s5, $0x0  }
0x1f: {  	s9 =	smul.u32 $0xF7A, s1;
	s8 =	simm.s32 @!p0 $0x1BF5;
	p2 =	por !p2, p0  }
0x20: {  	[sflag:s8] =	ssyncset.s32 @!p0 $0xFFFFF086;
	s6 =	sadd.s32 @!p0 s3, s7;
	s7 =	simm.s32 @!p0 $0x108  }
0x21: {  	s3 =	sadd.s32 s3, s9;
	s6 =	sadd.s32 @!p0 $0x88, s6;
	s7 =	simm.s32 @p2 $0x1082  }
0x22: {  	[simem:s7], [sflag:s8] =	dma.local @!p0 [hbm:s6], $0xF7A  }
0x23: {  	s9 =	sor.u32 $0xD0000000, s2;
	s6 =	simm.s32 $0x108;
	_ =	swait.ge @!p0 [sflag:s8], $0x0  }
0x24: {  	s3 =	sadd.s32 $0x88, s3;
	s6 =	simm.s32 @!p1 $0x1082;
	[sflag:s4] =	ssyncset.s32 $0xFFFFF086  }
0x25: {  	[simem:s6], [sflag:s4] =	dma.local [hbm:s3], $0xF7A  }
0x26: {  	[smem:$0x3F8A] =	sst s1;
	(tag) =	ssettag s2;
	_ =	strace s9  }
0x27: {  	s1 =	sld [smem:$0x3F9A]  }
0x28: {  	s2 =	sld [smem:$0x3F9B]  }
0x29: {  	s4 =	sld [smem:$0x3F9D]  }
0x2a: {  	p0 =	seq.s32 s5, $0x0;
	s5 =	sld [smem:$0x3F9E]  }
0x2b: {  	s6 =	sld [smem:$0x3F9F]  }
0x2c: {  	s7 =	sld [smem:$0x3FA0]  }
0x2d: {  	s3 =	simm.s32 $0x108;
	s8 =	sld [smem:$0x3FA1]  }
0x2e: {  	s3 =	simm.s32 @!p0 $0x1082;
	s9 =	sld [smem:$0x3FA2]  }
0x2f: {  	lr =	sadd.s32 s0, s3;
	s0 =	sld [smem:$0x3F99]  }
0x30: {  	s3 =	sld [smem:$0x3F9C]  }
0x31: {  	[smem:$0x3FA5] =	sst s10  }
0x32: {  	s10 =	sld [smem:$0x3FA3];
	_ =	sdelay $0x3  }
0x33: {  	p0 =	seq.s32 s10, $0x1;
	s10 =	sld [smem:$0x3FA5];
	_ =	sdelay $0x3  }
0x34: {  	[smem:$0x3FA5] =	sst s10  }
0x35: {  	s10 =	sld [smem:$0x3FA4];
	_ =	sdelay $0x3  }
0x36: {  	p1 =	seq.s32 s10, $0x1;
	s10 =	sld [smem:$0x3FA5];
	_ =	sdelay $0x3  }
0x37: {  	[smem:$0x3FA5] =	sst s10  }
0x38: {  	s10 =	sld [smem:$0x3FA6]  }
0x39: {  	_ = 	snop;
	(pc) =	sbr.ind lr, $3  }
0x3a: {  	_ = 	snop  }
0x3b: {  	_ = 	snop  }
0x3c: {  	p2 =	seq.s32 s10, $0x1;
	s10 =	sld [smem:$0x3FA5]  }
0x3d: {  	_ =	shalt  }
0x3e: {  	_ =	shalt  }
0x3f: {  	_ =	shalt  }
0x40: {  	_ =	shalt  }
0x41: {  	_ =	shalt  }
0x42: {  	_ =	shalt  }
0x43: {  	_ =	shalt  }
0x44: {  	_ =	shalt  }
0x45: {  	_ =	shalt  }
0x46: {  	_ =	shalt  }
0x47: {  	_ =	shalt  }
0x48: {  	_ =	shalt  }
0x49: {  	_ =	shalt  }
0x4a: {  	_ =	shalt  }
0x4b: {  	_ =	shalt  }
0x4c: {  	_ =	shalt  }
0x4d: {  	_ =	shalt  }
0x4e: {  	_ =	shalt  }
0x4f: {  	_ =	shalt  }
0x50: {  	_ =	shalt  }
0x51: {  	_ =	shalt  }
0x52: {  	_ =	shalt  }
0x53: {  	_ =	shalt  }
0x54: {  	_ =	shalt  }
0x55: {  	_ =	shalt  }
0x56: {  	_ =	shalt  }
0x57: {  	_ =	shalt  }
0x58: {  	_ =	shalt  }
0x59: {  	_ =	shalt  }
0x5a: {  	_ =	shalt  }
0x5b: {  	_ =	shalt  }
0x5c: {  	_ =	shalt  }
0x5d: {  	_ =	shalt  }
0x5e: {  	_ =	shalt  }
0x5f: {  	_ =	shalt  }
0x60: {  	_ =	shalt  }
0x61: {  	_ =	shalt  }
0x62: {  	_ =	shalt  }
0x63: {  	_ =	shalt  }
0x64: {  	_ =	shalt  }
0x65: {  	_ =	shalt  }
0x66: {  	_ =	shalt  }
0x67: {  	_ =	shalt  }
0x68: {  	_ =	shalt  }
0x69: {  	_ =	shalt  }
0x6a: {  	_ =	shalt  }
0x6b: {  	_ =	shalt  }
0x6c: {  	_ =	shalt  }
0x6d: {  	_ =	shalt  }
0x6e: {  	_ =	shalt  }
0x6f: {  	_ =	shalt  }
0x70: {  	_ =	shalt  }
0x71: {  	_ =	shalt  }
0x72: {  	_ =	shalt  }
0x73: {  	_ =	shalt  }
0x74: {  	_ =	shalt  }
0x75: {  	_ =	shalt  }
0x76: {  	_ =	shalt  }
0x77: {  	_ =	shalt  }
0x78: {  	_ =	shalt  }
0x79: {  	_ =	shalt  }
0x7a: {  	_ =	shalt  }
0x7b: {  	_ =	shalt  }
0x7c: {  	_ =	shalt  }
0x7d: {  	_ =	shalt  }
0x7e: {  	_ =	shalt  }
0x7f: {  	_ =	shalt  }
0x80: {  	_ =	shalt  }
0x81: {  	_ =	shalt  }
0x82: {  	_ =	shalt  }
0x83: {  	_ =	shalt  }
0x84: {  	_ =	shalt  }
0x85: {  	_ =	shalt  }
0x86: {  	_ =	shalt  }
0x87: {  	_ =	shalt  }
.Lfunc_end0:
.L_simem_size_0:
called_computation.3_lowered:
.L_overlay_start_0:
0x88: {  	s2 =	sld [smem:$0x3FD9]  }
0x89: {  	s3 =	sld [smem:$0x3FFE];
	_ =	sdelay $0x1  }
0x8a: {  	s1 =	srdreg.scid  }
0x8b: {  	s0 =	sand.u32 $0x1, s1  }
0x8c: {  	s17 =	sshll.u32 s0, $0xA;
	s2 =	sadd.s32 s3, s2  }
0x8d: {  	s2 =	sadd.s32 s2, s17  }
0x8e: {  	[smem:$0x3FB1] =	sst s2  }
0x8f: {  	_ = 	snop  }
0x90: {  	(tm) =	ssettm $0x1  }
0x91: {  	s18 =	sld [smem:$0x3FFB];
	_ =	sdelay $0x3  }
0x92: {  	_ =	strace s18  }
0x93: {  	s2 =	sld [smem:$0x3FFC];
	_ =	sdelay $0x3  }
0x94: {  	_ =	strace s2  }
0x95: {  	s2 =	sld [smem:$0x3FFD];
	_ =	sdelay $0x3  }
0x96: {  	_ =	strace s2  }
0x97: {  	_ =	strace $0x8FFFFFFF  }
0x98: {  	s19 =	sld [smem:$0x3FDB];
	_ =	sdelay $0x1  }
0x99: {  	s20 =	simm.s32 $_scs_section_size  }
0x9a: {  	s4 =	simm.s32 $_size__tile_overlayer_lowered;
	s5 =	simm.s32 $_tile_overlayer_lowered  }
0x9b: {  	s6 =	simm.s32 $0x1BFF;
	s21 =	sshll.u32 s5, $0x1;
	s3 =	sadd.s32 s20, s19  }
0x9c: {  	s22 =	simm.s32 $0x0;
	s4 =	sshll.u32 s4, $0x1;
	s5 =	sadd.s32 s21, s3  }
0x9d: {  	[timem:s22], [sflag:s6] =	dma.local [hbm:s5], s4  }
0x9e: {  	_ =	swait.ge [sflag:s6], s4  }
0x9f: {  	s4 =	ssub.s32 $0x0, s4;
	[sflag:s6] =	ssyncset.done $0x0  }
0xa0: {  	[sflag:s6] =	ssyncadd.s32 s4;
	_ =	sdelay $0x1  }
0xa1: {  	s23 =	simm.s32 $0x1B8B  }
0xa2: {  	_ =	swait.ge [sflag:s23], $0x1  }
0xa3: {  	[sflag:s23] =	ssyncset.done $0x0  }
0xa4: {  	[sflag:s23] =	ssyncadd.s32 $0xFFFFFFFF  }
0xa5: {  	s4 =	sld [smem:$0x0]  }
0xa6: {  	s5 =	sand.u32 $0xFFFFFFFE, s1  }
0xa7: {  	p0 =	sne.s32 s1, s5  }
0xa8: {  	s5 =	sshll.u32 @p0 s5, $0xE  }
0xa9: {  	s5 =	sadd.s32 @p0 $0x11B8D, s5;
	s6 =	sshll.u32 @p0 s4, $0x11  }
0xaa: {  	s5 =	sor.u32 @p0 s6, s5  }
0xab: {  	[sflag:s5] =	ssyncadd.remote.s32 @p0 $0x1;
	_ =	sdelay $0x1  }
0xac: {  	s5 =	simm.s32 @p0 $0x1B8D  }
0xad: {  	_ =	swait.eq @p0 [sflag:s5], $0x1  }
0xae: {  	[sflag:s5] =	ssyncadd.s32 @p0 $0xFFFFFFFF  }
0xaf: {  	s6 =	sshll.u32 @!p0 s1, $0xE  }
0xb0: {  	s6 =	sor.u32 @!p0 $0x4000, s6;
	s5 =	simm.s32 @!p0 $0x1B8D  }
0xb1: {  	s4 =	sshll.u32 @!p0 s4, $0x11;
	s6 =	sadd.s32 @!p0 $0x11B8D, s6;
	_ =	swait.eq @!p0 [sflag:s5], $0x1  }
0xb2: {  	s4 =	sor.u32 @!p0 s4, s6;
	[sflag:s5] =	ssyncadd.s32 @!p0 $0xFFFFFFFF  }
0xb3: {  	s25 =	simm.s32 $0x1B8E;
	s24 =	sld [smem:$0x3FFE];
	[sflag:s4] =	ssyncadd.remote.s32 @!p0 $0x1  }
0xb4: {  	s26 =	simm.s32 $execute0_lowered;
	[smem:$0x3FD2] =	sst s25  }
0xb5: {  	s5 =	sshll.u32 s26, $0x1;
	_ =	strace $0x80000052;
	[dreg:$0x1] =	wrdreg $0xFFFFFFFF  }
0xb6: {  	s28 =	simm.s32 $_size_execute0_lowered;
	s3 =	sadd.s32 s3, s5;
	[dreg:$0x0] =	wrdreg $0x0  }
0xb7: {  	s5 =	sshll.u32 s28, $0x1;
	[dreg:$0x2] =	wrdreg s3  }
0xb8: {  	[dreg:$0x3] =	wrdreg s5  }
0xb9: {  	[dreg:$0x4] =	wrdreg $0xC0  }
0xba: {  	_ =	task [dreg:s22], $0x5FFFF  }
0xbb: {  	[dreg:$0x1] =	wrdreg $0xFFFFFFFF  }
0xbc: {  	[dreg:$0x0] =	wrdreg $0x60  }
0xbd: {  	[dreg:$0x2] =	wrdreg s24  }
0xbe: {  	[dreg:$0x3] =	wrdreg $0x9  }
0xbf: {  	_ =	task.clear_ibuf [dreg:s22], $0x4FFFF;
	_ =	strace $0x90000052  }
0xc0: {  	s29 =	simm.s32 $0x9;
	_ =	strace $0x80000054  }
0xc1: {  	_ =	swait.ge [sflag:s29], $0x1  }
0xc2: {  	[sflag:s29] =	ssyncadd.s32 $0xFFFFFFFF  }
0xc3: {  	_ =	strace $0x90000054  }
0xc4: {  	_ =	sfence  }
0xc5: {  	s30 =	sld [smem:$0x0];
	_ =	sdelay $0x2  }
0xc6: {  	s31 =	sshll.u32 s1, $0xD;
	s1 =	sshrl.u32 s1, $0x2  }
0xc7: {  	s4 =	sand.u32 $0x4000, s31;
	s1 =	sadd.s32 s1, s30  }
0xc8: {  	s0 =	sor.u32 s4, s0;
	s1 =	sshll.u32 s1, $0x11  }
0xc9: {  	s0 =	sor.u32 s1, s0  }
0xca: {  	s0 =	sadd.s32 $0x8F2B, s0  }
0xcb: {  	[sflag:s0] =	ssyncadd.remote.s32 $0x1  }
0xcc: {  	_ =	sfence.sel $0xFFFF  }
0xcd: {  	[dreg:$0x0] =	wrdreg $0xFFFFFFFF;
	(pc) =	sbr.abs _section_cstart, $3  }
0xce: {  	[dreg:$0x1] =	wrdreg $0xFFFFFFFF  }
0xcf: {  	_ =	task.clear_ibuf [dreg:s22], $0x2FFFF;
	_ =	strace $0x9FFFFFFF  }
0xd0: {  	(tm) =	ssettm $0x7FFFFFFF  }
0xd1: {  	_ =	shalt  }
tec
execute0_lowered:
.L_overlay_start_1:
0x0: {  	(tag) =	ssettag $0x1  }
0x1: {  	s5 =	rddreg [dreg:$0x0]  }
0x2: {  	s0 =	rddreg [dreg:$0x1];
	s2 =	simm.s32 $0x0;
	s1 =	stileid.u32  }
0x3: {  	s4 =	srdreg.scid;
	s11 =	simm.s32 $0x80;
	s12 =	simm.s32 $0x50  }
0x4: {  	s13 =	simm.s32 $0x100;
	s14 =	simm.s32 $0x2900;
	s15 =	simm.s32 $0x1  }
0x5: {  	s16 =	simm.s32 $0x2;
	s17 =	simm.s32 $0x0;
	[smem:$0x7FF] =	sst s2  }
0x6: {  	s3 =	sadd.s32 $0x548800, s5;
	s7 =	sand.u32 $0x1, s4;
	s4 =	sadd.s32 $0x570800, s5  }
0x7: {  	s6 =	smul.u32 $0x4E200, s1;
	s8 =	sshll.u32 s1, $0xC;
	_ =	strace $0x80000053  }
0x8: {  	s9 =	smul.u32 $0x27100, s7;
	s8 =	sadd.s32 s8, s5;
	s30 =	ssub.s32 $0x2, s7  }
0x9: {  	s7 =	sshll.u32 s7, $0xB;
	s5 =	sadd.s32 s6, s5;
	s10 =	sshrl.u32 s30, $0x1  }
0xa: {  	s31 =	sadd.s32 s7, s8;
	s9 =	sadd.s32 s9, s5;
	s6 =	ssub.s32 s30, s10  }
0xb: {  	s8 =	sadd.s32 $0x5A2600, s31;
	s10 =	simm.s32 $0x3;
	s5 =	sadd.s32 $0x5C2600, s9  }
0xc: {  	s6 =	smax.u32 s6, $0x1;
	s7 =	sadd.s32 $0xAA4600, s9;
	s9 =	sadd.s32 $0x5B2600, s31  }
.LBB2_1:
0xd: {  	s18 =	sadd.s32 $0x0, s8  }
0xe: {  	[tilespmem:s2], [sflag:$0x3] =	stream.linear.gather [hbm4b:s18+s2], $0x80, $0x38;
	[tilespmem:$0x5100] =	vst v63  }
0xf: {  	_ =	swait.ge [sflag:s10], $0x80  }
0x10: {  	[sflag:s10] =	ssyncset.done $0x0  }
0x11: {  	s31 =	sadd.s32 $0x0, s9;
	[sflag:s10] =	ssyncadd.s32 $0xFFFFFF80  }
0x12: {  	[tilespmem:s11], [sflag:$0x3] =	stream.linear.gather [hbm4b:s31+s2], $0x80, $0x38;
	[tilespmem:$0x5100] =	vst v63  }
0x13: {  	_ =	swait.ge [sflag:s10], $0x80  }
0x14: {  	[sflag:s10] =	ssyncset.done $0x0  }
0x15: {  	[sflag:s10] =	ssyncadd.s32 $0xFFFFFF80  }
0x16: {  	[tilespmem:s13], [sflag:$0x1] =	stream.indirect.gather [hbm4b:s3+s12], $0x80, s2, s12, $0xb8;
	[tilespmem:$0x5100] =	vst v63  }
0x17: {  	_ = 	snop  }
0x18: {  	[tilespmem:s14], [sflag:$0x2] =	stream.indirect.gather [hbm4b:s4+s12], $0x80, s11, s12, $0xb8;
	[tilespmem:$0x5100] =	vst v63  }
0x19: {  	_ =	swait.ge [sflag:s15], $0x2800  }
0x1a: {  	[sflag:s15] =	ssyncset.done $0x0  }
0x1b: {  	[sflag:s15] =	ssyncadd.s32 $0xFFFFD800  }
0x1c: {  	_ =	swait.ge [sflag:s16], $0x2800  }
0x1d: {  	[sflag:s16] =	ssyncset.done $0x0  }
0x1e: {  	[sflag:s16] =	ssyncadd.s32 $0xFFFFD800  }
0x1f: {  	[hbm4b:s5+s2] =	stream.linear.scatter [tilespmem:s13], [sflag:$0x3], $0x2800, $0x38;
	[tilespmem:$0x5100] =	vst v63  }
0x20: {  	_ =	swait.ge [sflag:s10], $0x2800  }
0x21: {  	[sflag:s10] =	ssyncset.done $0x0  }
0x22: {  	[sflag:s10] =	ssyncadd.s32 $0xFFFFD800  }
0x23: {  	[hbm4b:s7+s2] =	stream.linear.scatter [tilespmem:s14], [sflag:$0x3], $0x2800, $0x38;
	[tilespmem:$0x5100] =	vst v63  }
0x24: {  	s20 =	simm.s32 $0x10;
	s21 =	simm.s32 $0x20;
	_ =	swait.ge [sflag:s10], $0x2800  }
0x25: {  	s19 =	sadd.s32 $0x500, s5;
	s18 =	sadd.s32 $0x500, s7;
	[sflag:s10] =	ssyncset.done $0x0  }
.LBB2_2:
0x26: {  	s22 =	sadd.s32 s20, s8  }
0x27: {  	[sflag:s10] =	ssyncadd.s32 $0xFFFFD800;
	s23 =	smov.u32 s21;
	s24 =	sadd.s32 $0x10, s21  }
0x28: {  	[tilespmem:s2], [sflag:$0x3] =	stream.linear.gather [hbm4b:s22+s2], $0x80, $0x38;
	[tilespmem:$0x5100] =	vst v63  }
0x29: {  	p0 =	sne.s32 s21, $0x7C0;
	_ =	swait.ge [sflag:s10], $0x80  }
0x2a: {  	[sflag:s10] =	ssyncset.done $0x0  }
0x2b: {  	s21 =	sadd.s32 s20, s9;
	s20 =	smov.u32 s23;
	[sflag:s10] =	ssyncadd.s32 $0xFFFFFF80  }
0x2c: {  	[tilespmem:s11], [sflag:$0x3] =	stream.linear.gather [hbm4b:s21+s2], $0x80, $0x38;
	[tilespmem:$0x5100] =	vst v63  }
0x2d: {  	_ =	swait.ge [sflag:s10], $0x80  }
0x2e: {  	[sflag:s10] =	ssyncset.done $0x0  }
0x2f: {  	[sflag:s10] =	ssyncadd.s32 $0xFFFFFF80  }
0x30: {  	[tilespmem:s13], [sflag:$0x1] =	stream.indirect.gather [hbm4b:s3+s12], $0x80, s2, s12, $0xb8;
	[tilespmem:$0x5100] =	vst v63  }
0x31: {  	_ = 	snop  }
0x32: {  	[tilespmem:s14], [sflag:$0x2] =	stream.indirect.gather [hbm4b:s4+s12], $0x80, s11, s12, $0xb8;
	[tilespmem:$0x5100] =	vst v63  }
0x33: {  	_ =	swait.ge [sflag:s15], $0x2800  }
0x34: {  	[sflag:s15] =	ssyncset.done $0x0  }
0x35: {  	[sflag:s15] =	ssyncadd.s32 $0xFFFFD800  }
0x36: {  	_ =	swait.ge [sflag:s16], $0x2800  }
0x37: {  	[sflag:s16] =	ssyncset.done $0x0  }
0x38: {  	[sflag:s16] =	ssyncadd.s32 $0xFFFFD800  }
0x39: {  	[hbm4b:s19+s2] =	stream.linear.scatter [tilespmem:s13], [sflag:$0x3], $0x2800, $0x38;
	[tilespmem:$0x5100] =	vst v63  }
0x3a: {  	_ =	swait.ge [sflag:s10], $0x2800  }
.Ltmp0:
0x3b: {  	[sflag:s10] =	ssyncset.done $0x0;
	(pc) =	sbr.rel @p0 .LBB2_2-.Ltmp0, $4  }
0x3c: {  	[sflag:s10] =	ssyncadd.s32 $0xFFFFD800  }
0x3d: {  	[hbm4b:s18+s2] =	stream.linear.scatter [tilespmem:s14], [sflag:$0x3], $0x2800, $0x38;
	[tilespmem:$0x5100] =	vst v63  }
0x3e: {  	s21 =	smov.u32 s24;
	_ =	swait.ge [sflag:s10], $0x2800  }
0x3f: {  	s19 =	sadd.s32 $0x500, s19;
	s18 =	sadd.s32 $0x500, s18;
	[sflag:s10] =	ssyncset.done $0x0  }
0x40: {  	s21 =	sadd.s32 s20, s8;
	[sflag:s10] =	ssyncadd.s32 $0xFFFFD800  }
0x41: {  	[tilespmem:s2], [sflag:$0x3] =	stream.linear.gather [hbm4b:s21+s2], $0x80, $0x38;
	[tilespmem:$0x5100] =	vst v63  }
0x42: {  	_ =	swait.ge [sflag:s10], $0x80  }
0x43: {  	[sflag:s10] =	ssyncset.done $0x0  }
0x44: {  	s31 =	sadd.s32 s20, s9;
	[sflag:s10] =	ssyncadd.s32 $0xFFFFFF80  }
0x45: {  	[tilespmem:s11], [sflag:$0x3] =	stream.linear.gather [hbm4b:s31+s2], $0x80, $0x38;
	[tilespmem:$0x5100] =	vst v63  }
0x46: {  	_ =	swait.ge [sflag:s10], $0x80  }
0x47: {  	[sflag:s10] =	ssyncset.done $0x0  }
0x48: {  	[sflag:s10] =	ssyncadd.s32 $0xFFFFFF80  }
0x49: {  	[tilespmem:s13], [sflag:$0x1] =	stream.indirect.gather [hbm4b:s3+s12], $0x80, s2, s12, $0xb8;
	[tilespmem:$0x5100] =	vst v63  }
0x4a: {  	_ = 	snop  }
0x4b: {  	[tilespmem:s14], [sflag:$0x2] =	stream.indirect.gather [hbm4b:s4+s12], $0x80, s11, s12, $0xb8;
	[tilespmem:$0x5100] =	vst v63  }
0x4c: {  	_ =	swait.ge [sflag:s15], $0x2800  }
0x4d: {  	[sflag:s15] =	ssyncset.done $0x0  }
0x4e: {  	[sflag:s15] =	ssyncadd.s32 $0xFFFFD800  }
0x4f: {  	_ =	swait.ge [sflag:s16], $0x2800  }
0x50: {  	[sflag:s16] =	ssyncset.done $0x0  }
0x51: {  	[sflag:s16] =	ssyncadd.s32 $0xFFFFD800  }
0x52: {  	[hbm4b:s19+s2] =	stream.linear.scatter [tilespmem:s13], [sflag:$0x3], $0x2800, $0x38;
	[tilespmem:$0x5100] =	vst v63  }
0x53: {  	s17 =	sadd.s32 $0x1, s17;
	_ =	swait.ge [sflag:s10], $0x2800  }
0x54: {  	p0 =	sne.s32 s17, s6;
	[sflag:s10] =	ssyncset.done $0x0  }
.Ltmp1:
0x55: {  	[sflag:s10] =	ssyncadd.s32 $0xFFFFD800;
	(pc) =	sbr.rel @p0 .LBB2_1-.Ltmp1, $4  }
0x56: {  	[hbm4b:s18+s2] =	stream.linear.scatter [tilespmem:s14], [sflag:$0x3], $0x2800, $0x38;
	[tilespmem:$0x5100] =	vst v63  }
0x57: {  	_ =	swait.ge [sflag:s10], $0x2800  }
0x58: {  	[sflag:s10] =	ssyncset.done $0x0  }
0x59: {  	[sflag:s10] =	ssyncadd.s32 $0xFFFFD800  }
0x5a: {  	_ =	sfence.sel $0x180000  }
0x5b: {  	[bflag:$0x0] =	sbarrier.arrive $0xFFFF  }
0x5c: {  	p0 =	sne.s32 s1, $0x0;
	_ =	strace $0x90000053  }
0x5d: {  	s0 =	sadd.s32 @!p0 $0x100000, s0;
	[bflag:$0x2] =	sbarrier.arrive $0xFFFF  }
0x5e: {  	[sflag:s0] =	ssyncadd.tile.s32 @!p0 $0x1;
	_ =	shalt  }
.Lfunc_end2:
_tile_overlayer_lowered:
.L_overlay_start_2:
0x5f: {  	(tag) =	ssettag $0x2  }
0x60: {  	s0 =	rddreg [dreg:$0x0];
	s2 =	stileid.u32  }
0x61: {  	s1 =	rddreg [dreg:$0x1];
	p0 =	sne.s32 s2, $0x0  }
0x62: {  	s3 =	rddreg [dreg:$0x2];
	[bflag:$0x3] =	sbarrier.arrive $0xFFFF;
	s2 =	simm.s32 @!p0 $0x1C03  }
0x63: {  	[timem:s3], [sflag:s2] =	dma.local @!p0 [hbm:s0], s1  }
0x64: {  	s0 =	simm.s32 @!p0 $0x3  }
0x65: {  	_ =	swait.ge @!p0 [sflag:s0], s1  }
0x66: {  	s1 =	ssub.s32 @!p0 $0x0, s1;
	[sflag:s0] =	ssyncset.done @!p0 $0x0  }
0x67: {  	[sflag:s0] =	ssyncadd.s32 @!p0 s1  }
0x68: {  	[bflag:$0x3] =	sbarrier.arrive $0xFFFF  }
0x69: {  	_ =	shalt  }

// kernel: kernel.16.cloned.1.call-start
scs
__scs_entry_jumppad:
0x0: {  	(pc) =	sbr.rel $0x88, $3  }
0x1: {  	(tag) =	ssettag $0x0;
	lr =	simm.s32 $0x1  }
0x2: {  	[smem:$0x3F8A] =	sst lr;
	_ =	strace $0xD0000000  }
0x3: {  	_ = 	snop  }
0x4: {  	_ = 	snop  }
0x5: {  	_ = 	snop  }
0x6: {  	_ = 	snop  }
0x7: {  	_ = 	snop  }
__scs_overlays_trampoline_lowered:
0x8: {  	[smem:$0x3F99] =	sst s0  }
0x9: {  	[smem:$0x3F9A] =	sst s1  }
0xa: {  	[smem:$0x3F9B] =	sst s2  }
0xb: {  	[smem:$0x3F9C] =	sst s3  }
0xc: {  	[smem:$0x3F9D] =	sst s4  }
0xd: {  	[smem:$0x3F9E] =	sst s5  }
0xe: {  	[smem:$0x3F9F] =	sst s6  }
0xf: {  	[smem:$0x3FA0] =	sst s7  }
0x10: {  	[smem:$0x3FA1] =	sst s8  }
0x11: {  	[smem:$0x3FA2] =	sst s9;
	s0 =	simm.s32 @!p0 $0x0  }
0x12: {  	s1 =	sld [smem:$0x3F88];
	s0 =	simm.s32 @p0 $0x1  }
0x13: {  	[smem:$0x3FA3] =	sst s0;
	s0 =	simm.s32 @!p1 $0x0  }
0x14: {  	s2 =	sld [smem:$0x3F87];
	s0 =	simm.s32 @p1 $0x1  }
0x15: {  	[smem:$0x3FA4] =	sst s0;
	s0 =	simm.s32 @!p2 $0x0  }
0x16: {  	s3 =	sld [smem:$0x3FDB];
	s0 =	simm.s32 @p2 $0x1  }
0x17: {  	s4 =	simm.s32 $0x1BF5;
	[smem:$0x3FA6] =	sst s0  }
0x18: {  	s0 =	sld [smem:$0x3F89];
	_ =	swait.ge [sflag:s4], $0x0  }
0x19: {  	s7 =	sld [smem:$0x3F8A]  }
0x1a: {  	s8 =	sadd.s32 $0xFFFFE003, lr  }
0x1b: {  	s9 =	sadd.s32 $0xFFFFFEF7, lr;
	s5 =	simm.s32 $0xFFFFFFFF;
	p2 =	slt.u32 s8, $0xFFFFF086  }
0x1c: {  	p1 =	slt.u32 s9, $0xF7A;
	s5 =	simm.s32 @!p2 $0x0  }
0x1d: {  	s5 =	simm.s32 @p1 $0x1;
	p0 =	seq.s32 s7, s2  }
0x1e: {  	s7 =	smul.u32 @!p0 $0xF7A, s2;
	p2 =	seq.s32 @!p0 s5, $0x0  }
0x1f: {  	s9 =	smul.u32 $0xF7A, s1;
	s8 =	simm.s32 @!p0 $0x1BF5;
	p2 =	por !p2, p0  }
0x20: {  	[sflag:s8] =	ssyncset.s32 @!p0 $0xFFFFF086;
	s6 =	sadd.s32 @!p0 s3, s7;
	s7 =	simm.s32 @!p0 $0x108  }
0x21: {  	s3 =	sadd.s32 s3, s9;
	s6 =	sadd.s32 @!p0 $0x88, s6;
	s7 =	simm.s32 @p2 $0x1082  }
0x22: {  	[simem:s7], [sflag:s8] =	dma.local @!p0 [hbm:s6], $0xF7A  }
0x23: {  	s9 =	sor.u32 $0xD0000000, s2;
	s6 =	simm.s32 $0x108;
	_ =	swait.ge @!p0 [sflag:s8], $0x0  }
0x24: {  	s3 =	sadd.s32 $0x88, s3;
	s6 =	simm.s32 @!p1 $0x1082;
	[sflag:s4] =	ssyncset.s32 $0xFFFFF086  }
0x25: {  	[simem:s6], [sflag:s4] =	dma.local [hbm:s3], $0xF7A  }
0x26: {  	[smem:$0x3F8A] =	sst s1;
	(tag) =	ssettag s2;
	_ =	strace s9  }
0x27: {  	s1 =	sld [smem:$0x3F9A]  }
0x28: {  	s2 =	sld [smem:$0x3F9B]  }
0x29: {  	s4 =	sld [smem:$0x3F9D]  }
0x2a: {  	p0 =	seq.s32 s5, $0x0;
	s5 =	sld [smem:$0x3F9E]  }
0x2b: {  	s6 =	sld [smem:$0x3F9F]  }
0x2c: {  	s7 =	sld [smem:$0x3FA0]  }
0x2d: {  	s3 =	simm.s32 $0x108;
	s8 =	sld [smem:$0x3FA1]  }
0x2e: {  	s3 =	simm.s32 @!p0 $0x1082;
	s9 =	sld [smem:$0x3FA2]  }
0x2f: {  	lr =	sadd.s32 s0, s3;
	s0 =	sld [smem:$0x3F99]  }
0x30: {  	s3 =	sld [smem:$0x3F9C]  }
0x31: {  	[smem:$0x3FA5] =	sst s10  }
0x32: {  	s10 =	sld [smem:$0x3FA3];
	_ =	sdelay $0x3  }
0x33: {  	p0 =	seq.s32 s10, $0x1;
	s10 =	sld [smem:$0x3FA5];
	_ =	sdelay $0x3  }
0x34: {  	[smem:$0x3FA5] =	sst s10  }
0x35: {  	s10 =	sld [smem:$0x3FA4];
	_ =	sdelay $0x3  }
0x36: {  	p1 =	seq.s32 s10, $0x1;
	s10 =	sld [smem:$0x3FA5];
	_ =	sdelay $0x3  }
0x37: {  	[smem:$0x3FA5] =	sst s10  }
0x38: {  	s10 =	sld [smem:$0x3FA6]  }
0x39: {  	_ = 	snop;
	(pc) =	sbr.ind lr, $3  }
0x3a: {  	_ = 	snop  }
0x3b: {  	_ = 	snop  }
0x3c: {  	p2 =	seq.s32 s10, $0x1;
	s10 =	sld [smem:$0x3FA5]  }
0x3d: {  	_ =	shalt  }
0x3e: {  	_ =	shalt  }
0x3f: {  	_ =	shalt  }
0x40: {  	_ =	shalt  }
0x41: {  	_ =	shalt  }
0x42: {  	_ =	shalt  }
0x43: {  	_ =	shalt  }
0x44: {  	_ =	shalt  }
0x45: {  	_ =	shalt  }
0x46: {  	_ =	shalt  }
0x47: {  	_ =	shalt  }
0x48: {  	_ =	shalt  }
0x49: {  	_ =	shalt  }
0x4a: {  	_ =	shalt  }
0x4b: {  	_ =	shalt  }
0x4c: {  	_ =	shalt  }
0x4d: {  	_ =	shalt  }
0x4e: {  	_ =	shalt  }
0x4f: {  	_ =	shalt  }
0x50: {  	_ =	shalt  }
0x51: {  	_ =	shalt  }
0x52: {  	_ =	shalt  }
0x53: {  	_ =	shalt  }
0x54: {  	_ =	shalt  }
0x55: {  	_ =	shalt  }
0x56: {  	_ =	shalt  }
0x57: {  	_ =	shalt  }
0x58: {  	_ =	shalt  }
0x59: {  	_ =	shalt  }
0x5a: {  	_ =	shalt  }
0x5b: {  	_ =	shalt  }
0x5c: {  	_ =	shalt  }
0x5d: {  	_ =	shalt  }
0x5e: {  	_ =	shalt  }
0x5f: {  	_ =	shalt  }
0x60: {  	_ =	shalt  }
0x61: {  	_ =	shalt  }
0x62: {  	_ =	shalt  }
0x63: {  	_ =	shalt  }
0x64: {  	_ =	shalt  }
0x65: {  	_ =	shalt  }
0x66: {  	_ =	shalt  }
0x67: {  	_ =	shalt  }
0x68: {  	_ =	shalt  }
0x69: {  	_ =	shalt  }
0x6a: {  	_ =	shalt  }
0x6b: {  	_ =	shalt  }
0x6c: {  	_ =	shalt  }
0x6d: {  	_ =	shalt  }
0x6e: {  	_ =	shalt  }
0x6f: {  	_ =	shalt  }
0x70: {  	_ =	shalt  }
0x71: {  	_ =	shalt  }
0x72: {  	_ =	shalt  }
0x73: {  	_ =	shalt  }
0x74: {  	_ =	shalt  }
0x75: {  	_ =	shalt  }
0x76: {  	_ =	shalt  }
0x77: {  	_ =	shalt  }
0x78: {  	_ =	shalt  }
0x79: {  	_ =	shalt  }
0x7a: {  	_ =	shalt  }
0x7b: {  	_ =	shalt  }
0x7c: {  	_ =	shalt  }
0x7d: {  	_ =	shalt  }
0x7e: {  	_ =	shalt  }
0x7f: {  	_ =	shalt  }
0x80: {  	_ =	shalt  }
0x81: {  	_ =	shalt  }
0x82: {  	_ =	shalt  }
0x83: {  	_ =	shalt  }
0x84: {  	_ =	shalt  }
0x85: {  	_ =	shalt  }
0x86: {  	_ =	shalt  }
0x87: {  	_ =	shalt  }
.Lfunc_end0:
.L_simem_size_0:
called_computation.4_lowered:
.L_overlay_start_0:
0x88: {  	s2 =	sld [smem:$0x3FD9]  }
0x89: {  	s3 =	sld [smem:$0x3FFE];
	_ =	sdelay $0x1  }
0x8a: {  	s1 =	srdreg.scid  }
0x8b: {  	s0 =	sand.u32 $0x1, s1  }
0x8c: {  	s17 =	sshll.u32 s0, $0xA;
	s2 =	sadd.s32 s3, s2  }
0x8d: {  	s2 =	sadd.s32 s2, s17  }
0x8e: {  	[smem:$0x3FB1] =	sst s2  }
0x8f: {  	_ = 	snop  }
0x90: {  	s2 =	sld [smem:$0x3FD0];
	(tm) =	ssettm $0x1  }
0x91: {  	s18 =	sld [smem:$0x3FFB];
	_ =	sdelay $0x3  }
0x92: {  	_ =	strace s18  }
0x93: {  	s3 =	sld [smem:$0x3FFC];
	_ =	sdelay $0x3  }
0x94: {  	_ =	strace s3  }
0x95: {  	s3 =	sld [smem:$0x3FFD];
	_ =	sdelay $0x3  }
0x96: {  	_ =	strace s3  }
0x97: {  	_ =	strace $0x8FFFFFFF  }
0x98: {  	s19 =	sld [smem:$0x3FDB];
	_ =	sdelay $0x1  }
0x99: {  	s4 =	simm.s32 $_scs_section_size  }
0x9a: {  	s5 =	simm.s32 $_size__tile_overlayer_lowered;
	s6 =	simm.s32 $_tile_overlayer_lowered  }
0x9b: {  	s22 =	simm.s32 $0x1BFF;
	s21 =	sshll.u32 s6, $0x1;
	s3 =	sadd.s32 s4, s19  }
0x9c: {  	s7 =	simm.s32 $0x0;
	s20 =	sshll.u32 s5, $0x1;
	s5 =	sadd.s32 s21, s3  }
0x9d: {  	[timem:s7], [sflag:s22] =	dma.local [hbm:s5], s20  }
0x9e: {  	_ =	swait.ge [sflag:s22], s20  }
0x9f: {  	s4 =	ssub.s32 $0x0, s20;
	[sflag:s22] =	ssyncset.done $0x0  }
0xa0: {  	[sflag:s22] =	ssyncadd.s32 s4;
	_ =	sdelay $0x1  }
0xa1: {  	s23 =	simm.s32 $0x1B8B  }
0xa2: {  	_ =	swait.ge [sflag:s23], $0x1  }
0xa3: {  	[sflag:s23] =	ssyncset.done $0x0  }
0xa4: {  	s25 =	simm.s32 $0x1B8E;
	s24 =	sld [smem:$0x3FFE];
	[sflag:s23] =	ssyncadd.s32 $0xFFFFFFFF  }
0xa5: {  	s26 =	simm.s32 $execute0_lowered;
	[smem:$0x3FD2] =	sst s25  }
0xa6: {  	s5 =	sshll.u32 s26, $0x1;
	_ =	strace $0x8000004F;
	[dreg:$0x1] =	wrdreg $0xFFFFFFFF  }
0xa7: {  	s28 =	simm.s32 $_size_execute0_lowered;
	s3 =	sadd.s32 s3, s5;
	[dreg:$0x0] =	wrdreg $0x0  }
0xa8: {  	s5 =	sshll.u32 s28, $0x1;
	[dreg:$0x2] =	wrdreg s3  }
0xa9: {  	[dreg:$0x3] =	wrdreg s5  }
0xaa: {  	[dreg:$0x4] =	wrdreg $0xC0  }
0xab: {  	_ =	task [dreg:s7], $0x5FFFF  }
0xac: {  	[dreg:$0x1] =	wrdreg $0xFFFFFFFF  }
0xad: {  	[dreg:$0x0] =	wrdreg $0x60  }
0xae: {  	[dreg:$0x2] =	wrdreg s24  }
0xaf: {  	[dreg:$0x3] =	wrdreg s2  }
0xb0: {  	[dreg:$0x4] =	wrdreg $0xA  }
0xb1: {  	_ =	task.clear_ibuf [dreg:s7], $0x5FFFF;
	_ =	strace $0x9000004F  }
0xb2: {  	s29 =	simm.s32 $0xA;
	_ =	strace $0x80000051  }
0xb3: {  	_ =	swait.ge [sflag:s29], $0x1  }
0xb4: {  	[sflag:s29] =	ssyncadd.s32 $0xFFFFFFFF  }
0xb5: {  	_ =	strace $0x90000051  }
0xb6: {  	_ =	sfence  }
0xb7: {  	s30 =	sld [smem:$0x0];
	_ =	sdelay $0x2  }
0xb8: {  	s31 =	sshll.u32 s1, $0xD;
	s1 =	sshrl.u32 s1, $0x2  }
0xb9: {  	s3 =	sand.u32 $0x4000, s31;
	s1 =	sadd.s32 s1, s30  }
0xba: {  	s0 =	sor.u32 s3, s0;
	s1 =	sshll.u32 s1, $0x11  }
0xbb: {  	s0 =	sor.u32 s1, s0  }
0xbc: {  	s0 =	sadd.s32 $0x8F2B, s0  }
0xbd: {  	[sflag:s0] =	ssyncadd.remote.s32 $0x1  }
0xbe: {  	_ =	sfence.sel $0xFFFF  }
0xbf: {  	[dreg:$0x0] =	wrdreg $0xFFFFFFFF;
	(pc) =	sbr.abs _section_cstart, $3  }
0xc0: {  	[dreg:$0x1] =	wrdreg $0xFFFFFFFF  }
0xc1: {  	_ =	task.clear_ibuf [dreg:s7], $0x2FFFF;
	_ =	strace $0x9FFFFFFF  }
0xc2: {  	(tm) =	ssettm $0x7FFFFFFF  }
0xc3: {  	_ =	shalt  }
tec
execute0_lowered:
.L_overlay_start_1:
0x0: {  	(tag) =	ssettag $0x1  }
0x1: {  	s1 =	srdreg.scid  }
0x2: {  	s0 =	stileid.u32;
	s4 =	rddreg [dreg:$0x0]  }
0x3: {  	s2 =	rddreg [dreg:$0x1];
	s3 =	simm.s32 $0x0;
	s9 =	simm.s32 $0x1  }
0x4: {  	s10 =	simm.s32 $0x2800;
	s11 =	simm.s32 $0x5000;
	s12 =	simm.s32 $0x7780  }
0x5: {  	s13 =	simm.s32 $0x9F00;
	s5 =	sand.u32 $0x1, s1;
	s30 =	sshll.u32 s0, $0x1  }
0x6: {  	s14 =	simm.s32 $0x0;
	s6 =	sor.u32 s5, s30;
	s5 =	ssub.s32 $0x2, s5  }
0x7: {  	[smem:$0x7FF] =	sst s3;
	s6 =	smul.u32 $0x4E2, s6;
	s31 =	sshrl.u32 s5, $0x1  }
0x8: {  	s1 =	rddreg [dreg:$0x2];
	_ =	strace $0x80000050;
	s8 =	ssub.s32 s5, s31  }
0x9: {  	s7 =	sadd.s32 s6, s4;
	s4 =	sadd.s32 $0x16A00, s4;
	s8 =	smax.u32 s8, $0x1  }
0xa: {  	s5 =	sadd.s32 $0x2E00, s7;
	s6 =	sadd.s32 $0x17000, s7;
	s7 =	sadd.s32 $0x598800, s7  }
.LBB2_1:
0xb: {  	[tilespmem:s3], [sflag:$0x1] =	stream.linear.gather [hbm4b:s4+s3], $0x2800, $0x38;
	[tilespmem:$0xC680] =	vst v63  }
0xc: {  	_ =	swait.ge [sflag:s9], $0x2800  }
0xd: {  	[sflag:s9] =	ssyncset.done $0x0  }
0xe: {  	[sflag:s9] =	ssyncadd.s32 $0xFFFFD800  }
0xf: {  	[tilespmem:s10], [sflag:$0x1] =	stream.linear.gather [hbm4b:s2+s3], $0x2800, $0x38;
	[tilespmem:$0xC680] =	vst v63  }
0x10: {  	_ =	swait.ge [sflag:s9], $0x2800  }
0x11: {  	[sflag:s9] =	ssyncset.done $0x0  }
0x12: {  	[sflag:s9] =	ssyncadd.s32 $0xFFFFD800  }
0x13: {  	[tilespmem:s11], [sflag:$0x1] =	stream.linear.gather [hbm4b:s5+s3], $0x2710, $0x38;
	[tilespmem:$0xC680] =	vst v63  }
0x14: {  	_ =	swait.ge [sflag:s9], $0x2710  }
0x15: {  	[sflag:s9] =	ssyncset.done $0x0  }
0x16: {  	s15 =	simm.s32 $0x0;
	[sflag:s9] =	ssyncadd.s32 $0xFFFFD8F0  }
0x17: {  	v0 =	vld [tilespmem:s15+$0x5000];
	_ =	sdelay $0x7  }
0x18: {  	v1 =	vld.idx.msk [tilespmem:v0+s3+$0x0], $0xffff;
	_ =	sdelay $0x3  }
0x19: {  	s16 =	simm.s32 $0x10;
	s17 =	simm.s32 $0x80  }
.LBB2_2:
0x1a: {  	p0 =	sne.s32 s17, $0x9C00;
	v2 =	vld [tilespmem:s16+$0x5000];
	[tilespmem:s15+$0x7780] =	vst v1  }
0x1b: {  	v1 =	vld.idx.msk [tilespmem:v0+s10+$0x0], $0xffff;
	_ =	sdelay $0x3  }
0x1c: {  	v0 =	vmov v2;
	_ =	sdelay $0x1  }
0x1d: {  	[tilespmem:s15+$0x9F00] =	vst v1;
	s15 =	smov.u32 s16  }
0x1e: {  	v1 =	vld.idx.msk [tilespmem:v2+s3+$0x0], $0xffff  }
.Ltmp0:
0x1f: {  	(pc) =	sbr.rel @p0 .LBB2_2-.Ltmp0, $2  }
0x20: {  	_ =	sdelay $0x2  }
0x21: {  	s16 =	sshra.s32 s17, $0x2;
	s17 =	sadd.s32 $0x40, s17  }
0x22: {  	_ =	sdelay $0x1  }
0x23: {  	v2 =	vld [tilespmem:s16+$0x5000]  }
0x24: {  	[tilespmem:s15+$0x7780] =	vst v1  }
0x25: {  	v0 =	vld.idx.msk [tilespmem:v0+s10+$0x0], $0xffff;
	_ =	sdelay $0x4  }
0x26: {  	[tilespmem:s15+$0x9F00] =	vst v0  }
0x27: {  	v0 =	vld.idx.msk [tilespmem:v2+s3+$0x0], $0xffff;
	_ =	sdelay $0x4  }
0x28: {  	[tilespmem:s16+$0x7780] =	vst v0  }
0x29: {  	v0 =	vld.idx.msk [tilespmem:v2+s10+$0x0], $0xffff;
	_ =	sdelay $0x4  }
0x2a: {  	[tilespmem:s16+$0x9F00] =	vst v0  }
0x2b: {  	[hbm4b:s6+s3] =	stream.linear.scatter [tilespmem:s12], [sflag:$0x1], $0x2710, $0x38;
	[tilespmem:$0xC680] =	vst v63  }
0x2c: {  	s14 =	sadd.s32 $0x1, s14;
	_ =	swait.ge [sflag:s9], $0x2710  }
0x2d: {  	p0 =	sne.s32 s14, s8;
	[sflag:s9] =	ssyncset.done $0x0  }
.Ltmp1:
0x2e: {  	[sflag:s9] =	ssyncadd.s32 $0xFFFFD8F0;
	(pc) =	sbr.rel @p0 .LBB2_1-.Ltmp1, $4  }
0x2f: {  	[hbm4b:s7+s3] =	stream.linear.scatter [tilespmem:s13], [sflag:$0x1], $0x2710, $0x38;
	[tilespmem:$0xC680] =	vst v63  }
0x30: {  	_ =	swait.ge [sflag:s9], $0x2710  }
0x31: {  	[sflag:s9] =	ssyncset.done $0x0  }
0x32: {  	[sflag:s9] =	ssyncadd.s32 $0xFFFFD8F0  }
0x33: {  	_ =	sfence.sel $0x180000  }
0x34: {  	[bflag:$0x0] =	sbarrier.arrive $0xFFFF  }
0x35: {  	p0 =	sne.s32 s0, $0x0;
	_ =	strace $0x90000050  }
0x36: {  	s0 =	sadd.s32 @!p0 $0x100000, s1;
	[bflag:$0x2] =	sbarrier.arrive $0xFFFF  }
0x37: {  	[sflag:s0] =	ssyncadd.tile.s32 @!p0 $0x1;
	_ =	shalt  }
.Lfunc_end2:
_tile_overlayer_lowered:
.L_overlay_start_2:
0x38: {  	(tag) =	ssettag $0x2  }
0x39: {  	s0 =	rddreg [dreg:$0x0];
	s2 =	stileid.u32  }
0x3a: {  	s1 =	rddreg [dreg:$0x1];
	p0 =	sne.s32 s2, $0x0  }
0x3b: {  	s3 =	rddreg [dreg:$0x2];
	[bflag:$0x3] =	sbarrier.arrive $0xFFFF;
	s2 =	simm.s32 @!p0 $0x1C01  }
0x3c: {  	[timem:s3], [sflag:s2] =	dma.local @!p0 [hbm:s0], s1  }
0x3d: {  	s0 =	simm.s32 @!p0 $0x1  }
0x3e: {  	_ =	swait.ge @!p0 [sflag:s0], s1  }
0x3f: {  	s1 =	ssub.s32 @!p0 $0x0, s1;
	[sflag:s0] =	ssyncset.done @!p0 $0x0  }
0x40: {  	[sflag:s0] =	ssyncadd.s32 @!p0 s1  }
0x41: {  	[bflag:$0x3] =	sbarrier.arrive $0xFFFF  }
0x42: {  	_ =	shalt  }

// kernel: kernel.19.cloned.1.call-start
scs
__scs_entry_jumppad:
0x0: {  	(pc) =	sbr.rel $0x88, $3  }
0x1: {  	(tag) =	ssettag $0x0;
	lr =	simm.s32 $0x1  }
0x2: {  	[smem:$0x3F8A] =	sst lr;
	_ =	strace $0xD0000000  }
0x3: {  	_ = 	snop  }
0x4: {  	_ = 	snop  }
0x5: {  	_ = 	snop  }
0x6: {  	_ = 	snop  }
0x7: {  	_ = 	snop  }
__scs_overlays_trampoline_lowered:
0x8: {  	[smem:$0x3F99] =	sst s0  }
0x9: {  	[smem:$0x3F9A] =	sst s1  }
0xa: {  	[smem:$0x3F9B] =	sst s2  }
0xb: {  	[smem:$0x3F9C] =	sst s3  }
0xc: {  	[smem:$0x3F9D] =	sst s4  }
0xd: {  	[smem:$0x3F9E] =	sst s5  }
0xe: {  	[smem:$0x3F9F] =	sst s6  }
0xf: {  	[smem:$0x3FA0] =	sst s7  }
0x10: {  	[smem:$0x3FA1] =	sst s8  }
0x11: {  	[smem:$0x3FA2] =	sst s9;
	s0 =	simm.s32 @!p0 $0x0  }
0x12: {  	s1 =	sld [smem:$0x3F88];
	s0 =	simm.s32 @p0 $0x1  }
0x13: {  	[smem:$0x3FA3] =	sst s0;
	s0 =	simm.s32 @!p1 $0x0  }
0x14: {  	s2 =	sld [smem:$0x3F87];
	s0 =	simm.s32 @p1 $0x1  }
0x15: {  	[smem:$0x3FA4] =	sst s0;
	s0 =	simm.s32 @!p2 $0x0  }
0x16: {  	s3 =	sld [smem:$0x3FDB];
	s0 =	simm.s32 @p2 $0x1  }
0x17: {  	s4 =	simm.s32 $0x1BF5;
	[smem:$0x3FA6] =	sst s0  }
0x18: {  	s0 =	sld [smem:$0x3F89];
	_ =	swait.ge [sflag:s4], $0x0  }
0x19: {  	s7 =	sld [smem:$0x3F8A]  }
0x1a: {  	s8 =	sadd.s32 $0xFFFFE003, lr  }
0x1b: {  	s9 =	sadd.s32 $0xFFFFFEF7, lr;
	s5 =	simm.s32 $0xFFFFFFFF;
	p2 =	slt.u32 s8, $0xFFFFF086  }
0x1c: {  	p1 =	slt.u32 s9, $0xF7A;
	s5 =	simm.s32 @!p2 $0x0  }
0x1d: {  	s5 =	simm.s32 @p1 $0x1;
	p0 =	seq.s32 s7, s2  }
0x1e: {  	s7 =	smul.u32 @!p0 $0xF7A, s2;
	p2 =	seq.s32 @!p0 s5, $0x0  }
0x1f: {  	s9 =	smul.u32 $0xF7A, s1;
	s8 =	simm.s32 @!p0 $0x1BF5;
	p2 =	por !p2, p0  }
0x20: {  	[sflag:s8] =	ssyncset.s32 @!p0 $0xFFFFF086;
	s6 =	sadd.s32 @!p0 s3, s7;
	s7 =	simm.s32 @!p0 $0x108  }
0x21: {  	s3 =	sadd.s32 s3, s9;
	s6 =	sadd.s32 @!p0 $0x88, s6;
	s7 =	simm.s32 @p2 $0x1082  }
0x22: {  	[simem:s7], [sflag:s8] =	dma.local @!p0 [hbm:s6], $0xF7A  }
0x23: {  	s9 =	sor.u32 $0xD0000000, s2;
	s6 =	simm.s32 $0x108;
	_ =	swait.ge @!p0 [sflag:s8], $0x0  }
0x24: {  	s3 =	sadd.s32 $0x88, s3;
	s6 =	simm.s32 @!p1 $0x1082;
	[sflag:s4] =	ssyncset.s32 $0xFFFFF086  }
0x25: {  	[simem:s6], [sflag:s4] =	dma.local [hbm:s3], $0xF7A  }
0x26: {  	[smem:$0x3F8A] =	sst s1;
	(tag) =	ssettag s2;
	_ =	strace s9  }
0x27: {  	s1 =	sld [smem:$0x3F9A]  }
0x28: {  	s2 =	sld [smem:$0x3F9B]  }
0x29: {  	s4 =	sld [smem:$0x3F9D]  }
0x2a: {  	p0 =	seq.s32 s5, $0x0;
	s5 =	sld [smem:$0x3F9E]  }
0x2b: {  	s6 =	sld [smem:$0x3F9F]  }
0x2c: {  	s7 =	sld [smem:$0x3FA0]  }
0x2d: {  	s3 =	simm.s32 $0x108;
	s8 =	sld [smem:$0x3FA1]  }
0x2e: {  	s3 =	simm.s32 @!p0 $0x1082;
	s9 =	sld [smem:$0x3FA2]  }
0x2f: {  	lr =	sadd.s32 s0, s3;
	s0 =	sld [smem:$0x3F99]  }
0x30: {  	s3 =	sld [smem:$0x3F9C]  }
0x31: {  	[smem:$0x3FA5] =	sst s10  }
0x32: {  	s10 =	sld [smem:$0x3FA3];
	_ =	sdelay $0x3  }
0x33: {  	p0 =	seq.s32 s10, $0x1;
	s10 =	sld [smem:$0x3FA5];
	_ =	sdelay $0x3  }
0x34: {  	[smem:$0x3FA5] =	sst s10  }
0x35: {  	s10 =	sld [smem:$0x3FA4];
	_ =	sdelay $0x3  }
0x36: {  	p1 =	seq.s32 s10, $0x1;
	s10 =	sld [smem:$0x3FA5];
	_ =	sdelay $0x3  }
0x37: {  	[smem:$0x3FA5] =	sst s10  }
0x38: {  	s10 =	sld [smem:$0x3FA6]  }
0x39: {  	_ = 	snop;
	(pc) =	sbr.ind lr, $3  }
0x3a: {  	_ = 	snop  }
0x3b: {  	_ = 	snop  }
0x3c: {  	p2 =	seq.s32 s10, $0x1;
	s10 =	sld [smem:$0x3FA5]  }
0x3d: {  	_ =	shalt  }
0x3e: {  	_ =	shalt  }
0x3f: {  	_ =	shalt  }
0x40: {  	_ =	shalt  }
0x41: {  	_ =	shalt  }
0x42: {  	_ =	shalt  }
0x43: {  	_ =	shalt  }
0x44: {  	_ =	shalt  }
0x45: {  	_ =	shalt  }
0x46: {  	_ =	shalt  }
0x47: {  	_ =	shalt  }
0x48: {  	_ =	shalt  }
0x49: {  	_ =	shalt  }
0x4a: {  	_ =	shalt  }
0x4b: {  	_ =	shalt  }
0x4c: {  	_ =	shalt  }
0x4d: {  	_ =	shalt  }
0x4e: {  	_ =	shalt  }
0x4f: {  	_ =	shalt  }
0x50: {  	_ =	shalt  }
0x51: {  	_ =	shalt  }
0x52: {  	_ =	shalt  }
0x53: {  	_ =	shalt  }
0x54: {  	_ =	shalt  }
0x55: {  	_ =	shalt  }
0x56: {  	_ =	shalt  }
0x57: {  	_ =	shalt  }
0x58: {  	_ =	shalt  }
0x59: {  	_ =	shalt  }
0x5a: {  	_ =	shalt  }
0x5b: {  	_ =	shalt  }
0x5c: {  	_ =	shalt  }
0x5d: {  	_ =	shalt  }
0x5e: {  	_ =	shalt  }
0x5f: {  	_ =	shalt  }
0x60: {  	_ =	shalt  }
0x61: {  	_ =	shalt  }
0x62: {  	_ =	shalt  }
0x63: {  	_ =	shalt  }
0x64: {  	_ =	shalt  }
0x65: {  	_ =	shalt  }
0x66: {  	_ =	shalt  }
0x67: {  	_ =	shalt  }
0x68: {  	_ =	shalt  }
0x69: {  	_ =	shalt  }
0x6a: {  	_ =	shalt  }
0x6b: {  	_ =	shalt  }
0x6c: {  	_ =	shalt  }
0x6d: {  	_ =	shalt  }
0x6e: {  	_ =	shalt  }
0x6f: {  	_ =	shalt  }
0x70: {  	_ =	shalt  }
0x71: {  	_ =	shalt  }
0x72: {  	_ =	shalt  }
0x73: {  	_ =	shalt  }
0x74: {  	_ =	shalt  }
0x75: {  	_ =	shalt  }
0x76: {  	_ =	shalt  }
0x77: {  	_ =	shalt  }
0x78: {  	_ =	shalt  }
0x79: {  	_ =	shalt  }
0x7a: {  	_ =	shalt  }
0x7b: {  	_ =	shalt  }
0x7c: {  	_ =	shalt  }
0x7d: {  	_ =	shalt  }
0x7e: {  	_ =	shalt  }
0x7f: {  	_ =	shalt  }
0x80: {  	_ =	shalt  }
0x81: {  	_ =	shalt  }
0x82: {  	_ =	shalt  }
0x83: {  	_ =	shalt  }
0x84: {  	_ =	shalt  }
0x85: {  	_ =	shalt  }
0x86: {  	_ =	shalt  }
0x87: {  	_ =	shalt  }
.Lfunc_end0:
.L_simem_size_0:
called_computation.5_lowered:
.L_overlay_start_0:
0x88: {  	s2 =	sld [smem:$0x3FD9]  }
0x89: {  	s3 =	sld [smem:$0x3FFE];
	_ =	sdelay $0x1  }
0x8a: {  	s1 =	srdreg.scid  }
0x8b: {  	s0 =	sand.u32 $0x1, s1  }
0x8c: {  	s17 =	sshll.u32 s0, $0xA;
	s2 =	sadd.s32 s3, s2  }
0x8d: {  	s2 =	sadd.s32 s2, s17  }
0x8e: {  	[smem:$0x3FB1] =	sst s2  }
0x8f: {  	_ = 	snop  }
0x90: {  	s2 =	sld [smem:$0x3FD0];
	(tm) =	ssettm $0x1  }
0x91: {  	s18 =	sld [smem:$0x3FFB];
	_ =	sdelay $0x3  }
0x92: {  	_ =	strace s18  }
0x93: {  	s3 =	sld [smem:$0x3FFC];
	_ =	sdelay $0x3  }
0x94: {  	_ =	strace s3  }
0x95: {  	s3 =	sld [smem:$0x3FFD];
	_ =	sdelay $0x3  }
0x96: {  	_ =	strace s3  }
0x97: {  	_ =	strace $0x8FFFFFFF  }
0x98: {  	s19 =	sld [smem:$0x3FDB];
	_ =	sdelay $0x1  }
0x99: {  	s4 =	simm.s32 $_scs_section_size  }
0x9a: {  	s5 =	simm.s32 $_size__tile_overlayer_lowered;
	s6 =	simm.s32 $_tile_overlayer_lowered  }
0x9b: {  	s22 =	simm.s32 $0x1BFF;
	s21 =	sshll.u32 s6, $0x1;
	s3 =	sadd.s32 s4, s19  }
0x9c: {  	s7 =	simm.s32 $0x0;
	s20 =	sshll.u32 s5, $0x1;
	s5 =	sadd.s32 s21, s3  }
0x9d: {  	[timem:s7], [sflag:s22] =	dma.local [hbm:s5], s20  }
0x9e: {  	_ =	swait.ge [sflag:s22], s20  }
0x9f: {  	s4 =	ssub.s32 $0x0, s20;
	[sflag:s22] =	ssyncset.done $0x0  }
0xa0: {  	[sflag:s22] =	ssyncadd.s32 s4;
	_ =	sdelay $0x1  }
0xa1: {  	s23 =	simm.s32 $0x1B8B  }
0xa2: {  	_ =	swait.ge [sflag:s23], $0x1  }
0xa3: {  	[sflag:s23] =	ssyncset.done $0x0  }
0xa4: {  	s25 =	simm.s32 $0x1B8E;
	s24 =	sld [smem:$0x3FFE];
	[sflag:s23] =	ssyncadd.s32 $0xFFFFFFFF  }
0xa5: {  	s26 =	simm.s32 $execute0_lowered;
	[smem:$0x3FD2] =	sst s25  }
0xa6: {  	s5 =	sshll.u32 s26, $0x1;
	_ =	strace $0x80000058;
	[dreg:$0x1] =	wrdreg $0xFFFFFFFF  }
0xa7: {  	s28 =	simm.s32 $_size_execute0_lowered;
	s3 =	sadd.s32 s3, s5;
	[dreg:$0x0] =	wrdreg $0x0  }
0xa8: {  	s5 =	sshll.u32 s28, $0x1;
	[dreg:$0x2] =	wrdreg s3  }
0xa9: {  	[dreg:$0x3] =	wrdreg s5  }
0xaa: {  	[dreg:$0x4] =	wrdreg $0xC0  }
0xab: {  	_ =	task [dreg:s7], $0x5FFFF  }
0xac: {  	[dreg:$0x1] =	wrdreg $0xFFFFFFFF  }
0xad: {  	[dreg:$0x0] =	wrdreg $0x60  }
0xae: {  	[dreg:$0x2] =	wrdreg s24  }
0xaf: {  	[dreg:$0x3] =	wrdreg s2  }
0xb0: {  	[dreg:$0x4] =	wrdreg $0x9  }
0xb1: {  	_ =	task.clear_ibuf [dreg:s7], $0x5FFFF;
	_ =	strace $0x90000058  }
0xb2: {  	s29 =	simm.s32 $0x9;
	_ =	strace $0x8000005A  }
0xb3: {  	_ =	swait.ge [sflag:s29], $0x1  }
0xb4: {  	[sflag:s29] =	ssyncadd.s32 $0xFFFFFFFF  }
0xb5: {  	_ =	strace $0x9000005A  }
0xb6: {  	_ =	sfence  }
0xb7: {  	s30 =	sld [smem:$0x0];
	_ =	sdelay $0x2  }
0xb8: {  	s31 =	sshll.u32 s1, $0xD;
	s1 =	sshrl.u32 s1, $0x2  }
0xb9: {  	s3 =	sand.u32 $0x4000, s31;
	s1 =	sadd.s32 s1, s30  }
0xba: {  	s0 =	sor.u32 s3, s0;
	s1 =	sshll.u32 s1, $0x11  }
0xbb: {  	s0 =	sor.u32 s1, s0  }
0xbc: {  	s0 =	sadd.s32 $0x8F2B, s0  }
0xbd: {  	[sflag:s0] =	ssyncadd.remote.s32 $0x1  }
0xbe: {  	_ =	sfence.sel $0xFFFF  }
0xbf: {  	[dreg:$0x0] =	wrdreg $0xFFFFFFFF;
	(pc) =	sbr.abs _section_cstart, $3  }
0xc0: {  	[dreg:$0x1] =	wrdreg $0xFFFFFFFF  }
0xc1: {  	_ =	task.clear_ibuf [dreg:s7], $0x2FFFF;
	_ =	strace $0x9FFFFFFF  }
0xc2: {  	(tm) =	ssettm $0x7FFFFFFF  }
0xc3: {  	_ =	shalt  }
tec
execute0_lowered:
.L_overlay_start_1:
0x0: {  	(tag) =	ssettag $0x1  }
0x1: {  	s1 =	srdreg.scid  }
0x2: {  	s0 =	stileid.u32;
	s4 =	rddreg [dreg:$0x0]  }
0x3: {  	s2 =	rddreg [dreg:$0x1];
	s3 =	simm.s32 $0x0;
	s9 =	simm.s32 $0x1  }
0x4: {  	s10 =	simm.s32 $0x2800;
	s11 =	simm.s32 $0x5000;
	s12 =	simm.s32 $0x7780  }
0x5: {  	s13 =	simm.s32 $0x9F00;
	s5 =	sand.u32 $0x1, s1;
	s30 =	sshll.u32 s0, $0x1  }
0x6: {  	s14 =	simm.s32 $0x0;
	s6 =	sor.u32 s5, s30;
	s5 =	ssub.s32 $0x2, s5  }
0x7: {  	[smem:$0x7FF] =	sst s3;
	s6 =	smul.u32 $0x4E2, s6;
	s31 =	sshrl.u32 s5, $0x1  }
0x8: {  	s1 =	rddreg [dreg:$0x2];
	_ =	strace $0x80000059;
	s8 =	ssub.s32 s5, s31  }
0x9: {  	s7 =	sadd.s32 s6, s4;
	s4 =	sadd.s32 $0x16A00, s4;
	s8 =	smax.u32 s8, $0x1  }
0xa: {  	s5 =	sadd.s32 $0x2E00, s7;
	s6 =	sadd.s32 $0xCC00, s7;
	s7 =	sadd.s32 $0x17000, s7  }
.LBB2_1:
0xb: {  	[tilespmem:s3], [sflag:$0x1] =	stream.linear.gather [hbm4b:s4+s3], $0x2800, $0x38;
	[tilespmem:$0xC680] =	vst v63  }
0xc: {  	_ =	swait.ge [sflag:s9], $0x2800  }
0xd: {  	[sflag:s9] =	ssyncset.done $0x0  }
0xe: {  	[sflag:s9] =	ssyncadd.s32 $0xFFFFD800  }
0xf: {  	[tilespmem:s10], [sflag:$0x1] =	stream.linear.gather [hbm4b:s2+s3], $0x2800, $0x38;
	[tilespmem:$0xC680] =	vst v63  }
0x10: {  	_ =	swait.ge [sflag:s9], $0x2800  }
0x11: {  	[sflag:s9] =	ssyncset.done $0x0  }
0x12: {  	[sflag:s9] =	ssyncadd.s32 $0xFFFFD800  }
0x13: {  	[tilespmem:s11], [sflag:$0x1] =	stream.linear.gather [hbm4b:s5+s3], $0x2710, $0x38;
	[tilespmem:$0xC680] =	vst v63  }
0x14: {  	_ =	swait.ge [sflag:s9], $0x2710  }
0x15: {  	[sflag:s9] =	ssyncset.done $0x0  }
0x16: {  	[sflag:s9] =	ssyncadd.s32 $0xFFFFD8F0  }
0x17: {  	[tilespmem:s12], [sflag:$0x1] =	stream.linear.gather [hbm4b:s6+s3], $0x2710, $0x38;
	[tilespmem:$0xC680] =	vst v63  }
0x18: {  	_ =	swait.ge [sflag:s9], $0x2710  }
0x19: {  	[sflag:s9] =	ssyncset.done $0x0  }
0x1a: {  	s15 =	simm.s32 $0x0;
	[sflag:s9] =	ssyncadd.s32 $0xFFFFD8F0  }
0x1b: {  	v0 =	vld [tilespmem:s15+$0x7780]  }
0x1c: {  	v1 =	vld [tilespmem:s15+$0x5000];
	_ =	sdelay $0x6  }
0x1d: {  	v0 =	vld.idx.msk [tilespmem:v0+s10+$0x0], $0xffff  }
0x1e: {  	s16 =	simm.s32 $0x10;
	v2 =	vld.idx.msk [tilespmem:v1+s3+$0x0], $0xffff  }
0x1f: {  	s17 =	simm.s32 $0x80;
	v1 =	vld [tilespmem:s16+$0x7780]  }
.LBB2_2:
0x20: {  	p0 =	sne.s32 s17, $0x9C00;
	v3 =	vld [tilespmem:s16+$0x5000];
	_ =	sdelay $0x3  }
0x21: {  	v0 =	vadd.f32 v0, v2  }
.Ltmp0:
0x22: {  	(pc) =	sbr.rel @p0 .LBB2_2-.Ltmp0, $4  }
0x23: {  	[tilespmem:s15+$0x9F00] =	vst v0;
	s15 =	smov.u32 s16  }
0x24: {  	v0 =	vld.idx.msk [tilespmem:v1+s10+$0x0], $0xffff  }
0x25: {  	s16 =	sshra.s32 s17, $0x2;
	v2 =	vld.idx.msk [tilespmem:v3+s3+$0x0], $0xffff  }
0x26: {  	s17 =	sadd.s32 $0x40, s17;
	v1 =	vld [tilespmem:s16+$0x7780]  }
0x27: {  	_ = 	snop  }
0x28: {  	v3 =	vld [tilespmem:s16+$0x5000];
	_ =	sdelay $0x3  }
0x29: {  	v0 =	vadd.f32 v0, v2;
	_ =	sdelay $0x1  }
0x2a: {  	[tilespmem:s15+$0x9F00] =	vst v0  }
0x2b: {  	v0 =	vld.idx.msk [tilespmem:v1+s10+$0x0], $0xffff  }
0x2c: {  	v63 =	vld.idx.msk [tilespmem:v3+s3+$0x0], $0xffff;
	_ =	sdelay $0x4  }
0x2d: {  	s14 =	sadd.s32 $0x1, s14;
	v0 =	vadd.f32 v0, v63  }
0x2e: {  	p0 =	sne.s32 s14, s8  }
.Ltmp1:
0x2f: {  	[tilespmem:s16+$0x9F00] =	vst v0;
	(pc) =	sbr.rel @p0 .LBB2_1-.Ltmp1, $4  }
0x30: {  	[hbm4b:s7+s3] =	stream.linear.scatter [tilespmem:s13], [sflag:$0x1], $0x2710, $0x38;
	[tilespmem:$0xC680] =	vst v63  }
0x31: {  	_ =	swait.ge [sflag:s9], $0x2710  }
0x32: {  	[sflag:s9] =	ssyncset.done $0x0  }
0x33: {  	[sflag:s9] =	ssyncadd.s32 $0xFFFFD8F0  }
0x34: {  	_ =	sfence.sel $0x180000  }
0x35: {  	[bflag:$0x0] =	sbarrier.arrive $0xFFFF  }
0x36: {  	p0 =	sne.s32 s0, $0x0;
	_ =	strace $0x90000059  }
0x37: {  	s0 =	sadd.s32 @!p0 $0x100000, s1;
	[bflag:$0x2] =	sbarrier.arrive $0xFFFF  }
0x38: {  	[sflag:s0] =	ssyncadd.tile.s32 @!p0 $0x1;
	_ =	shalt  }
.Lfunc_end2:
_tile_overlayer_lowered:
.L_overlay_start_2:
0x39: {  	(tag) =	ssettag $0x2  }
0x3a: {  	s0 =	rddreg [dreg:$0x0];
	s2 =	stileid.u32  }
0x3b: {  	s1 =	rddreg [dreg:$0x1];
	p0 =	sne.s32 s2, $0x0  }
0x3c: {  	s3 =	rddreg [dreg:$0x2];
	[bflag:$0x3] =	sbarrier.arrive $0xFFFF;
	s2 =	simm.s32 @!p0 $0x1C01  }
0x3d: {  	[timem:s3], [sflag:s2] =	dma.local @!p0 [hbm:s0], s1  }
0x3e: {  	s0 =	simm.s32 @!p0 $0x1  }
0x3f: {  	_ =	swait.ge @!p0 [sflag:s0], s1  }
0x40: {  	s1 =	ssub.s32 @!p0 $0x0, s1;
	[sflag:s0] =	ssyncset.done @!p0 $0x0  }
0x41: {  	[sflag:s0] =	ssyncadd.s32 @!p0 s1  }
0x42: {  	[bflag:$0x3] =	sbarrier.arrive $0xFFFF  }
0x43: {  	_ =	shalt  }

// kernel: scatter_offload_async_start.1
scs
__scs_entry_jumppad:
0x0: {  	(pc) =	sbr.rel $0x88, $3  }
0x1: {  	(tag) =	ssettag $0x0;
	lr =	simm.s32 $0x1  }
0x2: {  	[smem:$0x3F8A] =	sst lr;
	_ =	strace $0xD0000000  }
0x3: {  	_ = 	snop  }
0x4: {  	_ = 	snop  }
0x5: {  	_ = 	snop  }
0x6: {  	_ = 	snop  }
0x7: {  	_ = 	snop  }
__scs_overlays_trampoline_lowered:
0x8: {  	[smem:$0x3F99] =	sst s0  }
0x9: {  	[smem:$0x3F9A] =	sst s1  }
0xa: {  	[smem:$0x3F9B] =	sst s2  }
0xb: {  	[smem:$0x3F9C] =	sst s3  }
0xc: {  	[smem:$0x3F9D] =	sst s4  }
0xd: {  	[smem:$0x3F9E] =	sst s5  }
0xe: {  	[smem:$0x3F9F] =	sst s6  }
0xf: {  	[smem:$0x3FA0] =	sst s7  }
0x10: {  	[smem:$0x3FA1] =	sst s8  }
0x11: {  	[smem:$0x3FA2] =	sst s9;
	s0 =	simm.s32 @!p0 $0x0  }
0x12: {  	s1 =	sld [smem:$0x3F88];
	s0 =	simm.s32 @p0 $0x1  }
0x13: {  	[smem:$0x3FA3] =	sst s0;
	s0 =	simm.s32 @!p1 $0x0  }
0x14: {  	s2 =	sld [smem:$0x3F87];
	s0 =	simm.s32 @p1 $0x1  }
0x15: {  	[smem:$0x3FA4] =	sst s0;
	s0 =	simm.s32 @!p2 $0x0  }
0x16: {  	s3 =	sld [smem:$0x3FDB];
	s0 =	simm.s32 @p2 $0x1  }
0x17: {  	s4 =	simm.s32 $0x1BF5;
	[smem:$0x3FA6] =	sst s0  }
0x18: {  	s0 =	sld [smem:$0x3F89];
	_ =	swait.ge [sflag:s4], $0x0  }
0x19: {  	s7 =	sld [smem:$0x3F8A]  }
0x1a: {  	s8 =	sadd.s32 $0xFFFFE003, lr  }
0x1b: {  	s9 =	sadd.s32 $0xFFFFFEF7, lr;
	s5 =	simm.s32 $0xFFFFFFFF;
	p2 =	slt.u32 s8, $0xFFFFF086  }
0x1c: {  	p1 =	slt.u32 s9, $0xF7A;
	s5 =	simm.s32 @!p2 $0x0  }
0x1d: {  	s5 =	simm.s32 @p1 $0x1;
	p0 =	seq.s32 s7, s2  }
0x1e: {  	s7 =	smul.u32 @!p0 $0xF7A, s2;
	p2 =	seq.s32 @!p0 s5, $0x0  }
0x1f: {  	s9 =	smul.u32 $0xF7A, s1;
	s8 =	simm.s32 @!p0 $0x1BF5;
	p2 =	por !p2, p0  }
0x20: {  	[sflag:s8] =	ssyncset.s32 @!p0 $0xFFFFF086;
	s6 =	sadd.s32 @!p0 s3, s7;
	s7 =	simm.s32 @!p0 $0x108  }
0x21: {  	s3 =	sadd.s32 s3, s9;
	s6 =	sadd.s32 @!p0 $0x88, s6;
	s7 =	simm.s32 @p2 $0x1082  }
0x22: {  	[simem:s7], [sflag:s8] =	dma.local @!p0 [hbm:s6], $0xF7A  }
0x23: {  	s9 =	sor.u32 $0xD0000000, s2;
	s6 =	simm.s32 $0x108;
	_ =	swait.ge @!p0 [sflag:s8], $0x0  }
0x24: {  	s3 =	sadd.s32 $0x88, s3;
	s6 =	simm.s32 @!p1 $0x1082;
	[sflag:s4] =	ssyncset.s32 $0xFFFFF086  }
0x25: {  	[simem:s6], [sflag:s4] =	dma.local [hbm:s3], $0xF7A  }
0x26: {  	[smem:$0x3F8A] =	sst s1;
	(tag) =	ssettag s2;
	_ =	strace s9  }
0x27: {  	s1 =	sld [smem:$0x3F9A]  }
0x28: {  	s2 =	sld [smem:$0x3F9B]  }
0x29: {  	s4 =	sld [smem:$0x3F9D]  }
0x2a: {  	p0 =	seq.s32 s5, $0x0;
	s5 =	sld [smem:$0x3F9E]  }
0x2b: {  	s6 =	sld [smem:$0x3F9F]  }
0x2c: {  	s7 =	sld [smem:$0x3FA0]  }
0x2d: {  	s3 =	simm.s32 $0x108;
	s8 =	sld [smem:$0x3FA1]  }
0x2e: {  	s3 =	simm.s32 @!p0 $0x1082;
	s9 =	sld [smem:$0x3FA2]  }
0x2f: {  	lr =	sadd.s32 s0, s3;
	s0 =	sld [smem:$0x3F99]  }
0x30: {  	s3 =	sld [smem:$0x3F9C]  }
0x31: {  	[smem:$0x3FA5] =	sst s10  }
0x32: {  	s10 =	sld [smem:$0x3FA3];
	_ =	sdelay $0x3  }
0x33: {  	p0 =	seq.s32 s10, $0x1;
	s10 =	sld [smem:$0x3FA5];
	_ =	sdelay $0x3  }
0x34: {  	[smem:$0x3FA5] =	sst s10  }
0x35: {  	s10 =	sld [smem:$0x3FA4];
	_ =	sdelay $0x3  }
0x36: {  	p1 =	seq.s32 s10, $0x1;
	s10 =	sld [smem:$0x3FA5];
	_ =	sdelay $0x3  }
0x37: {  	[smem:$0x3FA5] =	sst s10  }
0x38: {  	s10 =	sld [smem:$0x3FA6]  }
0x39: {  	_ = 	snop;
	(pc) =	sbr.ind lr, $3  }
0x3a: {  	_ = 	snop  }
0x3b: {  	_ = 	snop  }
0x3c: {  	p2 =	seq.s32 s10, $0x1;
	s10 =	sld [smem:$0x3FA5]  }
0x3d: {  	_ =	shalt  }
0x3e: {  	_ =	shalt  }
0x3f: {  	_ =	shalt  }
0x40: {  	_ =	shalt  }
0x41: {  	_ =	shalt  }
0x42: {  	_ =	shalt  }
0x43: {  	_ =	shalt  }
0x44: {  	_ =	shalt  }
0x45: {  	_ =	shalt  }
0x46: {  	_ =	shalt  }
0x47: {  	_ =	shalt  }
0x48: {  	_ =	shalt  }
0x49: {  	_ =	shalt  }
0x4a: {  	_ =	shalt  }
0x4b: {  	_ =	shalt  }
0x4c: {  	_ =	shalt  }
0x4d: {  	_ =	shalt  }
0x4e: {  	_ =	shalt  }
0x4f: {  	_ =	shalt  }
0x50: {  	_ =	shalt  }
0x51: {  	_ =	shalt  }
0x52: {  	_ =	shalt  }
0x53: {  	_ =	shalt  }
0x54: {  	_ =	shalt  }
0x55: {  	_ =	shalt  }
0x56: {  	_ =	shalt  }
0x57: {  	_ =	shalt  }
0x58: {  	_ =	shalt  }
0x59: {  	_ =	shalt  }
0x5a: {  	_ =	shalt  }
0x5b: {  	_ =	shalt  }
0x5c: {  	_ =	shalt  }
0x5d: {  	_ =	shalt  }
0x5e: {  	_ =	shalt  }
0x5f: {  	_ =	shalt  }
0x60: {  	_ =	shalt  }
0x61: {  	_ =	shalt  }
0x62: {  	_ =	shalt  }
0x63: {  	_ =	shalt  }
0x64: {  	_ =	shalt  }
0x65: {  	_ =	shalt  }
0x66: {  	_ =	shalt  }
0x67: {  	_ =	shalt  }
0x68: {  	_ =	shalt  }
0x69: {  	_ =	shalt  }
0x6a: {  	_ =	shalt  }
0x6b: {  	_ =	shalt  }
0x6c: {  	_ =	shalt  }
0x6d: {  	_ =	shalt  }
0x6e: {  	_ =	shalt  }
0x6f: {  	_ =	shalt  }
0x70: {  	_ =	shalt  }
0x71: {  	_ =	shalt  }
0x72: {  	_ =	shalt  }
0x73: {  	_ =	shalt  }
0x74: {  	_ =	shalt  }
0x75: {  	_ =	shalt  }
0x76: {  	_ =	shalt  }
0x77: {  	_ =	shalt  }
0x78: {  	_ =	shalt  }
0x79: {  	_ =	shalt  }
0x7a: {  	_ =	shalt  }
0x7b: {  	_ =	shalt  }
0x7c: {  	_ =	shalt  }
0x7d: {  	_ =	shalt  }
0x7e: {  	_ =	shalt  }
0x7f: {  	_ =	shalt  }
0x80: {  	_ =	shalt  }
0x81: {  	_ =	shalt  }
0x82: {  	_ =	shalt  }
0x83: {  	_ =	shalt  }
0x84: {  	_ =	shalt  }
0x85: {  	_ =	shalt  }
0x86: {  	_ =	shalt  }
0x87: {  	_ =	shalt  }
.Lfunc_end0:
.L_simem_size_0:
called_computation.1_lowered:
.L_overlay_start_0:
0x88: {  	s2 =	sld [smem:$0x3FD9]  }
0x89: {  	s3 =	sld [smem:$0x3FFE];
	_ =	sdelay $0x1  }
0x8a: {  	s1 =	srdreg.scid  }
0x8b: {  	s0 =	sand.u32 $0x1, s1  }
0x8c: {  	s15 =	sshll.u32 s0, $0xA;
	s2 =	sadd.s32 s3, s2  }
0x8d: {  	s2 =	sadd.s32 s2, s15  }
0x8e: {  	[smem:$0x3FB1] =	sst s2  }
0x8f: {  	_ = 	snop  }
0x90: {  	(tm) =	ssettm $0x1  }
0x91: {  	s16 =	sld [smem:$0x3FFB];
	_ =	sdelay $0x3  }
0x92: {  	_ =	strace s16  }
0x93: {  	s2 =	sld [smem:$0x3FFC];
	_ =	sdelay $0x3  }
0x94: {  	_ =	strace s2  }
0x95: {  	s2 =	sld [smem:$0x3FFD];
	_ =	sdelay $0x3  }
0x96: {  	_ =	strace s2  }
0x97: {  	_ =	strace $0x8FFFFFFF  }
0x98: {  	s17 =	sld [smem:$0x3FDB];
	_ =	sdelay $0x1  }
0x99: {  	s18 =	simm.s32 $_scs_section_size  }
0x9a: {  	s4 =	simm.s32 $_size__tile_overlayer_lowered;
	s5 =	simm.s32 $_tile_overlayer_lowered  }
0x9b: {  	s21 =	simm.s32 $0x1BFF;
	s20 =	sshll.u32 s5, $0x1;
	s2 =	sadd.s32 s18, s17  }
0x9c: {  	s6 =	simm.s32 $0x0;
	s19 =	sshll.u32 s4, $0x1;
	s4 =	sadd.s32 s20, s2  }
0x9d: {  	[timem:s6], [sflag:s21] =	dma.local [hbm:s4], s19  }
0x9e: {  	_ =	swait.ge [sflag:s21], s19  }
0x9f: {  	s3 =	ssub.s32 $0x0, s19;
	[sflag:s21] =	ssyncset.done $0x0  }
0xa0: {  	[sflag:s21] =	ssyncadd.s32 s3;
	_ =	sdelay $0x1  }
0xa1: {  	s22 =	simm.s32 $0x1B8B  }
0xa2: {  	_ =	swait.ge [sflag:s22], $0x1  }
0xa3: {  	[sflag:s22] =	ssyncset.done $0x0  }
0xa4: {  	s23 =	sld [smem:$0x3FFE];
	[sflag:s22] =	ssyncadd.s32 $0xFFFFFFFF  }
0xa5: {  	s25 =	simm.s32 $0x1B8E;
	s24 =	sld [smem:$0x0]  }
0xa6: {  	s26 =	simm.s32 $execute0_lowered;
	[smem:$0x3FD2] =	sst s25  }
0xa7: {  	s5 =	sshll.u32 s26, $0x1;
	_ =	strace $0x80000055;
	[dreg:$0x1] =	wrdreg $0xFFFFFFFF  }
0xa8: {  	s28 =	simm.s32 $_size_execute0_lowered;
	s2 =	sadd.s32 s2, s5;
	[dreg:$0x0] =	wrdreg $0x0  }
0xa9: {  	s5 =	sshll.u32 s28, $0x1;
	[dreg:$0x2] =	wrdreg s2  }
0xaa: {  	[dreg:$0x3] =	wrdreg s5  }
0xab: {  	[dreg:$0x4] =	wrdreg $0xC0  }
0xac: {  	_ =	task [dreg:s6], $0x5FFFF  }
0xad: {  	[dreg:$0x1] =	wrdreg $0xFFFFFFFF  }
0xae: {  	[dreg:$0x0] =	wrdreg $0x60  }
0xaf: {  	[dreg:$0x2] =	wrdreg s23  }
0xb0: {  	[dreg:$0x3] =	wrdreg s1  }
0xb1: {  	[dreg:$0x4] =	wrdreg s24  }
0xb2: {  	[dreg:$0x5] =	wrdreg $0x9  }
0xb3: {  	_ =	task.clear_ibuf [dreg:s6], $0x6FFFF;
	_ =	strace $0x90000055  }
0xb4: {  	s29 =	simm.s32 $0x9;
	_ =	strace $0x80000057  }
0xb5: {  	_ =	swait.ge [sflag:s29], $0x1  }
0xb6: {  	[sflag:s29] =	ssyncadd.s32 $0xFFFFFFFF  }
0xb7: {  	_ =	strace $0x90000057  }
0xb8: {  	_ =	sfence  }
0xb9: {  	s30 =	sld [smem:$0x0];
	_ =	sdelay $0x2  }
0xba: {  	s31 =	sshll.u32 s1, $0xD;
	s1 =	sshrl.u32 s1, $0x2  }
0xbb: {  	s3 =	sand.u32 $0x4000, s31;
	s1 =	sadd.s32 s1, s30  }
0xbc: {  	s0 =	sor.u32 s3, s0;
	s1 =	sshll.u32 s1, $0x11  }
0xbd: {  	s0 =	sor.u32 s1, s0  }
0xbe: {  	s0 =	sadd.s32 $0x8F2B, s0  }
0xbf: {  	[sflag:s0] =	ssyncadd.remote.s32 $0x1  }
0xc0: {  	_ =	sfence.sel $0xFFFF  }
0xc1: {  	[dreg:$0x0] =	wrdreg $0xFFFFFFFF;
	(pc) =	sbr.abs _section_cstart, $3  }
0xc2: {  	[dreg:$0x1] =	wrdreg $0xFFFFFFFF  }
0xc3: {  	_ =	task.clear_ibuf [dreg:s6], $0x2FFFF;
	_ =	strace $0x9FFFFFFF  }
0xc4: {  	(tm) =	ssettm $0x7FFFFFFF  }
0xc5: {  	_ =	shalt  }
tec
execute0_lowered:
.L_overlay_start_1:
0x0: {  	(tag) =	ssettag $0x1  }
0x1: {  	s11 =	rddreg [dreg:$0x0]  }
0x2: {  	s2 =	rddreg [dreg:$0x1];
	_ =	strace $0x80000056;
	s12 =	simm.s32 $0x1  }
0x3: {  	v0 =	vimm.s32 $0x0;
	[sflag:s12] =	ssyncpa.u1 $0x0  }
0x4: {  	[tilespmem:$0x28] =	vst v0  }
0x5: {  	[tilespmem:$0x38] =	vst v0  }
0x6: {  	[tilespmem:$0x48] =	vst v0  }
0x7: {  	[tilespmem:$0x58] =	vst v0  }
0x8: {  	[tilespmem:$0x68] =	vst v0  }
0x9: {  	[tilespmem:$0x78] =	vst v0  }
0xa: {  	[tilespmem:$0x88] =	vst v0  }
0xb: {  	[tilespmem:$0x98] =	vst v0  }
0xc: {  	[tilespmem:$0xA8] =	vst v0  }
0xd: {  	[tilespmem:$0xB8] =	vst v0  }
0xe: {  	[tilespmem:$0xC8] =	vst v0  }
0xf: {  	[tilespmem:$0xD8] =	vst v0  }
0x10: {  	[tilespmem:$0xE8] =	vst v0  }
0x11: {  	[tilespmem:$0xF8] =	vst v0  }
0x12: {  	[tilespmem:$0x108] =	vst v0  }
0x13: {  	[tilespmem:$0x118] =	vst v0  }
0x14: {  	[tilespmem:$0x128] =	vst v0  }
0x15: {  	[tilespmem:$0x138] =	vst v0  }
0x16: {  	[tilespmem:$0x148] =	vst v0  }
0x17: {  	[tilespmem:$0x158] =	vst v0  }
0x18: {  	[tilespmem:$0x168] =	vst v0  }
0x19: {  	[tilespmem:$0x178] =	vst v0  }
0x1a: {  	[tilespmem:$0x188] =	vst v0  }
0x1b: {  	[tilespmem:$0x198] =	vst v0  }
0x1c: {  	[tilespmem:$0x1A8] =	vst v0  }
0x1d: {  	[tilespmem:$0x1B8] =	vst v0  }
0x1e: {  	[tilespmem:$0x1C8] =	vst v0  }
0x1f: {  	[tilespmem:$0x1D8] =	vst v0  }
0x20: {  	[tilespmem:$0x1E8] =	vst v0  }
0x21: {  	[tilespmem:$0x1F8] =	vst v0  }
0x22: {  	[tilespmem:$0x208] =	vst v0  }
0x23: {  	[tilespmem:$0x218] =	vst v0  }
0x24: {  	[tilespmem:$0x228] =	vst v0  }
0x25: {  	[tilespmem:$0x238] =	vst v0  }
0x26: {  	[tilespmem:$0x248] =	vst v0  }
0x27: {  	[tilespmem:$0x258] =	vst v0  }
0x28: {  	[tilespmem:$0x268] =	vst v0  }
0x29: {  	[tilespmem:$0x278] =	vst v0  }
0x2a: {  	[tilespmem:$0x288] =	vst v0  }
0x2b: {  	[tilespmem:$0x298] =	vst v0  }
0x2c: {  	[tilespmem:$0x2A8] =	vst v0  }
0x2d: {  	[tilespmem:$0x2B8] =	vst v0  }
0x2e: {  	[tilespmem:$0x2C8] =	vst v0  }
0x2f: {  	[tilespmem:$0x2D8] =	vst v0  }
0x30: {  	[tilespmem:$0x2E8] =	vst v0  }
0x31: {  	[tilespmem:$0x2F8] =	vst v0  }
0x32: {  	[tilespmem:$0x308] =	vst v0  }
0x33: {  	[tilespmem:$0x318] =	vst v0  }
0x34: {  	[tilespmem:$0x328] =	vst v0  }
0x35: {  	[tilespmem:$0x338] =	vst v0  }
0x36: {  	[tilespmem:$0x348] =	vst v0  }
0x37: {  	[tilespmem:$0x358] =	vst v0  }
0x38: {  	[tilespmem:$0x368] =	vst v0  }
0x39: {  	[tilespmem:$0x378] =	vst v0  }
0x3a: {  	[tilespmem:$0x388] =	vst v0  }
0x3b: {  	[tilespmem:$0x398] =	vst v0  }
0x3c: {  	[tilespmem:$0x3A8] =	vst v0  }
0x3d: {  	[tilespmem:$0x3B8] =	vst v0  }
0x3e: {  	[tilespmem:$0x3C8] =	vst v0  }
0x3f: {  	[tilespmem:$0x3D8] =	vst v0  }
0x40: {  	[tilespmem:$0x3E8] =	vst v0  }
0x41: {  	[tilespmem:$0x3F8] =	vst v0  }
0x42: {  	[tilespmem:$0x408] =	vst v0  }
0x43: {  	[tilespmem:$0x418] =	vst v0  }
0x44: {  	[tilespmem:$0x428] =	vst v0  }
0x45: {  	[tilespmem:$0x438] =	vst v0  }
0x46: {  	[tilespmem:$0x448] =	vst v0  }
0x47: {  	[tilespmem:$0x458] =	vst v0  }
0x48: {  	[tilespmem:$0x468] =	vst v0  }
0x49: {  	[tilespmem:$0x478] =	vst v0  }
0x4a: {  	[tilespmem:$0x488] =	vst v0  }
0x4b: {  	[tilespmem:$0x498] =	vst v0  }
0x4c: {  	[tilespmem:$0x4A8] =	vst v0  }
0x4d: {  	[tilespmem:$0x4B8] =	vst v0  }
0x4e: {  	[tilespmem:$0x4C8] =	vst v0  }
0x4f: {  	[tilespmem:$0x4D8] =	vst v0  }
0x50: {  	[tilespmem:$0x4E8] =	vst v0  }
0x51: {  	[tilespmem:$0x4F8] =	vst v0  }
0x52: {  	[tilespmem:$0x508] =	vst v0  }
0x53: {  	[tilespmem:$0x518] =	vst v0  }
0x54: {  	[tilespmem:$0x528] =	vst v0  }
0x55: {  	[tilespmem:$0x538] =	vst v0  }
0x56: {  	[tilespmem:$0x548] =	vst v0  }
0x57: {  	[tilespmem:$0x558] =	vst v0  }
0x58: {  	[tilespmem:$0x568] =	vst v0  }
0x59: {  	[tilespmem:$0x578] =	vst v0  }
0x5a: {  	[tilespmem:$0x588] =	vst v0  }
0x5b: {  	[tilespmem:$0x598] =	vst v0  }
0x5c: {  	[tilespmem:$0x5A8] =	vst v0  }
0x5d: {  	[tilespmem:$0x5B8] =	vst v0  }
0x5e: {  	[tilespmem:$0x5C8] =	vst v0  }
0x5f: {  	[tilespmem:$0x5D8] =	vst v0  }
0x60: {  	[tilespmem:$0x5E8] =	vst v0  }
0x61: {  	[tilespmem:$0x5F8] =	vst v0  }
0x62: {  	[tilespmem:$0x608] =	vst v0  }
0x63: {  	[tilespmem:$0x618] =	vst v0  }
0x64: {  	[tilespmem:$0x628] =	vst v0  }
0x65: {  	[tilespmem:$0x638] =	vst v0  }
0x66: {  	[tilespmem:$0x648] =	vst v0  }
0x67: {  	[tilespmem:$0x658] =	vst v0  }
0x68: {  	[tilespmem:$0x668] =	vst v0  }
0x69: {  	[tilespmem:$0x678] =	vst v0  }
0x6a: {  	[tilespmem:$0x688] =	vst v0  }
0x6b: {  	[tilespmem:$0x698] =	vst v0  }
0x6c: {  	[tilespmem:$0x6A8] =	vst v0  }
0x6d: {  	[tilespmem:$0x6B8] =	vst v0  }
0x6e: {  	[tilespmem:$0x6C8] =	vst v0  }
0x6f: {  	[tilespmem:$0x6D8] =	vst v0  }
0x70: {  	[tilespmem:$0x6E8] =	vst v0  }
0x71: {  	[tilespmem:$0x6F8] =	vst v0  }
0x72: {  	[tilespmem:$0x708] =	vst v0  }
0x73: {  	[tilespmem:$0x718] =	vst v0  }
0x74: {  	[tilespmem:$0x728] =	vst v0  }
0x75: {  	[tilespmem:$0x738] =	vst v0  }
0x76: {  	[tilespmem:$0x748] =	vst v0  }
0x77: {  	[tilespmem:$0x758] =	vst v0  }
0x78: {  	[tilespmem:$0x768] =	vst v0  }
0x79: {  	[tilespmem:$0x778] =	vst v0  }
0x7a: {  	[tilespmem:$0x788] =	vst v0  }
0x7b: {  	[tilespmem:$0x798] =	vst v0  }
0x7c: {  	[tilespmem:$0x7A8] =	vst v0  }
0x7d: {  	[tilespmem:$0x7B8] =	vst v0  }
0x7e: {  	[tilespmem:$0x7C8] =	vst v0  }
0x7f: {  	[tilespmem:$0x7D8] =	vst v0  }
0x80: {  	[tilespmem:$0x7E8] =	vst v0  }
0x81: {  	[tilespmem:$0x7F8] =	vst v0  }
0x82: {  	[tilespmem:$0x808] =	vst v0  }
0x83: {  	[tilespmem:$0x818] =	vst v0  }
0x84: {  	[tilespmem:$0x828] =	vst v0  }
0x85: {  	[tilespmem:$0x838] =	vst v0  }
0x86: {  	[tilespmem:$0x848] =	vst v0  }
0x87: {  	[tilespmem:$0x858] =	vst v0  }
0x88: {  	[tilespmem:$0x868] =	vst v0  }
0x89: {  	[tilespmem:$0x878] =	vst v0  }
0x8a: {  	[tilespmem:$0x888] =	vst v0  }
0x8b: {  	[tilespmem:$0x898] =	vst v0  }
0x8c: {  	[tilespmem:$0x8A8] =	vst v0  }
0x8d: {  	[tilespmem:$0x8B8] =	vst v0  }
0x8e: {  	[tilespmem:$0x8C8] =	vst v0  }
0x8f: {  	[tilespmem:$0x8D8] =	vst v0  }
0x90: {  	[tilespmem:$0x8E8] =	vst v0  }
0x91: {  	[tilespmem:$0x8F8] =	vst v0  }
0x92: {  	[tilespmem:$0x908] =	vst v0  }
0x93: {  	[tilespmem:$0x918] =	vst v0  }
0x94: {  	[tilespmem:$0x928] =	vst v0  }
0x95: {  	[tilespmem:$0x938] =	vst v0  }
0x96: {  	[tilespmem:$0x948] =	vst v0  }
0x97: {  	[tilespmem:$0x958] =	vst v0  }
0x98: {  	[tilespmem:$0x968] =	vst v0  }
0x99: {  	[tilespmem:$0x978] =	vst v0  }
0x9a: {  	[tilespmem:$0x988] =	vst v0  }
0x9b: {  	[tilespmem:$0x998] =	vst v0  }
0x9c: {  	[tilespmem:$0x9A8] =	vst v0  }
0x9d: {  	[tilespmem:$0x9B8] =	vst v0  }
0x9e: {  	[tilespmem:$0x9C8] =	vst v0  }
0x9f: {  	[tilespmem:$0x9D8] =	vst v0  }
0xa0: {  	[tilespmem:$0x9E8] =	vst v0  }
0xa1: {  	[tilespmem:$0x9F8] =	vst v0  }
0xa2: {  	[tilespmem:$0xA08] =	vst v0  }
0xa3: {  	[tilespmem:$0xA18] =	vst v0  }
0xa4: {  	[tilespmem:$0xA28] =	vst v0  }
0xa5: {  	[tilespmem:$0xA38] =	vst v0  }
0xa6: {  	[tilespmem:$0xA48] =	vst v0  }
0xa7: {  	[tilespmem:$0xA58] =	vst v0  }
0xa8: {  	[tilespmem:$0xA68] =	vst v0  }
0xa9: {  	[tilespmem:$0xA78] =	vst v0  }
0xaa: {  	[tilespmem:$0xA88] =	vst v0  }
0xab: {  	[tilespmem:$0xA98] =	vst v0  }
0xac: {  	[tilespmem:$0xAA8] =	vst v0  }
0xad: {  	[tilespmem:$0xAB8] =	vst v0  }
0xae: {  	[tilespmem:$0xAC8] =	vst v0  }
0xaf: {  	[tilespmem:$0xAD8] =	vst v0  }
0xb0: {  	[tilespmem:$0xAE8] =	vst v0  }
0xb1: {  	[tilespmem:$0xAF8] =	vst v0  }
0xb2: {  	[tilespmem:$0xB08] =	vst v0  }
0xb3: {  	[tilespmem:$0xB18] =	vst v0  }
0xb4: {  	[tilespmem:$0xB28] =	vst v0  }
0xb5: {  	[tilespmem:$0xB38] =	vst v0  }
0xb6: {  	[tilespmem:$0xB48] =	vst v0  }
0xb7: {  	[tilespmem:$0xB58] =	vst v0  }
0xb8: {  	[tilespmem:$0xB68] =	vst v0  }
0xb9: {  	[tilespmem:$0xB78] =	vst v0  }
0xba: {  	[tilespmem:$0xB88] =	vst v0  }
0xbb: {  	[tilespmem:$0xB98] =	vst v0  }
0xbc: {  	[tilespmem:$0xBA8] =	vst v0  }
0xbd: {  	[tilespmem:$0xBB8] =	vst v0  }
0xbe: {  	[tilespmem:$0xBC8] =	vst v0  }
0xbf: {  	[tilespmem:$0xBD8] =	vst v0  }
0xc0: {  	[tilespmem:$0xBE8] =	vst v0  }
0xc1: {  	[tilespmem:$0xBF8] =	vst v0  }
0xc2: {  	[tilespmem:$0xC08] =	vst v0  }
0xc3: {  	[tilespmem:$0xC18] =	vst v0  }
0xc4: {  	[tilespmem:$0xC28] =	vst v0  }
0xc5: {  	[tilespmem:$0xC38] =	vst v0  }
0xc6: {  	[tilespmem:$0xC48] =	vst v0  }
0xc7: {  	[tilespmem:$0xC58] =	vst v0  }
0xc8: {  	[tilespmem:$0xC68] =	vst v0  }
0xc9: {  	[tilespmem:$0xC78] =	vst v0  }
0xca: {  	[tilespmem:$0xC88] =	vst v0  }
0xcb: {  	[tilespmem:$0xC98] =	vst v0  }
0xcc: {  	[tilespmem:$0xCA8] =	vst v0  }
0xcd: {  	[tilespmem:$0xCB8] =	vst v0  }
0xce: {  	[tilespmem:$0xCC8] =	vst v0  }
0xcf: {  	[tilespmem:$0xCD8] =	vst v0  }
0xd0: {  	[tilespmem:$0xCE8] =	vst v0  }
0xd1: {  	[tilespmem:$0xCF8] =	vst v0  }
0xd2: {  	[tilespmem:$0xD08] =	vst v0  }
0xd3: {  	[tilespmem:$0xD18] =	vst v0  }
0xd4: {  	[tilespmem:$0xD28] =	vst v0  }
0xd5: {  	[tilespmem:$0xD38] =	vst v0  }
0xd6: {  	[tilespmem:$0xD48] =	vst v0  }
0xd7: {  	[tilespmem:$0xD58] =	vst v0  }
0xd8: {  	[tilespmem:$0xD68] =	vst v0  }
0xd9: {  	[tilespmem:$0xD78] =	vst v0  }
0xda: {  	[tilespmem:$0xD88] =	vst v0  }
0xdb: {  	[tilespmem:$0xD98] =	vst v0  }
0xdc: {  	[tilespmem:$0xDA8] =	vst v0  }
0xdd: {  	[tilespmem:$0xDB8] =	vst v0  }
0xde: {  	[tilespmem:$0xDC8] =	vst v0  }
0xdf: {  	[tilespmem:$0xDD8] =	vst v0  }
0xe0: {  	[tilespmem:$0xDE8] =	vst v0  }
0xe1: {  	[tilespmem:$0xDF8] =	vst v0  }
0xe2: {  	[tilespmem:$0xE08] =	vst v0  }
0xe3: {  	[tilespmem:$0xE18] =	vst v0  }
0xe4: {  	[tilespmem:$0xE28] =	vst v0  }
0xe5: {  	[tilespmem:$0xE38] =	vst v0  }
0xe6: {  	[tilespmem:$0xE48] =	vst v0  }
0xe7: {  	[tilespmem:$0xE58] =	vst v0  }
0xe8: {  	[tilespmem:$0xE68] =	vst v0  }
0xe9: {  	[tilespmem:$0xE78] =	vst v0  }
0xea: {  	[tilespmem:$0xE88] =	vst v0  }
0xeb: {  	[tilespmem:$0xE98] =	vst v0  }
0xec: {  	[tilespmem:$0xEA8] =	vst v0  }
0xed: {  	[tilespmem:$0xEB8] =	vst v0  }
0xee: {  	[tilespmem:$0xEC8] =	vst v0  }
0xef: {  	[tilespmem:$0xED8] =	vst v0  }
0xf0: {  	[tilespmem:$0xEE8] =	vst v0  }
0xf1: {  	[tilespmem:$0xEF8] =	vst v0  }
0xf2: {  	[tilespmem:$0xF08] =	vst v0  }
0xf3: {  	[tilespmem:$0xF18] =	vst v0  }
0xf4: {  	[tilespmem:$0xF28] =	vst v0  }
0xf5: {  	[tilespmem:$0xF38] =	vst v0  }
0xf6: {  	[tilespmem:$0xF48] =	vst v0  }
0xf7: {  	[tilespmem:$0xF58] =	vst v0  }
0xf8: {  	[tilespmem:$0xF68] =	vst v0  }
0xf9: {  	[tilespmem:$0xF78] =	vst v0  }
0xfa: {  	[tilespmem:$0xF88] =	vst v0  }
0xfb: {  	[tilespmem:$0xF98] =	vst v0  }
0xfc: {  	[tilespmem:$0xFA8] =	vst v0  }
0xfd: {  	[tilespmem:$0xFB8] =	vst v0  }
0xfe: {  	[tilespmem:$0xFC8] =	vst v0  }
0xff: {  	[tilespmem:$0xFD8] =	vst v0  }
0x100: {  	[tilespmem:$0xFE8] =	vst v0  }
0x101: {  	[tilespmem:$0xFF8] =	vst v0  }
0x102: {  	[tilespmem:$0x1028] =	vst v0  }
0x103: {  	[tilespmem:$0x10E8] =	vst v0  }
0x104: {  	[tilespmem:$0x1068] =	vst v0  }
0x105: {  	[tilespmem:$0x1B28] =	vst v0  }
0x106: {  	[tilespmem:$0x1B18] =	vst v0  }
0x107: {  	[tilespmem:$0x1B08] =	vst v0  }
0x108: {  	[tilespmem:$0x1AF8] =	vst v0  }
0x109: {  	[tilespmem:$0x1AE8] =	vst v0  }
0x10a: {  	[tilespmem:$0x1AD8] =	vst v0  }
0x10b: {  	[tilespmem:$0x1AC8] =	vst v0  }
0x10c: {  	[tilespmem:$0x1AB8] =	vst v0  }
0x10d: {  	[tilespmem:$0x1AA8] =	vst v0  }
0x10e: {  	[tilespmem:$0x1A98] =	vst v0  }
0x10f: {  	[tilespmem:$0x1A88] =	vst v0  }
0x110: {  	[tilespmem:$0x1A78] =	vst v0  }
0x111: {  	[tilespmem:$0x1A68] =	vst v0  }
0x112: {  	[tilespmem:$0x1A58] =	vst v0  }
0x113: {  	[tilespmem:$0x1A48] =	vst v0  }
0x114: {  	[tilespmem:$0x1A38] =	vst v0  }
0x115: {  	[tilespmem:$0x1A28] =	vst v0  }
0x116: {  	[tilespmem:$0x1A18] =	vst v0  }
0x117: {  	[tilespmem:$0x1A08] =	vst v0  }
0x118: {  	[tilespmem:$0x19F8] =	vst v0  }
0x119: {  	[tilespmem:$0x19E8] =	vst v0  }
0x11a: {  	[tilespmem:$0x19D8] =	vst v0  }
0x11b: {  	[tilespmem:$0x19C8] =	vst v0  }
0x11c: {  	[tilespmem:$0x19B8] =	vst v0  }
0x11d: {  	[tilespmem:$0x19A8] =	vst v0  }
0x11e: {  	[tilespmem:$0x1998] =	vst v0  }
0x11f: {  	[tilespmem:$0x1988] =	vst v0  }
0x120: {  	[tilespmem:$0x1978] =	vst v0  }
0x121: {  	[tilespmem:$0x1968] =	vst v0  }
0x122: {  	[tilespmem:$0x1958] =	vst v0  }
0x123: {  	[tilespmem:$0x1948] =	vst v0  }
0x124: {  	[tilespmem:$0x1938] =	vst v0  }
0x125: {  	[tilespmem:$0x1928] =	vst v0  }
0x126: {  	[tilespmem:$0x1918] =	vst v0  }
0x127: {  	[tilespmem:$0x1908] =	vst v0  }
0x128: {  	[tilespmem:$0x18F8] =	vst v0  }
0x129: {  	[tilespmem:$0x18E8] =	vst v0  }
0x12a: {  	[tilespmem:$0x18D8] =	vst v0  }
0x12b: {  	[tilespmem:$0x18C8] =	vst v0  }
0x12c: {  	[tilespmem:$0x18B8] =	vst v0  }
0x12d: {  	[tilespmem:$0x18A8] =	vst v0  }
0x12e: {  	[tilespmem:$0x1898] =	vst v0  }
0x12f: {  	[tilespmem:$0x1888] =	vst v0  }
0x130: {  	[tilespmem:$0x1878] =	vst v0  }
0x131: {  	[tilespmem:$0x1868] =	vst v0  }
0x132: {  	[tilespmem:$0x1858] =	vst v0  }
0x133: {  	[tilespmem:$0x1848] =	vst v0  }
0x134: {  	[tilespmem:$0x1838] =	vst v0  }
0x135: {  	[tilespmem:$0x1828] =	vst v0  }
0x136: {  	[tilespmem:$0x1818] =	vst v0  }
0x137: {  	[tilespmem:$0x1808] =	vst v0  }
0x138: {  	[tilespmem:$0x17F8] =	vst v0  }
0x139: {  	[tilespmem:$0x17E8] =	vst v0  }
0x13a: {  	[tilespmem:$0x17D8] =	vst v0  }
0x13b: {  	[tilespmem:$0x17C8] =	vst v0  }
0x13c: {  	[tilespmem:$0x17B8] =	vst v0  }
0x13d: {  	[tilespmem:$0x17A8] =	vst v0  }
0x13e: {  	[tilespmem:$0x1798] =	vst v0  }
0x13f: {  	[tilespmem:$0x1788] =	vst v0  }
0x140: {  	[tilespmem:$0x1778] =	vst v0  }
0x141: {  	[tilespmem:$0x1768] =	vst v0  }
0x142: {  	[tilespmem:$0x1758] =	vst v0  }
0x143: {  	[tilespmem:$0x1748] =	vst v0  }
0x144: {  	[tilespmem:$0x1738] =	vst v0  }
0x145: {  	[tilespmem:$0x1728] =	vst v0  }
0x146: {  	[tilespmem:$0x1718] =	vst v0  }
0x147: {  	[tilespmem:$0x1708] =	vst v0  }
0x148: {  	[tilespmem:$0x16F8] =	vst v0  }
0x149: {  	[tilespmem:$0x16E8] =	vst v0  }
0x14a: {  	[tilespmem:$0x16D8] =	vst v0  }
0x14b: {  	[tilespmem:$0x16C8] =	vst v0  }
0x14c: {  	[tilespmem:$0x16B8] =	vst v0  }
0x14d: {  	[tilespmem:$0x16A8] =	vst v0  }
0x14e: {  	[tilespmem:$0x1698] =	vst v0  }
0x14f: {  	[tilespmem:$0x1688] =	vst v0  }
0x150: {  	[tilespmem:$0x1678] =	vst v0  }
0x151: {  	[tilespmem:$0x1668] =	vst v0  }
0x152: {  	[tilespmem:$0x1658] =	vst v0  }
0x153: {  	[tilespmem:$0x1648] =	vst v0  }
0x154: {  	[tilespmem:$0x1638] =	vst v0  }
0x155: {  	[tilespmem:$0x1628] =	vst v0  }
0x156: {  	[tilespmem:$0x1618] =	vst v0  }
0x157: {  	[tilespmem:$0x1608] =	vst v0  }
0x158: {  	[tilespmem:$0x15F8] =	vst v0  }
0x159: {  	[tilespmem:$0x15E8] =	vst v0  }
0x15a: {  	[tilespmem:$0x15D8] =	vst v0  }
0x15b: {  	[tilespmem:$0x15C8] =	vst v0  }
0x15c: {  	[tilespmem:$0x15B8] =	vst v0  }
0x15d: {  	[tilespmem:$0x15A8] =	vst v0  }
0x15e: {  	[tilespmem:$0x1598] =	vst v0  }
0x15f: {  	[tilespmem:$0x1588] =	vst v0  }
0x160: {  	[tilespmem:$0x1578] =	vst v0  }
0x161: {  	[tilespmem:$0x1568] =	vst v0  }
0x162: {  	[tilespmem:$0x1558] =	vst v0  }
0x163: {  	[tilespmem:$0x1548] =	vst v0  }
0x164: {  	[tilespmem:$0x1538] =	vst v0  }
0x165: {  	[tilespmem:$0x1528] =	vst v0  }
0x166: {  	[tilespmem:$0x1518] =	vst v0  }
0x167: {  	[tilespmem:$0x1508] =	vst v0  }
0x168: {  	[tilespmem:$0x14F8] =	vst v0  }
0x169: {  	[tilespmem:$0x14E8] =	vst v0  }
0x16a: {  	[tilespmem:$0x14D8] =	vst v0  }
0x16b: {  	[tilespmem:$0x14C8] =	vst v0  }
0x16c: {  	[tilespmem:$0x14B8] =	vst v0  }
0x16d: {  	[tilespmem:$0x14A8] =	vst v0  }
0x16e: {  	[tilespmem:$0x1498] =	vst v0  }
0x16f: {  	[tilespmem:$0x1488] =	vst v0  }
0x170: {  	[tilespmem:$0x1478] =	vst v0  }
0x171: {  	[tilespmem:$0x1468] =	vst v0  }
0x172: {  	[tilespmem:$0x1458] =	vst v0  }
0x173: {  	[tilespmem:$0x1448] =	vst v0  }
0x174: {  	[tilespmem:$0x1438] =	vst v0  }
0x175: {  	[tilespmem:$0x1428] =	vst v0  }
0x176: {  	[tilespmem:$0x1418] =	vst v0  }
0x177: {  	[tilespmem:$0x1408] =	vst v0  }
0x178: {  	[tilespmem:$0x13F8] =	vst v0  }
0x179: {  	[tilespmem:$0x13E8] =	vst v0  }
0x17a: {  	[tilespmem:$0x13D8] =	vst v0  }
0x17b: {  	[tilespmem:$0x13C8] =	vst v0  }
0x17c: {  	[tilespmem:$0x13B8] =	vst v0  }
0x17d: {  	[tilespmem:$0x13A8] =	vst v0  }
0x17e: {  	[tilespmem:$0x1398] =	vst v0  }
0x17f: {  	[tilespmem:$0x1388] =	vst v0  }
0x180: {  	[tilespmem:$0x1378] =	vst v0  }
0x181: {  	[tilespmem:$0x1368] =	vst v0  }
0x182: {  	[tilespmem:$0x1358] =	vst v0  }
0x183: {  	[tilespmem:$0x1348] =	vst v0  }
0x184: {  	[tilespmem:$0x1338] =	vst v0  }
0x185: {  	[tilespmem:$0x1328] =	vst v0  }
0x186: {  	[tilespmem:$0x1318] =	vst v0  }
0x187: {  	[tilespmem:$0x1308] =	vst v0  }
0x188: {  	[tilespmem:$0x12F8] =	vst v0  }
0x189: {  	[tilespmem:$0x12E8] =	vst v0  }
0x18a: {  	[tilespmem:$0x12D8] =	vst v0  }
0x18b: {  	[tilespmem:$0x12C8] =	vst v0  }
0x18c: {  	[tilespmem:$0x12B8] =	vst v0  }
0x18d: {  	[tilespmem:$0x12A8] =	vst v0  }
0x18e: {  	[tilespmem:$0x1298] =	vst v0  }
0x18f: {  	[tilespmem:$0x1288] =	vst v0  }
0x190: {  	[tilespmem:$0x1278] =	vst v0  }
0x191: {  	[tilespmem:$0x1268] =	vst v0  }
0x192: {  	[tilespmem:$0x1258] =	vst v0  }
0x193: {  	[tilespmem:$0x1248] =	vst v0  }
0x194: {  	[tilespmem:$0x1238] =	vst v0  }
0x195: {  	[tilespmem:$0x1228] =	vst v0  }
0x196: {  	[tilespmem:$0x1218] =	vst v0  }
0x197: {  	[tilespmem:$0x1208] =	vst v0  }
0x198: {  	[tilespmem:$0x11F8] =	vst v0  }
0x199: {  	[tilespmem:$0x11E8] =	vst v0  }
0x19a: {  	[tilespmem:$0x11D8] =	vst v0  }
0x19b: {  	[tilespmem:$0x11C8] =	vst v0  }
0x19c: {  	[tilespmem:$0x11B8] =	vst v0  }
0x19d: {  	[tilespmem:$0x11A8] =	vst v0  }
0x19e: {  	[tilespmem:$0x1198] =	vst v0  }
0x19f: {  	[tilespmem:$0x1188] =	vst v0  }
0x1a0: {  	[tilespmem:$0x1178] =	vst v0  }
0x1a1: {  	[tilespmem:$0x1168] =	vst v0  }
0x1a2: {  	[tilespmem:$0x1158] =	vst v0  }
0x1a3: {  	[tilespmem:$0x1148] =	vst v0  }
0x1a4: {  	[tilespmem:$0x1138] =	vst v0  }
0x1a5: {  	[tilespmem:$0x1128] =	vst v0  }
0x1a6: {  	[tilespmem:$0x1118] =	vst v0  }
0x1a7: {  	s4 =	stileid.u32;
	[tilespmem:$0x1108] =	vst v0  }
0x1a8: {  	s0 =	smul.u32 $0x17, s4;
	[tilespmem:$0x10F8] =	vst v0  }
0x1a9: {  	s1 =	smin.u32 s4, $0x3;
	[tilespmem:$0x10C8] =	vst v0  }
0x1aa: {  	[tilespmem:$0x10D8] =	vst v0;
	s0 =	sadd.s32 s1, s0  }
0x1ab: {  	p0 =	slt.u32 s4, $0x3;
	[tilespmem:$0x10B8] =	vst v0;
	s1 =	simm.s32 $0x2880;
	s6 =	smul.u32 $0x1B0, s0  }
0x1ac: {  	s1 =	simm.s32 @!p0 $0x26D0;
	[tilespmem:$0x1038] =	vst v0  }
0x1ad: {  	[tilespmem:$0x10A8] =	vst v0;
	s0 =	sadd.s32 s1, s6  }
0x1ae: {  	s3 =	simm.s32 $0x2;
	s8 =	simm.s32 $0x9;
	[tilespmem:$0x1098] =	vst v0;
	s7 =	smin.u32 s0, $0x27100  }
0x1af: {  	s10 =	simm.s32 $0xA;
	s30 =	simm.s32 $0xB;
	[tilespmem:$0x1088] =	vst v0;
	s0 =	ssub.s32 s7, s6  }
0x1b0: {  	s16 =	simm.s32 $0x0;
	p4 =	por $0x0, $0x0;
	[tilespmem:$0x1078] =	vst v0;
	p0 =	sgt.s32 s0, $0x0  }
0x1b1: {  	s17 =	simm.s32 $0xC;
	s21 =	simm.s32 $0x0;
	[tilespmem:$0x1058] =	vst v0;
	s0 =	simm.s32 @!p0 $0x0  }
0x1b2: {  	s18 =	simm.s32 $0x0;
	s2 =	sand.u32 $0x1, s2;
	[tilespmem:$0x1048] =	vst v0;
	s29 =	smulhi.u32 $0x4BDA12F7, s0  }
0x1b3: {  	s20 =	simm.s32 $0x0;
	s31 =	sshll.u32 s4, $0x5;
	[tilespmem:$0x1018] =	vst v0;
	[dreg:$0x5] =	wrdreg s2  }
0x1b4: {  	s2 =	smul.u32 $0x4E20, s2;
	[tilespmem:$0x1008] =	vst v0;
	[sflag:s3] =	ssyncpa.u1 $0x0;
	s1 =	sshrl.u32 s29, $0x7  }
0x1b5: {  	v0 =	vimm.s32 $0xFFFFFFFF;
	s3 =	sadd.s32 $0x520800, s11;
	[dreg:$0x4] =	wrdreg s31;
	s5 =	smul.u32 $0x1B0, s1  }
.Ltmp0:
0x1b6: {  	[tilespmem:$0x3648] =	vst v0;
	[sflag:s8] =	ssyncpa.u1 $0x0;
	s2 =	sadd.s32 s2, s11;
	(pc) =	sbr.rel .LBB2_1-.Ltmp0, $4  }
0x1b7: {  	[sflag:s10] =	ssyncpa.u1 $0x0;
	s11 =	sadd.s32 $0x194A600, s11;
	p0 =	sne.s32 s0, s5  }
0x1b8: {  	[sflag:s30] =	ssyncpa.u1 $0x0;
	s14 =	sadd.s32 $0x516400, s2;
	s12 =	simm.s32 @!p0 $0x0  }
0x1b9: {  	s15 =	sadd.s32 $0x50C600, s2;
	s19 =	smov.u32 s6;
	s12 =	sadd.s32 s12, s1  }
0x1ba: {  	v0 =	vlaneseq.u32;
	[dreg:$0x6] =	wrdreg s6;
	p0 =	por $0x1, $0x1;
	s4 =	sadd.s32 $0x1, s12  }
.LBB2_18:
0x1bb: {  	s0 =	simm.s32 $0x2  }
0x1bc: {  	_ =	swait.ge [sflag:s0], $0x0  }
0x1bd: {  	[sflag:s0] =	ssyncset.done $0x0;
	s0 =	simm.s32 $0x0  }
.LBB2_19:
0x1be: {  	_ =	swait.ge [sflag:s17], s0  }
0x1bf: {  	s31 =	ssub.s32 $0x0, s0;
	v1 =	vmov s23;
	vm0 =	veq.s32 v0, $0x0;
	[sflag:s17] =	ssyncset.done $0x0  }
0x1c0: {  	vm15 =	veq.s32 v0, $0x2;
	v1 =	vsel vm0, s28, v1;
	[sflag:s17] =	ssyncadd.s32 s31  }
0x1c1: {  	v1 =	vsel vm15, s21, v1;
	[sflag:s17] =	ssyncpa.u1 $0x1  }
0x1c2: {  	[tilespmem:$0x3648] =	vst v1  }
.LBB2_20:
0x1c3: {  	s0 =	sadd.s32 $0x1B0, s19  }
0x1c4: {  	s1 =	smov.u32 s6;
	p1 =	slt.s32 s0, s7  }
0x1c5: {  	s1 =	smov.u32 @p1 s0;
	p1 =	sne.s32 s20, s4  }
.Ltmp1:
0x1c6: {  	_ = 	snop;
	(pc) =	sbr.rel @!p1 .LBB2_21-.Ltmp1, $4  }
0x1c7: {  	_ = 	snop  }
0x1c8: {  	s21 =	smov.u32 s18  }
0x1c9: {  	s31 =	sadd.s32 $0x1, s20;
	s18 =	smov.u32 s19;
	p0 =	por !p0, !p0  }
0x1ca: {  	p4 =	por !p4, !p4;
	s20 =	smov.u32 s31;
	s19 =	smov.u32 s1  }
.LBB2_1:
0x1cb: {  	p2 =	sge.u32 s20, s12  }
0x1cc: {  	s0 =	smulhi.u32 @!p2 $0xAAAAAAAB, s20  }
0x1cd: {  	s1 =	smov.u32 s19;
	p3 =	sgt.s32 @!p2 s19, $0x26F50  }
0x1ce: {  	s2 =	sshra.s32 @!p2 s19, $0x1F;
	p3 =	por !p3, p2;
	s0 =	sshrl.u32 @!p2 s0, $0x1  }
0x1cf: {  	s2 =	sand.u32 @!p2 s2, s19;
	s1 =	simm.s32 @p3 $0x26F50;
	s0 =	smul.u32 @!p2 $0x3, s0  }
0x1d0: {  	s1 =	ssub.s32 @!p2 s1, s2  }
0x1d1: {  	s23 =	sadd.s32 $0xFFFFFFFF, s20;
	s1 =	sadd.s32 @!p2 $0xFFFD90B0, s1;
	s0 =	ssub.s32 @!p2 s20, s0  }
0x1d2: {  	s2 =	sshll.u32 @!p2 s1, $0x2;
	p3 =	sgt.s32 @!p2 s1, $0x1AF;
	s0 =	smul.u32 @!p2 $0x6C0, s0  }
0x1d3: {  	s5 =	sand.u32 @!p2 $0x7, s19;
	s1 =	ssub.s32 @!p2 $0x6C0, s2;
	p3 =	por !p3, p2  }
0x1d4: {  	s2 =	sshrl.u32 @!p2 s19, $0x3;
	s1 =	sshrl.u32 @!p2 s1, $0x2;
	s0 =	sshrl.u32 @!p2 s0, $0x2  }
0x1d5: {  	s2 =	sadd.s32 @!p2 s2, s14;
	s1 =	simm.s32 @!p3 $0x0;
	s0 =	sadd.s32 @!p2 $0x3888, s0  }
0x1d6: {  	[tilespmem:s0], [sflag:$0xA] =	stream.linear.gather @!p2 [hbm4b:s2+s5], s1, $0x38;
	[tilespmem:$0x1F0F8] =	vst v63  }
0x1d7: {  	p2 =	sge.u32 s23, s12  }
0x1d8: {  	p3 =	sgt.s32 @!p2 s18, $0x26F50  }
0x1d9: {  	s0 =	smov.u32 s18;
	s1 =	sshra.s32 @!p2 s18, $0x1F;
	p3 =	por !p3, p2  }
0x1da: {  	s1 =	sand.u32 @!p2 s1, s18;
	s0 =	simm.s32 @p3 $0x26F50  }
0x1db: {  	s0 =	ssub.s32 @!p2 s0, s1  }
0x1dc: {  	s0 =	sadd.s32 @!p2 $0xFFFD90B0, s0  }
0x1dd: {  	s1 =	sshll.u32 @!p2 s0, $0x2  }
0x1de: {  	p3 =	sgt.s32 @!p2 s0, $0x1AF;
	s0 =	ssub.s32 @!p2 $0x6C0, s1  }
0x1df: {  	s22 =	ssub.s32 @!p2 $0x27100, s18;
	p3 =	por !p3, p2;
	s0 =	sshrl.u32 @!p2 s0, $0x2  }
0x1e0: {  	s1 =	sand.u32 @!p2 $0x1, s23;
	s0 =	simm.s32 @!p3 $0x0;
	p3 =	slt.s32 @!p2 s22, $0x1  }
0x1e1: {  	s2 =	simm.s32 @!p2 $0xA;
	s1 =	smul.u32 @!p2 $0x6C0, s1;
	p3 =	por p2, p3  }
.Ltmp2:
0x1e2: {  	_ =	swait.ge @!p2 [sflag:s2], s0;
	(pc) =	sbr.rel @p3 .LBB2_7-.Ltmp2, $4  }
0x1e3: {  	s5 =	ssub.s32 @!p2 $0x0, s0;
	[sflag:s2] =	ssyncset.done @!p2 $0x0  }
0x1e4: {  	s1 =	sshrl.u32 @!p2 s1, $0x2;
	[sflag:s2] =	ssyncadd.s32 @!p2 s5;
	s2 =	sshrl.u32 @!p2 s18, $0x3  }
0x1e5: {  	s1 =	sadd.s32 @!p2 $0x3D98, s1;
	s5 =	sand.u32 @!p2 $0x7, s18;
	s2 =	sadd.s32 @!p2 s2, s15  }
0x1e6: {  	[tilespmem:s1], [sflag:$0xB] =	stream.linear.gather @!p2 [hbm4b:s2+s5], s0, $0x38;
	[tilespmem:$0x1F0F8] =	vst v63  }
0x1e7: {  	s0 =	smulhi.u32 $0xAAAAAAAB, s23;
	_ =	sdelay $0x1  }
0x1e8: {  	s0 =	sshrl.u32 s0, $0x1  }
0x1e9: {  	s0 =	smul.u32 $0x3, s0;
	_ =	sdelay $0x1  }
0x1ea: {  	s0 =	ssub.s32 s23, s0  }
0x1eb: {  	s1 =	simm.s32 $0x1;
	s0 =	smul.u32 $0x6C0, s0  }
.Ltmp3:
0x1ec: {  	s1 =	simm.s32 @!p0 $0x0;
	(pc) =	sbr.rel .LBB2_4-.Ltmp3, $4  }
0x1ed: {  	s1 =	smul.u32 $0x36000, s1  }
0x1ee: {  	p3 =	slt.s32 @!p2 s22, $0x1B0;
	s0 =	sshrl.u32 s0, $0x2  }
0x1ef: {  	p2 =	por !p3, p2;
	s1 =	sshrl.u32 s1, $0x2;
	s0 =	sadd.s32 $0x3888, s0  }
0x1f0: {  	s24 =	simm.s32 $0x0;
	s22 =	simm.s32 @p2 $0x1B0;
	s23 =	sadd.s32 $0x40F8, s1;
	v1 =	vmov s0  }
.LBB2_3:
0x1f1: {  	p2 =	sge.s32 s24, s22  }
.Ltmp4:
0x1f2: {  	_ = 	snop;
	(pc) =	sbr.rel @p2 .LBB2_7-.Ltmp4, $2  }
0x1f3: {  	_ =	sdelay $0x2  }
0x1f4: {  	s23 =	sadd.s32 $0x800, s23  }
.LBB2_4:
0x1f5: {  	p2 =	sle.s32 s22, s24  }
.Ltmp5:
0x1f6: {  	_ = 	snop;
	(pc) =	sbr.rel @p2 .LBB2_3-.Ltmp5, $2  }
0x1f7: {  	_ =	sdelay $0x2  }
0x1f8: {  	s0 =	smov.u32 s24;
	s24 =	sadd.s32 $0x10, s24  }
0x1f9: {  	s1 =	ssub.s32 s22, s0  }
0x1fa: {  	p2 =	slt.s32 s1, $0x10  }
0x1fb: {  	s1 =	simm.s32 @!p2 $0x10  }
0x1fc: {  	v2 =	vmov s1  }
0x1fd: {  	vm0 =	vgt.s32 v2, v0;
	_ =	sdelay $0x5  }
0x1fe: {  	v2 =	vld.idx.msk [tilespmem:v1+s0+$0x0 ss:$0x1], vm0;
	_ =	sdelay $0x2  }
0x1ff: {  	p2 =	slt.s32 s24, s22;
	s1 =	smov.u32 s22  }
0x200: {  	s2 =	smov.u32 s23;
	s25 =	simm.s32 $0x0;
	s1 =	smov.u32 @p2 s24  }
.LBB2_6:
0x201: {  	(v2sf) =	vpush v2, s25;
	_ =	sdelay $0xc  }
0x202: {  	s25 =	sadd.s32 $0x1, s25  }
0x203: {  	s31 =	sadd.s32 s25, s0  }
0x204: {  	p2 =	slt.s32 s31, s1;
	s5 =	spop (v2sf)  }
.Ltmp6:
0x205: {  	s5 =	sshll.u32 s5, $0x4;
	(pc) =	sbr.rel @p2 .LBB2_6-.Ltmp6, $4  }
0x206: {  	s5 =	sand.u32 $0x1FFFFFF0, s5  }
0x207: {  	s5 =	sadd.s32 s11, s5  }
0x208: {  	[tilespmem:s2], [sflag:$0x9] =	stream.linear.gather [hbm4b:s5+s16], $0x10, $0x38;
	[tilespmem:$0x1F0F8] =	vst v63  }
0x209: {  	s2 =	sadd.s32 $0x80, s2  }
.Ltmp7:
0x20a: {  	_ = 	snop;
	(pc) =	sbr.rel .LBB2_3-.Ltmp7, $1  }
0x20b: {  	_ =	sdelay $0x3  }
.LBB2_7:
0x20c: {  	p2 =	slt.u32 s20, $0x2  }
.Ltmp8:
0x20d: {  	_ = 	snop;
	(pc) =	sbr.rel @p2 .LBB2_20-.Ltmp8, $1  }
0x20e: {  	_ =	sdelay $0x3  }
0x20f: {  	p2 =	sgt.s32 s21, $0x26F50  }
0x210: {  	s0 =	smov.u32 s21;
	s1 =	sshra.s32 s21, $0x1F;
	s2 =	ssub.s32 $0x27100, s21  }
0x211: {  	s0 =	simm.s32 @!p2 $0x26F50;
	s1 =	sand.u32 s1, s21;
	p2 =	slt.s32 s2, $0x1B0  }
0x212: {  	s0 =	ssub.s32 s0, s1;
	s2 =	simm.s32 @!p2 $0x1B0  }
0x213: {  	s0 =	sadd.s32 $0xFFFD90B0, s0;
	s24 =	sshll.u32 s2, $0x4  }
0x214: {  	s28 =	simm.s32 $0x9;
	s25 =	sshll.u32 s0, $0x2;
	s1 =	sand.u32 $0x3FFFFFF0, s24  }
0x215: {  	p2 =	sgt.s32 s0, $0x1AF;
	s26 =	ssub.s32 $0x6C0, s25;
	_ =	swait.ge [sflag:s28], s1  }
0x216: {  	s1 =	ssub.s32 $0x0, s1;
	[sflag:s28] =	ssyncset.done $0x0;
	s0 =	sshrl.u32 s26, $0x2  }
0x217: {  	s30 =	simm.s32 $0xB;
	[sflag:s28] =	ssyncadd.s32 s1;
	s0 =	simm.s32 @p2 $0x0  }
0x218: {  	_ =	swait.ge [sflag:s30], s0  }
0x219: {  	s0 =	ssub.s32 $0x0, s0;
	[sflag:s30] =	ssyncset.done $0x0  }
0x21a: {  	[sflag:s30] =	ssyncadd.s32 s0  }
0x21b: {  	v1 =	vld [tilespmem:$0x3648];
	_ =	sdelay $0x4  }
0x21c: {  	(v2sf) =	vpush v1, $0x0  }
0x21d: {  	(v2sf) =	vpush v1, $0x1  }
0x21e: {  	(v2sf) =	vpush v1, $0x2;
	_ =	sdelay $0x3  }
0x21f: {  	s0 =	sadd.s32 $0x1B0, s21  }
0x220: {  	s1 =	ssub.s32 $0x4E200, s21;
	p2 =	slt.s32 s7, s0  }
0x221: {  	s0 =	smov.u32 @p2 s7;
	p2 =	sgt.s32 s1, $0x0  }
0x222: {  	s25 =	ssub.s32 s0, s21;
	s1 =	simm.s32 @!p2 $0x0  }
0x223: {  	p2 =	slt.s32 s1, s25  }
0x224: {  	s25 =	smov.u32 @p2 s1  }
0x225: {  	s24 =	simm.s32 $0x1;
	p2 =	slt.s32 s25, $0x1  }
.Ltmp9:
0x226: {  	s24 =	simm.s32 @!p4 $0x0;
	(pc) =	sbr.rel @p2 .LBB2_12-.Ltmp9, $4  }
0x227: {  	s31 =	smul.u32 $0x6C0, s24  }
0x228: {  	s26 =	spop (v2sf)  }
0x229: {  	s0 =	sshrl.u32 s31, $0x2;
	s29 =	spop (v2sf)  }
0x22a: {  	s22 =	sadd.s32 $0x3D98, s0;
	s21 =	spop (v2sf)  }
0x22b: {  	s0 =	smin.u32 s25, $0x10  }
0x22c: {  	v1 =	vmov s0  }
0x22d: {  	p3 =	sgt.s32 s25, $0x10;
	vm1 =	vgt.u32 v1, v0  }
.Ltmp10:
0x22e: {  	_ = 	snop;
	(pc) =	sbr.rel @!p3 .LBB2_11-.Ltmp10, $2  }
0x22f: {  	_ =	sdelay $0x2  }
0x230: {  	s23 =	simm.s32 $0x10;
	s28 =	sadd.s32 $0xFFFFFFF0, s25;
	s0 =	smov.u32 s22;
	vm0 =	vmmov vm1  }
.LBB2_10:
0x231: {  	s1 =	smin.u32 s28, $0x10;
	s23 =	sadd.s32 $0x10, s23;
	v1 =	vld.msk [tilespmem:s0+$0x0 ss:$0x1], vm1  }
0x232: {  	v2 =	vmov s1;
	p3 =	slt.s32 s23, s25  }
0x233: {  	vm1 =	vgt.u32 v2, v0  }
.Ltmp11:
0x234: {  	(pc) =	sbr.rel @p3 .LBB2_10-.Ltmp11, $3  }
0x235: {  	_ =	sdelay $0x1  }
0x236: {  	v1 =	vshll.u32 v1, $0x4  }
0x237: {  	s28 =	sadd.s32 $0xFFFFFFF0, s28;
	[tilespmem:s0+$0x0] =	vst.msk vm0, v1;
	s0 =	sadd.s32 $0x10, s0;
	vm0 =	vmmov vm1  }
.LBB2_11:
0x238: {  	_ =	sdelay $0x4  }
0x239: {  	v1 =	vld.msk [tilespmem:s0+$0x0 ss:$0x1], vm1;
	_ =	sdelay $0x4  }
0x23a: {  	v1 =	vshll.u32 v1, $0x4  }
0x23b: {  	[tilespmem:s0+$0x0] =	vst.msk vm0, v1  }
.LBB2_12:
0x23c: {  	s0 =	sand.u32 $0x1, s20  }
0x23d: {  	s0 =	smul.u32 $0x1B0, s0  }
0x23e: {  	p3 =	sne.s32 s29, $0xFFFFFFFF  }
0x23f: {  	v1 =	vld.msk @!p3 [tilespmem:s0+$0x3D98], $0x1;
	_ =	sdelay $0x4  }
0x240: {  	(v2sf) =	vpush @!p3 v1, $0x0;
	_ =	sdelay $0xc  }
.Ltmp12:
0x241: {  	_ = 	snop;
	(pc) =	sbr.rel @p2 .LBB2_18-.Ltmp12, $4  }
0x242: {  	_ = 	snop  }
0x243: {  	s28 =	spop @!p3 (v2sf)  }
0x244: {  	s21 =	simm.s32 @!p3 $0x0;
	s23 =	smov.u32 s28  }
0x245: {  	[sflag:s17] =	ssyncpa.u1 $0x0;
	s28 =	smov.u32 @p3 s26;
	s23 =	smov.u32 @p3 s29  }
0x246: {  	v1 =	vld.msk [tilespmem:s22+$0x0], $0x1;
	_ =	sdelay $0x4  }
0x247: {  	(v2sf) =	vpush v1, $0x0;
	_ =	sdelay $0xe  }
0x248: {  	s0 =	simm.s32 @!p4 $0x0;
	s26 =	smul.u32 $0x36000, s24;
	s31 =	spop (v2sf)  }
0x249: {  	s29 =	ssub.s32 $0x0, s25;
	s0 =	simm.s32 @p4 $0x1;
	p2 =	seq.s32 s28, s31  }
0x24a: {  	s1 =	smov.u32 s28;
	[smem:$0x7FD] =	sst s0;
	p3 =	sgt.s32 @!p2 s28, $0x0  }
0x24b: {  	s0 =	sshrl.u32 s26, $0x2;
	s26 =	sadd.s32 $0x1, s29;
	p3 =	por !p3, p2  }
0x24c: {  	s1 =	simm.s32 @p3 $0x0;
	p3 =	seq.s32 s26, $0x0  }
.Ltmp13:
0x24d: {  	_ = 	snop;
	(pc) =	sbr.rel @p3 .LBB2_15-.Ltmp13, $4  }
0x24e: {  	s6 =	smov.u32 s4;
	s25 =	simm.s32 $0x0  }
0x24f: {  	s24 =	sadd.s32 $0x40F8, s0;
	s0 =	simm.s32 @!p2 $0x1;
	s2 =	smin.u32 @!p2 s1, $0x27FFE  }
0x250: {  	s30 =	sadd.s32 $0x1, s22;
	s0 =	smov.u32 @p2 s25;
	s5 =	sand.u32 @!p2 $0x3FFF8, s2  }
0x251: {  	s1 =	simm.s32 @!p2 $0x1B38;
	s2 =	sand.u32 @!p2 $0x7, s2;
	s5 =	sadd.s32 @!p2 s3, s5  }
.LBB2_14:
0x252: {  	s4 =	smov.u32 s0  }
0x253: {  	[tilespmem:s1], [sflag:$0x2] =	stream.linear.gather @!p2 [hbm4b:s5+s2], $0x10, $0x38;
	[tilespmem:$0x1F0F8] =	vst v63  }
0x254: {  	s26 =	sadd.s32 $0x1, s26;
	s2 =	smov.u32 s31;
	v1 =	vld.msk [tilespmem:s30+$0x0], $0x1  }
0x255: {  	p3 =	seq.s32 s26, $0x0;
	_ =	sdelay $0x3  }
0x256: {  	(v2sf) =	vpush v1, $0x0;
	_ =	sdelay $0xe  }
0x257: {  	s31 =	spop (v2sf)  }
0x258: {  	p2 =	seq.s32 s2, s31  }
0x259: {  	p4 =	sgt.s32 @!p2 s2, $0x0;
	s1 =	sshll.u32 @!p2 s0, $0x6;
	s0 =	sadd.s32 @!p2 $0x1, s0  }
.Ltmp14:
0x25a: {  	p4 =	por !p4, p2;
	s1 =	sshra.s32 @!p2 s1, $0x2;
	(pc) =	sbr.rel @!p3 .LBB2_14-.Ltmp14, $4  }
0x25b: {  	s0 =	smov.u32 @p2 s4;
	s2 =	simm.s32 @p4 $0x0;
	s1 =	sadd.s32 @!p2 $0x1B38, s1  }
0x25c: {  	s2 =	smin.u32 @!p2 s2, $0x27FFE  }
0x25d: {  	s4 =	sand.u32 @!p2 $0x3FFF8, s2;
	s2 =	sand.u32 @!p2 $0x7, s2  }
0x25e: {  	s30 =	sadd.s32 $0x1, s30;
	s5 =	sadd.s32 @!p2 s3, s4  }
.LBB2_15:
0x25f: {  	[tilespmem:s1], [sflag:$0x2] =	stream.linear.gather @!p2 [hbm4b:s5+s2], $0x10, $0x38;
	[tilespmem:$0x1F0F8] =	vst v63  }
0x260: {  	s0 =	sshll.u32 s0, $0x4  }
0x261: {  	s31 =	simm.s32 $0x2;
	s0 =	sand.u32 $0x3FFFFFF0, s0  }
0x262: {  	_ =	swait.ge [sflag:s31], s0  }
0x263: {  	s0 =	ssub.s32 $0x0, s0;
	[sflag:s31] =	ssyncset.done $0x0  }
0x264: {  	[sflag:s31] =	ssyncadd.s32 s0  }
0x265: {  	v1 =	vld.msk [tilespmem:s22+$0x0], $0x1;
	_ =	sdelay $0x4  }
0x266: {  	(v2sf) =	vpush v1, $0x0;
	_ =	sdelay $0xe  }
0x267: {  	s26 =	spop (v2sf)  }
0x268: {  	p2 =	sne.s32 s28, s26  }
0x269: {  	p4 =	sne.s32 @p2 s28, s23  }
0x26a: {  	p3 =	por !p4, !p2  }
0x26b: {  	s0 =	simm.s32 @!p3 $0x0  }
0x26c: {  	v1 =	vld @!p3 [tilespmem:s0+$0x1B38]  }
0x26d: {  	p5 =	sgt.u32 @!p3 s28, $0x27FFE  }
0x26e: {  	s1 =	sshll.u32 @!p3 s21, $0x6;
	p6 =	por @p2 p5, !p4  }
0x26f: {  	s1 =	sshra.s32 @!p3 s1, $0x2;
	p1 =	por p6, !p2;
	p6 =	por p4, !p2  }
0x270: {  	s2 =	sadd.s32 @!p3 $0x28, s1;
	s4 =	sand.u32 @!p1 $0x3FFF8, s28;
	s5 =	sshll.u32 @!p6 s21, $0x6  }
0x271: {  	s28 =	sand.u32 @!p1 $0x7, s28;
	[tilespmem:s1+$0x28] =	vst.add.f32.msk @!p3 $0xffff, v1;
	s1 =	sadd.s32 @!p1 s3, s4;
	s4 =	sshra.s32 @!p6 s5, $0x2  }
0x272: {  	[hbm4b:s1+s28] =	stream.linear.scatter @!p1 [tilespmem:s2], [sflag:$0xC], $0x10, $0x38;
	[tilespmem:$0x1F0F8] =	vst v63  }
0x273: {  	s0 =	rddreg [dreg:$0x4];
	s1 =	sadd.s32 @!p6 $0x28, s4;
	s2 =	simm.s32 @!p6 $0x1  }
0x274: {  	[spmem:s0] =	stream.linear.scatter @!p6 [tilespmem:s1], [sflag:$0x1], $0x10, $0x38;
	[tilespmem:$0x1F0F8] =	vst v63  }
0x275: {  	s0 =	sadd.s32 @p2 $0x1, s21;
	_ =	swait.ge @!p6 [sflag:s2], $0x10  }
0x276: {  	s1 =	sshrl.u32 @p2 s0, $0x4;
	[sflag:s2] =	ssyncset.done @!p6 $0x0  }
0x277: {  	s1 =	smulhi.u32 @p2 $0x97B425F, s1;
	[sflag:s2] =	ssyncadd.s32 @!p6 $0xFFFFFFF0  }
0x278: {  	s28 =	sadd.s32 $0x1, s29;
	v1 =	vld @p2 [tilespmem:s24+$0x0]  }
0x279: {  	p1 =	por @p2 !p5, !p4;
	p4 =	seq.s32 s28, $0x0;
	s1 =	smul.u32 @p2 $0x1B0, s1  }
.Ltmp15:
0x27a: {  	p1 =	por !p1, !p2;
	s2 =	simm.s32 @!p3 $0x0;
	(pc) =	sbr.rel @p4 .LBB2_17-.Ltmp15, $4  }
0x27b: {  	s4 =	sshll.u32 @!p2 s21, $0x6;
	s2 =	simm.s32 @!p1 $0x40;
	s0 =	ssub.s32 @p2 s0, s1  }
0x27c: {  	s29 =	simm.s32 $0x0;
	s2 =	sadd.s32 @!p3 $0x0, s2;
	s5 =	sshll.u32 @p2 s0, $0x4  }
0x27d: {  	s30 =	sshra.s32 @!p2 s4, $0x2;
	s1 =	simm.s32 @p2 $0x1;
	s2 =	smov.u32 @p3 s25;
	[tilespmem:s5+$0x28] =	vst @p2 v1  }
0x27e: {  	s21 =	smov.u32 @p2 s0;
	s29 =	smov.u32 @p2 s2;
	s25 =	smov.u32 @p2 s1;
	v1 =	vld @!p2 [tilespmem:s24+$0x0]  }
.LBB2_16:
0x27f: {  	_ =	sdelay $0x3  }
0x280: {  	s22 =	sadd.s32 $0x1, s22;
	[tilespmem:s30+$0x28] =	vst.add.f32.msk @!p2 $0xffff, v1  }
0x281: {  	v1 =	vld.msk [tilespmem:s22+$0x0], $0x1;
	_ =	sdelay $0x4  }
0x282: {  	(v2sf) =	vpush v1, $0x0;
	_ =	sdelay $0xe  }
0x283: {  	s0 =	smov.u32 s26;
	s26 =	spop (v2sf)  }
0x284: {  	p2 =	sne.s32 s0, s26  }
0x285: {  	p5 =	sne.s32 @p2 s0, s23  }
0x286: {  	s4 =	sshll.u32 @!p2 s21, $0x6;
	p4 =	por !p5, !p2  }
0x287: {  	s30 =	sshra.s32 @!p2 s4, $0x2;
	s4 =	sshll.u32 @!p4 s25, $0x6  }
0x288: {  	s4 =	sshra.s32 @!p4 s4, $0x2  }
0x289: {  	p1 =	sgt.u32 @!p4 s0, $0x27FFE;
	v1 =	vld @!p4 [tilespmem:s4+$0x1B38]  }
0x28a: {  	s31 =	sshll.u32 @!p4 s21, $0x6;
	p6 =	por @p2 p1, !p5;
	p1 =	por @p2 !p1, !p5  }
0x28b: {  	s8 =	simm.s32 @!p4 $0x0;
	s31 =	sshra.s32 @!p4 s31, $0x2;
	p1 =	por !p1, !p2  }
0x28c: {  	p5 =	por p5, !p2;
	s8 =	simm.s32 @!p1 $0x40;
	p1 =	por p6, !p2  }
0x28d: {  	s4 =	sadd.s32 @!p4 $0x28, s31;
	s13 =	sshll.u32 @!p5 s21, $0x6;
	s10 =	sand.u32 @!p1 $0x3FFF8, s0  }
0x28e: {  	s13 =	sshra.s32 @!p5 s13, $0x2;
	s0 =	sand.u32 @!p1 $0x7, s0;
	s10 =	sadd.s32 @!p1 s3, s10;
	[tilespmem:s31+$0x28] =	vst.add.f32.msk @!p4 $0xffff, v1  }
0x28f: {  	[hbm4b:s10+s0] =	stream.linear.scatter @!p1 [tilespmem:s4], [sflag:$0xC], $0x10, $0x38;
	[tilespmem:$0x1F0F8] =	vst v63  }
0x290: {  	s1 =	rddreg [dreg:$0x4];
	s0 =	sadd.s32 @!p5 $0x28, s13;
	s4 =	simm.s32 @!p5 $0x1  }
0x291: {  	[spmem:s1] =	stream.linear.scatter @!p5 [tilespmem:s0], [sflag:$0x1], $0x10, $0x38;
	[tilespmem:$0x1F0F8] =	vst v63  }
0x292: {  	s2 =	sadd.s32 @p2 $0x1, s21;
	_ =	swait.ge @!p5 [sflag:s4], $0x10  }
0x293: {  	s5 =	sshrl.u32 @p2 s2, $0x4;
	[sflag:s4] =	ssyncset.done @!p5 $0x0  }
0x294: {  	s24 =	sadd.s32 $0x80, s24;
	s5 =	smulhi.u32 @p2 $0x97B425F, s5;
	[sflag:s4] =	ssyncadd.s32 @!p5 $0xFFFFFFF0  }
0x295: {  	s28 =	sadd.s32 $0x1, s28;
	v1 =	vld @p2 [tilespmem:s24+$0x0]  }
0x296: {  	p3 =	seq.s32 s28, $0x0;
	s5 =	smul.u32 @p2 $0x1B0, s5  }
.Ltmp16:
0x297: {  	_ = 	snop;
	(pc) =	sbr.rel @!p3 .LBB2_16-.Ltmp16, $4  }
0x298: {  	s2 =	ssub.s32 @p2 s2, s5  }
0x299: {  	s8 =	sadd.s32 @!p4 s8, s29;
	s5 =	sshll.u32 @p2 s2, $0x4  }
0x29a: {  	s9 =	sadd.s32 @p2 $0x1, s25;
	s8 =	smov.u32 @p4 s29;
	[tilespmem:s5+$0x28] =	vst @p2 v1  }
0x29b: {  	s25 =	smov.u32 @p2 s9;
	s21 =	smov.u32 @p2 s2;
	s29 =	smov.u32 @p2 s8;
	v1 =	vld @!p2 [tilespmem:s24+$0x0]  }
.LBB2_17:
.Ltmp17:
0x29c: {  	_ = 	snop;
	(pc) =	sbr.rel .LBB2_19-.Ltmp17, $3  }
0x29d: {  	s1 =	sld [smem:$0x7FD];
	_ =	sdelay $0x1  }
0x29e: {  	s0 =	sshrl.u32 s29, $0x2;
	s28 =	smov.u32 s26  }
0x29f: {  	s4 =	smov.u32 s6;
	s6 =	rddreg [dreg:$0x6];
	p4 =	seq.s32 s1, $0x1;
	[tilespmem:s30+$0x28] =	vst.add.f32.msk @!p2 $0xffff, v1  }
.LBB2_21:
0x2a0: {  	_ =	sfence.sel $0x180000  }
0x2a1: {  	s0 =	simm.s32 $0x9;
	[bflag:$0x0] =	sbarrier.arrive $0xFFFF  }
0x2a2: {  	s24 =	simm.s32 $0xA;
	[sflag:s0] =	ssyncpa.u1 $0x1  }
0x2a3: {  	s25 =	simm.s32 $0xB;
	[sflag:s24] =	ssyncpa.u1 $0x1  }
0x2a4: {  	s26 =	simm.s32 $0x2;
	[sflag:s25] =	ssyncpa.u1 $0x1  }
0x2a5: {  	[sflag:s26] =	ssyncpa.u1 $0x1  }
0x2a6: {  	v0 =	vld [tilespmem:$0x3648];
	_ =	sdelay $0x4  }
0x2a7: {  	(v2sf) =	vpush v0, $0x0  }
0x2a8: {  	(v2sf) =	vpush v0, $0x1;
	_ =	sdelay $0x1  }
0x2a9: {  	(v2sf) =	vpush v0, $0x2;
	_ =	sdelay $0xb  }
0x2aa: {  	s0 =	spop (v2sf)  }
0x2ab: {  	s1 =	spop (v2sf)  }
0x2ac: {  	s2 =	smov.u32 s0;
	p0 =	sne.s32 s0, s1  }
0x2ad: {  	s4 =	spop (v2sf);
	s2 =	simm.s32 @!p0 $0xFFFFFFFF  }
0x2ae: {  	v2 =	vimm.s32 $0x1;
	v3 =	vlaneseq.u32;
	p0 =	seq.s32 s4, $0xFFFFFFFF;
	v1 =	vmov s2  }
0x2af: {  	s16 =	stileid.u32;
	v0 =	vperm.xlane v0, v2;
	p1 =	sne.s32 @!p0 s0, s1;
	v1 =	vperm.xlane v1, v3  }
0x2b0: {  	vm0 =	vcmask $0x3F04;
	s6 =	simm.s32 $0x3648;
	s0 =	simm.s32 @!p0 $0x1;
	p1 =	por !p1, p0  }
0x2b1: {  	s2 =	sshll.u32 s16, $0x1;
	s1 =	sshll.u32 @!p0 s4, $0x6;
	s0 =	simm.s32 @p1 $0x0;
	v0 =	vsel vm0, v1, v0  }
0x2b2: {  	s5 =	sor.u32 $0x200, s2;
	s1 =	sshra.s32 @!p0 s1, $0x2;
	s0 =	sor.u32 @!p0 s0, s2;
	[tilespmem:$0x3648] =	vst v0  }
0x2b3: {  	[spmem:s5] =	stream.linear.scatter [tilespmem:s6], [sflag:$0x1], $0x2, $0x38;
	[tilespmem:$0x1F0F8] =	vst v63  }
0x2b4: {  	s1 =	sadd.s32 @!p0 $0x28, s1;
	s0 =	sshll.u32 @!p0 s0, $0x4  }
0x2b5: {  	[spmem:s0] =	stream.linear.scatter @!p0 [tilespmem:s1], [sflag:$0x1], $0x10, $0x38;
	[tilespmem:$0x1F0F8] =	vst v63  }
0x2b6: {  	s0 =	simm.s32 @!p0 $0x12  }
0x2b7: {  	s28 =	simm.s32 $0x1;
	s0 =	simm.s32 @p0 $0x2  }
0x2b8: {  	_ =	swait.ge [sflag:s28], s0  }
0x2b9: {  	s0 =	ssub.s32 $0x0, s0;
	[sflag:s28] =	ssyncset.done $0x0  }
0x2ba: {  	p0 =	sne.s32 s16, $0x0;
	[sflag:s28] =	ssyncadd.s32 s0  }
.Ltmp18:
0x2bb: {  	_ =	sfence.stream.spmem;
	(pc) =	sbr.rel @p0 .LBB2_38-.Ltmp18, $4  }
0x2bc: {  	s29 =	simm.s32 $0x3;
	[bflag:$0x0] =	sbarrier.arrive $0xFFFF  }
0x2bd: {  	s30 =	simm.s32 $0x4;
	[sflag:s29] =	ssyncpa.u1 $0x1  }
0x2be: {  	s31 =	simm.s32 $0x3C;
	[sflag:s30] =	ssyncpa.u1 $0x1  }
0x2bf: {  	s17 =	rddreg [dreg:$0x5];
	[sflag:s31] =	ssyncpa.u1 $0x1  }
0x2c0: {  	_ =	sfence.stream.spmem;
	s0 =	simm.s32 $0x5  }
0x2c1: {  	s1 =	simm.s32 $0x200;
	s2 =	simm.s32 $0x3658;
	[sflag:s0] =	ssyncpa.u1 $0x0  }
0x2c2: {  	[tilespmem:s2], [sflag:$0x5] =	stream.linear.gather [spmem:s1], $0x20, $0x38;
	[tilespmem:$0x1F0F8] =	vst v63  }
0x2c3: {  	s26 =	simm.s32 $0x0;
	s28 =	simm.s32 $0x3678  }
0x2c4: {  	[tilespmem:s28], [sflag:$0x5] =	stream.linear.gather [spmem:s26], $0x200, $0x38;
	[tilespmem:$0x1F0F8] =	vst v63  }
0x2c5: {  	_ =	swait.ge [sflag:s0], $0x220  }
0x2c6: {  	[sflag:s0] =	ssyncset.done $0x0  }
0x2c7: {  	s29 =	simm.s32 $0x0;
	[sflag:s0] =	ssyncadd.s32 $0xFFFFFDE0  }
0x2c8: {  	v0 =	vld.msk [tilespmem:s29+$0x3658], $0x1;
	_ =	sdelay $0x1  }
0x2c9: {  	s30 =	simm.s32 $0x1  }
0x2ca: {  	v1 =	vld.msk [tilespmem:s30+$0x3658], $0x1;
	_ =	sdelay $0x1  }
0x2cb: {  	(v2sf) =	vpush v0, $0x0;
	_ =	sdelay $0x2  }
0x2cc: {  	(v2sf) =	vpush v1, $0x0;
	_ =	sdelay $0x2  }
0x2cd: {  	s31 =	simm.s32 $0x2  }
0x2ce: {  	v0 =	vld.msk [tilespmem:s31+$0x3658], $0x1;
	_ =	sdelay $0x2  }
0x2cf: {  	s6 =	simm.s32 $0xFFFFFFFF;
	s1 =	simm.s32 $0xFFFFFFFF;
	s0 =	simm.s32 $0xC  }
.LBB2_23:
0x2d0: {  	s2 =	smov.u32 s6;
	s4 =	smov.u32 s1  }
0x2d1: {  	s1 =	sshra.s32 s0, $0x2;
	p1 =	sne.s32 s0, $0x7C;
	s0 =	sadd.s32 $0x4, s0;
	(v2sf) =	vpush v0, $0x0  }
0x2d2: {  	v0 =	vld.msk [tilespmem:s1+$0x3658], $0x1  }
.Ltmp19:
0x2d3: {  	(pc) =	sbr.rel @p1 .LBB2_23-.Ltmp19, $4  }
0x2d4: {  	s6 =	spop (v2sf)  }
0x2d5: {  	p2 =	sne.s32 s4, $0xFFFFFFFF;
	s1 =	smov.u32 s6  }
0x2d6: {  	p3 =	seq.s32 s6, $0xFFFFFFFF;
	s1 =	smov.u32 @p2 s4  }
0x2d7: {  	s6 =	smov.u32 @p3 s2;
	s1 =	smov.u32 @p3 s4  }
0x2d8: {  	(v2sf) =	vpush v0, $0x0;
	_ =	sdelay $0x8  }
0x2d9: {  	s0 =	spop (v2sf)  }
0x2da: {  	p1 =	sne.s32 s1, $0xFFFFFFFF;
	s2 =	smov.u32 s0  }
0x2db: {  	s9 =	simm.s32 $0x6;
	p2 =	seq.s32 s0, $0xFFFFFFFF;
	s2 =	smov.u32 @p1 s1  }
0x2dc: {  	s10 =	simm.s32 $0x3638;
	s2 =	smov.u32 @p2 s1;
	s1 =	spop (v2sf)  }
0x2dd: {  	s0 =	smov.u32 @p2 s6;
	p1 =	sne.s32 s2, $0xFFFFFFFF;
	s4 =	smov.u32 s1  }
.Ltmp20:
0x2de: {  	p2 =	seq.s32 s1, $0xFFFFFFFF;
	s4 =	smov.u32 @p1 s2;
	(pc) =	sbr.rel .LBB2_25-.Ltmp20, $4  }
0x2df: {  	s11 =	simm.s32 $0x0;
	s4 =	smov.u32 @p2 s2;
	s7 =	spop (v2sf)  }
0x2e0: {  	[sflag:s9] =	ssyncpa.u1 $0x0;
	p1 =	sne.s32 s4, $0xFFFFFFFF;
	s8 =	smov.u32 s7  }
0x2e1: {  	s1 =	smov.u32 @p2 s0;
	p2 =	seq.s32 s7, $0xFFFFFFFF;
	s8 =	smov.u32 @p1 s4  }
0x2e2: {  	s6 =	simm.s32 $0x0;
	s7 =	smov.u32 @p2 s1;
	s8 =	smov.u32 @p2 s4  }
.LBB2_30:
0x2e3: {  	p1 =	sgt.u32 s12, $0x27FFE  }
0x2e4: {  	p2 =	seq.s32 @!p1 s12, s8  }
0x2e5: {  	p1 =	por p1, p2  }
0x2e6: {  	p2 =	sne.s32 @!p1 s12, s7  }
0x2e7: {  	p1 =	por p1, !p2  }
0x2e8: {  	s0 =	sshll.u32 @p1 s11, $0x6  }
0x2e9: {  	s0 =	sand.u32 @!p1 $0x3FFF8, s12  }
0x2ea: {  	s1 =	sand.u32 @!p1 $0x7, s12;
	s0 =	sadd.s32 @!p1 s3, s0  }
0x2eb: {  	[tilespmem:s10], [sflag:$0x6] =	stream.linear.gather @!p1 [hbm4b:s0+s1], $0x10, $0x38;
	[tilespmem:$0x1F0F8] =	vst v63  }
0x2ec: {  	_ =	swait.ge @!p1 [sflag:s9], $0x10  }
0x2ed: {  	[sflag:s9] =	ssyncset.done @!p1 $0x0  }
0x2ee: {  	[sflag:s9] =	ssyncadd.s32 @!p1 $0xFFFFFFF0  }
0x2ef: {  	v1 =	vld @!p1 [tilespmem:$0x3638];
	_ =	sdelay $0x2  }
0x2f0: {  	s0 =	sshll.u32 @!p1 s11, $0x6  }
0x2f1: {  	s1 =	sshrl.u32 @!p1 s0, $0x2  }
0x2f2: {  	[tilespmem:s1+$0x3678] =	vst.add.f32.msk @!p1 $0xffff, v1  }
0x2f3: {  	s0 =	sshrl.u32 s0, $0x2;
	[tilespmem:s6+$0x3658] =	vst.msk $0x1, v0  }
0x2f4: {  	v0 =	vld [tilespmem:s0+$0x3678];
	_ =	sdelay $0x2  }
0x2f5: {  	s31 =	sshll.u32 s6, $0x6  }
0x2f6: {  	s0 =	sshra.s32 s31, $0x2  }
0x2f7: {  	s6 =	sadd.s32 $0x1, s6;
	[tilespmem:s0+$0x3678] =	vst v0  }
.LBB2_32:
0x2f8: {  	s11 =	sadd.s32 $0x1, s11  }
0x2f9: {  	p1 =	sne.s32 s11, $0x20  }
.Ltmp21:
0x2fa: {  	_ = 	snop;
	(pc) =	sbr.rel @!p1 .LBB2_33-.Ltmp21, $1  }
0x2fb: {  	_ =	sdelay $0x3  }
.LBB2_25:
0x2fc: {  	v0 =	vld.msk [tilespmem:s11+$0x3658], $0x1;
	_ =	sdelay $0x4  }
0x2fd: {  	(v2sf) =	vpush v0, $0x0;
	_ =	sdelay $0xe  }
0x2fe: {  	s12 =	spop (v2sf)  }
0x2ff: {  	p1 =	seq.s32 s12, $0xFFFFFFFF  }
.Ltmp22:
0x300: {  	_ = 	snop;
	(pc) =	sbr.rel @p1 .LBB2_32-.Ltmp22, $1  }
0x301: {  	_ =	sdelay $0x3  }
0x302: {  	p1 =	slt.s32 s6, $0x1  }
.Ltmp23:
0x303: {  	_ = 	snop;
	(pc) =	sbr.rel @p1 .LBB2_30-.Ltmp23, $1  }
0x304: {  	_ =	sdelay $0x3  }
0x305: {  	s13 =	simm.s32 $0x3658;
	p1 =	por $0x0, $0x0  }
0x306: {  	v1 =	vld.msk @!p1 [tilespmem:s13+$0x0], $0x1;
	_ =	sdelay $0x4  }
0x307: {  	(v2sf) =	vpush @!p1 v1, $0x0;
	_ =	sdelay $0xd  }
0x308: {  	p3 =	sne.s32 s6, $0x1  }
.Ltmp24:
0x309: {  	s0 =	spop @!p1 (v2sf);
	(pc) =	sbr.rel @!p3 .LBB2_29-.Ltmp24, $4  }
0x30a: {  	p2 =	seq.s32 @!p1 s12, s0  }
0x30b: {  	s14 =	simm.s32 $0x0;
	p2 =	por !p2, p1  }
0x30c: {  	s0 =	simm.s32 $0xFFFFFFFF;
	s14 =	simm.s32 @p2 $0xFFFFFFFF  }
0x30d: {  	s15 =	simm.s32 $0x1;
	s14 =	smov.u32 @p1 s0  }
.LBB2_28:
0x30e: {  	s0 =	smov.u32 s14;
	p1 =	sne.s32 s14, $0xFFFFFFFF  }
0x30f: {  	s13 =	sadd.s32 $0x1, s13;
	s14 =	smov.u32 s15;
	s15 =	sadd.s32 $0x1, s15  }
0x310: {  	p2 =	sne.s32 s6, s15;
	v1 =	vld.msk @!p1 [tilespmem:s13+$0x0], $0x1;
	_ =	sdelay $0x4  }
0x311: {  	(v2sf) =	vpush @!p1 v1, $0x0;
	_ =	sdelay $0xe  }
.Ltmp25:
0x312: {  	s1 =	spop @!p1 (v2sf);
	(pc) =	sbr.rel @p2 .LBB2_28-.Ltmp25, $4  }
0x313: {  	p3 =	seq.s32 @!p1 s12, s1  }
0x314: {  	p3 =	por !p3, p1  }
0x315: {  	s14 =	simm.s32 @p3 $0xFFFFFFFF  }
0x316: {  	s14 =	smov.u32 @p1 s0  }
.LBB2_29:
0x317: {  	p1 =	sne.s32 s14, $0xFFFFFFFF  }
.Ltmp26:
0x318: {  	_ = 	snop;
	(pc) =	sbr.rel @!p1 .LBB2_30-.Ltmp26, $1  }
0x319: {  	_ =	sdelay $0x3  }
0x31a: {  	s0 =	sshll.u32 s11, $0x4  }
0x31b: {  	s0 =	sand.u32 $0x3FFFFFF0, s0  }
0x31c: {  	v0 =	vld [tilespmem:s0+$0x3678]  }
.Ltmp27:
0x31d: {  	_ = 	snop;
	(pc) =	sbr.rel .LBB2_32-.Ltmp27, $4  }
0x31e: {  	_ = 	snop  }
0x31f: {  	s31 =	sshll.u32 s14, $0x6  }
0x320: {  	s0 =	sshra.s32 s31, $0x2  }
0x321: {  	[tilespmem:s0+$0x3678] =	vst.add.f32.msk $0xffff, v0  }
.LBB2_33:
0x322: {  	s0 =	simm.s32 $0x6;
	p1 =	seq.s32 s6, $0x0  }
0x323: {  	[sflag:s0] =	ssyncpa.u1 $0x1;
	v0 =	vimm.s32 @p1 $0xFFFFFFFF  }
0x324: {  	s9 =	sadd.s32 $0xFFFFFFFF, s6;
	[tilespmem:$0x3878] =	vst @p1 v0  }
0x325: {  	v0 =	vld.msk @!p1 [tilespmem:s9+$0x3658], $0x1;
	_ =	sdelay $0x1  }
0x326: {  	v1 =	vld.msk @!p1 [tilespmem:$0x3658], $0x1;
	_ =	sdelay $0x2  }
0x327: {  	p2 =	seq.s32 @!p1 s9, $0x0;
	v0 =	vbroadcast @!p1 v0, $0x0  }
0x328: {  	vm0 =	vmmov @!p1 $0x1;
	p2 =	por !p2, p1  }
0x329: {  	v1 =	vnsel @!p1 vm0, $0xFFFFFFFF, v1;
	vm0 =	vcmask @!p1 $0x308;
	v0 =	vpsel !p2, $0xFFFFFFFF, v0  }
0x32a: {  	p2 =	sne.s32 @!p1 s8, s7;
	v0 =	vsel @!p1 vm0, v1, v0  }
0x32b: {  	s0 =	simm.s32 @!p1 $0x3678;
	s1 =	simm.s32 @!p1 $0x0;
	p3 =	por !p2, p1;
	[tilespmem:$0x3878] =	vst @!p1 v0  }
0x32c: {  	[spmem:s1] =	stream.linear.scatter @!p1 [tilespmem:s0], [sflag:$0x1], $0x10, $0x38;
	[tilespmem:$0x1F0F8] =	vst v63  }
0x32d: {  	s0 =	sshll.u32 @!p3 s9, $0x6  }
0x32e: {  	s0 =	sshra.s32 @!p3 s0, $0x2  }
0x32f: {  	s1 =	simm.s32 @!p3 $0x10;
	s0 =	sadd.s32 @!p3 $0x3678, s0  }
0x330: {  	[spmem:s1] =	stream.linear.scatter @!p3 [tilespmem:s0], [sflag:$0x1], $0x10, $0x38;
	[tilespmem:$0x1F0F8] =	vst v63  }
0x331: {  	s0 =	simm.s32 @!p3 $0x1  }
0x332: {  	_ =	swait.ge @!p3 [sflag:s0], $0x20  }
0x333: {  	p1 =	por p2, p1;
	[sflag:s0] =	ssyncset.done @!p3 $0x0  }
0x334: {  	[sflag:s0] =	ssyncadd.s32 @!p3 $0xFFFFFFE0;
	s0 =	simm.s32 @!p1 $0x1  }
0x335: {  	_ =	swait.ge @!p1 [sflag:s0], $0x10  }
0x336: {  	s29 =	simm.s32 $0x3878;
	[sflag:s0] =	ssyncset.done @!p1 $0x0  }
0x337: {  	s30 =	simm.s32 $0x200;
	s31 =	simm.s32 $0x1;
	[sflag:s0] =	ssyncadd.s32 @!p1 $0xFFFFFFF0  }
0x338: {  	[spmem:s30] =	stream.linear.scatter [tilespmem:s29], [sflag:$0x1], $0x10, $0x38;
	[tilespmem:$0x1F0F8] =	vst v63  }
0x339: {  	_ =	swait.ge [sflag:s31], $0x10  }
0x33a: {  	[sflag:s31] =	ssyncset.done $0x0  }
0x33b: {  	p1 =	seq.s32 s17, $0x0;
	s8 =	rddreg [dreg:$0x1];
	[sflag:s31] =	ssyncadd.s32 $0xFFFFFFF0  }
0x33c: {  	s1 =	sshll.u32 @p1 s8, $0xE;
	s7 =	rddreg [dreg:$0x2]  }
0x33d: {  	s0 =	sadd.s32 @p1 $0x15C3C, s1;
	s1 =	sshll.u32 @p1 s7, $0x11  }
0x33e: {  	_ =	sfence.stream.spmem;
	s0 =	sor.u32 @p1 s1, s0  }
0x33f: {  	[sflag:s0] =	ssyncadd.remote.s32 @p1 $0x1;
	s0 =	simm.s32 @p1 $0x4  }
0x340: {  	s2 =	simm.s32 @!p1 $0x3C;
	s1 =	sand.u32 $0xFFFFFFFE, s8;
	_ =	swait.ge @p1 [sflag:s0], $0x6  }
0x341: {  	s4 =	simm.s32 @!p1 $0x0;
	s1 =	sadd.s32 @!p1 $0x4, s1;
	[sflag:s0] =	ssyncset.done @p1 $0x0  }
0x342: {  	s5 =	simm.s32 @!p1 $0x20;
	[sflag:s0] =	ssyncadd.s32 @p1 $0xFFFFFFFA;
	s0 =	sshll.u32 @!p1 s1, $0x1A  }
0x343: {  	s1 =	sshll.u32 @!p1 s1, $0xD;
	s0 =	sor.u32 @!p1 s0, s7;
	_ =	swait.eq @!p1 [sflag:s2], $0x1  }
0x344: {  	s1 =	sor.u32 @!p1 $0x1C04, s1;
	s2 =	simm.s32 @!p1 $0x1C03;
	s0 =	sor.u32 @!p1 $0x80004000, s0  }
0x345: {  	[spmem:s5], [sflag:s1] =	dma.general @!p1 [spmem:s4], [sflag:s2], length:$0x4, [dreg:$0x0], stride_count:$0x0, ici_dest:s0, dma_misc:DstOpCode:WRITE  }
0x346: {  	p2 =	slt.s32 s9, $0x2;
	s4 =	simm.s32 @!p1 $0x40;
	s5 =	simm.s32 @!p1 $0x42  }
0x347: {  	[spmem:s5], [sflag:s1] =	dma.general @!p1 [spmem:s4], [sflag:s2], length:$0x2, [dreg:$0x0], stride_count:$0x0, ici_dest:s0, dma_misc:DstOpCode:WRITE  }
.Ltmp28:
0x348: {  	s0 =	simm.s32 @!p1 $0x3;
	(pc) =	sbr.rel @p2 .LBB2_37-.Ltmp28, $4  }
0x349: {  	s1 =	sshll.u32 @!p1 s8, $0xE;
	_ =	swait.ge @!p1 [sflag:s0], $0x6  }
0x34a: {  	s2 =	sshll.u32 @!p1 s7, $0x11;
	s1 =	sadd.s32 @!p1 $0x11C3C, s1;
	[sflag:s0] =	ssyncset.done @!p1 $0x0  }
0x34b: {  	[sflag:s0] =	ssyncadd.s32 @!p1 $0xFFFFFFFA;
	s0 =	sor.u32 @!p1 s2, s1  }
0x34c: {  	[sflag:s0] =	ssyncadd.remote.s32 @!p1 $0xFFFFFFFF;
	s0 =	simm.s32 $0x0  }
0x34d: {  	s0 =	simm.s32 $0x3659  }
0x34e: {  	v0 =	vld.msk [tilespmem:s0+$0x0], $0x1;
	_ =	sdelay $0x4  }
0x34f: {  	(v2sf) =	vpush v0, $0x0;
	_ =	sdelay $0xd  }
0x350: {  	s2 =	sadd.s32 $0xFFFFFFFE, s6  }
0x351: {  	s2 =	sadd.s32 $0xFFFFFFFF, s2;
	s0 =	spop (v2sf)  }
0x352: {  	p2 =	sne.s32 s2, $0x0;
	p1 =	sgt.u32 s0, $0x27FFE  }
.Ltmp29:
0x353: {  	s4 =	sand.u32 @!p1 $0x3FFF8, s0;
	(pc) =	sbr.rel @!p2 .LBB2_36-.Ltmp29, $4  }
0x354: {  	s1 =	simm.s32 $0x3688;
	s0 =	sand.u32 @!p1 $0x7, s0;
	s4 =	sadd.s32 @!p1 s3, s4  }
0x355: {  	[hbm4b:s4+s0] =	stream.linear.scatter @!p1 [tilespmem:s1], [sflag:$0x5], $0x10, $0x38;
	[tilespmem:$0x1F0F8] =	vst v63  }
0x356: {  	s0 =	simm.s32 $0x0  }
0x357: {  	s6 =	simm.s32 $0x0;
	s7 =	simm.s32 $0x365A;
	s0 =	simm.s32 @!p1 $0x40  }
.LBB2_35:
0x358: {  	v0 =	vld.msk [tilespmem:s7+$0x0], $0x1;
	s2 =	sadd.s32 $0xFFFFFFFF, s2;
	s6 =	sadd.s32 s6, s0  }
0x359: {  	p1 =	sne.s32 s2, $0x0;
	_ =	sdelay $0x3  }
0x35a: {  	(v2sf) =	vpush v0, $0x0;
	_ =	sdelay $0xe  }
.Ltmp30:
0x35b: {  	s4 =	spop (v2sf);
	(pc) =	sbr.rel @p1 .LBB2_35-.Ltmp30, $4  }
0x35c: {  	s0 =	simm.s32 $0x0;
	p2 =	sgt.u32 s4, $0x27FFE  }
0x35d: {  	s1 =	sadd.s32 $0x10, s1;
	s0 =	simm.s32 @!p2 $0x40;
	s5 =	sand.u32 @!p2 $0x3FFF8, s4  }
0x35e: {  	s7 =	sadd.s32 $0x1, s7;
	s4 =	sand.u32 @!p2 $0x7, s4;
	s5 =	sadd.s32 @!p2 s3, s5  }
0x35f: {  	[hbm4b:s5+s4] =	stream.linear.scatter @!p2 [tilespmem:s1], [sflag:$0x5], $0x10, $0x38;
	[tilespmem:$0x1F0F8] =	vst v63  }
.LBB2_36:
0x360: {  	s0 =	sadd.s32 s6, s0  }
0x361: {  	s0 =	sshrl.u32 s0, $0x2  }
.LBB2_37:
0x362: {  	s1 =	simm.s32 $0x5  }
0x363: {  	_ =	swait.ge [sflag:s1], s0  }
0x364: {  	s31 =	ssub.s32 $0x0, s0;
	[sflag:s1] =	ssyncset.done $0x0  }
0x365: {  	[sflag:s1] =	ssyncadd.s32 s31  }
0x366: {  	[sflag:s1] =	ssyncpa.u1 $0x1  }
.LBB2_38:
0x367: {  	s0 =	sor.u32 s17, s16  }
0x368: {  	p1 =	sne.s32 s0, $0x0  }
.Ltmp31:
0x369: {  	_ = 	snop;
	(pc) =	sbr.rel @p1 .LBB2_53-.Ltmp31, $3  }
0x36a: {  	_ =	sdelay $0x1  }
0x36b: {  	[bflag:$0x0] =	sbarrier.arrive $0xFFFF  }
0x36c: {  	_ =	sfence  }
0x36d: {  	s0 =	simm.s32 $0x7  }
0x36e: {  	s1 =	simm.s32 $0x200;
	s2 =	simm.s32 $0x3658;
	[sflag:s0] =	ssyncpa.u1 $0x0  }
0x36f: {  	[tilespmem:s2], [sflag:$0x7] =	stream.linear.gather [spmem:s1], $0x20, $0x38;
	[tilespmem:$0x1F0F8] =	vst v63  }
0x370: {  	s30 =	simm.s32 $0x3678;
	s1 =	simm.s32 $0x0  }
0x371: {  	[tilespmem:s30], [sflag:$0x7] =	stream.linear.gather [spmem:s1], $0x200, $0x38;
	[tilespmem:$0x1F0F8] =	vst v63  }
.Ltmp32:
0x372: {  	_ = 	snop;
	(pc) =	sbr.rel .LBB2_40-.Ltmp32, $4  }
0x373: {  	_ =	swait.ge [sflag:s0], $0x220  }
0x374: {  	[sflag:s0] =	ssyncset.done $0x0  }
0x375: {  	s31 =	simm.s32 $0x8;
	[sflag:s0] =	ssyncadd.s32 $0xFFFFFDE0  }
0x376: {  	s2 =	simm.s32 $0x0;
	[sflag:s31] =	ssyncpa.u1 $0x0  }
.LBB2_45:
0x377: {  	p1 =	slt.u32 s4, $0x27FFF  }
0x378: {  	s0 =	sand.u32 @p1 $0x3FFF8, s4  }
0x379: {  	s4 =	sand.u32 @p1 $0x7, s4;
	s5 =	simm.s32 @p1 $0x3638;
	s0 =	sadd.s32 @p1 s3, s0  }
0x37a: {  	[tilespmem:s5], [sflag:$0x8] =	stream.linear.gather @p1 [hbm4b:s0+s4], $0x10, $0x38;
	[tilespmem:$0x1F0F8] =	vst v63  }
0x37b: {  	s0 =	simm.s32 @p1 $0x8  }
0x37c: {  	_ =	swait.ge @p1 [sflag:s0], $0x10  }
0x37d: {  	[sflag:s0] =	ssyncset.done @p1 $0x0  }
0x37e: {  	[sflag:s0] =	ssyncadd.s32 @p1 $0xFFFFFFF0  }
0x37f: {  	v1 =	vld @p1 [tilespmem:$0x3638];
	_ =	sdelay $0x2  }
0x380: {  	s0 =	sshll.u32 @p1 s2, $0x6  }
0x381: {  	s5 =	sshll.u32 @!p1 s2, $0x6;
	s4 =	sshrl.u32 @p1 s0, $0x2  }
0x382: {  	s5 =	smov.u32 @p1 s0;
	[tilespmem:s4+$0x3678] =	vst.add.f32.msk @p1 $0xffff, v1  }
0x383: {  	s0 =	sshrl.u32 s5, $0x2;
	[tilespmem:s1+$0x3658] =	vst.msk $0x1, v0  }
0x384: {  	v0 =	vld [tilespmem:s0+$0x3678];
	_ =	sdelay $0x2  }
0x385: {  	s31 =	sshll.u32 s1, $0x6  }
0x386: {  	s0 =	sshra.s32 s31, $0x2  }
0x387: {  	s1 =	sadd.s32 $0x1, s1;
	[tilespmem:s0+$0x3678] =	vst v0  }
.LBB2_47:
0x388: {  	s2 =	sadd.s32 $0x1, s2  }
0x389: {  	p1 =	sne.s32 s2, $0x20  }
.Ltmp33:
0x38a: {  	_ = 	snop;
	(pc) =	sbr.rel @!p1 .LBB2_48-.Ltmp33, $1  }
0x38b: {  	_ =	sdelay $0x3  }
.LBB2_40:
0x38c: {  	v0 =	vld.msk [tilespmem:s2+$0x3658], $0x1;
	_ =	sdelay $0x4  }
0x38d: {  	(v2sf) =	vpush v0, $0x0;
	_ =	sdelay $0xe  }
0x38e: {  	s4 =	spop (v2sf)  }
0x38f: {  	p1 =	seq.s32 s4, $0xFFFFFFFF  }
.Ltmp34:
0x390: {  	_ = 	snop;
	(pc) =	sbr.rel @p1 .LBB2_47-.Ltmp34, $1  }
0x391: {  	_ =	sdelay $0x3  }
0x392: {  	p1 =	slt.s32 s1, $0x1  }
.Ltmp35:
0x393: {  	_ = 	snop;
	(pc) =	sbr.rel @p1 .LBB2_45-.Ltmp35, $1  }
0x394: {  	_ =	sdelay $0x3  }
0x395: {  	s5 =	simm.s32 $0x3658;
	p1 =	por $0x0, $0x0  }
0x396: {  	v1 =	vld.msk @!p1 [tilespmem:s5+$0x0], $0x1;
	_ =	sdelay $0x4  }
0x397: {  	(v2sf) =	vpush @!p1 v1, $0x0;
	_ =	sdelay $0xd  }
0x398: {  	p3 =	sne.s32 s1, $0x1  }
.Ltmp36:
0x399: {  	s0 =	spop @!p1 (v2sf);
	(pc) =	sbr.rel @!p3 .LBB2_44-.Ltmp36, $4  }
0x39a: {  	p2 =	seq.s32 @!p1 s4, s0  }
0x39b: {  	s6 =	simm.s32 $0x0;
	p2 =	por !p2, p1  }
0x39c: {  	s0 =	simm.s32 $0xFFFFFFFF;
	s6 =	simm.s32 @p2 $0xFFFFFFFF  }
0x39d: {  	s7 =	simm.s32 $0x1;
	s6 =	smov.u32 @p1 s0  }
.LBB2_43:
0x39e: {  	s0 =	smov.u32 s6;
	p1 =	sne.s32 s6, $0xFFFFFFFF  }
0x39f: {  	s5 =	sadd.s32 $0x1, s5;
	s6 =	smov.u32 s7;
	s7 =	sadd.s32 $0x1, s7  }
0x3a0: {  	p2 =	sne.s32 s1, s7;
	v1 =	vld.msk @!p1 [tilespmem:s5+$0x0], $0x1;
	_ =	sdelay $0x4  }
0x3a1: {  	(v2sf) =	vpush @!p1 v1, $0x0;
	_ =	sdelay $0xe  }
.Ltmp37:
0x3a2: {  	s8 =	spop @!p1 (v2sf);
	(pc) =	sbr.rel @p2 .LBB2_43-.Ltmp37, $4  }
0x3a3: {  	p3 =	seq.s32 @!p1 s4, s8  }
0x3a4: {  	p3 =	por !p3, p1  }
0x3a5: {  	s6 =	simm.s32 @p3 $0xFFFFFFFF  }
0x3a6: {  	s6 =	smov.u32 @p1 s0  }
.LBB2_44:
0x3a7: {  	p1 =	sne.s32 s6, $0xFFFFFFFF  }
.Ltmp38:
0x3a8: {  	_ = 	snop;
	(pc) =	sbr.rel @!p1 .LBB2_45-.Ltmp38, $1  }
0x3a9: {  	_ =	sdelay $0x3  }
0x3aa: {  	s0 =	sshll.u32 s2, $0x4  }
0x3ab: {  	s0 =	sand.u32 $0x3FFFFFF0, s0  }
0x3ac: {  	v0 =	vld [tilespmem:s0+$0x3678]  }
.Ltmp39:
0x3ad: {  	_ = 	snop;
	(pc) =	sbr.rel .LBB2_47-.Ltmp39, $4  }
0x3ae: {  	_ = 	snop  }
0x3af: {  	s31 =	sshll.u32 s6, $0x6  }
0x3b0: {  	s0 =	sshra.s32 s31, $0x2  }
0x3b1: {  	[tilespmem:s0+$0x3678] =	vst.add.f32.msk $0xffff, v0  }
.LBB2_48:
0x3b2: {  	p1 =	slt.s32 s1, $0x1  }
.Ltmp40:
0x3b3: {  	_ = 	snop;
	(pc) =	sbr.rel @p1 .LBB2_52-.Ltmp40, $3  }
0x3b4: {  	_ =	sdelay $0x1  }
0x3b5: {  	s0 =	simm.s32 $0x8  }
0x3b6: {  	s2 =	simm.s32 $0x0;
	[sflag:s0] =	ssyncpa.u1 $0x1  }
0x3b7: {  	s0 =	simm.s32 $0x3658  }
0x3b8: {  	v0 =	vld.msk [tilespmem:s0+$0x0], $0x1;
	_ =	sdelay $0x4  }
0x3b9: {  	(v2sf) =	vpush v0, $0x0;
	_ =	sdelay $0xe  }
0x3ba: {  	s1 =	sadd.s32 $0xFFFFFFFF, s1;
	s0 =	spop (v2sf)  }
0x3bb: {  	p2 =	sne.s32 s1, $0x0;
	p1 =	sgt.u32 s0, $0x27FFE  }
.Ltmp41:
0x3bc: {  	s5 =	sand.u32 @!p1 $0x3FFF8, s0;
	(pc) =	sbr.rel @!p2 .LBB2_51-.Ltmp41, $4  }
0x3bd: {  	s4 =	simm.s32 $0x3678;
	s0 =	sand.u32 @!p1 $0x7, s0;
	s5 =	sadd.s32 @!p1 s3, s5  }
0x3be: {  	[hbm4b:s5+s0] =	stream.linear.scatter @!p1 [tilespmem:s4], [sflag:$0x7], $0x10, $0x38;
	[tilespmem:$0x1F0F8] =	vst v63  }
0x3bf: {  	s0 =	simm.s32 $0x0  }
0x3c0: {  	s5 =	simm.s32 $0x3659;
	s0 =	simm.s32 @!p1 $0x40  }
.LBB2_50:
0x3c1: {  	v0 =	vld.msk [tilespmem:s5+$0x0], $0x1;
	s1 =	sadd.s32 $0xFFFFFFFF, s1;
	s2 =	sadd.s32 s2, s0  }
0x3c2: {  	p1 =	sne.s32 s1, $0x0;
	_ =	sdelay $0x3  }
0x3c3: {  	(v2sf) =	vpush v0, $0x0;
	_ =	sdelay $0xe  }
.Ltmp42:
0x3c4: {  	s6 =	spop (v2sf);
	(pc) =	sbr.rel @p1 .LBB2_50-.Ltmp42, $4  }
0x3c5: {  	s0 =	simm.s32 $0x0;
	p2 =	sgt.u32 s6, $0x27FFE  }
0x3c6: {  	s4 =	sadd.s32 $0x10, s4;
	s0 =	simm.s32 @!p2 $0x40;
	s7 =	sand.u32 @!p2 $0x3FFF8, s6  }
0x3c7: {  	s5 =	sadd.s32 $0x1, s5;
	s6 =	sand.u32 @!p2 $0x7, s6;
	s7 =	sadd.s32 @!p2 s3, s7  }
0x3c8: {  	[hbm4b:s7+s6] =	stream.linear.scatter @!p2 [tilespmem:s4], [sflag:$0x7], $0x10, $0x38;
	[tilespmem:$0x1F0F8] =	vst v63  }
.LBB2_51:
0x3c9: {  	s0 =	sadd.s32 s2, s0  }
0x3ca: {  	s2 =	sshrl.u32 s0, $0x2  }
.LBB2_52:
0x3cb: {  	s0 =	simm.s32 $0x7  }
0x3cc: {  	_ =	swait.ge [sflag:s0], s2  }
0x3cd: {  	s1 =	ssub.s32 $0x0, s2;
	[sflag:s0] =	ssyncset.done $0x0  }
0x3ce: {  	[sflag:s0] =	ssyncadd.s32 s1  }
0x3cf: {  	[sflag:s0] =	ssyncpa.u1 $0x1  }
.LBB2_53:
0x3d0: {  	_ =	sfence;
	s0 =	simm.s32 $0x1  }
0x3d1: {  	[sflag:s0] =	ssyncpa.u1 $0x1  }
0x3d2: {  	_ =	strace $0x90000056  }
0x3d3: {  	[bflag:$0x2] =	sbarrier.arrive $0xFFFF  }
0x3d4: {  	s0 =	rddreg [dreg:$0x3]  }
0x3d5: {  	s0 =	sadd.s32 @!p0 $0x100000, s0  }
0x3d6: {  	[sflag:s0] =	ssyncadd.tile.s32 @!p0 $0x1;
	_ =	shalt  }
.Lfunc_end2:
_tile_overlayer_lowered:
.L_overlay_start_2:
0x3d7: {  	(tag) =	ssettag $0x2  }
0x3d8: {  	s0 =	rddreg [dreg:$0x0];
	s2 =	stileid.u32  }
0x3d9: {  	s1 =	rddreg [dreg:$0x1];
	p0 =	sne.s32 s2, $0x0  }
0x3da: {  	s3 =	rddreg [dreg:$0x2];
	[bflag:$0x3] =	sbarrier.arrive $0xFFFF;
	s2 =	simm.s32 @!p0 $0x1C01  }
0x3db: {  	[timem:s3], [sflag:s2] =	dma.local @!p0 [hbm:s0], s1  }
0x3dc: {  	s0 =	simm.s32 @!p0 $0x1  }
0x3dd: {  	_ =	swait.ge @!p0 [sflag:s0], s1  }
0x3de: {  	s1 =	ssub.s32 @!p0 $0x0, s1;
	[sflag:s0] =	ssyncset.done @!p0 $0x0  }
0x3df: {  	[sflag:s0] =	ssyncadd.s32 @!p0 s1  }
0x3e0: {  	[bflag:$0x3] =	sbarrier.arrive $0xFFFF  }
0x3e1: {  	_ =	shalt  }

// kernel: scatter_offload_async_start
scs
__scs_entry_jumppad:
0x0: {  	(pc) =	sbr.rel $0x88, $3  }
0x1: {  	(tag) =	ssettag $0x0;
	lr =	simm.s32 $0x1  }
0x2: {  	[smem:$0x3F8A] =	sst lr;
	_ =	strace $0xD0000000  }
0x3: {  	_ = 	snop  }
0x4: {  	_ = 	snop  }
0x5: {  	_ = 	snop  }
0x6: {  	_ = 	snop  }
0x7: {  	_ = 	snop  }
__scs_overlays_trampoline_lowered:
0x8: {  	[smem:$0x3F99] =	sst s0  }
0x9: {  	[smem:$0x3F9A] =	sst s1  }
0xa: {  	[smem:$0x3F9B] =	sst s2  }
0xb: {  	[smem:$0x3F9C] =	sst s3  }
0xc: {  	[smem:$0x3F9D] =	sst s4  }
0xd: {  	[smem:$0x3F9E] =	sst s5  }
0xe: {  	[smem:$0x3F9F] =	sst s6  }
0xf: {  	[smem:$0x3FA0] =	sst s7  }
0x10: {  	[smem:$0x3FA1] =	sst s8  }
0x11: {  	[smem:$0x3FA2] =	sst s9;
	s0 =	simm.s32 @!p0 $0x0  }
0x12: {  	s1 =	sld [smem:$0x3F88];
	s0 =	simm.s32 @p0 $0x1  }
0x13: {  	[smem:$0x3FA3] =	sst s0;
	s0 =	simm.s32 @!p1 $0x0  }
0x14: {  	s2 =	sld [smem:$0x3F87];
	s0 =	simm.s32 @p1 $0x1  }
0x15: {  	[smem:$0x3FA4] =	sst s0;
	s0 =	simm.s32 @!p2 $0x0  }
0x16: {  	s3 =	sld [smem:$0x3FDB];
	s0 =	simm.s32 @p2 $0x1  }
0x17: {  	s4 =	simm.s32 $0x1BF5;
	[smem:$0x3FA6] =	sst s0  }
0x18: {  	s0 =	sld [smem:$0x3F89];
	_ =	swait.ge [sflag:s4], $0x0  }
0x19: {  	s7 =	sld [smem:$0x3F8A]  }
0x1a: {  	s8 =	sadd.s32 $0xFFFFE003, lr  }
0x1b: {  	s9 =	sadd.s32 $0xFFFFFEF7, lr;
	s5 =	simm.s32 $0xFFFFFFFF;
	p2 =	slt.u32 s8, $0xFFFFF086  }
0x1c: {  	p1 =	slt.u32 s9, $0xF7A;
	s5 =	simm.s32 @!p2 $0x0  }
0x1d: {  	s5 =	simm.s32 @p1 $0x1;
	p0 =	seq.s32 s7, s2  }
0x1e: {  	s7 =	smul.u32 @!p0 $0xF7A, s2;
	p2 =	seq.s32 @!p0 s5, $0x0  }
0x1f: {  	s9 =	smul.u32 $0xF7A, s1;
	s8 =	simm.s32 @!p0 $0x1BF5;
	p2 =	por !p2, p0  }
0x20: {  	[sflag:s8] =	ssyncset.s32 @!p0 $0xFFFFF086;
	s6 =	sadd.s32 @!p0 s3, s7;
	s7 =	simm.s32 @!p0 $0x108  }
0x21: {  	s3 =	sadd.s32 s3, s9;
	s6 =	sadd.s32 @!p0 $0x88, s6;
	s7 =	simm.s32 @p2 $0x1082  }
0x22: {  	[simem:s7], [sflag:s8] =	dma.local @!p0 [hbm:s6], $0xF7A  }
0x23: {  	s9 =	sor.u32 $0xD0000000, s2;
	s6 =	simm.s32 $0x108;
	_ =	swait.ge @!p0 [sflag:s8], $0x0  }
0x24: {  	s3 =	sadd.s32 $0x88, s3;
	s6 =	simm.s32 @!p1 $0x1082;
	[sflag:s4] =	ssyncset.s32 $0xFFFFF086  }
0x25: {  	[simem:s6], [sflag:s4] =	dma.local [hbm:s3], $0xF7A  }
0x26: {  	[smem:$0x3F8A] =	sst s1;
	(tag) =	ssettag s2;
	_ =	strace s9  }
0x27: {  	s1 =	sld [smem:$0x3F9A]  }
0x28: {  	s2 =	sld [smem:$0x3F9B]  }
0x29: {  	s4 =	sld [smem:$0x3F9D]  }
0x2a: {  	p0 =	seq.s32 s5, $0x0;
	s5 =	sld [smem:$0x3F9E]  }
0x2b: {  	s6 =	sld [smem:$0x3F9F]  }
0x2c: {  	s7 =	sld [smem:$0x3FA0]  }
0x2d: {  	s3 =	simm.s32 $0x108;
	s8 =	sld [smem:$0x3FA1]  }
0x2e: {  	s3 =	simm.s32 @!p0 $0x1082;
	s9 =	sld [smem:$0x3FA2]  }
0x2f: {  	lr =	sadd.s32 s0, s3;
	s0 =	sld [smem:$0x3F99]  }
0x30: {  	s3 =	sld [smem:$0x3F9C]  }
0x31: {  	[smem:$0x3FA5] =	sst s10  }
0x32: {  	s10 =	sld [smem:$0x3FA3];
	_ =	sdelay $0x3  }
0x33: {  	p0 =	seq.s32 s10, $0x1;
	s10 =	sld [smem:$0x3FA5];
	_ =	sdelay $0x3  }
0x34: {  	[smem:$0x3FA5] =	sst s10  }
0x35: {  	s10 =	sld [smem:$0x3FA4];
	_ =	sdelay $0x3  }
0x36: {  	p1 =	seq.s32 s10, $0x1;
	s10 =	sld [smem:$0x3FA5];
	_ =	sdelay $0x3  }
0x37: {  	[smem:$0x3FA5] =	sst s10  }
0x38: {  	s10 =	sld [smem:$0x3FA6]  }
0x39: {  	_ = 	snop;
	(pc) =	sbr.ind lr, $3  }
0x3a: {  	_ = 	snop  }
0x3b: {  	_ = 	snop  }
0x3c: {  	p2 =	seq.s32 s10, $0x1;
	s10 =	sld [smem:$0x3FA5]  }
0x3d: {  	_ =	shalt  }
0x3e: {  	_ =	shalt  }
0x3f: {  	_ =	shalt  }
0x40: {  	_ =	shalt  }
0x41: {  	_ =	shalt  }
0x42: {  	_ =	shalt  }
0x43: {  	_ =	shalt  }
0x44: {  	_ =	shalt  }
0x45: {  	_ =	shalt  }
0x46: {  	_ =	shalt  }
0x47: {  	_ =	shalt  }
0x48: {  	_ =	shalt  }
0x49: {  	_ =	shalt  }
0x4a: {  	_ =	shalt  }
0x4b: {  	_ =	shalt  }
0x4c: {  	_ =	shalt  }
0x4d: {  	_ =	shalt  }
0x4e: {  	_ =	shalt  }
0x4f: {  	_ =	shalt  }
0x50: {  	_ =	shalt  }
0x51: {  	_ =	shalt  }
0x52: {  	_ =	shalt  }
0x53: {  	_ =	shalt  }
0x54: {  	_ =	shalt  }
0x55: {  	_ =	shalt  }
0x56: {  	_ =	shalt  }
0x57: {  	_ =	shalt  }
0x58: {  	_ =	shalt  }
0x59: {  	_ =	shalt  }
0x5a: {  	_ =	shalt  }
0x5b: {  	_ =	shalt  }
0x5c: {  	_ =	shalt  }
0x5d: {  	_ =	shalt  }
0x5e: {  	_ =	shalt  }
0x5f: {  	_ =	shalt  }
0x60: {  	_ =	shalt  }
0x61: {  	_ =	shalt  }
0x62: {  	_ =	shalt  }
0x63: {  	_ =	shalt  }
0x64: {  	_ =	shalt  }
0x65: {  	_ =	shalt  }
0x66: {  	_ =	shalt  }
0x67: {  	_ =	shalt  }
0x68: {  	_ =	shalt  }
0x69: {  	_ =	shalt  }
0x6a: {  	_ =	shalt  }
0x6b: {  	_ =	shalt  }
0x6c: {  	_ =	shalt  }
0x6d: {  	_ =	shalt  }
0x6e: {  	_ =	shalt  }
0x6f: {  	_ =	shalt  }
0x70: {  	_ =	shalt  }
0x71: {  	_ =	shalt  }
0x72: {  	_ =	shalt  }
0x73: {  	_ =	shalt  }
0x74: {  	_ =	shalt  }
0x75: {  	_ =	shalt  }
0x76: {  	_ =	shalt  }
0x77: {  	_ =	shalt  }
0x78: {  	_ =	shalt  }
0x79: {  	_ =	shalt  }
0x7a: {  	_ =	shalt  }
0x7b: {  	_ =	shalt  }
0x7c: {  	_ =	shalt  }
0x7d: {  	_ =	shalt  }
0x7e: {  	_ =	shalt  }
0x7f: {  	_ =	shalt  }
0x80: {  	_ =	shalt  }
0x81: {  	_ =	shalt  }
0x82: {  	_ =	shalt  }
0x83: {  	_ =	shalt  }
0x84: {  	_ =	shalt  }
0x85: {  	_ =	shalt  }
0x86: {  	_ =	shalt  }
0x87: {  	_ =	shalt  }
.Lfunc_end0:
.L_simem_size_0:
called_computation_lowered:
.L_overlay_start_0:
0x88: {  	s2 =	sld [smem:$0x3FD9]  }
0x89: {  	s3 =	sld [smem:$0x3FFE];
	_ =	sdelay $0x1  }
0x8a: {  	s1 =	srdreg.scid  }
0x8b: {  	s0 =	sand.u32 $0x1, s1  }
0x8c: {  	s15 =	sshll.u32 s0, $0xA;
	s2 =	sadd.s32 s3, s2  }
0x8d: {  	s2 =	sadd.s32 s2, s15  }
0x8e: {  	[smem:$0x3FB1] =	sst s2  }
0x8f: {  	_ = 	snop  }
0x90: {  	(tm) =	ssettm $0x1  }
0x91: {  	s16 =	sld [smem:$0x3FFB];
	_ =	sdelay $0x3  }
0x92: {  	_ =	strace s16  }
0x93: {  	s2 =	sld [smem:$0x3FFC];
	_ =	sdelay $0x3  }
0x94: {  	_ =	strace s2  }
0x95: {  	s2 =	sld [smem:$0x3FFD];
	_ =	sdelay $0x3  }
0x96: {  	_ =	strace s2  }
0x97: {  	_ =	strace $0x8FFFFFFF  }
0x98: {  	s17 =	sld [smem:$0x3FDB];
	_ =	sdelay $0x1  }
0x99: {  	s18 =	simm.s32 $_scs_section_size  }
0x9a: {  	s4 =	simm.s32 $_size__tile_overlayer_lowered;
	s5 =	simm.s32 $_tile_overlayer_lowered  }
0x9b: {  	s6 =	simm.s32 $0x1BFF;
	s19 =	sshll.u32 s5, $0x1;
	s3 =	sadd.s32 s18, s17  }
0x9c: {  	s20 =	simm.s32 $0x0;
	s4 =	sshll.u32 s4, $0x1;
	s5 =	sadd.s32 s19, s3  }
0x9d: {  	[timem:s20], [sflag:s6] =	dma.local [hbm:s5], s4  }
0x9e: {  	_ =	swait.ge [sflag:s6], s4  }
0x9f: {  	s4 =	ssub.s32 $0x0, s4;
	[sflag:s6] =	ssyncset.done $0x0  }
0xa0: {  	[sflag:s6] =	ssyncadd.s32 s4;
	_ =	sdelay $0x1  }
0xa1: {  	s21 =	simm.s32 $0x1B8B  }
0xa2: {  	_ =	swait.ge [sflag:s21], $0x1  }
0xa3: {  	[sflag:s21] =	ssyncset.done $0x0  }
0xa4: {  	s22 =	sld [smem:$0x3FFE];
	[sflag:s21] =	ssyncadd.s32 $0xFFFFFFFF  }
0xa5: {  	s24 =	simm.s32 $0x1B8E;
	s23 =	sld [smem:$0x0]  }
0xa6: {  	s25 =	simm.s32 $execute0_lowered;
	[smem:$0x3FD2] =	sst s24  }
0xa7: {  	s6 =	sshll.u32 s25, $0x1;
	_ =	strace $0x80000049;
	[dreg:$0x1] =	wrdreg $0xFFFFFFFF  }
0xa8: {  	s7 =	simm.s32 $_size_execute0_lowered;
	s6 =	sadd.s32 s3, s6;
	[dreg:$0x0] =	wrdreg $0x0  }
0xa9: {  	s7 =	sshll.u32 s7, $0x1;
	[dreg:$0x2] =	wrdreg s6  }
0xaa: {  	[dreg:$0x3] =	wrdreg s7  }
0xab: {  	[dreg:$0x4] =	wrdreg $0xC0  }
0xac: {  	s26 =	simm.s32 $execute1_lowered;
	_ =	task [dreg:s20], $0x5FFFF  }
0xad: {  	s6 =	sshll.u32 s26, $0x1;
	[dreg:$0x1] =	wrdreg $0xFFFFFFFF  }
0xae: {  	s3 =	sadd.s32 s3, s6;
	[dreg:$0x0] =	wrdreg $0x60  }
0xaf: {  	[dreg:$0x2] =	wrdreg s3  }
0xb0: {  	[dreg:$0x3] =	wrdreg s22  }
0xb1: {  	[dreg:$0x4] =	wrdreg $0x9  }
0xb2: {  	_ =	task.clear_ibuf [dreg:s20], $0x5FFFF;
	_ =	strace $0x90000049  }
0xb3: {  	s28 =	simm.s32 $0x9;
	_ =	strace $0x8000004B  }
0xb4: {  	_ =	swait.ge [sflag:s28], $0x1  }
0xb5: {  	[sflag:s28] =	ssyncadd.s32 $0xFFFFFFFF  }
0xb6: {  	_ =	strace $0x9000004B  }
0xb7: {  	s3 =	sld [smem:$0x0]  }
0xb8: {  	s6 =	sand.u32 $0xFFFFFFFE, s1  }
0xb9: {  	p0 =	sne.s32 s1, s6  }
0xba: {  	s6 =	sshll.u32 @p0 s6, $0xE  }
0xbb: {  	s6 =	sadd.s32 @p0 $0x11BF3, s6;
	s7 =	sshll.u32 @p0 s3, $0x11  }
0xbc: {  	s6 =	sor.u32 @p0 s7, s6  }
0xbd: {  	[sflag:s6] =	ssyncadd.remote.s32 @p0 $0x1;
	_ =	sdelay $0x1  }
0xbe: {  	s6 =	simm.s32 @p0 $0x1BF3  }
0xbf: {  	_ =	swait.eq @p0 [sflag:s6], $0x1  }
0xc0: {  	[sflag:s6] =	ssyncadd.s32 @p0 $0xFFFFFFFF  }
0xc1: {  	s7 =	sshll.u32 @!p0 s1, $0xE  }
0xc2: {  	s7 =	sor.u32 @!p0 $0x4000, s7;
	s6 =	simm.s32 @!p0 $0x1BF3  }
0xc3: {  	s3 =	sshll.u32 @!p0 s3, $0x11;
	s7 =	sadd.s32 @!p0 $0x11BF3, s7;
	_ =	swait.eq @!p0 [sflag:s6], $0x1  }
0xc4: {  	s3 =	sor.u32 @!p0 s3, s7;
	[sflag:s6] =	ssyncadd.s32 @!p0 $0xFFFFFFFF  }
0xc5: {  	[sflag:s3] =	ssyncadd.remote.s32 @!p0 $0x1  }
0xc6: {  	_ =	strace $0x8000004C;
	[dreg:$0x1] =	wrdreg $0xFFFFFFFF  }
0xc7: {  	[dreg:$0x0] =	wrdreg $0x2030  }
0xc8: {  	[dreg:$0x2] =	wrdreg s22  }
0xc9: {  	[dreg:$0x3] =	wrdreg s1  }
0xca: {  	[dreg:$0x4] =	wrdreg s23  }
0xcb: {  	[dreg:$0x5] =	wrdreg $0xA  }
0xcc: {  	_ =	task.clear_ibuf [dreg:s20], $0x6FFFF;
	_ =	strace $0x9000004C  }
0xcd: {  	s29 =	simm.s32 $0xA;
	_ =	strace $0x8000004E  }
0xce: {  	_ =	swait.ge [sflag:s29], $0x1  }
0xcf: {  	[sflag:s29] =	ssyncadd.s32 $0xFFFFFFFF  }
0xd0: {  	_ =	strace $0x9000004E  }
0xd1: {  	_ =	sfence  }
0xd2: {  	s30 =	sld [smem:$0x0];
	_ =	sdelay $0x2  }
0xd3: {  	s31 =	sshll.u32 s1, $0xD;
	s1 =	sshrl.u32 s1, $0x2  }
0xd4: {  	s4 =	sand.u32 $0x4000, s31;
	s1 =	sadd.s32 s1, s30  }
0xd5: {  	s0 =	sor.u32 s4, s0;
	s1 =	sshll.u32 s1, $0x11  }
0xd6: {  	s0 =	sor.u32 s1, s0  }
0xd7: {  	s0 =	sadd.s32 $0x8F2B, s0  }
0xd8: {  	[sflag:s0] =	ssyncadd.remote.s32 $0x1  }
0xd9: {  	_ =	sfence.sel $0xFFFF  }
0xda: {  	[dreg:$0x0] =	wrdreg $0xFFFFFFFF;
	(pc) =	sbr.abs _section_cstart, $3  }
0xdb: {  	[dreg:$0x1] =	wrdreg $0xFFFFFFFF  }
0xdc: {  	_ =	task.clear_ibuf [dreg:s20], $0x2FFFF;
	_ =	strace $0x9FFFFFFF  }
0xdd: {  	(tm) =	ssettm $0x7FFFFFFF  }
tec
execute0_lowered:
.L_overlay_start_1:
0x0: {  	(tag) =	ssettag $0x1  }
0x1: {  	s2 =	rddreg [dreg:$0x0]  }
0x2: {  	s3 =	rddreg [dreg:$0x1]  }
0x3: {  	s0 =	rddreg [dreg:$0x2];
	s4 =	stileid.u32;
	[bflag:$0x3] =	sbarrier.arrive $0xFFFF  }
0x4: {  	s1 =	simm.s32 $_size_execute1_lowered;
	s31 =	srdreg.scid;
	p0 =	sne.s32 s4, $0x0  }
0x5: {  	s1 =	sshll.u32 s1, $0x1;
	s5 =	simm.s32 @!p0 $0x1C3F;
	s6 =	simm.s32 @!p0 $0x4060  }
0x6: {  	[timem:s6], [sflag:s5] =	dma.local @!p0 [hbm:s2], s1  }
0x7: {  	s2 =	sshll.u32 s31, $0x9  }
0x8: {  	s4 =	sshll.u32 s4, $0xA;
	s2 =	sand.u32 $0x200, s2  }
0x9: {  	s2 =	sor.u32 s4, s2  }
0xa: {  	s8 =	simm.s32 $0x2;
	s11 =	simm.s32 $0x0;
	s5 =	sshll.u32 s2, $0x4  }
0xb: {  	s9 =	simm.s32 $0x80;
	p1 =	slt.u32 s4, $0x2800;
	s4 =	sadd.s32 $0xFFFD8000, s5  }
0xc: {  	s10 =	simm.s32 $0x0;
	s6 =	simm.s32 $0x3;
	s4 =	smov.u32 @p1 s5  }
0xd: {  	_ =	strace $0x8000004A;
	s5 =	ssub.s32 $0x2800, s2;
	s7 =	sadd.s32 s4, s3  }
.Ltmp0:
0xe: {  	p1 =	sgt.s32 s5, $0x0;
	s4 =	simm.s32 $0x1;
	(pc) =	sbr.rel .LBB2_1-.Ltmp0, $4  }
0xf: {  	s3 =	sadd.s32 $0x548800, s3;
	s5 =	simm.s32 @!p1 $0x0;
	[sflag:s4] =	ssyncpa.u1 $0x0  }
0x10: {  	s7 =	sadd.s32 $0x520800, s7;
	s5 =	sand.u32 $0x3E00, s5;
	[sflag:s8] =	ssyncpa.u1 $0x0  }
0x11: {  	s8 =	simm.s32 $0x20;
	p1 =	sne.s32 s5, $0x0;
	s5 =	simm.s32 $0x1  }
0x12: {  	s5 =	simm.s32 @!p1 $0x0;
	s6 =	simm.s32 @!p1 $0x2;
	p1 =	por $0x0, $0x0  }
.LBB2_4:
0x13: {  	s14 =	smulhi.u32 $0xCCCCCCCD, s11;
	_ =	sdelay $0x1  }
0x14: {  	s14 =	sshrl.u32 s14, $0xD  }
0x15: {  	s14 =	smul.u32 $0x2800, s14;
	_ =	sdelay $0x1  }
0x16: {  	s31 =	ssub.s32 s11, s14  }
0x17: {  	[tilespmem:v1+s12+$0x0 ss:$0x1] =	vst.idx.msk $0xffff, v2;
	s11 =	sshll.u32 s31, $0x4  }
0x18: {  	[tilespmem:v1+s12+$0xFFFFFFF0 ss:$0x1] =	vst.idx.msk $0xffff, v3;
	s11 =	sadd.s32 s3, s11  }
0x19: {  	[hbm4b:s11+s8] =	stream.strided.scatter [tilespmem:s13], [sflag:$0x2], $0x4000, s9, s8, $0x38;
	[tilespmem:$0x10000] =	vst v63  }
.LBB2_5:
0x1a: {  	p2 =	slt.u32 s10, $0x2;
	s10 =	sadd.s32 $0x1, s10  }
0x1b: {  	p3 =	sne.s32 s10, s6  }
.Ltmp1:
0x1c: {  	_ = 	snop;
	(pc) =	sbr.rel @!p3 .LBB2_6-.Ltmp1, $4  }
0x1d: {  	s11 =	simm.s32 @!p2 $0x2  }
0x1e: {  	_ =	swait.ge @!p2 [sflag:s11], $0x4000  }
0x1f: {  	[sflag:s11] =	ssyncset.done @!p2 $0x0  }
0x20: {  	p1 =	por !p1, !p1;
	[sflag:s11] =	ssyncadd.s32 @!p2 $0xFFFFC000;
	s11 =	smov.u32 s2  }
.LBB2_1:
0x21: {  	p2 =	sge.u32 s10, s5;
	s31 =	sadd.s32 $0xFFFFFFFF, s10  }
0x22: {  	s12 =	simm.s32 @!p2 $0x20;
	s13 =	simm.s32 @!p2 $0x80;
	s14 =	simm.s32 @!p2 $0x4000  }
0x23: {  	[tilespmem:s14], [sflag:$0x1] =	stream.strided.gather @!p2 [hbm4b:s7+s12], $0x4000, s13, s12, $0x38;
	[tilespmem:$0x10000] =	vst v63  }
0x24: {  	p2 =	sge.u32 s31, s5  }
.Ltmp2:
0x25: {  	_ = 	snop;
	(pc) =	sbr.rel @p2 .LBB2_5-.Ltmp2, $1  }
0x26: {  	_ =	sdelay $0x3  }
0x27: {  	s12 =	simm.s32 $0x1  }
0x28: {  	s12 =	simm.s32 @!p1 $0x0  }
0x29: {  	s13 =	sshll.u32 s12, $0xE  }
0x2a: {  	s12 =	sor.u32 $0x10, s13  }
0x2b: {  	v0 =	vmov s12;
	_ =	sdelay $0x1  }
0x2c: {  	_ =	swait.ge [sflag:s4], $0x4000  }
0x2d: {  	[sflag:s4] =	ssyncset.done $0x0  }
0x2e: {  	s14 =	sshll.u32 s10, $0xE;
	[sflag:s4] =	ssyncadd.s32 $0xFFFFC000;
	s12 =	simm.s32 $0x0  }
0x2f: {  	s31 =	sand.u32 $0x4000, s14;
	s15 =	sor.u32 $0x8010, s13;
	v2 =	vld.idx.msk [tilespmem:v0+s12+$0x0 ss:$0x1], $0xffff  }
0x30: {  	s14 =	simm.s32 $0x80;
	s13 =	sor.u32 $0x8000, s31;
	v1 =	vmov s15;
	v3 =	vld.idx.msk [tilespmem:v0+s12+$0xFFFFFFF0 ss:$0x1], $0xffff  }
.LBB2_3:
0x31: {  	p2 =	sne.s32 s14, $0xFF80  }
.Ltmp3:
0x32: {  	_ = 	snop;
	(pc) =	sbr.rel @p2 .LBB2_3-.Ltmp3, $4  }
0x33: {  	_ = 	snop  }
0x34: {  	s15 =	sshra.s32 s14, $0x2;
	s14 =	sadd.s32 $0x80, s14  }
0x35: {  	[tilespmem:v1+s12+$0x0 ss:$0x1] =	vst.idx.msk $0xffff, v2;
	v2 =	vld.idx.msk [tilespmem:v0+s15+$0x0 ss:$0x1], $0xffff  }
0x36: {  	[tilespmem:v1+s12+$0xFFFFFFF0 ss:$0x1] =	vst.idx.msk $0xffff, v3;
	v3 =	vld.idx.msk [tilespmem:v0+s15+$0xFFFFFFF0 ss:$0x1], $0xffff;
	s12 =	smov.u32 s15  }
.Ltmp4:
0x37: {  	_ = 	snop;
	(pc) =	sbr.rel .LBB2_4-.Ltmp4, $1  }
0x38: {  	_ =	sdelay $0x3  }
.LBB2_6:
0x39: {  	_ =	sfence.sel $0x180000  }
0x3a: {  	s2 =	simm.s32 $0x1;
	[bflag:$0x0] =	sbarrier.arrive $0xFFFF  }
0x3b: {  	s31 =	simm.s32 $0x2;
	[sflag:s2] =	ssyncpa.u1 $0x1  }
0x3c: {  	[sflag:s31] =	ssyncpa.u1 $0x1  }
0x3d: {  	_ =	strace $0x9000004A  }
0x3e: {  	s0 =	sadd.s32 @!p0 $0x100000, s0;
	[bflag:$0x2] =	sbarrier.arrive $0xFFFF  }
0x3f: {  	[sflag:s0] =	ssyncadd.tile.s32 @!p0 $0x1;
	s0 =	simm.s32 @!p0 $0x3F  }
0x40: {  	_ =	swait.ge @!p0 [sflag:s0], s1  }
0x41: {  	s1 =	ssub.s32 @!p0 $0x0, s1;
	[sflag:s0] =	ssyncset.done @!p0 $0x0  }
0x42: {  	[sflag:s0] =	ssyncadd.s32 @!p0 s1  }
0x43: {  	[bflag:$0x3] =	sbarrier.arrive $0xFFFF  }
0x44: {  	_ =	shalt  }
.Lfunc_end2:
execute1_lowered:
.L_overlay_start_2:
0x45: {  	(tag) =	ssettag $0x2  }
0x46: {  	s11 =	rddreg [dreg:$0x0]  }
0x47: {  	s2 =	rddreg [dreg:$0x1];
	_ =	strace $0x8000004D;
	s12 =	simm.s32 $0x1  }
0x48: {  	v0 =	vimm.s32 $0x0;
	[sflag:s12] =	ssyncpa.u1 $0x0  }
0x49: {  	[tilespmem:$0x28] =	vst v0  }
0x4a: {  	[tilespmem:$0x38] =	vst v0  }
0x4b: {  	[tilespmem:$0x48] =	vst v0  }
0x4c: {  	[tilespmem:$0x58] =	vst v0  }
0x4d: {  	[tilespmem:$0x68] =	vst v0  }
0x4e: {  	[tilespmem:$0x78] =	vst v0  }
0x4f: {  	[tilespmem:$0x88] =	vst v0  }
0x50: {  	[tilespmem:$0x98] =	vst v0  }
0x51: {  	[tilespmem:$0xA8] =	vst v0  }
0x52: {  	[tilespmem:$0xB8] =	vst v0  }
0x53: {  	[tilespmem:$0xC8] =	vst v0  }
0x54: {  	[tilespmem:$0xD8] =	vst v0  }
0x55: {  	[tilespmem:$0xE8] =	vst v0  }
0x56: {  	[tilespmem:$0xF8] =	vst v0  }
0x57: {  	[tilespmem:$0x108] =	vst v0  }
0x58: {  	[tilespmem:$0x118] =	vst v0  }
0x59: {  	[tilespmem:$0x128] =	vst v0  }
0x5a: {  	[tilespmem:$0x138] =	vst v0  }
0x5b: {  	[tilespmem:$0x148] =	vst v0  }
0x5c: {  	[tilespmem:$0x158] =	vst v0  }
0x5d: {  	[tilespmem:$0x168] =	vst v0  }
0x5e: {  	[tilespmem:$0x178] =	vst v0  }
0x5f: {  	[tilespmem:$0x188] =	vst v0  }
0x60: {  	[tilespmem:$0x198] =	vst v0  }
0x61: {  	[tilespmem:$0x1A8] =	vst v0  }
0x62: {  	[tilespmem:$0x1B8] =	vst v0  }
0x63: {  	[tilespmem:$0x1C8] =	vst v0  }
0x64: {  	[tilespmem:$0x1D8] =	vst v0  }
0x65: {  	[tilespmem:$0x1E8] =	vst v0  }
0x66: {  	[tilespmem:$0x1F8] =	vst v0  }
0x67: {  	[tilespmem:$0x208] =	vst v0  }
0x68: {  	[tilespmem:$0x218] =	vst v0  }
0x69: {  	[tilespmem:$0x228] =	vst v0  }
0x6a: {  	[tilespmem:$0x238] =	vst v0  }
0x6b: {  	[tilespmem:$0x248] =	vst v0  }
0x6c: {  	[tilespmem:$0x258] =	vst v0  }
0x6d: {  	[tilespmem:$0x268] =	vst v0  }
0x6e: {  	[tilespmem:$0x278] =	vst v0  }
0x6f: {  	[tilespmem:$0x288] =	vst v0  }
0x70: {  	[tilespmem:$0x298] =	vst v0  }
0x71: {  	[tilespmem:$0x2A8] =	vst v0  }
0x72: {  	[tilespmem:$0x2B8] =	vst v0  }
0x73: {  	[tilespmem:$0x2C8] =	vst v0  }
0x74: {  	[tilespmem:$0x2D8] =	vst v0  }
0x75: {  	[tilespmem:$0x2E8] =	vst v0  }
0x76: {  	[tilespmem:$0x2F8] =	vst v0  }
0x77: {  	[tilespmem:$0x308] =	vst v0  }
0x78: {  	[tilespmem:$0x318] =	vst v0  }
0x79: {  	[tilespmem:$0x328] =	vst v0  }
0x7a: {  	[tilespmem:$0x338] =	vst v0  }
0x7b: {  	[tilespmem:$0x348] =	vst v0  }
0x7c: {  	[tilespmem:$0x358] =	vst v0  }
0x7d: {  	[tilespmem:$0x368] =	vst v0  }
0x7e: {  	[tilespmem:$0x378] =	vst v0  }
0x7f: {  	[tilespmem:$0x388] =	vst v0  }
0x80: {  	[tilespmem:$0x398] =	vst v0  }
0x81: {  	[tilespmem:$0x3A8] =	vst v0  }
0x82: {  	[tilespmem:$0x3B8] =	vst v0  }
0x83: {  	[tilespmem:$0x3C8] =	vst v0  }
0x84: {  	[tilespmem:$0x3D8] =	vst v0  }
0x85: {  	[tilespmem:$0x3E8] =	vst v0  }
0x86: {  	[tilespmem:$0x3F8] =	vst v0  }
0x87: {  	[tilespmem:$0x408] =	vst v0  }
0x88: {  	[tilespmem:$0x418] =	vst v0  }
0x89: {  	[tilespmem:$0x428] =	vst v0  }
0x8a: {  	[tilespmem:$0x438] =	vst v0  }
0x8b: {  	[tilespmem:$0x448] =	vst v0  }
0x8c: {  	[tilespmem:$0x458] =	vst v0  }
0x8d: {  	[tilespmem:$0x468] =	vst v0  }
0x8e: {  	[tilespmem:$0x478] =	vst v0  }
0x8f: {  	[tilespmem:$0x488] =	vst v0  }
0x90: {  	[tilespmem:$0x498] =	vst v0  }
0x91: {  	[tilespmem:$0x4A8] =	vst v0  }
0x92: {  	[tilespmem:$0x4B8] =	vst v0  }
0x93: {  	[tilespmem:$0x4C8] =	vst v0  }
0x94: {  	[tilespmem:$0x4D8] =	vst v0  }
0x95: {  	[tilespmem:$0x4E8] =	vst v0  }
0x96: {  	[tilespmem:$0x4F8] =	vst v0  }
0x97: {  	[tilespmem:$0x508] =	vst v0  }
0x98: {  	[tilespmem:$0x518] =	vst v0  }
0x99: {  	[tilespmem:$0x528] =	vst v0  }
0x9a: {  	[tilespmem:$0x538] =	vst v0  }
0x9b: {  	[tilespmem:$0x548] =	vst v0  }
0x9c: {  	[tilespmem:$0x558] =	vst v0  }
0x9d: {  	[tilespmem:$0x568] =	vst v0  }
0x9e: {  	[tilespmem:$0x578] =	vst v0  }
0x9f: {  	[tilespmem:$0x588] =	vst v0  }
0xa0: {  	[tilespmem:$0x598] =	vst v0  }
0xa1: {  	[tilespmem:$0x5A8] =	vst v0  }
0xa2: {  	[tilespmem:$0x5B8] =	vst v0  }
0xa3: {  	[tilespmem:$0x5C8] =	vst v0  }
0xa4: {  	[tilespmem:$0x5D8] =	vst v0  }
0xa5: {  	[tilespmem:$0x5E8] =	vst v0  }
0xa6: {  	[tilespmem:$0x5F8] =	vst v0  }
0xa7: {  	[tilespmem:$0x608] =	vst v0  }
0xa8: {  	[tilespmem:$0x618] =	vst v0  }
0xa9: {  	[tilespmem:$0x628] =	vst v0  }
0xaa: {  	[tilespmem:$0x638] =	vst v0  }
0xab: {  	[tilespmem:$0x648] =	vst v0  }
0xac: {  	[tilespmem:$0x658] =	vst v0  }
0xad: {  	[tilespmem:$0x668] =	vst v0  }
0xae: {  	[tilespmem:$0x678] =	vst v0  }
0xaf: {  	[tilespmem:$0x688] =	vst v0  }
0xb0: {  	[tilespmem:$0x698] =	vst v0  }
0xb1: {  	[tilespmem:$0x6A8] =	vst v0  }
0xb2: {  	[tilespmem:$0x6B8] =	vst v0  }
0xb3: {  	[tilespmem:$0x6C8] =	vst v0  }
0xb4: {  	[tilespmem:$0x6D8] =	vst v0  }
0xb5: {  	[tilespmem:$0x6E8] =	vst v0  }
0xb6: {  	[tilespmem:$0x6F8] =	vst v0  }
0xb7: {  	[tilespmem:$0x708] =	vst v0  }
0xb8: {  	[tilespmem:$0x718] =	vst v0  }
0xb9: {  	[tilespmem:$0x728] =	vst v0  }
0xba: {  	[tilespmem:$0x738] =	vst v0  }
0xbb: {  	[tilespmem:$0x748] =	vst v0  }
0xbc: {  	[tilespmem:$0x758] =	vst v0  }
0xbd: {  	[tilespmem:$0x768] =	vst v0  }
0xbe: {  	[tilespmem:$0x778] =	vst v0  }
0xbf: {  	[tilespmem:$0x788] =	vst v0  }
0xc0: {  	[tilespmem:$0x798] =	vst v0  }
0xc1: {  	[tilespmem:$0x7A8] =	vst v0  }
0xc2: {  	[tilespmem:$0x7B8] =	vst v0  }
0xc3: {  	[tilespmem:$0x7C8] =	vst v0  }
0xc4: {  	[tilespmem:$0x7D8] =	vst v0  }
0xc5: {  	[tilespmem:$0x7E8] =	vst v0  }
0xc6: {  	[tilespmem:$0x7F8] =	vst v0  }
0xc7: {  	[tilespmem:$0x808] =	vst v0  }
0xc8: {  	[tilespmem:$0x818] =	vst v0  }
0xc9: {  	[tilespmem:$0x828] =	vst v0  }
0xca: {  	[tilespmem:$0x838] =	vst v0  }
0xcb: {  	[tilespmem:$0x848] =	vst v0  }
0xcc: {  	[tilespmem:$0x858] =	vst v0  }
0xcd: {  	[tilespmem:$0x868] =	vst v0  }
0xce: {  	[tilespmem:$0x878] =	vst v0  }
0xcf: {  	[tilespmem:$0x888] =	vst v0  }
0xd0: {  	[tilespmem:$0x898] =	vst v0  }
0xd1: {  	[tilespmem:$0x8A8] =	vst v0  }
0xd2: {  	[tilespmem:$0x8B8] =	vst v0  }
0xd3: {  	[tilespmem:$0x8C8] =	vst v0  }
0xd4: {  	[tilespmem:$0x8D8] =	vst v0  }
0xd5: {  	[tilespmem:$0x8E8] =	vst v0  }
0xd6: {  	[tilespmem:$0x8F8] =	vst v0  }
0xd7: {  	[tilespmem:$0x908] =	vst v0  }
0xd8: {  	[tilespmem:$0x918] =	vst v0  }
0xd9: {  	[tilespmem:$0x928] =	vst v0  }
0xda: {  	[tilespmem:$0x938] =	vst v0  }
0xdb: {  	[tilespmem:$0x948] =	vst v0  }
0xdc: {  	[tilespmem:$0x958] =	vst v0  }
0xdd: {  	[tilespmem:$0x968] =	vst v0  }
0xde: {  	[tilespmem:$0x978] =	vst v0  }
0xdf: {  	[tilespmem:$0x988] =	vst v0  }
0xe0: {  	[tilespmem:$0x998] =	vst v0  }
0xe1: {  	[tilespmem:$0x9A8] =	vst v0  }
0xe2: {  	[tilespmem:$0x9B8] =	vst v0  }
0xe3: {  	[tilespmem:$0x9C8] =	vst v0  }
0xe4: {  	[tilespmem:$0x9D8] =	vst v0  }
0xe5: {  	[tilespmem:$0x9E8] =	vst v0  }
0xe6: {  	[tilespmem:$0x9F8] =	vst v0  }
0xe7: {  	[tilespmem:$0xA08] =	vst v0  }
0xe8: {  	[tilespmem:$0xA18] =	vst v0  }
0xe9: {  	[tilespmem:$0xA28] =	vst v0  }
0xea: {  	[tilespmem:$0xA38] =	vst v0  }
0xeb: {  	[tilespmem:$0xA48] =	vst v0  }
0xec: {  	[tilespmem:$0xA58] =	vst v0  }
0xed: {  	[tilespmem:$0xA68] =	vst v0  }
0xee: {  	[tilespmem:$0xA78] =	vst v0  }
0xef: {  	[tilespmem:$0xA88] =	vst v0  }
0xf0: {  	[tilespmem:$0xA98] =	vst v0  }
0xf1: {  	[tilespmem:$0xAA8] =	vst v0  }
0xf2: {  	[tilespmem:$0xAB8] =	vst v0  }
0xf3: {  	[tilespmem:$0xAC8] =	vst v0  }
0xf4: {  	[tilespmem:$0xAD8] =	vst v0  }
0xf5: {  	[tilespmem:$0xAE8] =	vst v0  }
0xf6: {  	[tilespmem:$0xAF8] =	vst v0  }
0xf7: {  	[tilespmem:$0xB08] =	vst v0  }
0xf8: {  	[tilespmem:$0xB18] =	vst v0  }
0xf9: {  	[tilespmem:$0xB28] =	vst v0  }
0xfa: {  	[tilespmem:$0xB38] =	vst v0  }
0xfb: {  	[tilespmem:$0xB48] =	vst v0  }
0xfc: {  	[tilespmem:$0xB58] =	vst v0  }
0xfd: {  	[tilespmem:$0xB68] =	vst v0  }
0xfe: {  	[tilespmem:$0xB78] =	vst v0  }
0xff: {  	[tilespmem:$0xB88] =	vst v0  }
0x100: {  	[tilespmem:$0xB98] =	vst v0  }
0x101: {  	[tilespmem:$0xBA8] =	vst v0  }
0x102: {  	[tilespmem:$0xBB8] =	vst v0  }
0x103: {  	[tilespmem:$0xBC8] =	vst v0  }
0x104: {  	[tilespmem:$0xBD8] =	vst v0  }
0x105: {  	[tilespmem:$0xBE8] =	vst v0  }
0x106: {  	[tilespmem:$0xBF8] =	vst v0  }
0x107: {  	[tilespmem:$0xC08] =	vst v0  }
0x108: {  	[tilespmem:$0xC18] =	vst v0  }
0x109: {  	[tilespmem:$0xC28] =	vst v0  }
0x10a: {  	[tilespmem:$0xC38] =	vst v0  }
0x10b: {  	[tilespmem:$0xC48] =	vst v0  }
0x10c: {  	[tilespmem:$0xC58] =	vst v0  }
0x10d: {  	[tilespmem:$0xC68] =	vst v0  }
0x10e: {  	[tilespmem:$0xC78] =	vst v0  }
0x10f: {  	[tilespmem:$0xC88] =	vst v0  }
0x110: {  	[tilespmem:$0xC98] =	vst v0  }
0x111: {  	[tilespmem:$0xCA8] =	vst v0  }
0x112: {  	[tilespmem:$0xCB8] =	vst v0  }
0x113: {  	[tilespmem:$0xCC8] =	vst v0  }
0x114: {  	[tilespmem:$0xCD8] =	vst v0  }
0x115: {  	[tilespmem:$0xCE8] =	vst v0  }
0x116: {  	[tilespmem:$0xCF8] =	vst v0  }
0x117: {  	[tilespmem:$0xD08] =	vst v0  }
0x118: {  	[tilespmem:$0xD18] =	vst v0  }
0x119: {  	[tilespmem:$0xD28] =	vst v0  }
0x11a: {  	[tilespmem:$0xD38] =	vst v0  }
0x11b: {  	[tilespmem:$0xD48] =	vst v0  }
0x11c: {  	[tilespmem:$0xD58] =	vst v0  }
0x11d: {  	[tilespmem:$0xD68] =	vst v0  }
0x11e: {  	[tilespmem:$0xD78] =	vst v0  }
0x11f: {  	[tilespmem:$0xD88] =	vst v0  }
0x120: {  	[tilespmem:$0xD98] =	vst v0  }
0x121: {  	[tilespmem:$0xDA8] =	vst v0  }
0x122: {  	[tilespmem:$0xDB8] =	vst v0  }
0x123: {  	[tilespmem:$0xDC8] =	vst v0  }
0x124: {  	[tilespmem:$0xDD8] =	vst v0  }
0x125: {  	[tilespmem:$0xDE8] =	vst v0  }
0x126: {  	[tilespmem:$0xDF8] =	vst v0  }
0x127: {  	[tilespmem:$0xE08] =	vst v0  }
0x128: {  	[tilespmem:$0xE18] =	vst v0  }
0x129: {  	[tilespmem:$0xE28] =	vst v0  }
0x12a: {  	[tilespmem:$0xE38] =	vst v0  }
0x12b: {  	[tilespmem:$0xE48] =	vst v0  }
0x12c: {  	[tilespmem:$0xE58] =	vst v0  }
0x12d: {  	[tilespmem:$0xE68] =	vst v0  }
0x12e: {  	[tilespmem:$0xE78] =	vst v0  }
0x12f: {  	[tilespmem:$0xE88] =	vst v0  }
0x130: {  	[tilespmem:$0xE98] =	vst v0  }
0x131: {  	[tilespmem:$0xEA8] =	vst v0  }
0x132: {  	[tilespmem:$0xEB8] =	vst v0  }
0x133: {  	[tilespmem:$0xEC8] =	vst v0  }
0x134: {  	[tilespmem:$0xED8] =	vst v0  }
0x135: {  	[tilespmem:$0xEE8] =	vst v0  }
0x136: {  	[tilespmem:$0xEF8] =	vst v0  }
0x137: {  	[tilespmem:$0xF08] =	vst v0  }
0x138: {  	[tilespmem:$0xF18] =	vst v0  }
0x139: {  	[tilespmem:$0xF28] =	vst v0  }
0x13a: {  	[tilespmem:$0xF38] =	vst v0  }
0x13b: {  	[tilespmem:$0xF48] =	vst v0  }
0x13c: {  	[tilespmem:$0xF58] =	vst v0  }
0x13d: {  	[tilespmem:$0xF68] =	vst v0  }
0x13e: {  	[tilespmem:$0xF78] =	vst v0  }
0x13f: {  	[tilespmem:$0xF88] =	vst v0  }
0x140: {  	[tilespmem:$0xF98] =	vst v0  }
0x141: {  	[tilespmem:$0xFA8] =	vst v0  }
0x142: {  	[tilespmem:$0xFB8] =	vst v0  }
0x143: {  	[tilespmem:$0xFC8] =	vst v0  }
0x144: {  	[tilespmem:$0xFD8] =	vst v0  }
0x145: {  	[tilespmem:$0xFE8] =	vst v0  }
0x146: {  	[tilespmem:$0xFF8] =	vst v0  }
0x147: {  	[tilespmem:$0x1028] =	vst v0  }
0x148: {  	[tilespmem:$0x10E8] =	vst v0  }
0x149: {  	[tilespmem:$0x1068] =	vst v0  }
0x14a: {  	[tilespmem:$0x1B28] =	vst v0  }
0x14b: {  	[tilespmem:$0x1B18] =	vst v0  }
0x14c: {  	[tilespmem:$0x1B08] =	vst v0  }
0x14d: {  	[tilespmem:$0x1AF8] =	vst v0  }
0x14e: {  	[tilespmem:$0x1AE8] =	vst v0  }
0x14f: {  	[tilespmem:$0x1AD8] =	vst v0  }
0x150: {  	[tilespmem:$0x1AC8] =	vst v0  }
0x151: {  	[tilespmem:$0x1AB8] =	vst v0  }
0x152: {  	[tilespmem:$0x1AA8] =	vst v0  }
0x153: {  	[tilespmem:$0x1A98] =	vst v0  }
0x154: {  	[tilespmem:$0x1A88] =	vst v0  }
0x155: {  	[tilespmem:$0x1A78] =	vst v0  }
0x156: {  	[tilespmem:$0x1A68] =	vst v0  }
0x157: {  	[tilespmem:$0x1A58] =	vst v0  }
0x158: {  	[tilespmem:$0x1A48] =	vst v0  }
0x159: {  	[tilespmem:$0x1A38] =	vst v0  }
0x15a: {  	[tilespmem:$0x1A28] =	vst v0  }
0x15b: {  	[tilespmem:$0x1A18] =	vst v0  }
0x15c: {  	[tilespmem:$0x1A08] =	vst v0  }
0x15d: {  	[tilespmem:$0x19F8] =	vst v0  }
0x15e: {  	[tilespmem:$0x19E8] =	vst v0  }
0x15f: {  	[tilespmem:$0x19D8] =	vst v0  }
0x160: {  	[tilespmem:$0x19C8] =	vst v0  }
0x161: {  	[tilespmem:$0x19B8] =	vst v0  }
0x162: {  	[tilespmem:$0x19A8] =	vst v0  }
0x163: {  	[tilespmem:$0x1998] =	vst v0  }
0x164: {  	[tilespmem:$0x1988] =	vst v0  }
0x165: {  	[tilespmem:$0x1978] =	vst v0  }
0x166: {  	[tilespmem:$0x1968] =	vst v0  }
0x167: {  	[tilespmem:$0x1958] =	vst v0  }
0x168: {  	[tilespmem:$0x1948] =	vst v0  }
0x169: {  	[tilespmem:$0x1938] =	vst v0  }
0x16a: {  	[tilespmem:$0x1928] =	vst v0  }
0x16b: {  	[tilespmem:$0x1918] =	vst v0  }
0x16c: {  	[tilespmem:$0x1908] =	vst v0  }
0x16d: {  	[tilespmem:$0x18F8] =	vst v0  }
0x16e: {  	[tilespmem:$0x18E8] =	vst v0  }
0x16f: {  	[tilespmem:$0x18D8] =	vst v0  }
0x170: {  	[tilespmem:$0x18C8] =	vst v0  }
0x171: {  	[tilespmem:$0x18B8] =	vst v0  }
0x172: {  	[tilespmem:$0x18A8] =	vst v0  }
0x173: {  	[tilespmem:$0x1898] =	vst v0  }
0x174: {  	[tilespmem:$0x1888] =	vst v0  }
0x175: {  	[tilespmem:$0x1878] =	vst v0  }
0x176: {  	[tilespmem:$0x1868] =	vst v0  }
0x177: {  	[tilespmem:$0x1858] =	vst v0  }
0x178: {  	[tilespmem:$0x1848] =	vst v0  }
0x179: {  	[tilespmem:$0x1838] =	vst v0  }
0x17a: {  	[tilespmem:$0x1828] =	vst v0  }
0x17b: {  	[tilespmem:$0x1818] =	vst v0  }
0x17c: {  	[tilespmem:$0x1808] =	vst v0  }
0x17d: {  	[tilespmem:$0x17F8] =	vst v0  }
0x17e: {  	[tilespmem:$0x17E8] =	vst v0  }
0x17f: {  	[tilespmem:$0x17D8] =	vst v0  }
0x180: {  	[tilespmem:$0x17C8] =	vst v0  }
0x181: {  	[tilespmem:$0x17B8] =	vst v0  }
0x182: {  	[tilespmem:$0x17A8] =	vst v0  }
0x183: {  	[tilespmem:$0x1798] =	vst v0  }
0x184: {  	[tilespmem:$0x1788] =	vst v0  }
0x185: {  	[tilespmem:$0x1778] =	vst v0  }
0x186: {  	[tilespmem:$0x1768] =	vst v0  }
0x187: {  	[tilespmem:$0x1758] =	vst v0  }
0x188: {  	[tilespmem:$0x1748] =	vst v0  }
0x189: {  	[tilespmem:$0x1738] =	vst v0  }
0x18a: {  	[tilespmem:$0x1728] =	vst v0  }
0x18b: {  	[tilespmem:$0x1718] =	vst v0  }
0x18c: {  	[tilespmem:$0x1708] =	vst v0  }
0x18d: {  	[tilespmem:$0x16F8] =	vst v0  }
0x18e: {  	[tilespmem:$0x16E8] =	vst v0  }
0x18f: {  	[tilespmem:$0x16D8] =	vst v0  }
0x190: {  	[tilespmem:$0x16C8] =	vst v0  }
0x191: {  	[tilespmem:$0x16B8] =	vst v0  }
0x192: {  	[tilespmem:$0x16A8] =	vst v0  }
0x193: {  	[tilespmem:$0x1698] =	vst v0  }
0x194: {  	[tilespmem:$0x1688] =	vst v0  }
0x195: {  	[tilespmem:$0x1678] =	vst v0  }
0x196: {  	[tilespmem:$0x1668] =	vst v0  }
0x197: {  	[tilespmem:$0x1658] =	vst v0  }
0x198: {  	[tilespmem:$0x1648] =	vst v0  }
0x199: {  	[tilespmem:$0x1638] =	vst v0  }
0x19a: {  	[tilespmem:$0x1628] =	vst v0  }
0x19b: {  	[tilespmem:$0x1618] =	vst v0  }
0x19c: {  	[tilespmem:$0x1608] =	vst v0  }
0x19d: {  	[tilespmem:$0x15F8] =	vst v0  }
0x19e: {  	[tilespmem:$0x15E8] =	vst v0  }
0x19f: {  	[tilespmem:$0x15D8] =	vst v0  }
0x1a0: {  	[tilespmem:$0x15C8] =	vst v0  }
0x1a1: {  	[tilespmem:$0x15B8] =	vst v0  }
0x1a2: {  	[tilespmem:$0x15A8] =	vst v0  }
0x1a3: {  	[tilespmem:$0x1598] =	vst v0  }
0x1a4: {  	[tilespmem:$0x1588] =	vst v0  }
0x1a5: {  	[tilespmem:$0x1578] =	vst v0  }
0x1a6: {  	[tilespmem:$0x1568] =	vst v0  }
0x1a7: {  	[tilespmem:$0x1558] =	vst v0  }
0x1a8: {  	[tilespmem:$0x1548] =	vst v0  }
0x1a9: {  	[tilespmem:$0x1538] =	vst v0  }
0x1aa: {  	[tilespmem:$0x1528] =	vst v0  }
0x1ab: {  	[tilespmem:$0x1518] =	vst v0  }
0x1ac: {  	[tilespmem:$0x1508] =	vst v0  }
0x1ad: {  	[tilespmem:$0x14F8] =	vst v0  }
0x1ae: {  	[tilespmem:$0x14E8] =	vst v0  }
0x1af: {  	[tilespmem:$0x14D8] =	vst v0  }
0x1b0: {  	[tilespmem:$0x14C8] =	vst v0  }
0x1b1: {  	[tilespmem:$0x14B8] =	vst v0  }
0x1b2: {  	[tilespmem:$0x14A8] =	vst v0  }
0x1b3: {  	[tilespmem:$0x1498] =	vst v0  }
0x1b4: {  	[tilespmem:$0x1488] =	vst v0  }
0x1b5: {  	[tilespmem:$0x1478] =	vst v0  }
0x1b6: {  	[tilespmem:$0x1468] =	vst v0  }
0x1b7: {  	[tilespmem:$0x1458] =	vst v0  }
0x1b8: {  	[tilespmem:$0x1448] =	vst v0  }
0x1b9: {  	[tilespmem:$0x1438] =	vst v0  }
0x1ba: {  	[tilespmem:$0x1428] =	vst v0  }
0x1bb: {  	[tilespmem:$0x1418] =	vst v0  }
0x1bc: {  	[tilespmem:$0x1408] =	vst v0  }
0x1bd: {  	[tilespmem:$0x13F8] =	vst v0  }
0x1be: {  	[tilespmem:$0x13E8] =	vst v0  }
0x1bf: {  	[tilespmem:$0x13D8] =	vst v0  }
0x1c0: {  	[tilespmem:$0x13C8] =	vst v0  }
0x1c1: {  	[tilespmem:$0x13B8] =	vst v0  }
0x1c2: {  	[tilespmem:$0x13A8] =	vst v0  }
0x1c3: {  	[tilespmem:$0x1398] =	vst v0  }
0x1c4: {  	[tilespmem:$0x1388] =	vst v0  }
0x1c5: {  	[tilespmem:$0x1378] =	vst v0  }
0x1c6: {  	[tilespmem:$0x1368] =	vst v0  }
0x1c7: {  	[tilespmem:$0x1358] =	vst v0  }
0x1c8: {  	[tilespmem:$0x1348] =	vst v0  }
0x1c9: {  	[tilespmem:$0x1338] =	vst v0  }
0x1ca: {  	[tilespmem:$0x1328] =	vst v0  }
0x1cb: {  	[tilespmem:$0x1318] =	vst v0  }
0x1cc: {  	[tilespmem:$0x1308] =	vst v0  }
0x1cd: {  	[tilespmem:$0x12F8] =	vst v0  }
0x1ce: {  	[tilespmem:$0x12E8] =	vst v0  }
0x1cf: {  	[tilespmem:$0x12D8] =	vst v0  }
0x1d0: {  	[tilespmem:$0x12C8] =	vst v0  }
0x1d1: {  	[tilespmem:$0x12B8] =	vst v0  }
0x1d2: {  	[tilespmem:$0x12A8] =	vst v0  }
0x1d3: {  	[tilespmem:$0x1298] =	vst v0  }
0x1d4: {  	[tilespmem:$0x1288] =	vst v0  }
0x1d5: {  	[tilespmem:$0x1278] =	vst v0  }
0x1d6: {  	[tilespmem:$0x1268] =	vst v0  }
0x1d7: {  	[tilespmem:$0x1258] =	vst v0  }
0x1d8: {  	[tilespmem:$0x1248] =	vst v0  }
0x1d9: {  	[tilespmem:$0x1238] =	vst v0  }
0x1da: {  	[tilespmem:$0x1228] =	vst v0  }
0x1db: {  	[tilespmem:$0x1218] =	vst v0  }
0x1dc: {  	[tilespmem:$0x1208] =	vst v0  }
0x1dd: {  	[tilespmem:$0x11F8] =	vst v0  }
0x1de: {  	[tilespmem:$0x11E8] =	vst v0  }
0x1df: {  	[tilespmem:$0x11D8] =	vst v0  }
0x1e0: {  	[tilespmem:$0x11C8] =	vst v0  }
0x1e1: {  	[tilespmem:$0x11B8] =	vst v0  }
0x1e2: {  	[tilespmem:$0x11A8] =	vst v0  }
0x1e3: {  	[tilespmem:$0x1198] =	vst v0  }
0x1e4: {  	[tilespmem:$0x1188] =	vst v0  }
0x1e5: {  	[tilespmem:$0x1178] =	vst v0  }
0x1e6: {  	[tilespmem:$0x1168] =	vst v0  }
0x1e7: {  	[tilespmem:$0x1158] =	vst v0  }
0x1e8: {  	[tilespmem:$0x1148] =	vst v0  }
0x1e9: {  	[tilespmem:$0x1138] =	vst v0  }
0x1ea: {  	[tilespmem:$0x1128] =	vst v0  }
0x1eb: {  	[tilespmem:$0x1118] =	vst v0  }
0x1ec: {  	s4 =	stileid.u32;
	[tilespmem:$0x1108] =	vst v0  }
0x1ed: {  	s0 =	smul.u32 $0x17, s4;
	[tilespmem:$0x10F8] =	vst v0  }
0x1ee: {  	s1 =	smin.u32 s4, $0x3;
	[tilespmem:$0x10C8] =	vst v0  }
0x1ef: {  	[tilespmem:$0x10D8] =	vst v0;
	s0 =	sadd.s32 s1, s0  }
0x1f0: {  	p0 =	slt.u32 s4, $0x3;
	[tilespmem:$0x10B8] =	vst v0;
	s1 =	simm.s32 $0x2880;
	s6 =	smul.u32 $0x1B0, s0  }
0x1f1: {  	s1 =	simm.s32 @!p0 $0x26D0;
	[tilespmem:$0x1038] =	vst v0  }
0x1f2: {  	[tilespmem:$0x10A8] =	vst v0;
	s0 =	sadd.s32 s1, s6  }
0x1f3: {  	s3 =	simm.s32 $0x2;
	s8 =	simm.s32 $0x9;
	[tilespmem:$0x1098] =	vst v0;
	s7 =	smin.u32 s0, $0x27100  }
0x1f4: {  	s10 =	simm.s32 $0xA;
	s30 =	simm.s32 $0xB;
	[tilespmem:$0x1088] =	vst v0;
	s0 =	ssub.s32 s7, s6  }
0x1f5: {  	s16 =	simm.s32 $0x0;
	p4 =	por $0x0, $0x0;
	[tilespmem:$0x1078] =	vst v0;
	p0 =	sgt.s32 s0, $0x0  }
0x1f6: {  	s17 =	simm.s32 $0xC;
	s21 =	simm.s32 $0x0;
	[tilespmem:$0x1058] =	vst v0;
	s0 =	simm.s32 @!p0 $0x0  }
0x1f7: {  	s18 =	simm.s32 $0x0;
	s2 =	sand.u32 $0x1, s2;
	[tilespmem:$0x1048] =	vst v0;
	s29 =	smulhi.u32 $0x4BDA12F7, s0  }
0x1f8: {  	s20 =	simm.s32 $0x0;
	s31 =	sshll.u32 s4, $0x5;
	[tilespmem:$0x1018] =	vst v0;
	[dreg:$0x5] =	wrdreg s2  }
0x1f9: {  	s2 =	smul.u32 $0x4E20, s2;
	[tilespmem:$0x1008] =	vst v0;
	[sflag:s3] =	ssyncpa.u1 $0x0;
	s1 =	sshrl.u32 s29, $0x7  }
0x1fa: {  	v0 =	vimm.s32 $0xFFFFFFFF;
	s3 =	sadd.s32 $0x548800, s11;
	[dreg:$0x4] =	wrdreg s31;
	s5 =	smul.u32 $0x1B0, s1  }
.Ltmp5:
0x1fb: {  	[tilespmem:$0x3648] =	vst v0;
	[sflag:s8] =	ssyncpa.u1 $0x0;
	s2 =	sadd.s32 s2, s11;
	(pc) =	sbr.rel .LBB3_1-.Ltmp5, $4  }
0x1fc: {  	[sflag:s10] =	ssyncpa.u1 $0x0;
	s11 =	sadd.s32 $0xEE4800, s11;
	p0 =	sne.s32 s0, s5  }
0x1fd: {  	[sflag:s30] =	ssyncpa.u1 $0x0;
	s14 =	sadd.s32 $0x516400, s2;
	s12 =	simm.s32 @!p0 $0x0  }
0x1fe: {  	s15 =	sadd.s32 $0x50C600, s2;
	s19 =	smov.u32 s6;
	s12 =	sadd.s32 s12, s1  }
0x1ff: {  	v0 =	vlaneseq.u32;
	[dreg:$0x6] =	wrdreg s6;
	p0 =	por $0x1, $0x1;
	s4 =	sadd.s32 $0x1, s12  }
.LBB3_18:
0x200: {  	s0 =	simm.s32 $0x2  }
0x201: {  	_ =	swait.ge [sflag:s0], $0x0  }
0x202: {  	[sflag:s0] =	ssyncset.done $0x0;
	s0 =	simm.s32 $0x0  }
.LBB3_19:
0x203: {  	_ =	swait.ge [sflag:s17], s0  }
0x204: {  	s31 =	ssub.s32 $0x0, s0;
	v1 =	vmov s23;
	vm0 =	veq.s32 v0, $0x0;
	[sflag:s17] =	ssyncset.done $0x0  }
0x205: {  	vm15 =	veq.s32 v0, $0x2;
	v1 =	vsel vm0, s28, v1;
	[sflag:s17] =	ssyncadd.s32 s31  }
0x206: {  	v1 =	vsel vm15, s21, v1;
	[sflag:s17] =	ssyncpa.u1 $0x1  }
0x207: {  	[tilespmem:$0x3648] =	vst v1  }
.LBB3_20:
0x208: {  	s0 =	sadd.s32 $0x1B0, s19  }
0x209: {  	s1 =	smov.u32 s6;
	p1 =	slt.s32 s0, s7  }
0x20a: {  	s1 =	smov.u32 @p1 s0;
	p1 =	sne.s32 s20, s4  }
.Ltmp6:
0x20b: {  	_ = 	snop;
	(pc) =	sbr.rel @!p1 .LBB3_21-.Ltmp6, $4  }
0x20c: {  	_ = 	snop  }
0x20d: {  	s21 =	smov.u32 s18  }
0x20e: {  	s31 =	sadd.s32 $0x1, s20;
	s18 =	smov.u32 s19;
	p0 =	por !p0, !p0  }
0x20f: {  	p4 =	por !p4, !p4;
	s20 =	smov.u32 s31;
	s19 =	smov.u32 s1  }
.LBB3_1:
0x210: {  	p2 =	sge.u32 s20, s12  }
0x211: {  	s0 =	smulhi.u32 @!p2 $0xAAAAAAAB, s20  }
0x212: {  	s1 =	smov.u32 s19;
	p3 =	sgt.s32 @!p2 s19, $0x26F50  }
0x213: {  	s2 =	sshra.s32 @!p2 s19, $0x1F;
	p3 =	por !p3, p2;
	s0 =	sshrl.u32 @!p2 s0, $0x1  }
0x214: {  	s2 =	sand.u32 @!p2 s2, s19;
	s1 =	simm.s32 @p3 $0x26F50;
	s0 =	smul.u32 @!p2 $0x3, s0  }
0x215: {  	s1 =	ssub.s32 @!p2 s1, s2  }
0x216: {  	s23 =	sadd.s32 $0xFFFFFFFF, s20;
	s1 =	sadd.s32 @!p2 $0xFFFD90B0, s1;
	s0 =	ssub.s32 @!p2 s20, s0  }
0x217: {  	s2 =	sshll.u32 @!p2 s1, $0x2;
	p3 =	sgt.s32 @!p2 s1, $0x1AF;
	s0 =	smul.u32 @!p2 $0x6C0, s0  }
0x218: {  	s5 =	sand.u32 @!p2 $0x7, s19;
	s1 =	ssub.s32 @!p2 $0x6C0, s2;
	p3 =	por !p3, p2  }
0x219: {  	s2 =	sshrl.u32 @!p2 s19, $0x3;
	s1 =	sshrl.u32 @!p2 s1, $0x2;
	s0 =	sshrl.u32 @!p2 s0, $0x2  }
0x21a: {  	s2 =	sadd.s32 @!p2 s2, s14;
	s1 =	simm.s32 @!p3 $0x0;
	s0 =	sadd.s32 @!p2 $0x3888, s0  }
0x21b: {  	[tilespmem:s0], [sflag:$0xA] =	stream.linear.gather @!p2 [hbm4b:s2+s5], s1, $0x38;
	[tilespmem:$0x1F0F8] =	vst v63  }
0x21c: {  	p2 =	sge.u32 s23, s12  }
0x21d: {  	p3 =	sgt.s32 @!p2 s18, $0x26F50  }
0x21e: {  	s0 =	smov.u32 s18;
	s1 =	sshra.s32 @!p2 s18, $0x1F;
	p3 =	por !p3, p2  }
0x21f: {  	s1 =	sand.u32 @!p2 s1, s18;
	s0 =	simm.s32 @p3 $0x26F50  }
0x220: {  	s0 =	ssub.s32 @!p2 s0, s1  }
0x221: {  	s0 =	sadd.s32 @!p2 $0xFFFD90B0, s0  }
0x222: {  	s1 =	sshll.u32 @!p2 s0, $0x2  }
0x223: {  	p3 =	sgt.s32 @!p2 s0, $0x1AF;
	s0 =	ssub.s32 @!p2 $0x6C0, s1  }
0x224: {  	s22 =	ssub.s32 @!p2 $0x27100, s18;
	p3 =	por !p3, p2;
	s0 =	sshrl.u32 @!p2 s0, $0x2  }
0x225: {  	s1 =	sand.u32 @!p2 $0x1, s23;
	s0 =	simm.s32 @!p3 $0x0;
	p3 =	slt.s32 @!p2 s22, $0x1  }
0x226: {  	s2 =	simm.s32 @!p2 $0xA;
	s1 =	smul.u32 @!p2 $0x6C0, s1;
	p3 =	por p2, p3  }
.Ltmp7:
0x227: {  	_ =	swait.ge @!p2 [sflag:s2], s0;
	(pc) =	sbr.rel @p3 .LBB3_7-.Ltmp7, $4  }
0x228: {  	s5 =	ssub.s32 @!p2 $0x0, s0;
	[sflag:s2] =	ssyncset.done @!p2 $0x0  }
0x229: {  	s1 =	sshrl.u32 @!p2 s1, $0x2;
	[sflag:s2] =	ssyncadd.s32 @!p2 s5;
	s2 =	sshrl.u32 @!p2 s18, $0x3  }
0x22a: {  	s1 =	sadd.s32 @!p2 $0x3D98, s1;
	s5 =	sand.u32 @!p2 $0x7, s18;
	s2 =	sadd.s32 @!p2 s2, s15  }
0x22b: {  	[tilespmem:s1], [sflag:$0xB] =	stream.linear.gather @!p2 [hbm4b:s2+s5], s0, $0x38;
	[tilespmem:$0x1F0F8] =	vst v63  }
0x22c: {  	s0 =	smulhi.u32 $0xAAAAAAAB, s23;
	_ =	sdelay $0x1  }
0x22d: {  	s0 =	sshrl.u32 s0, $0x1  }
0x22e: {  	s0 =	smul.u32 $0x3, s0;
	_ =	sdelay $0x1  }
0x22f: {  	s0 =	ssub.s32 s23, s0  }
0x230: {  	s1 =	simm.s32 $0x1;
	s0 =	smul.u32 $0x6C0, s0  }
.Ltmp8:
0x231: {  	s1 =	simm.s32 @!p0 $0x0;
	(pc) =	sbr.rel .LBB3_4-.Ltmp8, $4  }
0x232: {  	s1 =	smul.u32 $0x36000, s1  }
0x233: {  	p3 =	slt.s32 @!p2 s22, $0x1B0;
	s0 =	sshrl.u32 s0, $0x2  }
0x234: {  	p2 =	por !p3, p2;
	s1 =	sshrl.u32 s1, $0x2;
	s0 =	sadd.s32 $0x3888, s0  }
0x235: {  	s24 =	simm.s32 $0x0;
	s22 =	simm.s32 @p2 $0x1B0;
	s23 =	sadd.s32 $0x40F8, s1;
	v1 =	vmov s0  }
.LBB3_3:
0x236: {  	p2 =	sge.s32 s24, s22  }
.Ltmp9:
0x237: {  	_ = 	snop;
	(pc) =	sbr.rel @p2 .LBB3_7-.Ltmp9, $2  }
0x238: {  	_ =	sdelay $0x2  }
0x239: {  	s23 =	sadd.s32 $0x800, s23  }
.LBB3_4:
0x23a: {  	p2 =	sle.s32 s22, s24  }
.Ltmp10:
0x23b: {  	_ = 	snop;
	(pc) =	sbr.rel @p2 .LBB3_3-.Ltmp10, $2  }
0x23c: {  	_ =	sdelay $0x2  }
0x23d: {  	s0 =	smov.u32 s24;
	s24 =	sadd.s32 $0x10, s24  }
0x23e: {  	s1 =	ssub.s32 s22, s0  }
0x23f: {  	p2 =	slt.s32 s1, $0x10  }
0x240: {  	s1 =	simm.s32 @!p2 $0x10  }
0x241: {  	v2 =	vmov s1  }
0x242: {  	vm0 =	vgt.s32 v2, v0;
	_ =	sdelay $0x5  }
0x243: {  	v2 =	vld.idx.msk [tilespmem:v1+s0+$0x0 ss:$0x1], vm0;
	_ =	sdelay $0x2  }
0x244: {  	p2 =	slt.s32 s24, s22;
	s1 =	smov.u32 s22  }
0x245: {  	s2 =	smov.u32 s23;
	s25 =	simm.s32 $0x0;
	s1 =	smov.u32 @p2 s24  }
.LBB3_6:
0x246: {  	(v2sf) =	vpush v2, s25;
	_ =	sdelay $0xc  }
0x247: {  	s25 =	sadd.s32 $0x1, s25  }
0x248: {  	s31 =	sadd.s32 s25, s0  }
0x249: {  	p2 =	slt.s32 s31, s1;
	s5 =	spop (v2sf)  }
.Ltmp11:
0x24a: {  	s5 =	sshll.u32 s5, $0x4;
	(pc) =	sbr.rel @p2 .LBB3_6-.Ltmp11, $4  }
0x24b: {  	s5 =	sand.u32 $0x1FFFFFF0, s5  }
0x24c: {  	s5 =	sadd.s32 s11, s5  }
0x24d: {  	[tilespmem:s2], [sflag:$0x9] =	stream.linear.gather [hbm4b:s5+s16], $0x10, $0x38;
	[tilespmem:$0x1F0F8] =	vst v63  }
0x24e: {  	s2 =	sadd.s32 $0x80, s2  }
.Ltmp12:
0x24f: {  	_ = 	snop;
	(pc) =	sbr.rel .LBB3_3-.Ltmp12, $1  }
0x250: {  	_ =	sdelay $0x3  }
.LBB3_7:
0x251: {  	p2 =	slt.u32 s20, $0x2  }
.Ltmp13:
0x252: {  	_ = 	snop;
	(pc) =	sbr.rel @p2 .LBB3_20-.Ltmp13, $1  }
0x253: {  	_ =	sdelay $0x3  }
0x254: {  	p2 =	sgt.s32 s21, $0x26F50  }
0x255: {  	s0 =	smov.u32 s21;
	s1 =	sshra.s32 s21, $0x1F;
	s2 =	ssub.s32 $0x27100, s21  }
0x256: {  	s0 =	simm.s32 @!p2 $0x26F50;
	s1 =	sand.u32 s1, s21;
	p2 =	slt.s32 s2, $0x1B0  }
0x257: {  	s0 =	ssub.s32 s0, s1;
	s2 =	simm.s32 @!p2 $0x1B0  }
0x258: {  	s0 =	sadd.s32 $0xFFFD90B0, s0;
	s24 =	sshll.u32 s2, $0x4  }
0x259: {  	s28 =	simm.s32 $0x9;
	s25 =	sshll.u32 s0, $0x2;
	s1 =	sand.u32 $0x3FFFFFF0, s24  }
0x25a: {  	p2 =	sgt.s32 s0, $0x1AF;
	s26 =	ssub.s32 $0x6C0, s25;
	_ =	swait.ge [sflag:s28], s1  }
0x25b: {  	s1 =	ssub.s32 $0x0, s1;
	[sflag:s28] =	ssyncset.done $0x0;
	s0 =	sshrl.u32 s26, $0x2  }
0x25c: {  	s30 =	simm.s32 $0xB;
	[sflag:s28] =	ssyncadd.s32 s1;
	s0 =	simm.s32 @p2 $0x0  }
0x25d: {  	_ =	swait.ge [sflag:s30], s0  }
0x25e: {  	s0 =	ssub.s32 $0x0, s0;
	[sflag:s30] =	ssyncset.done $0x0  }
0x25f: {  	[sflag:s30] =	ssyncadd.s32 s0  }
0x260: {  	v1 =	vld [tilespmem:$0x3648];
	_ =	sdelay $0x4  }
0x261: {  	(v2sf) =	vpush v1, $0x0  }
0x262: {  	(v2sf) =	vpush v1, $0x1  }
0x263: {  	(v2sf) =	vpush v1, $0x2;
	_ =	sdelay $0x3  }
0x264: {  	s0 =	sadd.s32 $0x1B0, s21  }
0x265: {  	s1 =	ssub.s32 $0x4E200, s21;
	p2 =	slt.s32 s7, s0  }
0x266: {  	s0 =	smov.u32 @p2 s7;
	p2 =	sgt.s32 s1, $0x0  }
0x267: {  	s25 =	ssub.s32 s0, s21;
	s1 =	simm.s32 @!p2 $0x0  }
0x268: {  	p2 =	slt.s32 s1, s25  }
0x269: {  	s25 =	smov.u32 @p2 s1  }
0x26a: {  	s24 =	simm.s32 $0x1;
	p2 =	slt.s32 s25, $0x1  }
.Ltmp14:
0x26b: {  	s24 =	simm.s32 @!p4 $0x0;
	(pc) =	sbr.rel @p2 .LBB3_12-.Ltmp14, $4  }
0x26c: {  	s31 =	smul.u32 $0x6C0, s24  }
0x26d: {  	s26 =	spop (v2sf)  }
0x26e: {  	s0 =	sshrl.u32 s31, $0x2;
	s29 =	spop (v2sf)  }
0x26f: {  	s22 =	sadd.s32 $0x3D98, s0;
	s21 =	spop (v2sf)  }
0x270: {  	s0 =	smin.u32 s25, $0x10  }
0x271: {  	v1 =	vmov s0  }
0x272: {  	p3 =	sgt.s32 s25, $0x10;
	vm1 =	vgt.u32 v1, v0  }
.Ltmp15:
0x273: {  	_ = 	snop;
	(pc) =	sbr.rel @!p3 .LBB3_11-.Ltmp15, $2  }
0x274: {  	_ =	sdelay $0x2  }
0x275: {  	s23 =	simm.s32 $0x10;
	s28 =	sadd.s32 $0xFFFFFFF0, s25;
	s0 =	smov.u32 s22;
	vm0 =	vmmov vm1  }
.LBB3_10:
0x276: {  	s1 =	smin.u32 s28, $0x10;
	s23 =	sadd.s32 $0x10, s23;
	v1 =	vld.msk [tilespmem:s0+$0x0 ss:$0x1], vm1  }
0x277: {  	v2 =	vmov s1;
	p3 =	slt.s32 s23, s25  }
0x278: {  	vm1 =	vgt.u32 v2, v0  }
.Ltmp16:
0x279: {  	(pc) =	sbr.rel @p3 .LBB3_10-.Ltmp16, $3  }
0x27a: {  	_ =	sdelay $0x1  }
0x27b: {  	v1 =	vshll.u32 v1, $0x4  }
0x27c: {  	s28 =	sadd.s32 $0xFFFFFFF0, s28;
	[tilespmem:s0+$0x0] =	vst.msk vm0, v1;
	s0 =	sadd.s32 $0x10, s0;
	vm0 =	vmmov vm1  }
.LBB3_11:
0x27d: {  	_ =	sdelay $0x4  }
0x27e: {  	v1 =	vld.msk [tilespmem:s0+$0x0 ss:$0x1], vm1;
	_ =	sdelay $0x4  }
0x27f: {  	v1 =	vshll.u32 v1, $0x4  }
0x280: {  	[tilespmem:s0+$0x0] =	vst.msk vm0, v1  }
.LBB3_12:
0x281: {  	s0 =	sand.u32 $0x1, s20  }
0x282: {  	s0 =	smul.u32 $0x1B0, s0  }
0x283: {  	p3 =	sne.s32 s29, $0xFFFFFFFF  }
0x284: {  	v1 =	vld.msk @!p3 [tilespmem:s0+$0x3D98], $0x1;
	_ =	sdelay $0x4  }
0x285: {  	(v2sf) =	vpush @!p3 v1, $0x0;
	_ =	sdelay $0xc  }
.Ltmp17:
0x286: {  	_ = 	snop;
	(pc) =	sbr.rel @p2 .LBB3_18-.Ltmp17, $4  }
0x287: {  	_ = 	snop  }
0x288: {  	s28 =	spop @!p3 (v2sf)  }
0x289: {  	s21 =	simm.s32 @!p3 $0x0;
	s23 =	smov.u32 s28  }
0x28a: {  	[sflag:s17] =	ssyncpa.u1 $0x0;
	s28 =	smov.u32 @p3 s26;
	s23 =	smov.u32 @p3 s29  }
0x28b: {  	v1 =	vld.msk [tilespmem:s22+$0x0], $0x1;
	_ =	sdelay $0x4  }
0x28c: {  	(v2sf) =	vpush v1, $0x0;
	_ =	sdelay $0xe  }
0x28d: {  	s0 =	simm.s32 @!p4 $0x0;
	s26 =	smul.u32 $0x36000, s24;
	s31 =	spop (v2sf)  }
0x28e: {  	s29 =	ssub.s32 $0x0, s25;
	s0 =	simm.s32 @p4 $0x1;
	p2 =	seq.s32 s28, s31  }
0x28f: {  	s1 =	smov.u32 s28;
	[smem:$0x7FD] =	sst s0;
	p3 =	sgt.s32 @!p2 s28, $0x0  }
0x290: {  	s0 =	sshrl.u32 s26, $0x2;
	s26 =	sadd.s32 $0x1, s29;
	p3 =	por !p3, p2  }
0x291: {  	s1 =	simm.s32 @p3 $0x0;
	p3 =	seq.s32 s26, $0x0  }
.Ltmp18:
0x292: {  	_ = 	snop;
	(pc) =	sbr.rel @p3 .LBB3_15-.Ltmp18, $4  }
0x293: {  	s6 =	smov.u32 s4;
	s25 =	simm.s32 $0x0  }
0x294: {  	s24 =	sadd.s32 $0x40F8, s0;
	s0 =	simm.s32 @!p2 $0x1;
	s2 =	smin.u32 @!p2 s1, $0x27FFE  }
0x295: {  	s30 =	sadd.s32 $0x1, s22;
	s0 =	smov.u32 @p2 s25;
	s5 =	sand.u32 @!p2 $0x3FFF8, s2  }
0x296: {  	s1 =	simm.s32 @!p2 $0x1B38;
	s2 =	sand.u32 @!p2 $0x7, s2;
	s5 =	sadd.s32 @!p2 s3, s5  }
.LBB3_14:
0x297: {  	s4 =	smov.u32 s0  }
0x298: {  	[tilespmem:s1], [sflag:$0x2] =	stream.linear.gather @!p2 [hbm4b:s5+s2], $0x10, $0x38;
	[tilespmem:$0x1F0F8] =	vst v63  }
0x299: {  	s26 =	sadd.s32 $0x1, s26;
	s2 =	smov.u32 s31;
	v1 =	vld.msk [tilespmem:s30+$0x0], $0x1  }
0x29a: {  	p3 =	seq.s32 s26, $0x0;
	_ =	sdelay $0x3  }
0x29b: {  	(v2sf) =	vpush v1, $0x0;
	_ =	sdelay $0xe  }
0x29c: {  	s31 =	spop (v2sf)  }
0x29d: {  	p2 =	seq.s32 s2, s31  }
0x29e: {  	p4 =	sgt.s32 @!p2 s2, $0x0;
	s1 =	sshll.u32 @!p2 s0, $0x6;
	s0 =	sadd.s32 @!p2 $0x1, s0  }
.Ltmp19:
0x29f: {  	p4 =	por !p4, p2;
	s1 =	sshra.s32 @!p2 s1, $0x2;
	(pc) =	sbr.rel @!p3 .LBB3_14-.Ltmp19, $4  }
0x2a0: {  	s0 =	smov.u32 @p2 s4;
	s2 =	simm.s32 @p4 $0x0;
	s1 =	sadd.s32 @!p2 $0x1B38, s1  }
0x2a1: {  	s2 =	smin.u32 @!p2 s2, $0x27FFE  }
0x2a2: {  	s4 =	sand.u32 @!p2 $0x3FFF8, s2;
	s2 =	sand.u32 @!p2 $0x7, s2  }
0x2a3: {  	s30 =	sadd.s32 $0x1, s30;
	s5 =	sadd.s32 @!p2 s3, s4  }
.LBB3_15:
0x2a4: {  	[tilespmem:s1], [sflag:$0x2] =	stream.linear.gather @!p2 [hbm4b:s5+s2], $0x10, $0x38;
	[tilespmem:$0x1F0F8] =	vst v63  }
0x2a5: {  	s0 =	sshll.u32 s0, $0x4  }
0x2a6: {  	s31 =	simm.s32 $0x2;
	s0 =	sand.u32 $0x3FFFFFF0, s0  }
0x2a7: {  	_ =	swait.ge [sflag:s31], s0  }
0x2a8: {  	s0 =	ssub.s32 $0x0, s0;
	[sflag:s31] =	ssyncset.done $0x0  }
0x2a9: {  	[sflag:s31] =	ssyncadd.s32 s0  }
0x2aa: {  	v1 =	vld.msk [tilespmem:s22+$0x0], $0x1;
	_ =	sdelay $0x4  }
0x2ab: {  	(v2sf) =	vpush v1, $0x0;
	_ =	sdelay $0xe  }
0x2ac: {  	s26 =	spop (v2sf)  }
0x2ad: {  	p2 =	sne.s32 s28, s26  }
0x2ae: {  	p4 =	sne.s32 @p2 s28, s23  }
0x2af: {  	p3 =	por !p4, !p2  }
0x2b0: {  	s0 =	simm.s32 @!p3 $0x0  }
0x2b1: {  	v1 =	vld @!p3 [tilespmem:s0+$0x1B38]  }
0x2b2: {  	p5 =	sgt.u32 @!p3 s28, $0x27FFE  }
0x2b3: {  	s1 =	sshll.u32 @!p3 s21, $0x6;
	p6 =	por @p2 p5, !p4  }
0x2b4: {  	s1 =	sshra.s32 @!p3 s1, $0x2;
	p1 =	por p6, !p2;
	p6 =	por p4, !p2  }
0x2b5: {  	s2 =	sadd.s32 @!p3 $0x28, s1;
	s4 =	sand.u32 @!p1 $0x3FFF8, s28;
	s5 =	sshll.u32 @!p6 s21, $0x6  }
0x2b6: {  	s28 =	sand.u32 @!p1 $0x7, s28;
	[tilespmem:s1+$0x28] =	vst.add.f32.msk @!p3 $0xffff, v1;
	s1 =	sadd.s32 @!p1 s3, s4;
	s4 =	sshra.s32 @!p6 s5, $0x2  }
0x2b7: {  	[hbm4b:s1+s28] =	stream.linear.scatter @!p1 [tilespmem:s2], [sflag:$0xC], $0x10, $0x38;
	[tilespmem:$0x1F0F8] =	vst v63  }
0x2b8: {  	s0 =	rddreg [dreg:$0x4];
	s1 =	sadd.s32 @!p6 $0x28, s4;
	s2 =	simm.s32 @!p6 $0x1  }
0x2b9: {  	[spmem:s0] =	stream.linear.scatter @!p6 [tilespmem:s1], [sflag:$0x1], $0x10, $0x38;
	[tilespmem:$0x1F0F8] =	vst v63  }
0x2ba: {  	s0 =	sadd.s32 @p2 $0x1, s21;
	_ =	swait.ge @!p6 [sflag:s2], $0x10  }
0x2bb: {  	s1 =	sshrl.u32 @p2 s0, $0x4;
	[sflag:s2] =	ssyncset.done @!p6 $0x0  }
0x2bc: {  	s1 =	smulhi.u32 @p2 $0x97B425F, s1;
	[sflag:s2] =	ssyncadd.s32 @!p6 $0xFFFFFFF0  }
0x2bd: {  	s28 =	sadd.s32 $0x1, s29;
	v1 =	vld @p2 [tilespmem:s24+$0x0]  }
0x2be: {  	p1 =	por @p2 !p5, !p4;
	p4 =	seq.s32 s28, $0x0;
	s1 =	smul.u32 @p2 $0x1B0, s1  }
.Ltmp20:
0x2bf: {  	p1 =	por !p1, !p2;
	s2 =	simm.s32 @!p3 $0x0;
	(pc) =	sbr.rel @p4 .LBB3_17-.Ltmp20, $4  }
0x2c0: {  	s4 =	sshll.u32 @!p2 s21, $0x6;
	s2 =	simm.s32 @!p1 $0x40;
	s0 =	ssub.s32 @p2 s0, s1  }
0x2c1: {  	s29 =	simm.s32 $0x0;
	s2 =	sadd.s32 @!p3 $0x0, s2;
	s5 =	sshll.u32 @p2 s0, $0x4  }
0x2c2: {  	s30 =	sshra.s32 @!p2 s4, $0x2;
	s1 =	simm.s32 @p2 $0x1;
	s2 =	smov.u32 @p3 s25;
	[tilespmem:s5+$0x28] =	vst @p2 v1  }
0x2c3: {  	s21 =	smov.u32 @p2 s0;
	s29 =	smov.u32 @p2 s2;
	s25 =	smov.u32 @p2 s1;
	v1 =	vld @!p2 [tilespmem:s24+$0x0]  }
.LBB3_16:
0x2c4: {  	_ =	sdelay $0x3  }
0x2c5: {  	s22 =	sadd.s32 $0x1, s22;
	[tilespmem:s30+$0x28] =	vst.add.f32.msk @!p2 $0xffff, v1  }
0x2c6: {  	v1 =	vld.msk [tilespmem:s22+$0x0], $0x1;
	_ =	sdelay $0x4  }
0x2c7: {  	(v2sf) =	vpush v1, $0x0;
	_ =	sdelay $0xe  }
0x2c8: {  	s0 =	smov.u32 s26;
	s26 =	spop (v2sf)  }
0x2c9: {  	p2 =	sne.s32 s0, s26  }
0x2ca: {  	p5 =	sne.s32 @p2 s0, s23  }
0x2cb: {  	s4 =	sshll.u32 @!p2 s21, $0x6;
	p4 =	por !p5, !p2  }
0x2cc: {  	s30 =	sshra.s32 @!p2 s4, $0x2;
	s4 =	sshll.u32 @!p4 s25, $0x6  }
0x2cd: {  	s4 =	sshra.s32 @!p4 s4, $0x2  }
0x2ce: {  	p1 =	sgt.u32 @!p4 s0, $0x27FFE;
	v1 =	vld @!p4 [tilespmem:s4+$0x1B38]  }
0x2cf: {  	s31 =	sshll.u32 @!p4 s21, $0x6;
	p6 =	por @p2 p1, !p5;
	p1 =	por @p2 !p1, !p5  }
0x2d0: {  	s8 =	simm.s32 @!p4 $0x0;
	s31 =	sshra.s32 @!p4 s31, $0x2;
	p1 =	por !p1, !p2  }
0x2d1: {  	p5 =	por p5, !p2;
	s8 =	simm.s32 @!p1 $0x40;
	p1 =	por p6, !p2  }
0x2d2: {  	s4 =	sadd.s32 @!p4 $0x28, s31;
	s13 =	sshll.u32 @!p5 s21, $0x6;
	s10 =	sand.u32 @!p1 $0x3FFF8, s0  }
0x2d3: {  	s13 =	sshra.s32 @!p5 s13, $0x2;
	s0 =	sand.u32 @!p1 $0x7, s0;
	s10 =	sadd.s32 @!p1 s3, s10;
	[tilespmem:s31+$0x28] =	vst.add.f32.msk @!p4 $0xffff, v1  }
0x2d4: {  	[hbm4b:s10+s0] =	stream.linear.scatter @!p1 [tilespmem:s4], [sflag:$0xC], $0x10, $0x38;
	[tilespmem:$0x1F0F8] =	vst v63  }
0x2d5: {  	s1 =	rddreg [dreg:$0x4];
	s0 =	sadd.s32 @!p5 $0x28, s13;
	s4 =	simm.s32 @!p5 $0x1  }
0x2d6: {  	[spmem:s1] =	stream.linear.scatter @!p5 [tilespmem:s0], [sflag:$0x1], $0x10, $0x38;
	[tilespmem:$0x1F0F8] =	vst v63  }
0x2d7: {  	s2 =	sadd.s32 @p2 $0x1, s21;
	_ =	swait.ge @!p5 [sflag:s4], $0x10  }
0x2d8: {  	s5 =	sshrl.u32 @p2 s2, $0x4;
	[sflag:s4] =	ssyncset.done @!p5 $0x0  }
0x2d9: {  	s24 =	sadd.s32 $0x80, s24;
	s5 =	smulhi.u32 @p2 $0x97B425F, s5;
	[sflag:s4] =	ssyncadd.s32 @!p5 $0xFFFFFFF0  }
0x2da: {  	s28 =	sadd.s32 $0x1, s28;
	v1 =	vld @p2 [tilespmem:s24+$0x0]  }
0x2db: {  	p3 =	seq.s32 s28, $0x0;
	s5 =	smul.u32 @p2 $0x1B0, s5  }
.Ltmp21:
0x2dc: {  	_ = 	snop;
	(pc) =	sbr.rel @!p3 .LBB3_16-.Ltmp21, $4  }
0x2dd: {  	s2 =	ssub.s32 @p2 s2, s5  }
0x2de: {  	s8 =	sadd.s32 @!p4 s8, s29;
	s5 =	sshll.u32 @p2 s2, $0x4  }
0x2df: {  	s9 =	sadd.s32 @p2 $0x1, s25;
	s8 =	smov.u32 @p4 s29;
	[tilespmem:s5+$0x28] =	vst @p2 v1  }
0x2e0: {  	s25 =	smov.u32 @p2 s9;
	s21 =	smov.u32 @p2 s2;
	s29 =	smov.u32 @p2 s8;
	v1 =	vld @!p2 [tilespmem:s24+$0x0]  }
.LBB3_17:
.Ltmp22:
0x2e1: {  	_ = 	snop;
	(pc) =	sbr.rel .LBB3_19-.Ltmp22, $3  }
0x2e2: {  	s1 =	sld [smem:$0x7FD];
	_ =	sdelay $0x1  }
0x2e3: {  	s0 =	sshrl.u32 s29, $0x2;
	s28 =	smov.u32 s26  }
0x2e4: {  	s4 =	smov.u32 s6;
	s6 =	rddreg [dreg:$0x6];
	p4 =	seq.s32 s1, $0x1;
	[tilespmem:s30+$0x28] =	vst.add.f32.msk @!p2 $0xffff, v1  }
.LBB3_21:
0x2e5: {  	_ =	sfence.sel $0x180000  }
0x2e6: {  	s0 =	simm.s32 $0x9;
	[bflag:$0x0] =	sbarrier.arrive $0xFFFF  }
0x2e7: {  	s24 =	simm.s32 $0xA;
	[sflag:s0] =	ssyncpa.u1 $0x1  }
0x2e8: {  	s25 =	simm.s32 $0xB;
	[sflag:s24] =	ssyncpa.u1 $0x1  }
0x2e9: {  	s26 =	simm.s32 $0x2;
	[sflag:s25] =	ssyncpa.u1 $0x1  }
0x2ea: {  	[sflag:s26] =	ssyncpa.u1 $0x1  }
0x2eb: {  	v0 =	vld [tilespmem:$0x3648];
	_ =	sdelay $0x4  }
0x2ec: {  	(v2sf) =	vpush v0, $0x0  }
0x2ed: {  	(v2sf) =	vpush v0, $0x1;
	_ =	sdelay $0x1  }
0x2ee: {  	(v2sf) =	vpush v0, $0x2;
	_ =	sdelay $0xb  }
0x2ef: {  	s0 =	spop (v2sf)  }
0x2f0: {  	s1 =	spop (v2sf)  }
0x2f1: {  	s2 =	smov.u32 s0;
	p0 =	sne.s32 s0, s1  }
0x2f2: {  	s4 =	spop (v2sf);
	s2 =	simm.s32 @!p0 $0xFFFFFFFF  }
0x2f3: {  	v2 =	vimm.s32 $0x1;
	v3 =	vlaneseq.u32;
	p0 =	seq.s32 s4, $0xFFFFFFFF;
	v1 =	vmov s2  }
0x2f4: {  	s16 =	stileid.u32;
	v0 =	vperm.xlane v0, v2;
	p1 =	sne.s32 @!p0 s0, s1;
	v1 =	vperm.xlane v1, v3  }
0x2f5: {  	vm0 =	vcmask $0x3F04;
	s6 =	simm.s32 $0x3648;
	s0 =	simm.s32 @!p0 $0x1;
	p1 =	por !p1, p0  }
0x2f6: {  	s2 =	sshll.u32 s16, $0x1;
	s1 =	sshll.u32 @!p0 s4, $0x6;
	s0 =	simm.s32 @p1 $0x0;
	v0 =	vsel vm0, v1, v0  }
0x2f7: {  	s5 =	sor.u32 $0x200, s2;
	s1 =	sshra.s32 @!p0 s1, $0x2;
	s0 =	sor.u32 @!p0 s0, s2;
	[tilespmem:$0x3648] =	vst v0  }
0x2f8: {  	[spmem:s5] =	stream.linear.scatter [tilespmem:s6], [sflag:$0x1], $0x2, $0x38;
	[tilespmem:$0x1F0F8] =	vst v63  }
0x2f9: {  	s1 =	sadd.s32 @!p0 $0x28, s1;
	s0 =	sshll.u32 @!p0 s0, $0x4  }
0x2fa: {  	[spmem:s0] =	stream.linear.scatter @!p0 [tilespmem:s1], [sflag:$0x1], $0x10, $0x38;
	[tilespmem:$0x1F0F8] =	vst v63  }
0x2fb: {  	s0 =	simm.s32 @!p0 $0x12  }
0x2fc: {  	s28 =	simm.s32 $0x1;
	s0 =	simm.s32 @p0 $0x2  }
0x2fd: {  	_ =	swait.ge [sflag:s28], s0  }
0x2fe: {  	s0 =	ssub.s32 $0x0, s0;
	[sflag:s28] =	ssyncset.done $0x0  }
0x2ff: {  	p0 =	sne.s32 s16, $0x0;
	[sflag:s28] =	ssyncadd.s32 s0  }
.Ltmp23:
0x300: {  	_ =	sfence.stream.spmem;
	(pc) =	sbr.rel @p0 .LBB3_38-.Ltmp23, $4  }
0x301: {  	s29 =	simm.s32 $0x3;
	[bflag:$0x0] =	sbarrier.arrive $0xFFFF  }
0x302: {  	s30 =	simm.s32 $0x4;
	[sflag:s29] =	ssyncpa.u1 $0x1  }
0x303: {  	s31 =	simm.s32 $0x3C;
	[sflag:s30] =	ssyncpa.u1 $0x1  }
0x304: {  	s17 =	rddreg [dreg:$0x5];
	[sflag:s31] =	ssyncpa.u1 $0x1  }
0x305: {  	_ =	sfence.stream.spmem;
	s0 =	simm.s32 $0x5  }
0x306: {  	s1 =	simm.s32 $0x200;
	s2 =	simm.s32 $0x3658;
	[sflag:s0] =	ssyncpa.u1 $0x0  }
0x307: {  	[tilespmem:s2], [sflag:$0x5] =	stream.linear.gather [spmem:s1], $0x20, $0x38;
	[tilespmem:$0x1F0F8] =	vst v63  }
0x308: {  	s26 =	simm.s32 $0x0;
	s28 =	simm.s32 $0x3678  }
0x309: {  	[tilespmem:s28], [sflag:$0x5] =	stream.linear.gather [spmem:s26], $0x200, $0x38;
	[tilespmem:$0x1F0F8] =	vst v63  }
0x30a: {  	_ =	swait.ge [sflag:s0], $0x220  }
0x30b: {  	[sflag:s0] =	ssyncset.done $0x0  }
0x30c: {  	s29 =	simm.s32 $0x0;
	[sflag:s0] =	ssyncadd.s32 $0xFFFFFDE0  }
0x30d: {  	v0 =	vld.msk [tilespmem:s29+$0x3658], $0x1;
	_ =	sdelay $0x1  }
0x30e: {  	s30 =	simm.s32 $0x1  }
0x30f: {  	v1 =	vld.msk [tilespmem:s30+$0x3658], $0x1;
	_ =	sdelay $0x1  }
0x310: {  	(v2sf) =	vpush v0, $0x0;
	_ =	sdelay $0x2  }
0x311: {  	(v2sf) =	vpush v1, $0x0;
	_ =	sdelay $0x2  }
0x312: {  	s31 =	simm.s32 $0x2  }
0x313: {  	v0 =	vld.msk [tilespmem:s31+$0x3658], $0x1;
	_ =	sdelay $0x2  }
0x314: {  	s6 =	simm.s32 $0xFFFFFFFF;
	s1 =	simm.s32 $0xFFFFFFFF;
	s0 =	simm.s32 $0xC  }
.LBB3_23:
0x315: {  	s2 =	smov.u32 s6;
	s4 =	smov.u32 s1  }
0x316: {  	s1 =	sshra.s32 s0, $0x2;
	p1 =	sne.s32 s0, $0x7C;
	s0 =	sadd.s32 $0x4, s0;
	(v2sf) =	vpush v0, $0x0  }
0x317: {  	v0 =	vld.msk [tilespmem:s1+$0x3658], $0x1  }
.Ltmp24:
0x318: {  	(pc) =	sbr.rel @p1 .LBB3_23-.Ltmp24, $4  }
0x319: {  	s6 =	spop (v2sf)  }
0x31a: {  	p2 =	sne.s32 s4, $0xFFFFFFFF;
	s1 =	smov.u32 s6  }
0x31b: {  	p3 =	seq.s32 s6, $0xFFFFFFFF;
	s1 =	smov.u32 @p2 s4  }
0x31c: {  	s6 =	smov.u32 @p3 s2;
	s1 =	smov.u32 @p3 s4  }
0x31d: {  	(v2sf) =	vpush v0, $0x0;
	_ =	sdelay $0x8  }
0x31e: {  	s0 =	spop (v2sf)  }
0x31f: {  	p1 =	sne.s32 s1, $0xFFFFFFFF;
	s2 =	smov.u32 s0  }
0x320: {  	s9 =	simm.s32 $0x6;
	p2 =	seq.s32 s0, $0xFFFFFFFF;
	s2 =	smov.u32 @p1 s1  }
0x321: {  	s10 =	simm.s32 $0x3638;
	s2 =	smov.u32 @p2 s1;
	s1 =	spop (v2sf)  }
0x322: {  	s0 =	smov.u32 @p2 s6;
	p1 =	sne.s32 s2, $0xFFFFFFFF;
	s4 =	smov.u32 s1  }
.Ltmp25:
0x323: {  	p2 =	seq.s32 s1, $0xFFFFFFFF;
	s4 =	smov.u32 @p1 s2;
	(pc) =	sbr.rel .LBB3_25-.Ltmp25, $4  }
0x324: {  	s11 =	simm.s32 $0x0;
	s4 =	smov.u32 @p2 s2;
	s7 =	spop (v2sf)  }
0x325: {  	[sflag:s9] =	ssyncpa.u1 $0x0;
	p1 =	sne.s32 s4, $0xFFFFFFFF;
	s8 =	smov.u32 s7  }
0x326: {  	s1 =	smov.u32 @p2 s0;
	p2 =	seq.s32 s7, $0xFFFFFFFF;
	s8 =	smov.u32 @p1 s4  }
0x327: {  	s6 =	simm.s32 $0x0;
	s7 =	smov.u32 @p2 s1;
	s8 =	smov.u32 @p2 s4  }
.LBB3_30:
0x328: {  	p1 =	sgt.u32 s12, $0x27FFE  }
0x329: {  	p2 =	seq.s32 @!p1 s12, s8  }
0x32a: {  	p1 =	por p1, p2  }
0x32b: {  	p2 =	sne.s32 @!p1 s12, s7  }
0x32c: {  	p1 =	por p1, !p2  }
0x32d: {  	s0 =	sshll.u32 @p1 s11, $0x6  }
0x32e: {  	s0 =	sand.u32 @!p1 $0x3FFF8, s12  }
0x32f: {  	s1 =	sand.u32 @!p1 $0x7, s12;
	s0 =	sadd.s32 @!p1 s3, s0  }
0x330: {  	[tilespmem:s10], [sflag:$0x6] =	stream.linear.gather @!p1 [hbm4b:s0+s1], $0x10, $0x38;
	[tilespmem:$0x1F0F8] =	vst v63  }
0x331: {  	_ =	swait.ge @!p1 [sflag:s9], $0x10  }
0x332: {  	[sflag:s9] =	ssyncset.done @!p1 $0x0  }
0x333: {  	[sflag:s9] =	ssyncadd.s32 @!p1 $0xFFFFFFF0  }
0x334: {  	v1 =	vld @!p1 [tilespmem:$0x3638];
	_ =	sdelay $0x2  }
0x335: {  	s0 =	sshll.u32 @!p1 s11, $0x6  }
0x336: {  	s1 =	sshrl.u32 @!p1 s0, $0x2  }
0x337: {  	[tilespmem:s1+$0x3678] =	vst.add.f32.msk @!p1 $0xffff, v1  }
0x338: {  	s0 =	sshrl.u32 s0, $0x2;
	[tilespmem:s6+$0x3658] =	vst.msk $0x1, v0  }
0x339: {  	v0 =	vld [tilespmem:s0+$0x3678];
	_ =	sdelay $0x2  }
0x33a: {  	s31 =	sshll.u32 s6, $0x6  }
0x33b: {  	s0 =	sshra.s32 s31, $0x2  }
0x33c: {  	s6 =	sadd.s32 $0x1, s6;
	[tilespmem:s0+$0x3678] =	vst v0  }
.LBB3_32:
0x33d: {  	s11 =	sadd.s32 $0x1, s11  }
0x33e: {  	p1 =	sne.s32 s11, $0x20  }
.Ltmp26:
0x33f: {  	_ = 	snop;
	(pc) =	sbr.rel @!p1 .LBB3_33-.Ltmp26, $1  }
0x340: {  	_ =	sdelay $0x3  }
.LBB3_25:
0x341: {  	v0 =	vld.msk [tilespmem:s11+$0x3658], $0x1;
	_ =	sdelay $0x4  }
0x342: {  	(v2sf) =	vpush v0, $0x0;
	_ =	sdelay $0xe  }
0x343: {  	s12 =	spop (v2sf)  }
0x344: {  	p1 =	seq.s32 s12, $0xFFFFFFFF  }
.Ltmp27:
0x345: {  	_ = 	snop;
	(pc) =	sbr.rel @p1 .LBB3_32-.Ltmp27, $1  }
0x346: {  	_ =	sdelay $0x3  }
0x347: {  	p1 =	slt.s32 s6, $0x1  }
.Ltmp28:
0x348: {  	_ = 	snop;
	(pc) =	sbr.rel @p1 .LBB3_30-.Ltmp28, $1  }
0x349: {  	_ =	sdelay $0x3  }
0x34a: {  	s13 =	simm.s32 $0x3658;
	p1 =	por $0x0, $0x0  }
0x34b: {  	v1 =	vld.msk @!p1 [tilespmem:s13+$0x0], $0x1;
	_ =	sdelay $0x4  }
0x34c: {  	(v2sf) =	vpush @!p1 v1, $0x0;
	_ =	sdelay $0xd  }
0x34d: {  	p3 =	sne.s32 s6, $0x1  }
.Ltmp29:
0x34e: {  	s0 =	spop @!p1 (v2sf);
	(pc) =	sbr.rel @!p3 .LBB3_29-.Ltmp29, $4  }
0x34f: {  	p2 =	seq.s32 @!p1 s12, s0  }
0x350: {  	s14 =	simm.s32 $0x0;
	p2 =	por !p2, p1  }
0x351: {  	s0 =	simm.s32 $0xFFFFFFFF;
	s14 =	simm.s32 @p2 $0xFFFFFFFF  }
0x352: {  	s15 =	simm.s32 $0x1;
	s14 =	smov.u32 @p1 s0  }
.LBB3_28:
0x353: {  	s0 =	smov.u32 s14;
	p1 =	sne.s32 s14, $0xFFFFFFFF  }
0x354: {  	s13 =	sadd.s32 $0x1, s13;
	s14 =	smov.u32 s15;
	s15 =	sadd.s32 $0x1, s15  }
0x355: {  	p2 =	sne.s32 s6, s15;
	v1 =	vld.msk @!p1 [tilespmem:s13+$0x0], $0x1;
	_ =	sdelay $0x4  }
0x356: {  	(v2sf) =	vpush @!p1 v1, $0x0;
	_ =	sdelay $0xe  }
.Ltmp30:
0x357: {  	s1 =	spop @!p1 (v2sf);
	(pc) =	sbr.rel @p2 .LBB3_28-.Ltmp30, $4  }
0x358: {  	p3 =	seq.s32 @!p1 s12, s1  }
0x359: {  	p3 =	por !p3, p1  }
0x35a: {  	s14 =	simm.s32 @p3 $0xFFFFFFFF  }
0x35b: {  	s14 =	smov.u32 @p1 s0  }
.LBB3_29:
0x35c: {  	p1 =	sne.s32 s14, $0xFFFFFFFF  }
.Ltmp31:
0x35d: {  	_ = 	snop;
	(pc) =	sbr.rel @!p1 .LBB3_30-.Ltmp31, $1  }
0x35e: {  	_ =	sdelay $0x3  }
0x35f: {  	s0 =	sshll.u32 s11, $0x4  }
0x360: {  	s0 =	sand.u32 $0x3FFFFFF0, s0  }
0x361: {  	v0 =	vld [tilespmem:s0+$0x3678]  }
.Ltmp32:
0x362: {  	_ = 	snop;
	(pc) =	sbr.rel .LBB3_32-.Ltmp32, $4  }
0x363: {  	_ = 	snop  }
0x364: {  	s31 =	sshll.u32 s14, $0x6  }
0x365: {  	s0 =	sshra.s32 s31, $0x2  }
0x366: {  	[tilespmem:s0+$0x3678] =	vst.add.f32.msk $0xffff, v0  }
.LBB3_33:
0x367: {  	s0 =	simm.s32 $0x6;
	p1 =	seq.s32 s6, $0x0  }
0x368: {  	[sflag:s0] =	ssyncpa.u1 $0x1;
	v0 =	vimm.s32 @p1 $0xFFFFFFFF  }
0x369: {  	s9 =	sadd.s32 $0xFFFFFFFF, s6;
	[tilespmem:$0x3878] =	vst @p1 v0  }
0x36a: {  	v0 =	vld.msk @!p1 [tilespmem:s9+$0x3658], $0x1;
	_ =	sdelay $0x1  }
0x36b: {  	v1 =	vld.msk @!p1 [tilespmem:$0x3658], $0x1;
	_ =	sdelay $0x2  }
0x36c: {  	p2 =	seq.s32 @!p1 s9, $0x0;
	v0 =	vbroadcast @!p1 v0, $0x0  }
0x36d: {  	vm0 =	vmmov @!p1 $0x1;
	p2 =	por !p2, p1  }
0x36e: {  	v1 =	vnsel @!p1 vm0, $0xFFFFFFFF, v1;
	vm0 =	vcmask @!p1 $0x308;
	v0 =	vpsel !p2, $0xFFFFFFFF, v0  }
0x36f: {  	p2 =	sne.s32 @!p1 s8, s7;
	v0 =	vsel @!p1 vm0, v1, v0  }
0x370: {  	s0 =	simm.s32 @!p1 $0x3678;
	s1 =	simm.s32 @!p1 $0x0;
	p3 =	por !p2, p1;
	[tilespmem:$0x3878] =	vst @!p1 v0  }
0x371: {  	[spmem:s1] =	stream.linear.scatter @!p1 [tilespmem:s0], [sflag:$0x1], $0x10, $0x38;
	[tilespmem:$0x1F0F8] =	vst v63  }
0x372: {  	s0 =	sshll.u32 @!p3 s9, $0x6  }
0x373: {  	s0 =	sshra.s32 @!p3 s0, $0x2  }
0x374: {  	s1 =	simm.s32 @!p3 $0x10;
	s0 =	sadd.s32 @!p3 $0x3678, s0  }
0x375: {  	[spmem:s1] =	stream.linear.scatter @!p3 [tilespmem:s0], [sflag:$0x1], $0x10, $0x38;
	[tilespmem:$0x1F0F8] =	vst v63  }
0x376: {  	s0 =	simm.s32 @!p3 $0x1  }
0x377: {  	_ =	swait.ge @!p3 [sflag:s0], $0x20  }
0x378: {  	p1 =	por p2, p1;
	[sflag:s0] =	ssyncset.done @!p3 $0x0  }
0x379: {  	[sflag:s0] =	ssyncadd.s32 @!p3 $0xFFFFFFE0;
	s0 =	simm.s32 @!p1 $0x1  }
0x37a: {  	_ =	swait.ge @!p1 [sflag:s0], $0x10  }
0x37b: {  	s29 =	simm.s32 $0x3878;
	[sflag:s0] =	ssyncset.done @!p1 $0x0  }
0x37c: {  	s30 =	simm.s32 $0x200;
	s31 =	simm.s32 $0x1;
	[sflag:s0] =	ssyncadd.s32 @!p1 $0xFFFFFFF0  }
0x37d: {  	[spmem:s30] =	stream.linear.scatter [tilespmem:s29], [sflag:$0x1], $0x10, $0x38;
	[tilespmem:$0x1F0F8] =	vst v63  }
0x37e: {  	_ =	swait.ge [sflag:s31], $0x10  }
0x37f: {  	[sflag:s31] =	ssyncset.done $0x0  }
0x380: {  	p1 =	seq.s32 s17, $0x0;
	s8 =	rddreg [dreg:$0x1];
	[sflag:s31] =	ssyncadd.s32 $0xFFFFFFF0  }
0x381: {  	s1 =	sshll.u32 @p1 s8, $0xE;
	s7 =	rddreg [dreg:$0x2]  }
0x382: {  	s0 =	sadd.s32 @p1 $0x15C3C, s1;
	s1 =	sshll.u32 @p1 s7, $0x11  }
0x383: {  	_ =	sfence.stream.spmem;
	s0 =	sor.u32 @p1 s1, s0  }
0x384: {  	[sflag:s0] =	ssyncadd.remote.s32 @p1 $0x1;
	s0 =	simm.s32 @p1 $0x4  }
0x385: {  	s2 =	simm.s32 @!p1 $0x3C;
	s1 =	sand.u32 $0xFFFFFFFE, s8;
	_ =	swait.ge @p1 [sflag:s0], $0x6  }
0x386: {  	s4 =	simm.s32 @!p1 $0x0;
	s1 =	sadd.s32 @!p1 $0x4, s1;
	[sflag:s0] =	ssyncset.done @p1 $0x0  }
0x387: {  	s5 =	simm.s32 @!p1 $0x20;
	[sflag:s0] =	ssyncadd.s32 @p1 $0xFFFFFFFA;
	s0 =	sshll.u32 @!p1 s1, $0x1A  }
0x388: {  	s1 =	sshll.u32 @!p1 s1, $0xD;
	s0 =	sor.u32 @!p1 s0, s7;
	_ =	swait.eq @!p1 [sflag:s2], $0x1  }
0x389: {  	s1 =	sor.u32 @!p1 $0x1C04, s1;
	s2 =	simm.s32 @!p1 $0x1C03;
	s0 =	sor.u32 @!p1 $0x80004000, s0  }
0x38a: {  	[spmem:s5], [sflag:s1] =	dma.general @!p1 [spmem:s4], [sflag:s2], length:$0x4, [dreg:$0x0], stride_count:$0x0, ici_dest:s0, dma_misc:DstOpCode:WRITE  }
0x38b: {  	p2 =	slt.s32 s9, $0x2;
	s4 =	simm.s32 @!p1 $0x40;
	s5 =	simm.s32 @!p1 $0x42  }
0x38c: {  	[spmem:s5], [sflag:s1] =	dma.general @!p1 [spmem:s4], [sflag:s2], length:$0x2, [dreg:$0x0], stride_count:$0x0, ici_dest:s0, dma_misc:DstOpCode:WRITE  }
.Ltmp33:
0x38d: {  	s0 =	simm.s32 @!p1 $0x3;
	(pc) =	sbr.rel @p2 .LBB3_37-.Ltmp33, $4  }
0x38e: {  	s1 =	sshll.u32 @!p1 s8, $0xE;
	_ =	swait.ge @!p1 [sflag:s0], $0x6  }
0x38f: {  	s2 =	sshll.u32 @!p1 s7, $0x11;
	s1 =	sadd.s32 @!p1 $0x11C3C, s1;
	[sflag:s0] =	ssyncset.done @!p1 $0x0  }
0x390: {  	[sflag:s0] =	ssyncadd.s32 @!p1 $0xFFFFFFFA;
	s0 =	sor.u32 @!p1 s2, s1  }
0x391: {  	[sflag:s0] =	ssyncadd.remote.s32 @!p1 $0xFFFFFFFF;
	s0 =	simm.s32 $0x0  }
0x392: {  	s0 =	simm.s32 $0x3659  }
0x393: {  	v0 =	vld.msk [tilespmem:s0+$0x0], $0x1;
	_ =	sdelay $0x4  }
0x394: {  	(v2sf) =	vpush v0, $0x0;
	_ =	sdelay $0xd  }
0x395: {  	s2 =	sadd.s32 $0xFFFFFFFE, s6  }
0x396: {  	s2 =	sadd.s32 $0xFFFFFFFF, s2;
	s0 =	spop (v2sf)  }
0x397: {  	p2 =	sne.s32 s2, $0x0;
	p1 =	sgt.u32 s0, $0x27FFE  }
.Ltmp34:
0x398: {  	s4 =	sand.u32 @!p1 $0x3FFF8, s0;
	(pc) =	sbr.rel @!p2 .LBB3_36-.Ltmp34, $4  }
0x399: {  	s1 =	simm.s32 $0x3688;
	s0 =	sand.u32 @!p1 $0x7, s0;
	s4 =	sadd.s32 @!p1 s3, s4  }
0x39a: {  	[hbm4b:s4+s0] =	stream.linear.scatter @!p1 [tilespmem:s1], [sflag:$0x5], $0x10, $0x38;
	[tilespmem:$0x1F0F8] =	vst v63  }
0x39b: {  	s0 =	simm.s32 $0x0  }
0x39c: {  	s6 =	simm.s32 $0x0;
	s7 =	simm.s32 $0x365A;
	s0 =	simm.s32 @!p1 $0x40  }
.LBB3_35:
0x39d: {  	v0 =	vld.msk [tilespmem:s7+$0x0], $0x1;
	s2 =	sadd.s32 $0xFFFFFFFF, s2;
	s6 =	sadd.s32 s6, s0  }
0x39e: {  	p1 =	sne.s32 s2, $0x0;
	_ =	sdelay $0x3  }
0x39f: {  	(v2sf) =	vpush v0, $0x0;
	_ =	sdelay $0xe  }
.Ltmp35:
0x3a0: {  	s4 =	spop (v2sf);
	(pc) =	sbr.rel @p1 .LBB3_35-.Ltmp35, $4  }
0x3a1: {  	s0 =	simm.s32 $0x0;
	p2 =	sgt.u32 s4, $0x27FFE  }
0x3a2: {  	s1 =	sadd.s32 $0x10, s1;
	s0 =	simm.s32 @!p2 $0x40;
	s5 =	sand.u32 @!p2 $0x3FFF8, s4  }
0x3a3: {  	s7 =	sadd.s32 $0x1, s7;
	s4 =	sand.u32 @!p2 $0x7, s4;
	s5 =	sadd.s32 @!p2 s3, s5  }
0x3a4: {  	[hbm4b:s5+s4] =	stream.linear.scatter @!p2 [tilespmem:s1], [sflag:$0x5], $0x10, $0x38;
	[tilespmem:$0x1F0F8] =	vst v63  }
.LBB3_36:
0x3a5: {  	s0 =	sadd.s32 s6, s0  }
0x3a6: {  	s0 =	sshrl.u32 s0, $0x2  }
.LBB3_37:
0x3a7: {  	s1 =	simm.s32 $0x5  }
0x3a8: {  	_ =	swait.ge [sflag:s1], s0  }
0x3a9: {  	s31 =	ssub.s32 $0x0, s0;
	[sflag:s1] =	ssyncset.done $0x0  }
0x3aa: {  	[sflag:s1] =	ssyncadd.s32 s31  }
0x3ab: {  	[sflag:s1] =	ssyncpa.u1 $0x1  }
.LBB3_38:
0x3ac: {  	s0 =	sor.u32 s17, s16  }
0x3ad: {  	p1 =	sne.s32 s0, $0x0  }
.Ltmp36:
0x3ae: {  	_ = 	snop;
	(pc) =	sbr.rel @p1 .LBB3_53-.Ltmp36, $3  }
0x3af: {  	_ =	sdelay $0x1  }
0x3b0: {  	[bflag:$0x0] =	sbarrier.arrive $0xFFFF  }
0x3b1: {  	_ =	sfence  }
0x3b2: {  	s0 =	simm.s32 $0x7  }
0x3b3: {  	s1 =	simm.s32 $0x200;
	s2 =	simm.s32 $0x3658;
	[sflag:s0] =	ssyncpa.u1 $0x0  }
0x3b4: {  	[tilespmem:s2], [sflag:$0x7] =	stream.linear.gather [spmem:s1], $0x20, $0x38;
	[tilespmem:$0x1F0F8] =	vst v63  }
0x3b5: {  	s30 =	simm.s32 $0x3678;
	s1 =	simm.s32 $0x0  }
0x3b6: {  	[tilespmem:s30], [sflag:$0x7] =	stream.linear.gather [spmem:s1], $0x200, $0x38;
	[tilespmem:$0x1F0F8] =	vst v63  }
.Ltmp37:
0x3b7: {  	_ = 	snop;
	(pc) =	sbr.rel .LBB3_40-.Ltmp37, $4  }
0x3b8: {  	_ =	swait.ge [sflag:s0], $0x220  }
0x3b9: {  	[sflag:s0] =	ssyncset.done $0x0  }
0x3ba: {  	s31 =	simm.s32 $0x8;
	[sflag:s0] =	ssyncadd.s32 $0xFFFFFDE0  }
0x3bb: {  	s2 =	simm.s32 $0x0;
	[sflag:s31] =	ssyncpa.u1 $0x0  }
.LBB3_45:
0x3bc: {  	p1 =	slt.u32 s4, $0x27FFF  }
0x3bd: {  	s0 =	sand.u32 @p1 $0x3FFF8, s4  }
0x3be: {  	s4 =	sand.u32 @p1 $0x7, s4;
	s5 =	simm.s32 @p1 $0x3638;
	s0 =	sadd.s32 @p1 s3, s0  }
0x3bf: {  	[tilespmem:s5], [sflag:$0x8] =	stream.linear.gather @p1 [hbm4b:s0+s4], $0x10, $0x38;
	[tilespmem:$0x1F0F8] =	vst v63  }
0x3c0: {  	s0 =	simm.s32 @p1 $0x8  }
0x3c1: {  	_ =	swait.ge @p1 [sflag:s0], $0x10  }
0x3c2: {  	[sflag:s0] =	ssyncset.done @p1 $0x0  }
0x3c3: {  	[sflag:s0] =	ssyncadd.s32 @p1 $0xFFFFFFF0  }
0x3c4: {  	v1 =	vld @p1 [tilespmem:$0x3638];
	_ =	sdelay $0x2  }
0x3c5: {  	s0 =	sshll.u32 @p1 s2, $0x6  }
0x3c6: {  	s5 =	sshll.u32 @!p1 s2, $0x6;
	s4 =	sshrl.u32 @p1 s0, $0x2  }
0x3c7: {  	s5 =	smov.u32 @p1 s0;
	[tilespmem:s4+$0x3678] =	vst.add.f32.msk @p1 $0xffff, v1  }
0x3c8: {  	s0 =	sshrl.u32 s5, $0x2;
	[tilespmem:s1+$0x3658] =	vst.msk $0x1, v0  }
0x3c9: {  	v0 =	vld [tilespmem:s0+$0x3678];
	_ =	sdelay $0x2  }
0x3ca: {  	s31 =	sshll.u32 s1, $0x6  }
0x3cb: {  	s0 =	sshra.s32 s31, $0x2  }
0x3cc: {  	s1 =	sadd.s32 $0x1, s1;
	[tilespmem:s0+$0x3678] =	vst v0  }
.LBB3_47:
0x3cd: {  	s2 =	sadd.s32 $0x1, s2  }
0x3ce: {  	p1 =	sne.s32 s2, $0x20  }
.Ltmp38:
0x3cf: {  	_ = 	snop;
	(pc) =	sbr.rel @!p1 .LBB3_48-.Ltmp38, $1  }
0x3d0: {  	_ =	sdelay $0x3  }
.LBB3_40:
0x3d1: {  	v0 =	vld.msk [tilespmem:s2+$0x3658], $0x1;
	_ =	sdelay $0x4  }
0x3d2: {  	(v2sf) =	vpush v0, $0x0;
	_ =	sdelay $0xe  }
0x3d3: {  	s4 =	spop (v2sf)  }
0x3d4: {  	p1 =	seq.s32 s4, $0xFFFFFFFF  }
.Ltmp39:
0x3d5: {  	_ = 	snop;
	(pc) =	sbr.rel @p1 .LBB3_47-.Ltmp39, $1  }
0x3d6: {  	_ =	sdelay $0x3  }
0x3d7: {  	p1 =	slt.s32 s1, $0x1  }
.Ltmp40:
0x3d8: {  	_ = 	snop;
	(pc) =	sbr.rel @p1 .LBB3_45-.Ltmp40, $1  }
0x3d9: {  	_ =	sdelay $0x3  }
0x3da: {  	s5 =	simm.s32 $0x3658;
	p1 =	por $0x0, $0x0  }
0x3db: {  	v1 =	vld.msk @!p1 [tilespmem:s5+$0x0], $0x1;
	_ =	sdelay $0x4  }
0x3dc: {  	(v2sf) =	vpush @!p1 v1, $0x0;
	_ =	sdelay $0xd  }
0x3dd: {  	p3 =	sne.s32 s1, $0x1  }
.Ltmp41:
0x3de: {  	s0 =	spop @!p1 (v2sf);
	(pc) =	sbr.rel @!p3 .LBB3_44-.Ltmp41, $4  }
0x3df: {  	p2 =	seq.s32 @!p1 s4, s0  }
0x3e0: {  	s6 =	simm.s32 $0x0;
	p2 =	por !p2, p1  }
0x3e1: {  	s0 =	simm.s32 $0xFFFFFFFF;
	s6 =	simm.s32 @p2 $0xFFFFFFFF  }
0x3e2: {  	s7 =	simm.s32 $0x1;
	s6 =	smov.u32 @p1 s0  }
.LBB3_43:
0x3e3: {  	s0 =	smov.u32 s6;
	p1 =	sne.s32 s6, $0xFFFFFFFF  }
0x3e4: {  	s5 =	sadd.s32 $0x1, s5;
	s6 =	smov.u32 s7;
	s7 =	sadd.s32 $0x1, s7  }
0x3e5: {  	p2 =	sne.s32 s1, s7;
	v1 =	vld.msk @!p1 [tilespmem:s5+$0x0], $0x1;
	_ =	sdelay $0x4  }
0x3e6: {  	(v2sf) =	vpush @!p1 v1, $0x0;
	_ =	sdelay $0xe  }
.Ltmp42:
0x3e7: {  	s8 =	spop @!p1 (v2sf);
	(pc) =	sbr.rel @p2 .LBB3_43-.Ltmp42, $4  }
0x3e8: {  	p3 =	seq.s32 @!p1 s4, s8  }
0x3e9: {  	p3 =	por !p3, p1  }
0x3ea: {  	s6 =	simm.s32 @p3 $0xFFFFFFFF  }
0x3eb: {  	s6 =	smov.u32 @p1 s0  }
.LBB3_44:
0x3ec: {  	p1 =	sne.s32 s6, $0xFFFFFFFF  }
.Ltmp43:
0x3ed: {  	_ = 	snop;
	(pc) =	sbr.rel @!p1 .LBB3_45-.Ltmp43, $1  }
0x3ee: {  	_ =	sdelay $0x3  }
0x3ef: {  	s0 =	sshll.u32 s2, $0x4  }
0x3f0: {  	s0 =	sand.u32 $0x3FFFFFF0, s0  }
0x3f1: {  	v0 =	vld [tilespmem:s0+$0x3678]  }
.Ltmp44:
0x3f2: {  	_ = 	snop;
	(pc) =	sbr.rel .LBB3_47-.Ltmp44, $4  }
0x3f3: {  	_ = 	snop  }
0x3f4: {  	s31 =	sshll.u32 s6, $0x6  }
0x3f5: {  	s0 =	sshra.s32 s31, $0x2  }
0x3f6: {  	[tilespmem:s0+$0x3678] =	vst.add.f32.msk $0xffff, v0  }
.LBB3_48:
0x3f7: {  	p1 =	slt.s32 s1, $0x1  }
.Ltmp45:
0x3f8: {  	_ = 	snop;
	(pc) =	sbr.rel @p1 .LBB3_52-.Ltmp45, $3  }
0x3f9: {  	_ =	sdelay $0x1  }
0x3fa: {  	s0 =	simm.s32 $0x8  }
0x3fb: {  	s2 =	simm.s32 $0x0;
	[sflag:s0] =	ssyncpa.u1 $0x1  }
0x3fc: {  	s0 =	simm.s32 $0x3658  }
0x3fd: {  	v0 =	vld.msk [tilespmem:s0+$0x0], $0x1;
	_ =	sdelay $0x4  }
0x3fe: {  	(v2sf) =	vpush v0, $0x0;
	_ =	sdelay $0xe  }
0x3ff: {  	s1 =	sadd.s32 $0xFFFFFFFF, s1;
	s0 =	spop (v2sf)  }
0x400: {  	p2 =	sne.s32 s1, $0x0;
	p1 =	sgt.u32 s0, $0x27FFE  }
.Ltmp46:
0x401: {  	s5 =	sand.u32 @!p1 $0x3FFF8, s0;
	(pc) =	sbr.rel @!p2 .LBB3_51-.Ltmp46, $4  }
0x402: {  	s4 =	simm.s32 $0x3678;
	s0 =	sand.u32 @!p1 $0x7, s0;
	s5 =	sadd.s32 @!p1 s3, s5  }
0x403: {  	[hbm4b:s5+s0] =	stream.linear.scatter @!p1 [tilespmem:s4], [sflag:$0x7], $0x10, $0x38;
	[tilespmem:$0x1F0F8] =	vst v63  }
0x404: {  	s0 =	simm.s32 $0x0  }
0x405: {  	s5 =	simm.s32 $0x3659;
	s0 =	simm.s32 @!p1 $0x40  }
.LBB3_50:
0x406: {  	v0 =	vld.msk [tilespmem:s5+$0x0], $0x1;
	s1 =	sadd.s32 $0xFFFFFFFF, s1;
	s2 =	sadd.s32 s2, s0  }
0x407: {  	p1 =	sne.s32 s1, $0x0;
	_ =	sdelay $0x3  }
0x408: {  	(v2sf) =	vpush v0, $0x0;
	_ =	sdelay $0xe  }
.Ltmp47:
0x409: {  	s6 =	spop (v2sf);
	(pc) =	sbr.rel @p1 .LBB3_50-.Ltmp47, $4  }
0x40a: {  	s0 =	simm.s32 $0x0;
	p2 =	sgt.u32 s6, $0x27FFE  }
0x40b: {  	s4 =	sadd.s32 $0x10, s4;
	s0 =	simm.s32 @!p2 $0x40;
	s7 =	sand.u32 @!p2 $0x3FFF8, s6  }
0x40c: {  	s5 =	sadd.s32 $0x1, s5;
	s6 =	sand.u32 @!p2 $0x7, s6;
	s7 =	sadd.s32 @!p2 s3, s7  }
0x40d: {  	[hbm4b:s7+s6] =	stream.linear.scatter @!p2 [tilespmem:s4], [sflag:$0x7], $0x10, $0x38;
	[tilespmem:$0x1F0F8] =	vst v63  }
.LBB3_51:
0x40e: {  	s0 =	sadd.s32 s2, s0  }
0x40f: {  	s2 =	sshrl.u32 s0, $0x2  }
.LBB3_52:
0x410: {  	s0 =	simm.s32 $0x7  }
0x411: {  	_ =	swait.ge [sflag:s0], s2  }
0x412: {  	s1 =	ssub.s32 $0x0, s2;
	[sflag:s0] =	ssyncset.done $0x0  }
0x413: {  	[sflag:s0] =	ssyncadd.s32 s1  }
0x414: {  	[sflag:s0] =	ssyncpa.u1 $0x1  }
.LBB3_53:
0x415: {  	_ =	sfence;
	s0 =	simm.s32 $0x1  }
0x416: {  	[sflag:s0] =	ssyncpa.u1 $0x1  }
0x417: {  	_ =	strace $0x9000004D  }
0x418: {  	[bflag:$0x2] =	sbarrier.arrive $0xFFFF  }
0x419: {  	s0 =	rddreg [dreg:$0x3]  }
0x41a: {  	s0 =	sadd.s32 @!p0 $0x100000, s0  }
0x41b: {  	[sflag:s0] =	ssyncadd.tile.s32 @!p0 $0x1;
	_ =	shalt  }
.Lfunc_end3:
_tile_overlayer_lowered:
.L_overlay_start_3:
0x41c: {  	(tag) =	ssettag $0x3  }
0x41d: {  	s0 =	rddreg [dreg:$0x0];
	s2 =	stileid.u32  }
0x41e: {  	s1 =	rddreg [dreg:$0x1];
	p0 =	sne.s32 s2, $0x0  }
0x41f: {  	s3 =	rddreg [dreg:$0x2];
	[bflag:$0x3] =	sbarrier.arrive $0xFFFF;
	s2 =	simm.s32 @!p0 $0x1C01  }
0x420: {  	[timem:s3], [sflag:s2] =	dma.local @!p0 [hbm:s0], s1  }
0x421: {  	s0 =	simm.s32 @!p0 $0x1  }
0x422: {  	_ =	swait.ge @!p0 [sflag:s0], s1  }
0x423: {  	s1 =	ssub.s32 @!p0 $0x0, s1;
	[sflag:s0] =	ssyncset.done @!p0 $0x0  }
0x424: {  	[sflag:s0] =	ssyncadd.s32 @!p0 s1  }
0x425: {  	[bflag:$0x3] =	sbarrier.arrive $0xFFFF  }
0x426: {  	_ =	shalt  }

</sc_bundles>
